<compile_context>
chip_gen: v7x
topology: tpu7x:2x2x1
jax: 0.10.2.dev20260603
libtpu: 0.0.44.dev20260713+nightly
codegen_flags: <defaults>
</compile_context>

<pallas_src>
import functools

import jax
import jax.numpy as jnp
from jax import lax
from jax.experimental import pallas as pl
from jax.experimental.pallas import tpu as pltpu
from jax.experimental.pallas import tpu_sc as plsc

N = 10000
D = 256
H = 256
T = 128
G = 64

NC = 2
NS = 16
LANES = 16

CHUNK = 128
E_PAD = NC * NS * CHUNK * 40
GARBAGE = N
NR = 10240
ROWS_PER_TILE = NR // NS

BR = 2000

_sc_mesh = plsc.VectorSubcoreMesh(core_axis_name="c", subcore_axis_name="s")



NCH_CNT = E_PAD // (NC * NS) // CHUNK
NBUF = 2
CH4 = 128
NCH4 = E_PAD // NS // CH4
NPHASE = 2


@functools.partial(
    pl.kernel,
    out_type=jax.ShapeDtypeStruct((NC * NR, LANES), jnp.float32),
    mesh=_sc_mesh,
    scratch_types=[
        pltpu.VMEM((NCH_CNT, CHUNK), jnp.int32),
        pltpu.VMEM((CHUNK, LANES), jnp.float32),
        pltpu.VMEM((CHUNK, LANES), jnp.float32),
        pltpu.VMEM_SHARED((NR, LANES), jnp.float32),
        pltpu.SemaphoreType.DMA,
    ],
)
def _count_kernel(dst2_hbm, out_hbm, idx_v, ones_v, zero_v, acc, sem):
    c = lax.axis_index("c")
    s = lax.axis_index("s")
    zvec = jnp.zeros((LANES,), jnp.float32)
    onevec = jnp.where(lax.iota(jnp.int32, LANES) == 0, 1.0, 0.0)

    def fill(r, carry):
        ones_v[r, :] = onevec
        zero_v[r, :] = zvec
        return carry

    lax.fori_loop(0, CHUNK, fill, 0)

    crow = (c * NS + s) * NCH_CNT
    pltpu.sync_copy(dst2_hbm.at[pl.ds(crow, NCH_CNT)], idx_v)

    row0 = s * ROWS_PER_TILE
    for k in range(ROWS_PER_TILE // CHUNK):
        pltpu.sync_copy(zero_v, acc.at[pl.ds(row0 + k * CHUNK, CHUNK)])
    plsc.subcore_barrier()

    def body(k, carry):
        pltpu.async_copy(ones_v, acc.at[idx_v.at[k]], sem, add=True)
        return carry

    lax.fori_loop(0, NCH_CNT, body, 0)

    def drain(k, carry):
        pltpu.make_async_copy(ones_v, acc.at[idx_v.at[0]], sem).wait()
        return carry

    lax.fori_loop(0, NCH_CNT, drain, 0)
    plsc.subcore_barrier()

    for k in range(ROWS_PER_TILE // CHUNK):
        pltpu.sync_copy(acc.at[pl.ds(row0 + k * CHUNK, CHUNK)],
                        out_hbm.at[pl.ds(c * NR + row0 + k * CHUNK, CHUNK)])


@functools.partial(
    pl.kernel,
    out_type=jax.ShapeDtypeStruct((NC * NR, T), jnp.float32),
    mesh=_sc_mesh,
    scratch_types=[
        pltpu.VMEM((NCH4 // NPHASE, CH4), jnp.int32),
        pltpu.VMEM((NCH4 // NPHASE, CH4), jnp.int32),
        [pltpu.VMEM((CH4, T), jnp.float32) for _ in range(NBUF)],
        pltpu.VMEM_SHARED((NR, T), jnp.float32),
        [pltpu.SemaphoreType.DMA for _ in range(NBUF)],
        [pltpu.SemaphoreType.DMA for _ in range(NBUF)],
    ],
)
def _spmm_kernel(table_hbm, src4_hbm, dst4_hbm, out_hbm,
                 isrc, idst, rows, acc, g, s_sem):
    c = lax.axis_index("c")
    s = lax.axis_index("s")
    zvec = jnp.zeros((LANES,), jnp.float32)
    HALF = NCH4 // NPHASE

    def zfill(r, carry):
        for j in range(T // LANES):
            rows[0][r, pl.ds(j * LANES, LANES)] = zvec
        return carry

    lax.fori_loop(0, CH4, zfill, 0)

    row0 = s * ROWS_PER_TILE
    for k in range(ROWS_PER_TILE // CH4):
        pltpu.sync_copy(rows[0], acc.at[pl.ds(row0 + k * CH4, CH4)])
    plsc.subcore_barrier()

    coff = c * N

    for phase in range(NPHASE):
        crow = s * NCH4 + phase * HALF
        pltpu.sync_copy(src4_hbm.at[pl.ds(crow, HALF)], isrc)
        pltpu.sync_copy(dst4_hbm.at[pl.ds(crow, HALF)], idst)

        def offadd(r, carry):
            for j in range(CH4 // LANES):
                sl = pl.ds(j * LANES, LANES)
                isrc[r, sl] = isrc[r, sl] + coff
            return carry

        lax.fori_loop(0, HALF, offadd, 0)

        for b in range(NBUF):
            pltpu.async_copy(table_hbm.at[isrc.at[b]], rows[b], g[b])

        def body(m, carry):
            for b in range(NBUF):
                k = NBUF * m + b
                pltpu.make_async_copy(
                    table_hbm.at[isrc.at[k]], rows[b], g[b]).wait()
                pltpu.async_copy(rows[b], acc.at[idst.at[k]], s_sem[b],
                                 add=True)

                @pl.when(k + NBUF < HALF)
                def _():
                    pltpu.make_async_copy(
                        rows[b], acc.at[idst.at[k]], s_sem[b]).wait()
                    pltpu.async_copy(
                        table_hbm.at[isrc.at[k + NBUF]], rows[b], g[b])

            return carry

        lax.fori_loop(0, HALF // NBUF, body, 0)
        for b in range(NBUF):
            pltpu.make_async_copy(rows[b], acc.at[idst.at[0]], s_sem[b]).wait()
    plsc.subcore_barrier()

    for k in range(ROWS_PER_TILE // CHUNK):
        pltpu.sync_copy(acc.at[pl.ds(row0 + k * CHUNK, CHUNK)],
                        out_hbm.at[pl.ds(c * NR + row0 + k * CHUNK, CHUNK)])



def _dis_from_counts(counts_ref):
    cnt = counts_ref[0, :, 0:1] + counts_ref[1, :, 0:1]
    return lax.rsqrt(cnt + 1.0)


def _mm_scale_body(counts_ref, x_ref, w_ref, out_ref):
    dis = _dis_from_counts(counts_ref)
    p = jnp.dot(x_ref[...], w_ref[...], preferred_element_type=jnp.float32) * dis
    out_ref[0] = p[:, :T]
    out_ref[1] = p[:, T:]


def _finish_stats_body(counts_ref, s_ref, p_ref, b_ref, a_ref, stats_ref):
    dis = _dis_from_counts(counts_ref)
    a = jnp.concatenate([s_ref[0] + p_ref[0], s_ref[1] + p_ref[1]], axis=1)
    a = a * dis + b_ref[...]
    a_ref[...] = a

    @pl.when(pl.program_id(0) == 0)
    def _():
        stats_ref[...] = jnp.zeros_like(stats_ref)

    stats_ref[0:1, :] = stats_ref[0:1, :] + jnp.sum(a, axis=0, keepdims=True)
    stats_ref[1:2, :] = stats_ref[1:2, :] + jnp.sum(a * a, axis=0, keepdims=True)


def _bn_mm_body(counts_ref, a_ref, stats_ref, g_ref, be_ref, w_ref, out_ref):
    dis = _dis_from_counts(counts_ref)
    m = stats_ref[0:1, :] / N
    v = stats_ref[1:2, :] / N - m * m
    h = (a_ref[...] - m) * lax.rsqrt(v + 1e-5) * g_ref[...] + be_ref[...]
    h = jnp.maximum(h, 0.0)
    p = jnp.dot(h, w_ref[...], preferred_element_type=jnp.float32) * dis
    out_ref[0] = p[:, :T]
    out_ref[1] = p[:, T:]


def _pool_steps(counts_ref, s_ref, p_ref, b_ref, batch_ref, psum_buf, pcnt_buf):
    dis = _dis_from_counts(counts_ref)
    a = jnp.concatenate([s_ref[0] + p_ref[0], s_ref[1] + p_ref[1]], axis=1)
    h = jnp.maximum(a * dis + b_ref[...], 0.0)
    oh = (batch_ref[...] == lax.broadcasted_iota(jnp.int32, (1, G), 1))
    oh = oh.astype(jnp.float32)

    @pl.when(pl.program_id(0) == 0)
    def _():
        psum_buf[...] = jnp.zeros_like(psum_buf)
        pcnt_buf[...] = jnp.zeros_like(pcnt_buf)

    dn = (((0,), (0,)), ((), ()))
    psum_buf[...] = psum_buf[...] + lax.dot_general(
        oh, h, dn, preferred_element_type=jnp.float32)
    pcnt_buf[...] = pcnt_buf[...] + lax.dot_general(
        oh, jnp.ones((BR, 8), jnp.float32), dn, preferred_element_type=jnp.float32)


def _final_step(psum_ref, pcnt_ref, wl_ref, bl_ref, out_ref):
    pooled = psum_ref[...] / jnp.maximum(pcnt_ref[:, 0:1], 1.0)
    out_ref[...] = jnp.dot(pooled, wl_ref[...],
                           preferred_element_type=jnp.float32) + bl_ref[...]


NB = N // BR

_counts_spec = pl.BlockSpec((2, BR, LANES), lambda i: (0, i, 0))
_half_spec = pl.BlockSpec((2, BR, T), lambda i: (0, i, 0))

_finish_stats = pl.pallas_call(
    _finish_stats_body,
    grid=(NB,),
    in_specs=[_counts_spec, _half_spec, _half_spec,
              pl.BlockSpec((1, H), lambda i: (0, 0))],
    out_specs=[pl.BlockSpec((BR, H), lambda i: (i, 0)),
               pl.BlockSpec((2, H), lambda i: (0, 0))],
    out_shape=[jax.ShapeDtypeStruct((N, H), jnp.float32),
               jax.ShapeDtypeStruct((2, H), jnp.float32)],
)

_bn_mm = pl.pallas_call(
    _bn_mm_body,
    grid=(NB,),
    in_specs=[_counts_spec, pl.BlockSpec((BR, H), lambda i: (i, 0)),
              pl.BlockSpec((2, H), lambda i: (0, 0)),
              pl.BlockSpec((1, H), lambda i: (0, 0)),
              pl.BlockSpec((1, H), lambda i: (0, 0)),
              pl.BlockSpec((H, H), lambda i: (0, 0))],
    out_specs=_half_spec,
    out_shape=jax.ShapeDtypeStruct((2, N, T), jnp.float32),
)

_mm_scale = pl.pallas_call(
    _mm_scale_body,
    grid=(NB,),
    in_specs=[_counts_spec, pl.BlockSpec((BR, D), lambda i: (i, 0)),
              pl.BlockSpec((D, H), lambda i: (0, 0))],
    out_specs=_half_spec,
    out_shape=jax.ShapeDtypeStruct((2, N, T), jnp.float32),
)

_pool = pl.pallas_call(
    _pool_steps,
    grid=(NB,),
    in_specs=[_counts_spec, _half_spec, _half_spec,
              pl.BlockSpec((1, H), lambda i: (0, 0)),
              pl.BlockSpec((BR, 1), lambda i: (i, 0))],
    out_specs=[pl.BlockSpec((G, H), lambda i: (0, 0)),
               pl.BlockSpec((G, 8), lambda i: (0, 0))],
    out_shape=[jax.ShapeDtypeStruct((G, H), jnp.float32),
               jax.ShapeDtypeStruct((G, 8), jnp.float32)],
)

_final = pl.pallas_call(
    _final_step,
    grid=(1,),
    in_specs=[pl.BlockSpec((G, H), lambda i: (0, 0)),
              pl.BlockSpec((G, 8), lambda i: (0, 0)),
              pl.BlockSpec((H, T), lambda i: (0, 0)),
              pl.BlockSpec((1, T), lambda i: (0, 0))],
    out_specs=pl.BlockSpec((G, T), lambda i: (0, 0)),
    out_shape=jax.ShapeDtypeStruct((G, T), jnp.float32),
)


def kernel(x, edge_index, batch, W1, b1, W2, b2, W3, b3, g1, be1, g2, be2, Wl, bl):
    src = edge_index[0]
    dst = edge_index[1]
    pad = E_PAD - src.shape[0]
    src_p = jnp.concatenate([src, jnp.zeros((pad,), src.dtype)])
    dst_p = jnp.concatenate([dst, jnp.full((pad,), GARBAGE, dst.dtype)])
    dst2 = dst_p.reshape(E_PAD // CHUNK, CHUNK)
    src4 = src_p.reshape(E_PAD // CH4, CH4)
    dst4 = dst_p.reshape(E_PAD // CH4, CH4)

    counts = _count_kernel(dst2).reshape(NC, NR, LANES)

    def spmm(p):
        return _spmm_kernel(p.reshape(NC * N, T), src4, dst4).reshape(NC, NR, T)

    b1r, b2r, b3r = b1.reshape(1, H), b2.reshape(1, H), b3.reshape(1, H)

    p1 = _mm_scale(counts, x, W1)
    s1 = spmm(p1)
    a1, st1 = _finish_stats(counts, s1, p1, b1r)
    p2 = _bn_mm(counts, a1, st1, g1.reshape(1, H), be1.reshape(1, H), W2)
    s2 = spmm(p2)
    a2, st2 = _finish_stats(counts, s2, p2, b2r)
    p3 = _bn_mm(counts, a2, st2, g2.reshape(1, H), be2.reshape(1, H), W3)
    s3 = spmm(p3)
    psum, pcnt = _pool(counts, s3, p3, b3r, batch.reshape(N, 1))
    return _final(psum, pcnt, Wl, bl.reshape(1, T))

# --- scband reference (transcript-rebuilt; emitter-appended) ---
"""Pipeline reference for scband-gcnmodel-45320494907954 (READ-ONLY COPY).

The authoritative reference and input builder live on the scoring server;
editing this copy changes nothing except your own understanding.
"""

import jax, jax.numpy as jnp
import numpy as np

N = 10000
E = 160000
D = 256
H = 256
T = 128
G = 64


def setup_inputs(seed: int = 0) -> dict:
    key = jax.random.key(seed)
    ks = jax.random.split(key, 16)
    inp = {}
    inp["x"] = jax.random.normal(ks[0], (N, D), dtype=jnp.float32)
    inp["edge_index"] = jax.random.randint(ks[1], (2, E), 0, N, dtype=jnp.int32)
    inp["batch"] = jnp.sort(jax.random.randint(ks[2], (N,), 0, G, dtype=jnp.int32))
    s0 = 1.0 / np.sqrt(D)
    sh = 1.0 / np.sqrt(H)
    inp["W1"] = jax.random.uniform(ks[3], (D, H), jnp.float32, -s0, s0)
    inp["b1"] = jnp.zeros((H,), jnp.float32)
    inp["W2"] = jax.random.uniform(ks[4], (H, H), jnp.float32, -sh, sh)
    inp["b2"] = jnp.zeros((H,), jnp.float32)
    inp["W3"] = jax.random.uniform(ks[5], (H, H), jnp.float32, -sh, sh)
    inp["b3"] = jnp.zeros((H,), jnp.float32)
    inp["g1"] = jnp.ones((H,), jnp.float32)
    inp["be1"] = jnp.zeros((H,), jnp.float32)
    inp["g2"] = jnp.ones((H,), jnp.float32)
    inp["be2"] = jnp.zeros((H,), jnp.float32)
    inp["Wl"] = jax.random.uniform(ks[6], (H, T), jnp.float32, -sh, sh)
    inp["bl"] = jnp.zeros((T,), jnp.float32)
    return inp


def reference(x, edge_index, batch, W1, b1, W2, b2, W3, b3, g1, be1, g2, be2, Wl, bl):
    src = edge_index[0]
    dst = edge_index[1]
    loops = jnp.arange(N, dtype=src.dtype)
    src = jnp.concatenate([src, loops])
    dst = jnp.concatenate([dst, loops])
    deg = jnp.zeros((N,), jnp.float32).at[dst].add(1.0)
    dis = jnp.where(deg > 0, 1.0 / jnp.sqrt(deg), 0.0)
    norm = dis[src] * dis[dst]

    def conv(h, W, b):
        h = h @ W
        msg = h[src] * norm[:, None]
        out = jnp.zeros((N, W.shape[1]), h.dtype).at[dst].add(msg)
        return out + b

    def bn(h, g, be):
        m = h.mean(axis=0)
        v = h.var(axis=0)
        return (h - m) / jnp.sqrt(v + 1e-5) * g + be

    h = jax.nn.relu(bn(conv(x, W1, b1), g1, be1))
    h = jax.nn.relu(bn(conv(h, W2, b2), g2, be2))
    h = jax.nn.relu(conv(h, W3, b3))
    sums = jax.ops.segment_sum(h, batch, num_segments=G)
    cnt = jax.ops.segment_sum(jnp.ones((N,), jnp.float32), batch, num_segments=G)
    pooled = sums / jnp.maximum(cnt, 1.0)[:, None]
    return pooled @ Wl + bl

if __name__ == "__main__":
    import jax
    _d = setup_inputs()
    print(jax.jit(kernel)(*tuple(_d.values())))

</pallas_src>

<mosaic_0001>
#map = affine_map<(d0, d1) -> (0, 0)>
module attributes {stable_mosaic.version = 14 : i64} {
  func.func @_count_kernel(%arg0: i32, %arg1: i32, %arg2: memref<1280x128xi32, #tpu.memory_space<hbm>>, %arg3: memref<20480x16xf32, #tpu.memory_space<hbm>>, %arg4: memref<40x128xi32, #tpu.memory_space<vmem>>, %arg5: memref<128x16xf32, #tpu.memory_space<vmem>>, %arg6: memref<128x16xf32, #tpu.memory_space<vmem>>, %arg7: memref<10240x16xf32, #tpu.memory_space<vmem_shared>>, %arg8: memref<!tpu.dma_semaphore, #tpu.memory_space<semaphore_mem>>) attributes {dimension_semantics = [#tpu.dimension_semantics<core_parallel>, #tpu.dimension_semantics<subcore_parallel>], iteration_bounds = array<i64: 2, 16>, scalar_prefetch = 0 : i64, scratch_operands = 5 : i64, tpu.core_type = #tpu.core_type<sc_vector_subcore>, window_params = [{transform_indices = #map}, {transform_indices = #map}]} {
    %broadcast_in_dim3A = arith.constant 0.000000e+00 : f32
    %broadcast_in_dim3A_0 = vector.broadcast %broadcast_in_dim3A : f32 to vector<16xf32>
    %iota3A = tpu.iota {dimensions = array<i32: 0>} : vector<16xi32>
    %eq3A = arith.constant 0 : i32
    %eq3A_1 = vector.broadcast %eq3A : i32 to vector<16xi32>
    %eq3A_2 = arith.cmpi eq, %iota3A, %eq3A_1 : vector<16xi32>
    %jit3A = arith.constant 1.000000e+00 : f32
    %jit3A_3 = arith.constant 0.000000e+00 : f32
    %broadcast_in_dim3A_4 = vector.broadcast %jit3A : f32 to vector<16xf32>
    %broadcast_in_dim3A_5 = vector.broadcast %jit3A_3 : f32 to vector<16xf32>
    %select_n3A = arith.select %eq3A_2, %broadcast_in_dim3A_4, %broadcast_in_dim3A_5 : vector<16xi1>, vector<16xf32>
    %scan3A = arith.constant 0 : i32
    %scan3A_6 = arith.constant 0 : i32
    %scan3A_7 = arith.constant 128 : i32
    %scan3A_8 = arith.addi %scan3A_6, %scan3A_7 : i32
    %scan3A_9 = arith.constant 1 : i32
    scf.for %scan3A_74 = %scan3A_6 to %scan3A_8 step %scan3A_9  : i32 {
      %swap3A = arith.index_cast %scan3A_74 : i32 to index
      %swap3A_75 = arith.constant 0 : index
      %swap3A_76 = tpu.vector_load %arg5[%swap3A, %swap3A_75] {strides = array<i32>} : memref<128x16xf32, #tpu.memory_space<vmem>>, vector<1x16xf32>,
      %swap3A_77 = vector.shape_cast %swap3A_76 : vector<1x16xf32> to vector<16xf32>
      %swap3A_78 = vector.shape_cast %select_n3A : vector<16xf32> to vector<1x16xf32>
      tpu.vector_store %arg5[%swap3A, %swap3A_75], %swap3A_78 {strides = array<i32>} : memref<128x16xf32, #tpu.memory_space<vmem>>, vector<1x16xf32>,
      %swap3A_79 = arith.index_cast %scan3A_74 : i32 to index
      %swap3A_80 = arith.constant 0 : index
      %swap3A_81 = tpu.vector_load %arg6[%swap3A_79, %swap3A_80] {strides = array<i32>} : memref<128x16xf32, #tpu.memory_space<vmem>>, vector<1x16xf32>,
      %swap3A_82 = vector.shape_cast %swap3A_81 : vector<1x16xf32> to vector<16xf32>
      %swap3A_83 = vector.shape_cast %broadcast_in_dim3A_0 : vector<16xf32> to vector<1x16xf32>
      tpu.vector_store %arg6[%swap3A_79, %swap3A_80], %swap3A_83 {strides = array<i32>} : memref<128x16xf32, #tpu.memory_space<vmem>>, vector<1x16xf32>,
    }
    %scan3A_10 = arith.constant 128 : i32
    %mul3A = arith.constant 16 : i32
    %mul3A_11 = arith.muli %arg0, %mul3A : i32
    %add3A = arith.addi %mul3A_11, %arg1 : i32
    %mul3A_12 = arith.constant 40 : i32
    %mul3A_13 = arith.muli %add3A, %mul3A_12 : i32
    "tpu.region"() ({
      %run_scoped3A = tpu.sem_alloc : memref<!tpu.dma_semaphore, #tpu.memory_space<semaphore_mem>>
      %dma_start3A = arith.constant 0 : i32
      %dma_start3A_74 = tpu.memref_slice %arg2[%mul3A_13, %dma_start3A] : memref<1280x128xi32, #tpu.memory_space<hbm>> -> memref<40x128xi32, #tpu.memory_space<hbm>>
      %dma_start3A_75 = arith.constant 0 : i32
      %dma_start3A_76 = tpu.memref_slice %arg2[%mul3A_13, %dma_start3A_75] : memref<1280x128xi32, #tpu.memory_space<hbm>> -> memref<40x128xi32, #tpu.memory_space<hbm>>
      tpu.enqueue_dma source(%dma_start3A_76 : memref<40x128xi32, #tpu.memory_space<hbm>>) target(%arg4 : memref<40x128xi32, #tpu.memory_space<vmem>>) target_semaphore(%run_scoped3A : memref<!tpu.dma_semaphore, #tpu.memory_space<semaphore_mem>>)
      %dma_wait3A = arith.constant 0 : i32
      %dma_wait3A_77 = tpu.memref_slice %arg2[%mul3A_13, %dma_wait3A] : memref<1280x128xi32, #tpu.memory_space<hbm>> -> memref<40x128xi32, #tpu.memory_space<hbm>>
      %dma_wait3A_78 = arith.constant 0 : i32
      %dma_wait3A_79 = tpu.memref_slice %arg2[%mul3A_13, %dma_wait3A_78] : memref<1280x128xi32, #tpu.memory_space<hbm>> -> memref<40x128xi32, #tpu.memory_space<hbm>>
      tpu.wait_dma2 semaphore(%run_scoped3A : memref<!tpu.dma_semaphore, #tpu.memory_space<semaphore_mem>>) src(%dma_wait3A_79 : memref<40x128xi32, #tpu.memory_space<hbm>>) dst(%arg4 : memref<40x128xi32, #tpu.memory_space<vmem>>)
      tpu.yield
    }) : () -> ()
    %mul3A_14 = arith.constant 640 : i32
    %mul3A_15 = arith.muli %arg1, %mul3A_14 : i32
    %add3A_16 = arith.constant 0 : i32
    %add3A_17 = arith.addi %mul3A_15, %add3A_16 : i32
    "tpu.region"() ({
      %run_scoped3A = tpu.sem_alloc : memref<!tpu.dma_semaphore, #tpu.memory_space<semaphore_mem>>
      %dma_start3A = arith.constant 0 : i32
      %dma_start3A_74 = tpu.memref_slice %arg7[%add3A_17, %dma_start3A] : memref<10240x16xf32, #tpu.memory_space<vmem_shared>> -> memref<128x16xf32, #tpu.memory_space<vmem_shared>>
      %dma_start3A_75 = arith.constant 0 : i32
      %dma_start3A_76 = tpu.memref_slice %arg7[%add3A_17, %dma_start3A_75] : memref<10240x16xf32, #tpu.memory_space<vmem_shared>> -> memref<128x16xf32, #tpu.memory_space<vmem_shared>>
      tpu.enqueue_dma source(%arg6 : memref<128x16xf32, #tpu.memory_space<vmem>>) target(%dma_start3A_76 : memref<128x16xf32, #tpu.memory_space<vmem_shared>>) target_semaphore(%run_scoped3A : memref<!tpu.dma_semaphore, #tpu.memory_space<semaphore_mem>>)
      %dma_wait3A = arith.constant 0 : i32
      %dma_wait3A_77 = tpu.memref_slice %arg7[%add3A_17, %dma_wait3A] : memref<10240x16xf32, #tpu.memory_space<vmem_shared>> -> memref<128x16xf32, #tpu.memory_space<vmem_shared>>
      %dma_wait3A_78 = arith.constant 0 : i32
      %dma_wait3A_79 = tpu.memref_slice %arg7[%add3A_17, %dma_wait3A_78] : memref<10240x16xf32, #tpu.memory_space<vmem_shared>> -> memref<128x16xf32, #tpu.memory_space<vmem_shared>>
      tpu.wait_dma2 semaphore(%run_scoped3A : memref<!tpu.dma_semaphore, #tpu.memory_space<semaphore_mem>>) src(%arg6 : memref<128x16xf32, #tpu.memory_space<vmem>>) dst(%dma_wait3A_79 : memref<128x16xf32, #tpu.memory_space<vmem_shared>>)
      tpu.yield
    }) : () -> ()
    %add3A_18 = arith.constant 128 : i32
    %add3A_19 = arith.addi %mul3A_15, %add3A_18 : i32
    "tpu.region"() ({
      %run_scoped3A = tpu.sem_alloc : memref<!tpu.dma_semaphore, #tpu.memory_space<semaphore_mem>>
      %dma_start3A = arith.constant 0 : i32
      %dma_start3A_74 = tpu.memref_slice %arg7[%add3A_19, %dma_start3A] : memref<10240x16xf32, #tpu.memory_space<vmem_shared>> -> memref<128x16xf32, #tpu.memory_space<vmem_shared>>
      %dma_start3A_75 = arith.constant 0 : i32
      %dma_start3A_76 = tpu.memref_slice %arg7[%add3A_19, %dma_start3A_75] : memref<10240x16xf32, #tpu.memory_space<vmem_shared>> -> memref<128x16xf32, #tpu.memory_space<vmem_shared>>
      tpu.enqueue_dma source(%arg6 : memref<128x16xf32, #tpu.memory_space<vmem>>) target(%dma_start3A_76 : memref<128x16xf32, #tpu.memory_space<vmem_shared>>) target_semaphore(%run_scoped3A : memref<!tpu.dma_semaphore, #tpu.memory_space<semaphore_mem>>)
      %dma_wait3A = arith.constant 0 : i32
      %dma_wait3A_77 = tpu.memref_slice %arg7[%add3A_19, %dma_wait3A] : memref<10240x16xf32, #tpu.memory_space<vmem_shared>> -> memref<128x16xf32, #tpu.memory_space<vmem_shared>>
      %dma_wait3A_78 = arith.constant 0 : i32
      %dma_wait3A_79 = tpu.memref_slice %arg7[%add3A_19, %dma_wait3A_78] : memref<10240x16xf32, #tpu.memory_space<vmem_shared>> -> memref<128x16xf32, #tpu.memory_space<vmem_shared>>
      tpu.wait_dma2 semaphore(%run_scoped3A : memref<!tpu.dma_semaphore, #tpu.memory_space<semaphore_mem>>) src(%arg6 : memref<128x16xf32, #tpu.memory_space<vmem>>) dst(%dma_wait3A_79 : memref<128x16xf32, #tpu.memory_space<vmem_shared>>)
      tpu.yield
    }) : () -> ()
    %add3A_20 = arith.constant 256 : i32
    %add3A_21 = arith.addi %mul3A_15, %add3A_20 : i32
    "tpu.region"() ({
      %run_scoped3A = tpu.sem_alloc : memref<!tpu.dma_semaphore, #tpu.memory_space<semaphore_mem>>
      %dma_start3A = arith.constant 0 : i32
      %dma_start3A_74 = tpu.memref_slice %arg7[%add3A_21, %dma_start3A] : memref<10240x16xf32, #tpu.memory_space<vmem_shared>> -> memref<128x16xf32, #tpu.memory_space<vmem_shared>>
      %dma_start3A_75 = arith.constant 0 : i32
      %dma_start3A_76 = tpu.memref_slice %arg7[%add3A_21, %dma_start3A_75] : memref<10240x16xf32, #tpu.memory_space<vmem_shared>> -> memref<128x16xf32, #tpu.memory_space<vmem_shared>>
      tpu.enqueue_dma source(%arg6 : memref<128x16xf32, #tpu.memory_space<vmem>>) target(%dma_start3A_76 : memref<128x16xf32, #tpu.memory_space<vmem_shared>>) target_semaphore(%run_scoped3A : memref<!tpu.dma_semaphore, #tpu.memory_space<semaphore_mem>>)
      %dma_wait3A = arith.constant 0 : i32
      %dma_wait3A_77 = tpu.memref_slice %arg7[%add3A_21, %dma_wait3A] : memref<10240x16xf32, #tpu.memory_space<vmem_shared>> -> memref<128x16xf32, #tpu.memory_space<vmem_shared>>
      %dma_wait3A_78 = arith.constant 0 : i32
      %dma_wait3A_79 = tpu.memref_slice %arg7[%add3A_21, %dma_wait3A_78] : memref<10240x16xf32, #tpu.memory_space<vmem_shared>> -> memref<128x16xf32, #tpu.memory_space<vmem_shared>>
      tpu.wait_dma2 semaphore(%run_scoped3A : memref<!tpu.dma_semaphore, #tpu.memory_space<semaphore_mem>>) src(%arg6 : memref<128x16xf32, #tpu.memory_space<vmem>>) dst(%dma_wait3A_79 : memref<128x16xf32, #tpu.memory_space<vmem_shared>>)
      tpu.yield
    }) : () -> ()
    %add3A_22 = arith.constant 384 : i32
    %add3A_23 = arith.addi %mul3A_15, %add3A_22 : i32
    "tpu.region"() ({
      %run_scoped3A = tpu.sem_alloc : memref<!tpu.dma_semaphore, #tpu.memory_space<semaphore_mem>>
      %dma_start3A = arith.constant 0 : i32
      %dma_start3A_74 = tpu.memref_slice %arg7[%add3A_23, %dma_start3A] : memref<10240x16xf32, #tpu.memory_space<vmem_shared>> -> memref<128x16xf32, #tpu.memory_space<vmem_shared>>
      %dma_start3A_75 = arith.constant 0 : i32
      %dma_start3A_76 = tpu.memref_slice %arg7[%add3A_23, %dma_start3A_75] : memref<10240x16xf32, #tpu.memory_space<vmem_shared>> -> memref<128x16xf32, #tpu.memory_space<vmem_shared>>
      tpu.enqueue_dma source(%arg6 : memref<128x16xf32, #tpu.memory_space<vmem>>) target(%dma_start3A_76 : memref<128x16xf32, #tpu.memory_space<vmem_shared>>) target_semaphore(%run_scoped3A : memref<!tpu.dma_semaphore, #tpu.memory_space<semaphore_mem>>)
      %dma_wait3A = arith.constant 0 : i32
      %dma_wait3A_77 = tpu.memref_slice %arg7[%add3A_23, %dma_wait3A] : memref<10240x16xf32, #tpu.memory_space<vmem_shared>> -> memref<128x16xf32, #tpu.memory_space<vmem_shared>>
      %dma_wait3A_78 = arith.constant 0 : i32
      %dma_wait3A_79 = tpu.memref_slice %arg7[%add3A_23, %dma_wait3A_78] : memref<10240x16xf32, #tpu.memory_space<vmem_shared>> -> memref<128x16xf32, #tpu.memory_space<vmem_shared>>
      tpu.wait_dma2 semaphore(%run_scoped3A : memref<!tpu.dma_semaphore, #tpu.memory_space<semaphore_mem>>) src(%arg6 : memref<128x16xf32, #tpu.memory_space<vmem>>) dst(%dma_wait3A_79 : memref<128x16xf32, #tpu.memory_space<vmem_shared>>)
      tpu.yield
    }) : () -> ()
    %add3A_24 = arith.constant 512 : i32
    %add3A_25 = arith.addi %mul3A_15, %add3A_24 : i32
    "tpu.region"() ({
      %run_scoped3A = tpu.sem_alloc : memref<!tpu.dma_semaphore, #tpu.memory_space<semaphore_mem>>
      %dma_start3A = arith.constant 0 : i32
      %dma_start3A_74 = tpu.memref_slice %arg7[%add3A_25, %dma_start3A] : memref<10240x16xf32, #tpu.memory_space<vmem_shared>> -> memref<128x16xf32, #tpu.memory_space<vmem_shared>>
      %dma_start3A_75 = arith.constant 0 : i32
      %dma_start3A_76 = tpu.memref_slice %arg7[%add3A_25, %dma_start3A_75] : memref<10240x16xf32, #tpu.memory_space<vmem_shared>> -> memref<128x16xf32, #tpu.memory_space<vmem_shared>>
      tpu.enqueue_dma source(%arg6 : memref<128x16xf32, #tpu.memory_space<vmem>>) target(%dma_start3A_76 : memref<128x16xf32, #tpu.memory_space<vmem_shared>>) target_semaphore(%run_scoped3A : memref<!tpu.dma_semaphore, #tpu.memory_space<semaphore_mem>>)
      %dma_wait3A = arith.constant 0 : i32
      %dma_wait3A_77 = tpu.memref_slice %arg7[%add3A_25, %dma_wait3A] : memref<10240x16xf32, #tpu.memory_space<vmem_shared>> -> memref<128x16xf32, #tpu.memory_space<vmem_shared>>
      %dma_wait3A_78 = arith.constant 0 : i32
      %dma_wait3A_79 = tpu.memref_slice %arg7[%add3A_25, %dma_wait3A_78] : memref<10240x16xf32, #tpu.memory_space<vmem_shared>> -> memref<128x16xf32, #tpu.memory_space<vmem_shared>>
      tpu.wait_dma2 semaphore(%run_scoped3A : memref<!tpu.dma_semaphore, #tpu.memory_space<semaphore_mem>>) src(%arg6 : memref<128x16xf32, #tpu.memory_space<vmem>>) dst(%dma_wait3A_79 : memref<128x16xf32, #tpu.memory_space<vmem_shared>>)
      tpu.yield
    }) : () -> ()
    %barrier3A = arith.constant 0 : index
    tpu.barrier barrier_id(%barrier3A)
    %scan3A_26 = arith.constant 0 : i32
    %scan3A_27 = arith.constant 0 : i32
    %scan3A_28 = arith.constant 40 : i32
    %scan3A_29 = arith.addi %scan3A_27, %scan3A_28 : i32
    %scan3A_30 = arith.constant 1 : i32
    scf.for %scan3A_74 = %scan3A_27 to %scan3A_29 step %scan3A_30  : i32 {
      %dma_start3A = arith.constant 0 : i32
      %dma_start3A_75 = tpu.memref_slice %arg4[%scan3A_74, %dma_start3A] : memref<40x128xi32, #tpu.memory_space<vmem>> -> memref<1x128xi32, #tpu.memory_space<vmem>>
      %dma_start3A_76 = tpu.memref_squeeze %dma_start3A_75 : memref<1x128xi32, #tpu.memory_space<vmem>> -> memref<128xi32, #tpu.memory_space<vmem>>
      %dma_start3A_77 = arith.constant 0 : i32
      %dma_start3A_78 = arith.constant 0 : i32
      %dma_start3A_79 = tpu.memref_slice %arg7[%dma_start3A_77, %dma_start3A_78] : memref<10240x16xf32, #tpu.memory_space<vmem_shared>> -> memref<10240x16xf32, #tpu.memory_space<vmem_shared>>
      tpu.enqueue_indirect_dma source(%arg5 : memref<128x16xf32, #tpu.memory_space<vmem>>) target(%dma_start3A_79 : memref<10240x16xf32, #tpu.memory_space<vmem_shared>>) offsets(%dma_start3A_76 : memref<128xi32, #tpu.memory_space<vmem>>) semaphore(%arg8 : memref<!tpu.dma_semaphore, #tpu.memory_space<semaphore_mem>>) {add = true}
    }
    %scan3A_31 = arith.constant 40 : i32
    %scan3A_32 = arith.constant 0 : i32
    %scan3A_33 = arith.constant 0 : i32
    %scan3A_34 = arith.constant 40 : i32
    %scan3A_35 = arith.addi %scan3A_33, %scan3A_34 : i32
    %scan3A_36 = arith.constant 1 : i32
    scf.for %scan3A_74 = %scan3A_33 to %scan3A_35 step %scan3A_36  : i32 {
      %dma_wait3A = arith.constant 0 : i32
      %dma_wait3A_75 = arith.constant 0 : i32
      %dma_wait3A_76 = tpu.memref_slice %arg4[%dma_wait3A, %dma_wait3A_75] : memref<40x128xi32, #tpu.memory_space<vmem>> -> memref<1x128xi32, #tpu.memory_space<vmem>>
      %dma_wait3A_77 = tpu.memref_squeeze %dma_wait3A_76 : memref<1x128xi32, #tpu.memory_space<vmem>> -> memref<128xi32, #tpu.memory_space<vmem>>
      %dma_wait3A_78 = arith.constant 0 : i32
      %dma_wait3A_79 = arith.constant 0 : i32
      %dma_wait3A_80 = tpu.memref_slice %arg7[%dma_wait3A_78, %dma_wait3A_79] : memref<10240x16xf32, #tpu.memory_space<vmem_shared>> -> memref<10240x16xf32, #tpu.memory_space<vmem_shared>>
      tpu.wait_indirect_dma semaphore(%arg8 : memref<!tpu.dma_semaphore, #tpu.memory_space<semaphore_mem>>) src(%arg5 : memref<128x16xf32, #tpu.memory_space<vmem>>) dst(%dma_wait3A_80 : memref<10240x16xf32, #tpu.memory_space<vmem_shared>>)
    }
    %scan3A_37 = arith.constant 40 : i32
    %barrier3A_38 = arith.constant 0 : index
    tpu.barrier barrier_id(%barrier3A_38)
    %add3A_39 = arith.constant 0 : i32
    %add3A_40 = arith.addi %mul3A_15, %add3A_39 : i32
    %mul3A_41 = arith.constant 10240 : i32
    %mul3A_42 = arith.muli %arg0, %mul3A_41 : i32
    %add3A_43 = arith.addi %mul3A_42, %mul3A_15 : i32
    %add3A_44 = arith.constant 0 : i32
    %add3A_45 = arith.addi %add3A_43, %add3A_44 : i32
    "tpu.region"() ({
      %run_scoped3A = tpu.sem_alloc : memref<!tpu.dma_semaphore, #tpu.memory_space<semaphore_mem>>
      %dma_start3A = arith.constant 0 : i32
      %dma_start3A_74 = tpu.memref_slice %arg3[%add3A_45, %dma_start3A] : memref<20480x16xf32, #tpu.memory_space<hbm>> -> memref<128x16xf32, #tpu.memory_space<hbm>>
      %dma_start3A_75 = arith.constant 0 : i32
      %dma_start3A_76 = tpu.memref_slice %arg7[%add3A_40, %dma_start3A_75] : memref<10240x16xf32, #tpu.memory_space<vmem_shared>> -> memref<128x16xf32, #tpu.memory_space<vmem_shared>>
      tpu.enqueue_dma source(%dma_start3A_76 : memref<128x16xf32, #tpu.memory_space<vmem_shared>>) target(%dma_start3A_74 : memref<128x16xf32, #tpu.memory_space<hbm>>) target_semaphore(%run_scoped3A : memref<!tpu.dma_semaphore, #tpu.memory_space<semaphore_mem>>)
      %dma_wait3A = arith.constant 0 : i32
      %dma_wait3A_77 = tpu.memref_slice %arg3[%add3A_45, %dma_wait3A] : memref<20480x16xf32, #tpu.memory_space<hbm>> -> memref<128x16xf32, #tpu.memory_space<hbm>>
      %dma_wait3A_78 = arith.constant 0 : i32
      %dma_wait3A_79 = tpu.memref_slice %arg7[%add3A_40, %dma_wait3A_78] : memref<10240x16xf32, #tpu.memory_space<vmem_shared>> -> memref<128x16xf32, #tpu.memory_space<vmem_shared>>
      tpu.wait_dma2 semaphore(%run_scoped3A : memref<!tpu.dma_semaphore, #tpu.memory_space<semaphore_mem>>) src(%dma_wait3A_79 : memref<128x16xf32, #tpu.memory_space<vmem_shared>>) dst(%dma_wait3A_77 : memref<128x16xf32, #tpu.memory_space<hbm>>)
      tpu.yield
    }) : () -> ()
    %add3A_46 = arith.constant 128 : i32
    %add3A_47 = arith.addi %mul3A_15, %add3A_46 : i32
    %mul3A_48 = arith.constant 10240 : i32
    %mul3A_49 = arith.muli %arg0, %mul3A_48 : i32
    %add3A_50 = arith.addi %mul3A_49, %mul3A_15 : i32
    %add3A_51 = arith.constant 128 : i32
    %add3A_52 = arith.addi %add3A_50, %add3A_51 : i32
    "tpu.region"() ({
      %run_scoped3A = tpu.sem_alloc : memref<!tpu.dma_semaphore, #tpu.memory_space<semaphore_mem>>
      %dma_start3A = arith.constant 0 : i32
      %dma_start3A_74 = tpu.memref_slice %arg3[%add3A_52, %dma_start3A] : memref<20480x16xf32, #tpu.memory_space<hbm>> -> memref<128x16xf32, #tpu.memory_space<hbm>>
      %dma_start3A_75 = arith.constant 0 : i32
      %dma_start3A_76 = tpu.memref_slice %arg7[%add3A_47, %dma_start3A_75] : memref<10240x16xf32, #tpu.memory_space<vmem_shared>> -> memref<128x16xf32, #tpu.memory_space<vmem_shared>>
      tpu.enqueue_dma source(%dma_start3A_76 : memref<128x16xf32, #tpu.memory_space<vmem_shared>>) target(%dma_start3A_74 : memref<128x16xf32, #tpu.memory_space<hbm>>) target_semaphore(%run_scoped3A : memref<!tpu.dma_semaphore, #tpu.memory_space<semaphore_mem>>)
      %dma_wait3A = arith.constant 0 : i32
      %dma_wait3A_77 = tpu.memref_slice %arg3[%add3A_52, %dma_wait3A] : memref<20480x16xf32, #tpu.memory_space<hbm>> -> memref<128x16xf32, #tpu.memory_space<hbm>>
      %dma_wait3A_78 = arith.constant 0 : i32
      %dma_wait3A_79 = tpu.memref_slice %arg7[%add3A_47, %dma_wait3A_78] : memref<10240x16xf32, #tpu.memory_space<vmem_shared>> -> memref<128x16xf32, #tpu.memory_space<vmem_shared>>
      tpu.wait_dma2 semaphore(%run_scoped3A : memref<!tpu.dma_semaphore, #tpu.memory_space<semaphore_mem>>) src(%dma_wait3A_79 : memref<128x16xf32, #tpu.memory_space<vmem_shared>>) dst(%dma_wait3A_77 : memref<128x16xf32, #tpu.memory_space<hbm>>)
      tpu.yield
    }) : () -> ()
    %add3A_53 = arith.constant 256 : i32
    %add3A_54 = arith.addi %mul3A_15, %add3A_53 : i32
    %mul3A_55 = arith.constant 10240 : i32
    %mul3A_56 = arith.muli %arg0, %mul3A_55 : i32
    %add3A_57 = arith.addi %mul3A_56, %mul3A_15 : i32
    %add3A_58 = arith.constant 256 : i32
    %add3A_59 = arith.addi %add3A_57, %add3A_58 : i32
    "tpu.region"() ({
      %run_scoped3A = tpu.sem_alloc : memref<!tpu.dma_semaphore, #tpu.memory_space<semaphore_mem>>
      %dma_start3A = arith.constant 0 : i32
      %dma_start3A_74 = tpu.memref_slice %arg3[%add3A_59, %dma_start3A] : memref<20480x16xf32, #tpu.memory_space<hbm>> -> memref<128x16xf32, #tpu.memory_space<hbm>>
      %dma_start3A_75 = arith.constant 0 : i32
      %dma_start3A_76 = tpu.memref_slice %arg7[%add3A_54, %dma_start3A_75] : memref<10240x16xf32, #tpu.memory_space<vmem_shared>> -> memref<128x16xf32, #tpu.memory_space<vmem_shared>>
      tpu.enqueue_dma source(%dma_start3A_76 : memref<128x16xf32, #tpu.memory_space<vmem_shared>>) target(%dma_start3A_74 : memref<128x16xf32, #tpu.memory_space<hbm>>) target_semaphore(%run_scoped3A : memref<!tpu.dma_semaphore, #tpu.memory_space<semaphore_mem>>)
      %dma_wait3A = arith.constant 0 : i32
      %dma_wait3A_77 = tpu.memref_slice %arg3[%add3A_59, %dma_wait3A] : memref<20480x16xf32, #tpu.memory_space<hbm>> -> memref<128x16xf32, #tpu.memory_space<hbm>>
      %dma_wait3A_78 = arith.constant 0 : i32
      %dma_wait3A_79 = tpu.memref_slice %arg7[%add3A_54, %dma_wait3A_78] : memref<10240x16xf32, #tpu.memory_space<vmem_shared>> -> memref<128x16xf32, #tpu.memory_space<vmem_shared>>
      tpu.wait_dma2 semaphore(%run_scoped3A : memref<!tpu.dma_semaphore, #tpu.memory_space<semaphore_mem>>) src(%dma_wait3A_79 : memref<128x16xf32, #tpu.memory_space<vmem_shared>>) dst(%dma_wait3A_77 : memref<128x16xf32, #tpu.memory_space<hbm>>)
      tpu.yield
    }) : () -> ()
    %add3A_60 = arith.constant 384 : i32
    %add3A_61 = arith.addi %mul3A_15, %add3A_60 : i32
    %mul3A_62 = arith.constant 10240 : i32
    %mul3A_63 = arith.muli %arg0, %mul3A_62 : i32
    %add3A_64 = arith.addi %mul3A_63, %mul3A_15 : i32
    %add3A_65 = arith.constant 384 : i32
    %add3A_66 = arith.addi %add3A_64, %add3A_65 : i32
    "tpu.region"() ({
      %run_scoped3A = tpu.sem_alloc : memref<!tpu.dma_semaphore, #tpu.memory_space<semaphore_mem>>
      %dma_start3A = arith.constant 0 : i32
      %dma_start3A_74 = tpu.memref_slice %arg3[%add3A_66, %dma_start3A] : memref<20480x16xf32, #tpu.memory_space<hbm>> -> memref<128x16xf32, #tpu.memory_space<hbm>>
      %dma_start3A_75 = arith.constant 0 : i32
      %dma_start3A_76 = tpu.memref_slice %arg7[%add3A_61, %dma_start3A_75] : memref<10240x16xf32, #tpu.memory_space<vmem_shared>> -> memref<128x16xf32, #tpu.memory_space<vmem_shared>>
      tpu.enqueue_dma source(%dma_start3A_76 : memref<128x16xf32, #tpu.memory_space<vmem_shared>>) target(%dma_start3A_74 : memref<128x16xf32, #tpu.memory_space<hbm>>) target_semaphore(%run_scoped3A : memref<!tpu.dma_semaphore, #tpu.memory_space<semaphore_mem>>)
      %dma_wait3A = arith.constant 0 : i32
      %dma_wait3A_77 = tpu.memref_slice %arg3[%add3A_66, %dma_wait3A] : memref<20480x16xf32, #tpu.memory_space<hbm>> -> memref<128x16xf32, #tpu.memory_space<hbm>>
      %dma_wait3A_78 = arith.constant 0 : i32
      %dma_wait3A_79 = tpu.memref_slice %arg7[%add3A_61, %dma_wait3A_78] : memref<10240x16xf32, #tpu.memory_space<vmem_shared>> -> memref<128x16xf32, #tpu.memory_space<vmem_shared>>
      tpu.wait_dma2 semaphore(%run_scoped3A : memref<!tpu.dma_semaphore, #tpu.memory_space<semaphore_mem>>) src(%dma_wait3A_79 : memref<128x16xf32, #tpu.memory_space<vmem_shared>>) dst(%dma_wait3A_77 : memref<128x16xf32, #tpu.memory_space<hbm>>)
      tpu.yield
    }) : () -> ()
    %add3A_67 = arith.constant 512 : i32
    %add3A_68 = arith.addi %mul3A_15, %add3A_67 : i32
    %mul3A_69 = arith.constant 10240 : i32
    %mul3A_70 = arith.muli %arg0, %mul3A_69 : i32
    %add3A_71 = arith.addi %mul3A_70, %mul3A_15 : i32
    %add3A_72 = arith.constant 512 : i32
    %add3A_73 = arith.addi %add3A_71, %add3A_72 : i32
    "tpu.region"() ({
      %run_scoped3A = tpu.sem_alloc : memref<!tpu.dma_semaphore, #tpu.memory_space<semaphore_mem>>
      %dma_start3A = arith.constant 0 : i32
      %dma_start3A_74 = tpu.memref_slice %arg3[%add3A_73, %dma_start3A] : memref<20480x16xf32, #tpu.memory_space<hbm>> -> memref<128x16xf32, #tpu.memory_space<hbm>>
      %dma_start3A_75 = arith.constant 0 : i32
      %dma_start3A_76 = tpu.memref_slice %arg7[%add3A_68, %dma_start3A_75] : memref<10240x16xf32, #tpu.memory_space<vmem_shared>> -> memref<128x16xf32, #tpu.memory_space<vmem_shared>>
      tpu.enqueue_dma source(%dma_start3A_76 : memref<128x16xf32, #tpu.memory_space<vmem_shared>>) target(%dma_start3A_74 : memref<128x16xf32, #tpu.memory_space<hbm>>) target_semaphore(%run_scoped3A : memref<!tpu.dma_semaphore, #tpu.memory_space<semaphore_mem>>)
      %dma_wait3A = arith.constant 0 : i32
      %dma_wait3A_77 = tpu.memref_slice %arg3[%add3A_73, %dma_wait3A] : memref<20480x16xf32, #tpu.memory_space<hbm>> -> memref<128x16xf32, #tpu.memory_space<hbm>>
      %dma_wait3A_78 = arith.constant 0 : i32
      %dma_wait3A_79 = tpu.memref_slice %arg7[%add3A_68, %dma_wait3A_78] : memref<10240x16xf32, #tpu.memory_space<vmem_shared>> -> memref<128x16xf32, #tpu.memory_space<vmem_shared>>
      tpu.wait_dma2 semaphore(%run_scoped3A : memref<!tpu.dma_semaphore, #tpu.memory_space<semaphore_mem>>) src(%dma_wait3A_79 : memref<128x16xf32, #tpu.memory_space<vmem_shared>>) dst(%dma_wait3A_77 : memref<128x16xf32, #tpu.memory_space<hbm>>)
      tpu.yield
    }) : () -> ()
    return
  }
}

#map = affine_map<(d0, d1) -> (0, 0)>
module attributes {stable_mosaic.version = 14 : i64} {
  func.func @_spmm_kernel(%arg0: i32, %arg1: i32, %arg2: memref<20000x128xf32, #tpu.memory_space<hbm>>, %arg3: memref<1280x128xi32, #tpu.memory_space<hbm>>, %arg4: memref<1280x128xi32, #tpu.memory_space<hbm>>, %arg5: memref<20480x128xf32, #tpu.memory_space<hbm>>, %arg6: memref<40x128xi32, #tpu.memory_space<vmem>>, %arg7: memref<40x128xi32, #tpu.memory_space<vmem>>, %arg8: memref<128x128xf32, #tpu.memory_space<vmem>>, %arg9: memref<128x128xf32, #tpu.memory_space<vmem>>, %arg10: memref<10240x128xf32, #tpu.memory_space<vmem_shared>>, %arg11: memref<!tpu.dma_semaphore, #tpu.memory_space<semaphore_mem>>, %arg12: memref<!tpu.dma_semaphore, #tpu.memory_space<semaphore_mem>>, %arg13: memref<!tpu.dma_semaphore, #tpu.memory_space<semaphore_mem>>, %arg14: memref<!tpu.dma_semaphore, #tpu.memory_space<semaphore_mem>>) attributes {dimension_semantics = [#tpu.dimension_semantics<core_parallel>, #tpu.dimension_semantics<subcore_parallel>], iteration_bounds = array<i64: 2, 16>, scalar_prefetch = 0 : i64, scratch_operands = 9 : i64, tpu.core_type = #tpu.core_type<sc_vector_subcore>, window_params = [{transform_indices = #map}, {transform_indices = #map}, {transform_indices = #map}, {transform_indices = #map}]} {
    %broadcast_in_dim3A = arith.constant 0.000000e+00 : f32
    %broadcast_in_dim3A_0 = vector.broadcast %broadcast_in_dim3A : f32 to vector<16xf32>
    %scan3A = arith.constant 0 : i32
    %scan3A_1 = arith.constant 0 : i32
    %scan3A_2 = arith.constant 128 : i32
    %scan3A_3 = arith.addi %scan3A_1, %scan3A_2 : i32
    %scan3A_4 = arith.constant 1 : i32
    scf.for %scan3A_140 = %scan3A_1 to %scan3A_3 step %scan3A_4  : i32 {
      %swap3A = arith.index_cast %scan3A_140 : i32 to index
      %swap3A_141 = arith.constant 0 : index
      %swap3A_142 = tpu.vector_load %arg8[%swap3A, %swap3A_141] {strides = array<i32>} : memref<128x128xf32, #tpu.memory_space<vmem>>, vector<1x16xf32>,
      %swap3A_143 = vector.shape_cast %swap3A_142 : vector<1x16xf32> to vector<16xf32>
      %swap3A_144 = vector.shape_cast %broadcast_in_dim3A_0 : vector<16xf32> to vector<1x16xf32>
      tpu.vector_store %arg8[%swap3A, %swap3A_141], %swap3A_144 {strides = array<i32>} : memref<128x128xf32, #tpu.memory_space<vmem>>, vector<1x16xf32>,
      %swap3A_145 = arith.index_cast %scan3A_140 : i32 to index
      %swap3A_146 = arith.constant 16 : index
      %swap3A_147 = tpu.vector_load %arg8[%swap3A_145, %swap3A_146] {strides = array<i32>} : memref<128x128xf32, #tpu.memory_space<vmem>>, vector<1x16xf32>,
      %swap3A_148 = vector.shape_cast %swap3A_147 : vector<1x16xf32> to vector<16xf32>
      %swap3A_149 = vector.shape_cast %broadcast_in_dim3A_0 : vector<16xf32> to vector<1x16xf32>
      tpu.vector_store %arg8[%swap3A_145, %swap3A_146], %swap3A_149 {strides = array<i32>} : memref<128x128xf32, #tpu.memory_space<vmem>>, vector<1x16xf32>,
      %swap3A_150 = arith.index_cast %scan3A_140 : i32 to index
      %swap3A_151 = arith.constant 32 : index
      %swap3A_152 = tpu.vector_load %arg8[%swap3A_150, %swap3A_151] {strides = array<i32>} : memref<128x128xf32, #tpu.memory_space<vmem>>, vector<1x16xf32>,
      %swap3A_153 = vector.shape_cast %swap3A_152 : vector<1x16xf32> to vector<16xf32>
      %swap3A_154 = vector.shape_cast %broadcast_in_dim3A_0 : vector<16xf32> to vector<1x16xf32>
      tpu.vector_store %arg8[%swap3A_150, %swap3A_151], %swap3A_154 {strides = array<i32>} : memref<128x128xf32, #tpu.memory_space<vmem>>, vector<1x16xf32>,
      %swap3A_155 = arith.index_cast %scan3A_140 : i32 to index
      %swap3A_156 = arith.constant 48 : index
      %swap3A_157 = tpu.vector_load %arg8[%swap3A_155, %swap3A_156] {strides = array<i32>} : memref<128x128xf32, #tpu.memory_space<vmem>>, vector<1x16xf32>,
      %swap3A_158 = vector.shape_cast %swap3A_157 : vector<1x16xf32> to vector<16xf32>
      %swap3A_159 = vector.shape_cast %broadcast_in_dim3A_0 : vector<16xf32> to vector<1x16xf32>
      tpu.vector_store %arg8[%swap3A_155, %swap3A_156], %swap3A_159 {strides = array<i32>} : memref<128x128xf32, #tpu.memory_space<vmem>>, vector<1x16xf32>,
      %swap3A_160 = arith.index_cast %scan3A_140 : i32 to index
      %swap3A_161 = arith.constant 64 : index
      %swap3A_162 = tpu.vector_load %arg8[%swap3A_160, %swap3A_161] {strides = array<i32>} : memref<128x128xf32, #tpu.memory_space<vmem>>, vector<1x16xf32>,
      %swap3A_163 = vector.shape_cast %swap3A_162 : vector<1x16xf32> to vector<16xf32>
      %swap3A_164 = vector.shape_cast %broadcast_in_dim3A_0 : vector<16xf32> to vector<1x16xf32>
      tpu.vector_store %arg8[%swap3A_160, %swap3A_161], %swap3A_164 {strides = array<i32>} : memref<128x128xf32, #tpu.memory_space<vmem>>, vector<1x16xf32>,
      %swap3A_165 = arith.index_cast %scan3A_140 : i32 to index
      %swap3A_166 = arith.constant 80 : index
      %swap3A_167 = tpu.vector_load %arg8[%swap3A_165, %swap3A_166] {strides = array<i32>} : memref<128x128xf32, #tpu.memory_space<vmem>>, vector<1x16xf32>,
      %swap3A_168 = vector.shape_cast %swap3A_167 : vector<1x16xf32> to vector<16xf32>
      %swap3A_169 = vector.shape_cast %broadcast_in_dim3A_0 : vector<16xf32> to vector<1x16xf32>
      tpu.vector_store %arg8[%swap3A_165, %swap3A_166], %swap3A_169 {strides = array<i32>} : memref<128x128xf32, #tpu.memory_space<vmem>>, vector<1x16xf32>,
      %swap3A_170 = arith.index_cast %scan3A_140 : i32 to index
      %swap3A_171 = arith.constant 96 : index
      %swap3A_172 = tpu.vector_load %arg8[%swap3A_170, %swap3A_171] {strides = array<i32>} : memref<128x128xf32, #tpu.memory_space<vmem>>, vector<1x16xf32>,
      %swap3A_173 = vector.shape_cast %swap3A_172 : vector<1x16xf32> to vector<16xf32>
      %swap3A_174 = vector.shape_cast %broadcast_in_dim3A_0 : vector<16xf32> to vector<1x16xf32>
      tpu.vector_store %arg8[%swap3A_170, %swap3A_171], %swap3A_174 {strides = array<i32>} : memref<128x128xf32, #tpu.memory_space<vmem>>, vector<1x16xf32>,
      %swap3A_175 = arith.index_cast %scan3A_140 : i32 to index
      %swap3A_176 = arith.constant 112 : index
      %swap3A_177 = tpu.vector_load %arg8[%swap3A_175, %swap3A_176] {strides = array<i32>} : memref<128x128xf32, #tpu.memory_space<vmem>>, vector<1x16xf32>,
      %swap3A_178 = vector.shape_cast %swap3A_177 : vector<1x16xf32> to vector<16xf32>
      %swap3A_179 = vector.shape_cast %broadcast_in_dim3A_0 : vector<16xf32> to vector<1x16xf32>
      tpu.vector_store %arg8[%swap3A_175, %swap3A_176], %swap3A_179 {strides = array<i32>} : memref<128x128xf32, #tpu.memory_space<vmem>>, vector<1x16xf32>,
    }
    %scan3A_5 = arith.constant 128 : i32
    %mul3A = arith.constant 640 : i32
    %mul3A_6 = arith.muli %arg1, %mul3A : i32
    %add3A = arith.constant 0 : i32
    %add3A_7 = arith.addi %mul3A_6, %add3A : i32
    "tpu.region"() ({
      %run_scoped3A = tpu.sem_alloc : memref<!tpu.dma_semaphore, #tpu.memory_space<semaphore_mem>>
      %dma_start3A_140 = arith.constant 0 : i32
      %dma_start3A_141 = tpu.memref_slice %arg10[%add3A_7, %dma_start3A_140] : memref<10240x128xf32, #tpu.memory_space<vmem_shared>> -> memref<128x128xf32, #tpu.memory_space<vmem_shared>>
      %dma_start3A_142 = arith.constant 0 : i32
      %dma_start3A_143 = tpu.memref_slice %arg10[%add3A_7, %dma_start3A_142] : memref<10240x128xf32, #tpu.memory_space<vmem_shared>> -> memref<128x128xf32, #tpu.memory_space<vmem_shared>>
      tpu.enqueue_dma source(%arg8 : memref<128x128xf32, #tpu.memory_space<vmem>>) target(%dma_start3A_143 : memref<128x128xf32, #tpu.memory_space<vmem_shared>>) target_semaphore(%run_scoped3A : memref<!tpu.dma_semaphore, #tpu.memory_space<semaphore_mem>>)
      %dma_wait3A_144 = arith.constant 0 : i32
      %dma_wait3A_145 = tpu.memref_slice %arg10[%add3A_7, %dma_wait3A_144] : memref<10240x128xf32, #tpu.memory_space<vmem_shared>> -> memref<128x128xf32, #tpu.memory_space<vmem_shared>>
      %dma_wait3A_146 = arith.constant 0 : i32
      %dma_wait3A_147 = tpu.memref_slice %arg10[%add3A_7, %dma_wait3A_146] : memref<10240x128xf32, #tpu.memory_space<vmem_shared>> -> memref<128x128xf32, #tpu.memory_space<vmem_shared>>
      tpu.wait_dma2 semaphore(%run_scoped3A : memref<!tpu.dma_semaphore, #tpu.memory_space<semaphore_mem>>) src(%arg8 : memref<128x128xf32, #tpu.memory_space<vmem>>) dst(%dma_wait3A_147 : memref<128x128xf32, #tpu.memory_space<vmem_shared>>)
      tpu.yield
    }) : () -> ()
    %add3A_8 = arith.constant 128 : i32
    %add3A_9 = arith.addi %mul3A_6, %add3A_8 : i32
    "tpu.region"() ({
      %run_scoped3A = tpu.sem_alloc : memref<!tpu.dma_semaphore, #tpu.memory_space<semaphore_mem>>
      %dma_start3A_140 = arith.constant 0 : i32
      %dma_start3A_141 = tpu.memref_slice %arg10[%add3A_9, %dma_start3A_140] : memref<10240x128xf32, #tpu.memory_space<vmem_shared>> -> memref<128x128xf32, #tpu.memory_space<vmem_shared>>
      %dma_start3A_142 = arith.constant 0 : i32
      %dma_start3A_143 = tpu.memref_slice %arg10[%add3A_9, %dma_start3A_142] : memref<10240x128xf32, #tpu.memory_space<vmem_shared>> -> memref<128x128xf32, #tpu.memory_space<vmem_shared>>
      tpu.enqueue_dma source(%arg8 : memref<128x128xf32, #tpu.memory_space<vmem>>) target(%dma_start3A_143 : memref<128x128xf32, #tpu.memory_space<vmem_shared>>) target_semaphore(%run_scoped3A : memref<!tpu.dma_semaphore, #tpu.memory_space<semaphore_mem>>)
      %dma_wait3A_144 = arith.constant 0 : i32
      %dma_wait3A_145 = tpu.memref_slice %arg10[%add3A_9, %dma_wait3A_144] : memref<10240x128xf32, #tpu.memory_space<vmem_shared>> -> memref<128x128xf32, #tpu.memory_space<vmem_shared>>
      %dma_wait3A_146 = arith.constant 0 : i32
      %dma_wait3A_147 = tpu.memref_slice %arg10[%add3A_9, %dma_wait3A_146] : memref<10240x128xf32, #tpu.memory_space<vmem_shared>> -> memref<128x128xf32, #tpu.memory_space<vmem_shared>>
      tpu.wait_dma2 semaphore(%run_scoped3A : memref<!tpu.dma_semaphore, #tpu.memory_space<semaphore_mem>>) src(%arg8 : memref<128x128xf32, #tpu.memory_space<vmem>>) dst(%dma_wait3A_147 : memref<128x128xf32, #tpu.memory_space<vmem_shared>>)
      tpu.yield
    }) : () -> ()
    %add3A_10 = arith.constant 256 : i32
    %add3A_11 = arith.addi %mul3A_6, %add3A_10 : i32
    "tpu.region"() ({
      %run_scoped3A = tpu.sem_alloc : memref<!tpu.dma_semaphore, #tpu.memory_space<semaphore_mem>>
      %dma_start3A_140 = arith.constant 0 : i32
      %dma_start3A_141 = tpu.memref_slice %arg10[%add3A_11, %dma_start3A_140] : memref<10240x128xf32, #tpu.memory_space<vmem_shared>> -> memref<128x128xf32, #tpu.memory_space<vmem_shared>>
      %dma_start3A_142 = arith.constant 0 : i32
      %dma_start3A_143 = tpu.memref_slice %arg10[%add3A_11, %dma_start3A_142] : memref<10240x128xf32, #tpu.memory_space<vmem_shared>> -> memref<128x128xf32, #tpu.memory_space<vmem_shared>>
      tpu.enqueue_dma source(%arg8 : memref<128x128xf32, #tpu.memory_space<vmem>>) target(%dma_start3A_143 : memref<128x128xf32, #tpu.memory_space<vmem_shared>>) target_semaphore(%run_scoped3A : memref<!tpu.dma_semaphore, #tpu.memory_space<semaphore_mem>>)
      %dma_wait3A_144 = arith.constant 0 : i32
      %dma_wait3A_145 = tpu.memref_slice %arg10[%add3A_11, %dma_wait3A_144] : memref<10240x128xf32, #tpu.memory_space<vmem_shared>> -> memref<128x128xf32, #tpu.memory_space<vmem_shared>>
      %dma_wait3A_146 = arith.constant 0 : i32
      %dma_wait3A_147 = tpu.memref_slice %arg10[%add3A_11, %dma_wait3A_146] : memref<10240x128xf32, #tpu.memory_space<vmem_shared>> -> memref<128x128xf32, #tpu.memory_space<vmem_shared>>
      tpu.wait_dma2 semaphore(%run_scoped3A : memref<!tpu.dma_semaphore, #tpu.memory_space<semaphore_mem>>) src(%arg8 : memref<128x128xf32, #tpu.memory_space<vmem>>) dst(%dma_wait3A_147 : memref<128x128xf32, #tpu.memory_space<vmem_shared>>)
      tpu.yield
    }) : () -> ()
    %add3A_12 = arith.constant 384 : i32
    %add3A_13 = arith.addi %mul3A_6, %add3A_12 : i32
    "tpu.region"() ({
      %run_scoped3A = tpu.sem_alloc : memref<!tpu.dma_semaphore, #tpu.memory_space<semaphore_mem>>
      %dma_start3A_140 = arith.constant 0 : i32
      %dma_start3A_141 = tpu.memref_slice %arg10[%add3A_13, %dma_start3A_140] : memref<10240x128xf32, #tpu.memory_space<vmem_shared>> -> memref<128x128xf32, #tpu.memory_space<vmem_shared>>
      %dma_start3A_142 = arith.constant 0 : i32
      %dma_start3A_143 = tpu.memref_slice %arg10[%add3A_13, %dma_start3A_142] : memref<10240x128xf32, #tpu.memory_space<vmem_shared>> -> memref<128x128xf32, #tpu.memory_space<vmem_shared>>
      tpu.enqueue_dma source(%arg8 : memref<128x128xf32, #tpu.memory_space<vmem>>) target(%dma_start3A_143 : memref<128x128xf32, #tpu.memory_space<vmem_shared>>) target_semaphore(%run_scoped3A : memref<!tpu.dma_semaphore, #tpu.memory_space<semaphore_mem>>)
      %dma_wait3A_144 = arith.constant 0 : i32
      %dma_wait3A_145 = tpu.memref_slice %arg10[%add3A_13, %dma_wait3A_144] : memref<10240x128xf32, #tpu.memory_space<vmem_shared>> -> memref<128x128xf32, #tpu.memory_space<vmem_shared>>
      %dma_wait3A_146 = arith.constant 0 : i32
      %dma_wait3A_147 = tpu.memref_slice %arg10[%add3A_13, %dma_wait3A_146] : memref<10240x128xf32, #tpu.memory_space<vmem_shared>> -> memref<128x128xf32, #tpu.memory_space<vmem_shared>>
      tpu.wait_dma2 semaphore(%run_scoped3A : memref<!tpu.dma_semaphore, #tpu.memory_space<semaphore_mem>>) src(%arg8 : memref<128x128xf32, #tpu.memory_space<vmem>>) dst(%dma_wait3A_147 : memref<128x128xf32, #tpu.memory_space<vmem_shared>>)
      tpu.yield
    }) : () -> ()
    %add3A_14 = arith.constant 512 : i32
    %add3A_15 = arith.addi %mul3A_6, %add3A_14 : i32
    "tpu.region"() ({
      %run_scoped3A = tpu.sem_alloc : memref<!tpu.dma_semaphore, #tpu.memory_space<semaphore_mem>>
      %dma_start3A_140 = arith.constant 0 : i32
      %dma_start3A_141 = tpu.memref_slice %arg10[%add3A_15, %dma_start3A_140] : memref<10240x128xf32, #tpu.memory_space<vmem_shared>> -> memref<128x128xf32, #tpu.memory_space<vmem_shared>>
      %dma_start3A_142 = arith.constant 0 : i32
      %dma_start3A_143 = tpu.memref_slice %arg10[%add3A_15, %dma_start3A_142] : memref<10240x128xf32, #tpu.memory_space<vmem_shared>> -> memref<128x128xf32, #tpu.memory_space<vmem_shared>>
      tpu.enqueue_dma source(%arg8 : memref<128x128xf32, #tpu.memory_space<vmem>>) target(%dma_start3A_143 : memref<128x128xf32, #tpu.memory_space<vmem_shared>>) target_semaphore(%run_scoped3A : memref<!tpu.dma_semaphore, #tpu.memory_space<semaphore_mem>>)
      %dma_wait3A_144 = arith.constant 0 : i32
      %dma_wait3A_145 = tpu.memref_slice %arg10[%add3A_15, %dma_wait3A_144] : memref<10240x128xf32, #tpu.memory_space<vmem_shared>> -> memref<128x128xf32, #tpu.memory_space<vmem_shared>>
      %dma_wait3A_146 = arith.constant 0 : i32
      %dma_wait3A_147 = tpu.memref_slice %arg10[%add3A_15, %dma_wait3A_146] : memref<10240x128xf32, #tpu.memory_space<vmem_shared>> -> memref<128x128xf32, #tpu.memory_space<vmem_shared>>
      tpu.wait_dma2 semaphore(%run_scoped3A : memref<!tpu.dma_semaphore, #tpu.memory_space<semaphore_mem>>) src(%arg8 : memref<128x128xf32, #tpu.memory_space<vmem>>) dst(%dma_wait3A_147 : memref<128x128xf32, #tpu.memory_space<vmem_shared>>)
      tpu.yield
    }) : () -> ()
    %barrier3A = arith.constant 0 : index
    tpu.barrier barrier_id(%barrier3A)
    %mul3A_16 = arith.constant 10000 : i32
    %mul3A_17 = arith.muli %arg0, %mul3A_16 : i32
    %mul3A_18 = arith.constant 80 : i32
    %mul3A_19 = arith.muli %arg1, %mul3A_18 : i32
    %add3A_20 = arith.constant 0 : i32
    %add3A_21 = arith.addi %mul3A_19, %add3A_20 : i32
    "tpu.region"() ({
      %run_scoped3A = tpu.sem_alloc : memref<!tpu.dma_semaphore, #tpu.memory_space<semaphore_mem>>
      %dma_start3A_140 = arith.constant 0 : i32
      %dma_start3A_141 = tpu.memref_slice %arg3[%add3A_21, %dma_start3A_140] : memref<1280x128xi32, #tpu.memory_space<hbm>> -> memref<40x128xi32, #tpu.memory_space<hbm>>
      %dma_start3A_142 = arith.constant 0 : i32
      %dma_start3A_143 = tpu.memref_slice %arg3[%add3A_21, %dma_start3A_142] : memref<1280x128xi32, #tpu.memory_space<hbm>> -> memref<40x128xi32, #tpu.memory_space<hbm>>
      tpu.enqueue_dma source(%dma_start3A_143 : memref<40x128xi32, #tpu.memory_space<hbm>>) target(%arg6 : memref<40x128xi32, #tpu.memory_space<vmem>>) target_semaphore(%run_scoped3A : memref<!tpu.dma_semaphore, #tpu.memory_space<semaphore_mem>>)
      %dma_wait3A_144 = arith.constant 0 : i32
      %dma_wait3A_145 = tpu.memref_slice %arg3[%add3A_21, %dma_wait3A_144] : memref<1280x128xi32, #tpu.memory_space<hbm>> -> memref<40x128xi32, #tpu.memory_space<hbm>>
      %dma_wait3A_146 = arith.constant 0 : i32
      %dma_wait3A_147 = tpu.memref_slice %arg3[%add3A_21, %dma_wait3A_146] : memref<1280x128xi32, #tpu.memory_space<hbm>> -> memref<40x128xi32, #tpu.memory_space<hbm>>
      tpu.wait_dma2 semaphore(%run_scoped3A : memref<!tpu.dma_semaphore, #tpu.memory_space<semaphore_mem>>) src(%dma_wait3A_147 : memref<40x128xi32, #tpu.memory_space<hbm>>) dst(%arg6 : memref<40x128xi32, #tpu.memory_space<vmem>>)
      tpu.yield
    }) : () -> ()
    "tpu.region"() ({
      %run_scoped3A = tpu.sem_alloc : memref<!tpu.dma_semaphore, #tpu.memory_space<semaphore_mem>>
      %dma_start3A_140 = arith.constant 0 : i32
      %dma_start3A_141 = tpu.memref_slice %arg4[%add3A_21, %dma_start3A_140] : memref<1280x128xi32, #tpu.memory_space<hbm>> -> memref<40x128xi32, #tpu.memory_space<hbm>>
      %dma_start3A_142 = arith.constant 0 : i32
      %dma_start3A_143 = tpu.memref_slice %arg4[%add3A_21, %dma_start3A_142] : memref<1280x128xi32, #tpu.memory_space<hbm>> -> memref<40x128xi32, #tpu.memory_space<hbm>>
      tpu.enqueue_dma source(%dma_start3A_143 : memref<40x128xi32, #tpu.memory_space<hbm>>) target(%arg7 : memref<40x128xi32, #tpu.memory_space<vmem>>) target_semaphore(%run_scoped3A : memref<!tpu.dma_semaphore, #tpu.memory_space<semaphore_mem>>)
      %dma_wait3A_144 = arith.constant 0 : i32
      %dma_wait3A_145 = tpu.memref_slice %arg4[%add3A_21, %dma_wait3A_144] : memref<1280x128xi32, #tpu.memory_space<hbm>> -> memref<40x128xi32, #tpu.memory_space<hbm>>
      %dma_wait3A_146 = arith.constant 0 : i32
      %dma_wait3A_147 = tpu.memref_slice %arg4[%add3A_21, %dma_wait3A_146] : memref<1280x128xi32, #tpu.memory_space<hbm>> -> memref<40x128xi32, #tpu.memory_space<hbm>>
      tpu.wait_dma2 semaphore(%run_scoped3A : memref<!tpu.dma_semaphore, #tpu.memory_space<semaphore_mem>>) src(%dma_wait3A_147 : memref<40x128xi32, #tpu.memory_space<hbm>>) dst(%arg7 : memref<40x128xi32, #tpu.memory_space<vmem>>)
      tpu.yield
    }) : () -> ()
    %scan3A_22 = arith.constant 0 : i32
    %scan3A_23 = arith.constant 0 : i32
    %scan3A_24 = arith.constant 40 : i32
    %scan3A_25 = arith.addi %scan3A_23, %scan3A_24 : i32
    %scan3A_26 = arith.constant 1 : i32
    scf.for %scan3A_140 = %scan3A_23 to %scan3A_25 step %scan3A_26  : i32 {
      %get3A = arith.index_cast %scan3A_140 : i32 to index
      %get3A_141 = arith.constant 0 : index
      %get3A_142 = tpu.vector_load %arg6[%get3A, %get3A_141] {strides = array<i32>} : memref<40x128xi32, #tpu.memory_space<vmem>>, vector<1x16xi32>,
      %get3A_143 = vector.shape_cast %get3A_142 : vector<1x16xi32> to vector<16xi32>
      %add3A_144 = vector.broadcast %mul3A_17 : i32 to vector<16xi32>
      %add3A_145 = arith.addi %get3A_143, %add3A_144 : vector<16xi32>
      %swap3A = arith.index_cast %scan3A_140 : i32 to index
      %swap3A_146 = arith.constant 0 : index
      %swap3A_147 = tpu.vector_load %arg6[%swap3A, %swap3A_146] {strides = array<i32>} : memref<40x128xi32, #tpu.memory_space<vmem>>, vector<1x16xi32>,
      %swap3A_148 = vector.shape_cast %swap3A_147 : vector<1x16xi32> to vector<16xi32>
      %swap3A_149 = vector.shape_cast %add3A_145 : vector<16xi32> to vector<1x16xi32>
      tpu.vector_store %arg6[%swap3A, %swap3A_146], %swap3A_149 {strides = array<i32>} : memref<40x128xi32, #tpu.memory_space<vmem>>, vector<1x16xi32>,
      %get3A_150 = arith.index_cast %scan3A_140 : i32 to index
      %get3A_151 = arith.constant 16 : index
      %get3A_152 = tpu.vector_load %arg6[%get3A_150, %get3A_151] {strides = array<i32>} : memref<40x128xi32, #tpu.memory_space<vmem>>, vector<1x16xi32>,
      %get3A_153 = vector.shape_cast %get3A_152 : vector<1x16xi32> to vector<16xi32>
      %add3A_154 = vector.broadcast %mul3A_17 : i32 to vector<16xi32>
      %add3A_155 = arith.addi %get3A_153, %add3A_154 : vector<16xi32>
      %swap3A_156 = arith.index_cast %scan3A_140 : i32 to index
      %swap3A_157 = arith.constant 16 : index
      %swap3A_158 = tpu.vector_load %arg6[%swap3A_156, %swap3A_157] {strides = array<i32>} : memref<40x128xi32, #tpu.memory_space<vmem>>, vector<1x16xi32>,
      %swap3A_159 = vector.shape_cast %swap3A_158 : vector<1x16xi32> to vector<16xi32>
      %swap3A_160 = vector.shape_cast %add3A_155 : vector<16xi32> to vector<1x16xi32>
      tpu.vector_store %arg6[%swap3A_156, %swap3A_157], %swap3A_160 {strides = array<i32>} : memref<40x128xi32, #tpu.memory_space<vmem>>, vector<1x16xi32>,
      %get3A_161 = arith.index_cast %scan3A_140 : i32 to index
      %get3A_162 = arith.constant 32 : index
      %get3A_163 = tpu.vector_load %arg6[%get3A_161, %get3A_162] {strides = array<i32>} : memref<40x128xi32, #tpu.memory_space<vmem>>, vector<1x16xi32>,
      %get3A_164 = vector.shape_cast %get3A_163 : vector<1x16xi32> to vector<16xi32>
      %add3A_165 = vector.broadcast %mul3A_17 : i32 to vector<16xi32>
      %add3A_166 = arith.addi %get3A_164, %add3A_165 : vector<16xi32>
      %swap3A_167 = arith.index_cast %scan3A_140 : i32 to index
      %swap3A_168 = arith.constant 32 : index
      %swap3A_169 = tpu.vector_load %arg6[%swap3A_167, %swap3A_168] {strides = array<i32>} : memref<40x128xi32, #tpu.memory_space<vmem>>, vector<1x16xi32>,
      %swap3A_170 = vector.shape_cast %swap3A_169 : vector<1x16xi32> to vector<16xi32>
      %swap3A_171 = vector.shape_cast %add3A_166 : vector<16xi32> to vector<1x16xi32>
      tpu.vector_store %arg6[%swap3A_167, %swap3A_168], %swap3A_171 {strides = array<i32>} : memref<40x128xi32, #tpu.memory_space<vmem>>, vector<1x16xi32>,
      %get3A_172 = arith.index_cast %scan3A_140 : i32 to index
      %get3A_173 = arith.constant 48 : index
      %get3A_174 = tpu.vector_load %arg6[%get3A_172, %get3A_173] {strides = array<i32>} : memref<40x128xi32, #tpu.memory_space<vmem>>, vector<1x16xi32>,
      %get3A_175 = vector.shape_cast %get3A_174 : vector<1x16xi32> to vector<16xi32>
      %add3A_176 = vector.broadcast %mul3A_17 : i32 to vector<16xi32>
      %add3A_177 = arith.addi %get3A_175, %add3A_176 : vector<16xi32>
      %swap3A_178 = arith.index_cast %scan3A_140 : i32 to index
      %swap3A_179 = arith.constant 48 : index
      %swap3A_180 = tpu.vector_load %arg6[%swap3A_178, %swap3A_179] {strides = array<i32>} : memref<40x128xi32, #tpu.memory_space<vmem>>, vector<1x16xi32>,
      %swap3A_181 = vector.shape_cast %swap3A_180 : vector<1x16xi32> to vector<16xi32>
      %swap3A_182 = vector.shape_cast %add3A_177 : vector<16xi32> to vector<1x16xi32>
      tpu.vector_store %arg6[%swap3A_178, %swap3A_179], %swap3A_182 {strides = array<i32>} : memref<40x128xi32, #tpu.memory_space<vmem>>, vector<1x16xi32>,
      %get3A_183 = arith.index_cast %scan3A_140 : i32 to index
      %get3A_184 = arith.constant 64 : index
      %get3A_185 = tpu.vector_load %arg6[%get3A_183, %get3A_184] {strides = array<i32>} : memref<40x128xi32, #tpu.memory_space<vmem>>, vector<1x16xi32>,
      %get3A_186 = vector.shape_cast %get3A_185 : vector<1x16xi32> to vector<16xi32>
      %add3A_187 = vector.broadcast %mul3A_17 : i32 to vector<16xi32>
      %add3A_188 = arith.addi %get3A_186, %add3A_187 : vector<16xi32>
      %swap3A_189 = arith.index_cast %scan3A_140 : i32 to index
      %swap3A_190 = arith.constant 64 : index
      %swap3A_191 = tpu.vector_load %arg6[%swap3A_189, %swap3A_190] {strides = array<i32>} : memref<40x128xi32, #tpu.memory_space<vmem>>, vector<1x16xi32>,
      %swap3A_192 = vector.shape_cast %swap3A_191 : vector<1x16xi32> to vector<16xi32>
      %swap3A_193 = vector.shape_cast %add3A_188 : vector<16xi32> to vector<1x16xi32>
      tpu.vector_store %arg6[%swap3A_189, %swap3A_190], %swap3A_193 {strides = array<i32>} : memref<40x128xi32, #tpu.memory_space<vmem>>, vector<1x16xi32>,
      %get3A_194 = arith.index_cast %scan3A_140 : i32 to index
      %get3A_195 = arith.constant 80 : index
      %get3A_196 = tpu.vector_load %arg6[%get3A_194, %get3A_195] {strides = array<i32>} : memref<40x128xi32, #tpu.memory_space<vmem>>, vector<1x16xi32>,
      %get3A_197 = vector.shape_cast %get3A_196 : vector<1x16xi32> to vector<16xi32>
      %add3A_198 = vector.broadcast %mul3A_17 : i32 to vector<16xi32>
      %add3A_199 = arith.addi %get3A_197, %add3A_198 : vector<16xi32>
      %swap3A_200 = arith.index_cast %scan3A_140 : i32 to index
      %swap3A_201 = arith.constant 80 : index
      %swap3A_202 = tpu.vector_load %arg6[%swap3A_200, %swap3A_201] {strides = array<i32>} : memref<40x128xi32, #tpu.memory_space<vmem>>, vector<1x16xi32>,
      %swap3A_203 = vector.shape_cast %swap3A_202 : vector<1x16xi32> to vector<16xi32>
      %swap3A_204 = vector.shape_cast %add3A_199 : vector<16xi32> to vector<1x16xi32>
      tpu.vector_store %arg6[%swap3A_200, %swap3A_201], %swap3A_204 {strides = array<i32>} : memref<40x128xi32, #tpu.memory_space<vmem>>, vector<1x16xi32>,
      %get3A_205 = arith.index_cast %scan3A_140 : i32 to index
      %get3A_206 = arith.constant 96 : index
      %get3A_207 = tpu.vector_load %arg6[%get3A_205, %get3A_206] {strides = array<i32>} : memref<40x128xi32, #tpu.memory_space<vmem>>, vector<1x16xi32>,
      %get3A_208 = vector.shape_cast %get3A_207 : vector<1x16xi32> to vector<16xi32>
      %add3A_209 = vector.broadcast %mul3A_17 : i32 to vector<16xi32>
      %add3A_210 = arith.addi %get3A_208, %add3A_209 : vector<16xi32>
      %swap3A_211 = arith.index_cast %scan3A_140 : i32 to index
      %swap3A_212 = arith.constant 96 : index
      %swap3A_213 = tpu.vector_load %arg6[%swap3A_211, %swap3A_212] {strides = array<i32>} : memref<40x128xi32, #tpu.memory_space<vmem>>, vector<1x16xi32>,
      %swap3A_214 = vector.shape_cast %swap3A_213 : vector<1x16xi32> to vector<16xi32>
      %swap3A_215 = vector.shape_cast %add3A_210 : vector<16xi32> to vector<1x16xi32>
      tpu.vector_store %arg6[%swap3A_211, %swap3A_212], %swap3A_215 {strides = array<i32>} : memref<40x128xi32, #tpu.memory_space<vmem>>, vector<1x16xi32>,
      %get3A_216 = arith.index_cast %scan3A_140 : i32 to index
      %get3A_217 = arith.constant 112 : index
      %get3A_218 = tpu.vector_load %arg6[%get3A_216, %get3A_217] {strides = array<i32>} : memref<40x128xi32, #tpu.memory_space<vmem>>, vector<1x16xi32>,
      %get3A_219 = vector.shape_cast %get3A_218 : vector<1x16xi32> to vector<16xi32>
      %add3A_220 = vector.broadcast %mul3A_17 : i32 to vector<16xi32>
      %add3A_221 = arith.addi %get3A_219, %add3A_220 : vector<16xi32>
      %swap3A_222 = arith.index_cast %scan3A_140 : i32 to index
      %swap3A_223 = arith.constant 112 : index
      %swap3A_224 = tpu.vector_load %arg6[%swap3A_222, %swap3A_223] {strides = array<i32>} : memref<40x128xi32, #tpu.memory_space<vmem>>, vector<1x16xi32>,
      %swap3A_225 = vector.shape_cast %swap3A_224 : vector<1x16xi32> to vector<16xi32>
      %swap3A_226 = vector.shape_cast %add3A_221 : vector<16xi32> to vector<1x16xi32>
      tpu.vector_store %arg6[%swap3A_222, %swap3A_223], %swap3A_226 {strides = array<i32>} : memref<40x128xi32, #tpu.memory_space<vmem>>, vector<1x16xi32>,
    }
    %scan3A_27 = arith.constant 40 : i32
    %dma_start3A = arith.constant 0 : i32
    %dma_start3A_28 = arith.constant 0 : i32
    %dma_start3A_29 = tpu.memref_slice %arg6[%dma_start3A, %dma_start3A_28] : memref<40x128xi32, #tpu.memory_space<vmem>> -> memref<1x128xi32, #tpu.memory_space<vmem>>
    %dma_start3A_30 = tpu.memref_squeeze %dma_start3A_29 : memref<1x128xi32, #tpu.memory_space<vmem>> -> memref<128xi32, #tpu.memory_space<vmem>>
    %dma_start3A_31 = arith.constant 0 : i32
    %dma_start3A_32 = arith.constant 0 : i32
    %dma_start3A_33 = tpu.memref_slice %arg2[%dma_start3A_31, %dma_start3A_32] : memref<20000x128xf32, #tpu.memory_space<hbm>> -> memref<20000x128xf32, #tpu.memory_space<hbm>>
    tpu.enqueue_indirect_dma source(%dma_start3A_33 : memref<20000x128xf32, #tpu.memory_space<hbm>>) target(%arg8 : memref<128x128xf32, #tpu.memory_space<vmem>>) offsets(%dma_start3A_30 : memref<128xi32, #tpu.memory_space<vmem>>) semaphore(%arg11 : memref<!tpu.dma_semaphore, #tpu.memory_space<semaphore_mem>>)
    %dma_start3A_34 = arith.constant 1 : i32
    %dma_start3A_35 = arith.constant 0 : i32
    %dma_start3A_36 = tpu.memref_slice %arg6[%dma_start3A_34, %dma_start3A_35] : memref<40x128xi32, #tpu.memory_space<vmem>> -> memref<1x128xi32, #tpu.memory_space<vmem>>
    %dma_start3A_37 = tpu.memref_squeeze %dma_start3A_36 : memref<1x128xi32, #tpu.memory_space<vmem>> -> memref<128xi32, #tpu.memory_space<vmem>>
    %dma_start3A_38 = arith.constant 0 : i32
    %dma_start3A_39 = arith.constant 0 : i32
    %dma_start3A_40 = tpu.memref_slice %arg2[%dma_start3A_38, %dma_start3A_39] : memref<20000x128xf32, #tpu.memory_space<hbm>> -> memref<20000x128xf32, #tpu.memory_space<hbm>>
    tpu.enqueue_indirect_dma source(%dma_start3A_40 : memref<20000x128xf32, #tpu.memory_space<hbm>>) target(%arg9 : memref<128x128xf32, #tpu.memory_space<vmem>>) offsets(%dma_start3A_37 : memref<128xi32, #tpu.memory_space<vmem>>) semaphore(%arg12 : memref<!tpu.dma_semaphore, #tpu.memory_space<semaphore_mem>>)
    %scan3A_41 = arith.constant 0 : i32
    %scan3A_42 = arith.constant 0 : i32
    %scan3A_43 = arith.constant 20 : i32
    %scan3A_44 = arith.addi %scan3A_42, %scan3A_43 : i32
    %scan3A_45 = arith.constant 1 : i32
    scf.for %scan3A_140 = %scan3A_42 to %scan3A_44 step %scan3A_45  : i32 {
      %mul3A_141 = arith.constant 2 : i32
      %mul3A_142 = arith.muli %mul3A_141, %scan3A_140 : i32
      %add3A_143 = arith.constant 0 : i32
      %add3A_144 = arith.addi %mul3A_142, %add3A_143 : i32
      %dma_wait3A_145 = arith.constant 0 : i32
      %dma_wait3A_146 = tpu.memref_slice %arg6[%add3A_144, %dma_wait3A_145] : memref<40x128xi32, #tpu.memory_space<vmem>> -> memref<1x128xi32, #tpu.memory_space<vmem>>
      %dma_wait3A_147 = tpu.memref_squeeze %dma_wait3A_146 : memref<1x128xi32, #tpu.memory_space<vmem>> -> memref<128xi32, #tpu.memory_space<vmem>>
      %dma_wait3A_148 = arith.constant 0 : i32
      %dma_wait3A_149 = arith.constant 0 : i32
      %dma_wait3A_150 = tpu.memref_slice %arg2[%dma_wait3A_148, %dma_wait3A_149] : memref<20000x128xf32, #tpu.memory_space<hbm>> -> memref<20000x128xf32, #tpu.memory_space<hbm>>
      tpu.wait_indirect_dma semaphore(%arg11 : memref<!tpu.dma_semaphore, #tpu.memory_space<semaphore_mem>>) src(%dma_wait3A_150 : memref<20000x128xf32, #tpu.memory_space<hbm>>) dst(%arg8 : memref<128x128xf32, #tpu.memory_space<vmem>>)
      %dma_start3A_151 = arith.constant 0 : i32
      %dma_start3A_152 = tpu.memref_slice %arg7[%add3A_144, %dma_start3A_151] : memref<40x128xi32, #tpu.memory_space<vmem>> -> memref<1x128xi32, #tpu.memory_space<vmem>>
      %dma_start3A_153 = tpu.memref_squeeze %dma_start3A_152 : memref<1x128xi32, #tpu.memory_space<vmem>> -> memref<128xi32, #tpu.memory_space<vmem>>
      %dma_start3A_154 = arith.constant 0 : i32
      %dma_start3A_155 = arith.constant 0 : i32
      %dma_start3A_156 = tpu.memref_slice %arg10[%dma_start3A_154, %dma_start3A_155] : memref<10240x128xf32, #tpu.memory_space<vmem_shared>> -> memref<10240x128xf32, #tpu.memory_space<vmem_shared>>
      tpu.enqueue_indirect_dma source(%arg8 : memref<128x128xf32, #tpu.memory_space<vmem>>) target(%dma_start3A_156 : memref<10240x128xf32, #tpu.memory_space<vmem_shared>>) offsets(%dma_start3A_153 : memref<128xi32, #tpu.memory_space<vmem>>) semaphore(%arg13 : memref<!tpu.dma_semaphore, #tpu.memory_space<semaphore_mem>>) {add = true}
      %add3A_157 = arith.constant 2 : i32
      %add3A_158 = arith.addi %add3A_144, %add3A_157 : i32
      %lt3A = arith.constant 40 : i32
      %lt3A_159 = arith.cmpi slt, %add3A_158, %lt3A : i32
      %convert_element_type3A = arith.extui %lt3A_159 : i1 to i32
      %cond3A = arith.constant 0 : i32
      %cond3A_160 = arith.cmpi ne, %convert_element_type3A, %cond3A : i32
      scf.if %cond3A_160 {
        %dma_wait3A_184 = arith.constant 0 : i32
        %dma_wait3A_185 = tpu.memref_slice %arg7[%add3A_144, %dma_wait3A_184] : memref<40x128xi32, #tpu.memory_space<vmem>> -> memref<1x128xi32, #tpu.memory_space<vmem>>
        %dma_wait3A_186 = tpu.memref_squeeze %dma_wait3A_185 : memref<1x128xi32, #tpu.memory_space<vmem>> -> memref<128xi32, #tpu.memory_space<vmem>>
        %dma_wait3A_187 = arith.constant 0 : i32
        %dma_wait3A_188 = arith.constant 0 : i32
        %dma_wait3A_189 = tpu.memref_slice %arg10[%dma_wait3A_187, %dma_wait3A_188] : memref<10240x128xf32, #tpu.memory_space<vmem_shared>> -> memref<10240x128xf32, #tpu.memory_space<vmem_shared>>
        tpu.wait_indirect_dma semaphore(%arg13 : memref<!tpu.dma_semaphore, #tpu.memory_space<semaphore_mem>>) src(%arg8 : memref<128x128xf32, #tpu.memory_space<vmem>>) dst(%dma_wait3A_189 : memref<10240x128xf32, #tpu.memory_space<vmem_shared>>)
        %add3A_190 = arith.constant 2 : i32
        %add3A_191 = arith.addi %add3A_144, %add3A_190 : i32
        %dma_start3A_192 = arith.constant 0 : i32
        %dma_start3A_193 = tpu.memref_slice %arg6[%add3A_191, %dma_start3A_192] : memref<40x128xi32, #tpu.memory_space<vmem>> -> memref<1x128xi32, #tpu.memory_space<vmem>>
        %dma_start3A_194 = tpu.memref_squeeze %dma_start3A_193 : memref<1x128xi32, #tpu.memory_space<vmem>> -> memref<128xi32, #tpu.memory_space<vmem>>
        %dma_start3A_195 = arith.constant 0 : i32
        %dma_start3A_196 = arith.constant 0 : i32
        %dma_start3A_197 = tpu.memref_slice %arg2[%dma_start3A_195, %dma_start3A_196] : memref<20000x128xf32, #tpu.memory_space<hbm>> -> memref<20000x128xf32, #tpu.memory_space<hbm>>
        tpu.enqueue_indirect_dma source(%dma_start3A_197 : memref<20000x128xf32, #tpu.memory_space<hbm>>) target(%arg8 : memref<128x128xf32, #tpu.memory_space<vmem>>) offsets(%dma_start3A_194 : memref<128xi32, #tpu.memory_space<vmem>>) semaphore(%arg11 : memref<!tpu.dma_semaphore, #tpu.memory_space<semaphore_mem>>)
      } else {
      }
      %mul3A_161 = arith.constant 2 : i32
      %mul3A_162 = arith.muli %mul3A_161, %scan3A_140 : i32
      %add3A_163 = arith.constant 1 : i32
      %add3A_164 = arith.addi %mul3A_162, %add3A_163 : i32
      %dma_wait3A_165 = arith.constant 0 : i32
      %dma_wait3A_166 = tpu.memref_slice %arg6[%add3A_164, %dma_wait3A_165] : memref<40x128xi32, #tpu.memory_space<vmem>> -> memref<1x128xi32, #tpu.memory_space<vmem>>
      %dma_wait3A_167 = tpu.memref_squeeze %dma_wait3A_166 : memref<1x128xi32, #tpu.memory_space<vmem>> -> memref<128xi32, #tpu.memory_space<vmem>>
      %dma_wait3A_168 = arith.constant 0 : i32
      %dma_wait3A_169 = arith.constant 0 : i32
      %dma_wait3A_170 = tpu.memref_slice %arg2[%dma_wait3A_168, %dma_wait3A_169] : memref<20000x128xf32, #tpu.memory_space<hbm>> -> memref<20000x128xf32, #tpu.memory_space<hbm>>
      tpu.wait_indirect_dma semaphore(%arg12 : memref<!tpu.dma_semaphore, #tpu.memory_space<semaphore_mem>>) src(%dma_wait3A_170 : memref<20000x128xf32, #tpu.memory_space<hbm>>) dst(%arg9 : memref<128x128xf32, #tpu.memory_space<vmem>>)
      %dma_start3A_171 = arith.constant 0 : i32
      %dma_start3A_172 = tpu.memref_slice %arg7[%add3A_164, %dma_start3A_171] : memref<40x128xi32, #tpu.memory_space<vmem>> -> memref<1x128xi32, #tpu.memory_space<vmem>>
      %dma_start3A_173 = tpu.memref_squeeze %dma_start3A_172 : memref<1x128xi32, #tpu.memory_space<vmem>> -> memref<128xi32, #tpu.memory_space<vmem>>
      %dma_start3A_174 = arith.constant 0 : i32
      %dma_start3A_175 = arith.constant 0 : i32
      %dma_start3A_176 = tpu.memref_slice %arg10[%dma_start3A_174, %dma_start3A_175] : memref<10240x128xf32, #tpu.memory_space<vmem_shared>> -> memref<10240x128xf32, #tpu.memory_space<vmem_shared>>
      tpu.enqueue_indirect_dma source(%arg9 : memref<128x128xf32, #tpu.memory_space<vmem>>) target(%dma_start3A_176 : memref<10240x128xf32, #tpu.memory_space<vmem_shared>>) offsets(%dma_start3A_173 : memref<128xi32, #tpu.memory_space<vmem>>) semaphore(%arg14 : memref<!tpu.dma_semaphore, #tpu.memory_space<semaphore_mem>>) {add = true}
      %add3A_177 = arith.constant 2 : i32
      %add3A_178 = arith.addi %add3A_164, %add3A_177 : i32
      %lt3A_179 = arith.constant 40 : i32
      %lt3A_180 = arith.cmpi slt, %add3A_178, %lt3A_179 : i32
      %convert_element_type3A_181 = arith.extui %lt3A_180 : i1 to i32
      %cond3A_182 = arith.constant 0 : i32
      %cond3A_183 = arith.cmpi ne, %convert_element_type3A_181, %cond3A_182 : i32
      scf.if %cond3A_183 {
        %dma_wait3A_184 = arith.constant 0 : i32
        %dma_wait3A_185 = tpu.memref_slice %arg7[%add3A_164, %dma_wait3A_184] : memref<40x128xi32, #tpu.memory_space<vmem>> -> memref<1x128xi32, #tpu.memory_space<vmem>>
        %dma_wait3A_186 = tpu.memref_squeeze %dma_wait3A_185 : memref<1x128xi32, #tpu.memory_space<vmem>> -> memref<128xi32, #tpu.memory_space<vmem>>
        %dma_wait3A_187 = arith.constant 0 : i32
        %dma_wait3A_188 = arith.constant 0 : i32
        %dma_wait3A_189 = tpu.memref_slice %arg10[%dma_wait3A_187, %dma_wait3A_188] : memref<10240x128xf32, #tpu.memory_space<vmem_shared>> -> memref<10240x128xf32, #tpu.memory_space<vmem_shared>>
        tpu.wait_indirect_dma semaphore(%arg14 : memref<!tpu.dma_semaphore, #tpu.memory_space<semaphore_mem>>) src(%arg9 : memref<128x128xf32, #tpu.memory_space<vmem>>) dst(%dma_wait3A_189 : memref<10240x128xf32, #tpu.memory_space<vmem_shared>>)
        %add3A_190 = arith.constant 2 : i32
        %add3A_191 = arith.addi %add3A_164, %add3A_190 : i32
        %dma_start3A_192 = arith.constant 0 : i32
        %dma_start3A_193 = tpu.memref_slice %arg6[%add3A_191, %dma_start3A_192] : memref<40x128xi32, #tpu.memory_space<vmem>> -> memref<1x128xi32, #tpu.memory_space<vmem>>
        %dma_start3A_194 = tpu.memref_squeeze %dma_start3A_193 : memref<1x128xi32, #tpu.memory_space<vmem>> -> memref<128xi32, #tpu.memory_space<vmem>>
        %dma_start3A_195 = arith.constant 0 : i32
        %dma_start3A_196 = arith.constant 0 : i32
        %dma_start3A_197 = tpu.memref_slice %arg2[%dma_start3A_195, %dma_start3A_196] : memref<20000x128xf32, #tpu.memory_space<hbm>> -> memref<20000x128xf32, #tpu.memory_space<hbm>>
        tpu.enqueue_indirect_dma source(%dma_start3A_197 : memref<20000x128xf32, #tpu.memory_space<hbm>>) target(%arg9 : memref<128x128xf32, #tpu.memory_space<vmem>>) offsets(%dma_start3A_194 : memref<128xi32, #tpu.memory_space<vmem>>) semaphore(%arg12 : memref<!tpu.dma_semaphore, #tpu.memory_space<semaphore_mem>>)
      } else {
      }
    }
    %scan3A_46 = arith.constant 20 : i32
    %dma_wait3A = arith.constant 0 : i32
    %dma_wait3A_47 = arith.constant 0 : i32
    %dma_wait3A_48 = tpu.memref_slice %arg7[%dma_wait3A, %dma_wait3A_47] : memref<40x128xi32, #tpu.memory_space<vmem>> -> memref<1x128xi32, #tpu.memory_space<vmem>>
    %dma_wait3A_49 = tpu.memref_squeeze %dma_wait3A_48 : memref<1x128xi32, #tpu.memory_space<vmem>> -> memref<128xi32, #tpu.memory_space<vmem>>
    %dma_wait3A_50 = arith.constant 0 : i32
    %dma_wait3A_51 = arith.constant 0 : i32
    %dma_wait3A_52 = tpu.memref_slice %arg10[%dma_wait3A_50, %dma_wait3A_51] : memref<10240x128xf32, #tpu.memory_space<vmem_shared>> -> memref<10240x128xf32, #tpu.memory_space<vmem_shared>>
    tpu.wait_indirect_dma semaphore(%arg13 : memref<!tpu.dma_semaphore, #tpu.memory_space<semaphore_mem>>) src(%arg8 : memref<128x128xf32, #tpu.memory_space<vmem>>) dst(%dma_wait3A_52 : memref<10240x128xf32, #tpu.memory_space<vmem_shared>>)
    %dma_wait3A_53 = arith.constant 0 : i32
    %dma_wait3A_54 = arith.constant 0 : i32
    %dma_wait3A_55 = tpu.memref_slice %arg7[%dma_wait3A_53, %dma_wait3A_54] : memref<40x128xi32, #tpu.memory_space<vmem>> -> memref<1x128xi32, #tpu.memory_space<vmem>>
    %dma_wait3A_56 = tpu.memref_squeeze %dma_wait3A_55 : memref<1x128xi32, #tpu.memory_space<vmem>> -> memref<128xi32, #tpu.memory_space<vmem>>
    %dma_wait3A_57 = arith.constant 0 : i32
    %dma_wait3A_58 = arith.constant 0 : i32
    %dma_wait3A_59 = tpu.memref_slice %arg10[%dma_wait3A_57, %dma_wait3A_58] : memref<10240x128xf32, #tpu.memory_space<vmem_shared>> -> memref<10240x128xf32, #tpu.memory_space<vmem_shared>>
    tpu.wait_indirect_dma semaphore(%arg14 : memref<!tpu.dma_semaphore, #tpu.memory_space<semaphore_mem>>) src(%arg9 : memref<128x128xf32, #tpu.memory_space<vmem>>) dst(%dma_wait3A_59 : memref<10240x128xf32, #tpu.memory_space<vmem_shared>>)
    %mul3A_60 = arith.constant 80 : i32
    %mul3A_61 = arith.muli %arg1, %mul3A_60 : i32
    %add3A_62 = arith.constant 40 : i32
    %add3A_63 = arith.addi %mul3A_61, %add3A_62 : i32
    "tpu.region"() ({
      %run_scoped3A = tpu.sem_alloc : memref<!tpu.dma_semaphore, #tpu.memory_space<semaphore_mem>>
      %dma_start3A_140 = arith.constant 0 : i32
      %dma_start3A_141 = tpu.memref_slice %arg3[%add3A_63, %dma_start3A_140] : memref<1280x128xi32, #tpu.memory_space<hbm>> -> memref<40x128xi32, #tpu.memory_space<hbm>>
      %dma_start3A_142 = arith.constant 0 : i32
      %dma_start3A_143 = tpu.memref_slice %arg3[%add3A_63, %dma_start3A_142] : memref<1280x128xi32, #tpu.memory_space<hbm>> -> memref<40x128xi32, #tpu.memory_space<hbm>>
      tpu.enqueue_dma source(%dma_start3A_143 : memref<40x128xi32, #tpu.memory_space<hbm>>) target(%arg6 : memref<40x128xi32, #tpu.memory_space<vmem>>) target_semaphore(%run_scoped3A : memref<!tpu.dma_semaphore, #tpu.memory_space<semaphore_mem>>)
      %dma_wait3A_144 = arith.constant 0 : i32
      %dma_wait3A_145 = tpu.memref_slice %arg3[%add3A_63, %dma_wait3A_144] : memref<1280x128xi32, #tpu.memory_space<hbm>> -> memref<40x128xi32, #tpu.memory_space<hbm>>
      %dma_wait3A_146 = arith.constant 0 : i32
      %dma_wait3A_147 = tpu.memref_slice %arg3[%add3A_63, %dma_wait3A_146] : memref<1280x128xi32, #tpu.memory_space<hbm>> -> memref<40x128xi32, #tpu.memory_space<hbm>>
      tpu.wait_dma2 semaphore(%run_scoped3A : memref<!tpu.dma_semaphore, #tpu.memory_space<semaphore_mem>>) src(%dma_wait3A_147 : memref<40x128xi32, #tpu.memory_space<hbm>>) dst(%arg6 : memref<40x128xi32, #tpu.memory_space<vmem>>)
      tpu.yield
    }) : () -> ()
    "tpu.region"() ({
      %run_scoped3A = tpu.sem_alloc : memref<!tpu.dma_semaphore, #tpu.memory_space<semaphore_mem>>
      %dma_start3A_140 = arith.constant 0 : i32
      %dma_start3A_141 = tpu.memref_slice %arg4[%add3A_63, %dma_start3A_140] : memref<1280x128xi32, #tpu.memory_space<hbm>> -> memref<40x128xi32, #tpu.memory_space<hbm>>
      %dma_start3A_142 = arith.constant 0 : i32
      %dma_start3A_143 = tpu.memref_slice %arg4[%add3A_63, %dma_start3A_142] : memref<1280x128xi32, #tpu.memory_space<hbm>> -> memref<40x128xi32, #tpu.memory_space<hbm>>
      tpu.enqueue_dma source(%dma_start3A_143 : memref<40x128xi32, #tpu.memory_space<hbm>>) target(%arg7 : memref<40x128xi32, #tpu.memory_space<vmem>>) target_semaphore(%run_scoped3A : memref<!tpu.dma_semaphore, #tpu.memory_space<semaphore_mem>>)
      %dma_wait3A_144 = arith.constant 0 : i32
      %dma_wait3A_145 = tpu.memref_slice %arg4[%add3A_63, %dma_wait3A_144] : memref<1280x128xi32, #tpu.memory_space<hbm>> -> memref<40x128xi32, #tpu.memory_space<hbm>>
      %dma_wait3A_146 = arith.constant 0 : i32
      %dma_wait3A_147 = tpu.memref_slice %arg4[%add3A_63, %dma_wait3A_146] : memref<1280x128xi32, #tpu.memory_space<hbm>> -> memref<40x128xi32, #tpu.memory_space<hbm>>
      tpu.wait_dma2 semaphore(%run_scoped3A : memref<!tpu.dma_semaphore, #tpu.memory_space<semaphore_mem>>) src(%dma_wait3A_147 : memref<40x128xi32, #tpu.memory_space<hbm>>) dst(%arg7 : memref<40x128xi32, #tpu.memory_space<vmem>>)
      tpu.yield
    }) : () -> ()
    %scan3A_64 = arith.constant 0 : i32
    %scan3A_65 = arith.constant 0 : i32
    %scan3A_66 = arith.constant 40 : i32
    %scan3A_67 = arith.addi %scan3A_65, %scan3A_66 : i32
    %scan3A_68 = arith.constant 1 : i32
    scf.for %scan3A_140 = %scan3A_65 to %scan3A_67 step %scan3A_68  : i32 {
      %get3A = arith.index_cast %scan3A_140 : i32 to index
      %get3A_141 = arith.constant 0 : index
      %get3A_142 = tpu.vector_load %arg6[%get3A, %get3A_141] {strides = array<i32>} : memref<40x128xi32, #tpu.memory_space<vmem>>, vector<1x16xi32>,
      %get3A_143 = vector.shape_cast %get3A_142 : vector<1x16xi32> to vector<16xi32>
      %add3A_144 = vector.broadcast %mul3A_17 : i32 to vector<16xi32>
      %add3A_145 = arith.addi %get3A_143, %add3A_144 : vector<16xi32>
      %swap3A = arith.index_cast %scan3A_140 : i32 to index
      %swap3A_146 = arith.constant 0 : index
      %swap3A_147 = tpu.vector_load %arg6[%swap3A, %swap3A_146] {strides = array<i32>} : memref<40x128xi32, #tpu.memory_space<vmem>>, vector<1x16xi32>,
      %swap3A_148 = vector.shape_cast %swap3A_147 : vector<1x16xi32> to vector<16xi32>
      %swap3A_149 = vector.shape_cast %add3A_145 : vector<16xi32> to vector<1x16xi32>
      tpu.vector_store %arg6[%swap3A, %swap3A_146], %swap3A_149 {strides = array<i32>} : memref<40x128xi32, #tpu.memory_space<vmem>>, vector<1x16xi32>,
      %get3A_150 = arith.index_cast %scan3A_140 : i32 to index
      %get3A_151 = arith.constant 16 : index
      %get3A_152 = tpu.vector_load %arg6[%get3A_150, %get3A_151] {strides = array<i32>} : memref<40x128xi32, #tpu.memory_space<vmem>>, vector<1x16xi32>,
      %get3A_153 = vector.shape_cast %get3A_152 : vector<1x16xi32> to vector<16xi32>
      %add3A_154 = vector.broadcast %mul3A_17 : i32 to vector<16xi32>
      %add3A_155 = arith.addi %get3A_153, %add3A_154 : vector<16xi32>
      %swap3A_156 = arith.index_cast %scan3A_140 : i32 to index
      %swap3A_157 = arith.constant 16 : index
      %swap3A_158 = tpu.vector_load %arg6[%swap3A_156, %swap3A_157] {strides = array<i32>} : memref<40x128xi32, #tpu.memory_space<vmem>>, vector<1x16xi32>,
      %swap3A_159 = vector.shape_cast %swap3A_158 : vector<1x16xi32> to vector<16xi32>
      %swap3A_160 = vector.shape_cast %add3A_155 : vector<16xi32> to vector<1x16xi32>
      tpu.vector_store %arg6[%swap3A_156, %swap3A_157], %swap3A_160 {strides = array<i32>} : memref<40x128xi32, #tpu.memory_space<vmem>>, vector<1x16xi32>,
      %get3A_161 = arith.index_cast %scan3A_140 : i32 to index
      %get3A_162 = arith.constant 32 : index
      %get3A_163 = tpu.vector_load %arg6[%get3A_161, %get3A_162] {strides = array<i32>} : memref<40x128xi32, #tpu.memory_space<vmem>>, vector<1x16xi32>,
      %get3A_164 = vector.shape_cast %get3A_163 : vector<1x16xi32> to vector<16xi32>
      %add3A_165 = vector.broadcast %mul3A_17 : i32 to vector<16xi32>
      %add3A_166 = arith.addi %get3A_164, %add3A_165 : vector<16xi32>
      %swap3A_167 = arith.index_cast %scan3A_140 : i32 to index
      %swap3A_168 = arith.constant 32 : index
      %swap3A_169 = tpu.vector_load %arg6[%swap3A_167, %swap3A_168] {strides = array<i32>} : memref<40x128xi32, #tpu.memory_space<vmem>>, vector<1x16xi32>,
      %swap3A_170 = vector.shape_cast %swap3A_169 : vector<1x16xi32> to vector<16xi32>
      %swap3A_171 = vector.shape_cast %add3A_166 : vector<16xi32> to vector<1x16xi32>
      tpu.vector_store %arg6[%swap3A_167, %swap3A_168], %swap3A_171 {strides = array<i32>} : memref<40x128xi32, #tpu.memory_space<vmem>>, vector<1x16xi32>,
      %get3A_172 = arith.index_cast %scan3A_140 : i32 to index
      %get3A_173 = arith.constant 48 : index
      %get3A_174 = tpu.vector_load %arg6[%get3A_172, %get3A_173] {strides = array<i32>} : memref<40x128xi32, #tpu.memory_space<vmem>>, vector<1x16xi32>,
      %get3A_175 = vector.shape_cast %get3A_174 : vector<1x16xi32> to vector<16xi32>
      %add3A_176 = vector.broadcast %mul3A_17 : i32 to vector<16xi32>
      %add3A_177 = arith.addi %get3A_175, %add3A_176 : vector<16xi32>
      %swap3A_178 = arith.index_cast %scan3A_140 : i32 to index
      %swap3A_179 = arith.constant 48 : index
      %swap3A_180 = tpu.vector_load %arg6[%swap3A_178, %swap3A_179] {strides = array<i32>} : memref<40x128xi32, #tpu.memory_space<vmem>>, vector<1x16xi32>,
      %swap3A_181 = vector.shape_cast %swap3A_180 : vector<1x16xi32> to vector<16xi32>
      %swap3A_182 = vector.shape_cast %add3A_177 : vector<16xi32> to vector<1x16xi32>
      tpu.vector_store %arg6[%swap3A_178, %swap3A_179], %swap3A_182 {strides = array<i32>} : memref<40x128xi32, #tpu.memory_space<vmem>>, vector<1x16xi32>,
      %get3A_183 = arith.index_cast %scan3A_140 : i32 to index
      %get3A_184 = arith.constant 64 : index
      %get3A_185 = tpu.vector_load %arg6[%get3A_183, %get3A_184] {strides = array<i32>} : memref<40x128xi32, #tpu.memory_space<vmem>>, vector<1x16xi32>,
      %get3A_186 = vector.shape_cast %get3A_185 : vector<1x16xi32> to vector<16xi32>
      %add3A_187 = vector.broadcast %mul3A_17 : i32 to vector<16xi32>
      %add3A_188 = arith.addi %get3A_186, %add3A_187 : vector<16xi32>
      %swap3A_189 = arith.index_cast %scan3A_140 : i32 to index
      %swap3A_190 = arith.constant 64 : index
      %swap3A_191 = tpu.vector_load %arg6[%swap3A_189, %swap3A_190] {strides = array<i32>} : memref<40x128xi32, #tpu.memory_space<vmem>>, vector<1x16xi32>,
      %swap3A_192 = vector.shape_cast %swap3A_191 : vector<1x16xi32> to vector<16xi32>
      %swap3A_193 = vector.shape_cast %add3A_188 : vector<16xi32> to vector<1x16xi32>
      tpu.vector_store %arg6[%swap3A_189, %swap3A_190], %swap3A_193 {strides = array<i32>} : memref<40x128xi32, #tpu.memory_space<vmem>>, vector<1x16xi32>,
      %get3A_194 = arith.index_cast %scan3A_140 : i32 to index
      %get3A_195 = arith.constant 80 : index
      %get3A_196 = tpu.vector_load %arg6[%get3A_194, %get3A_195] {strides = array<i32>} : memref<40x128xi32, #tpu.memory_space<vmem>>, vector<1x16xi32>,
      %get3A_197 = vector.shape_cast %get3A_196 : vector<1x16xi32> to vector<16xi32>
      %add3A_198 = vector.broadcast %mul3A_17 : i32 to vector<16xi32>
      %add3A_199 = arith.addi %get3A_197, %add3A_198 : vector<16xi32>
      %swap3A_200 = arith.index_cast %scan3A_140 : i32 to index
      %swap3A_201 = arith.constant 80 : index
      %swap3A_202 = tpu.vector_load %arg6[%swap3A_200, %swap3A_201] {strides = array<i32>} : memref<40x128xi32, #tpu.memory_space<vmem>>, vector<1x16xi32>,
      %swap3A_203 = vector.shape_cast %swap3A_202 : vector<1x16xi32> to vector<16xi32>
      %swap3A_204 = vector.shape_cast %add3A_199 : vector<16xi32> to vector<1x16xi32>
      tpu.vector_store %arg6[%swap3A_200, %swap3A_201], %swap3A_204 {strides = array<i32>} : memref<40x128xi32, #tpu.memory_space<vmem>>, vector<1x16xi32>,
      %get3A_205 = arith.index_cast %scan3A_140 : i32 to index
      %get3A_206 = arith.constant 96 : index
      %get3A_207 = tpu.vector_load %arg6[%get3A_205, %get3A_206] {strides = array<i32>} : memref<40x128xi32, #tpu.memory_space<vmem>>, vector<1x16xi32>,
      %get3A_208 = vector.shape_cast %get3A_207 : vector<1x16xi32> to vector<16xi32>
      %add3A_209 = vector.broadcast %mul3A_17 : i32 to vector<16xi32>
      %add3A_210 = arith.addi %get3A_208, %add3A_209 : vector<16xi32>
      %swap3A_211 = arith.index_cast %scan3A_140 : i32 to index
      %swap3A_212 = arith.constant 96 : index
      %swap3A_213 = tpu.vector_load %arg6[%swap3A_211, %swap3A_212] {strides = array<i32>} : memref<40x128xi32, #tpu.memory_space<vmem>>, vector<1x16xi32>,
      %swap3A_214 = vector.shape_cast %swap3A_213 : vector<1x16xi32> to vector<16xi32>
      %swap3A_215 = vector.shape_cast %add3A_210 : vector<16xi32> to vector<1x16xi32>
      tpu.vector_store %arg6[%swap3A_211, %swap3A_212], %swap3A_215 {strides = array<i32>} : memref<40x128xi32, #tpu.memory_space<vmem>>, vector<1x16xi32>,
      %get3A_216 = arith.index_cast %scan3A_140 : i32 to index
      %get3A_217 = arith.constant 112 : index
      %get3A_218 = tpu.vector_load %arg6[%get3A_216, %get3A_217] {strides = array<i32>} : memref<40x128xi32, #tpu.memory_space<vmem>>, vector<1x16xi32>,
      %get3A_219 = vector.shape_cast %get3A_218 : vector<1x16xi32> to vector<16xi32>
      %add3A_220 = vector.broadcast %mul3A_17 : i32 to vector<16xi32>
      %add3A_221 = arith.addi %get3A_219, %add3A_220 : vector<16xi32>
      %swap3A_222 = arith.index_cast %scan3A_140 : i32 to index
      %swap3A_223 = arith.constant 112 : index
      %swap3A_224 = tpu.vector_load %arg6[%swap3A_222, %swap3A_223] {strides = array<i32>} : memref<40x128xi32, #tpu.memory_space<vmem>>, vector<1x16xi32>,
      %swap3A_225 = vector.shape_cast %swap3A_224 : vector<1x16xi32> to vector<16xi32>
      %swap3A_226 = vector.shape_cast %add3A_221 : vector<16xi32> to vector<1x16xi32>
      tpu.vector_store %arg6[%swap3A_222, %swap3A_223], %swap3A_226 {strides = array<i32>} : memref<40x128xi32, #tpu.memory_space<vmem>>, vector<1x16xi32>,
    }
    %scan3A_69 = arith.constant 40 : i32
    %dma_start3A_70 = arith.constant 0 : i32
    %dma_start3A_71 = arith.constant 0 : i32
    %dma_start3A_72 = tpu.memref_slice %arg6[%dma_start3A_70, %dma_start3A_71] : memref<40x128xi32, #tpu.memory_space<vmem>> -> memref<1x128xi32, #tpu.memory_space<vmem>>
    %dma_start3A_73 = tpu.memref_squeeze %dma_start3A_72 : memref<1x128xi32, #tpu.memory_space<vmem>> -> memref<128xi32, #tpu.memory_space<vmem>>
    %dma_start3A_74 = arith.constant 0 : i32
    %dma_start3A_75 = arith.constant 0 : i32
    %dma_start3A_76 = tpu.memref_slice %arg2[%dma_start3A_74, %dma_start3A_75] : memref<20000x128xf32, #tpu.memory_space<hbm>> -> memref<20000x128xf32, #tpu.memory_space<hbm>>
    tpu.enqueue_indirect_dma source(%dma_start3A_76 : memref<20000x128xf32, #tpu.memory_space<hbm>>) target(%arg8 : memref<128x128xf32, #tpu.memory_space<vmem>>) offsets(%dma_start3A_73 : memref<128xi32, #tpu.memory_space<vmem>>) semaphore(%arg11 : memref<!tpu.dma_semaphore, #tpu.memory_space<semaphore_mem>>)
    %dma_start3A_77 = arith.constant 1 : i32
    %dma_start3A_78 = arith.constant 0 : i32
    %dma_start3A_79 = tpu.memref_slice %arg6[%dma_start3A_77, %dma_start3A_78] : memref<40x128xi32, #tpu.memory_space<vmem>> -> memref<1x128xi32, #tpu.memory_space<vmem>>
    %dma_start3A_80 = tpu.memref_squeeze %dma_start3A_79 : memref<1x128xi32, #tpu.memory_space<vmem>> -> memref<128xi32, #tpu.memory_space<vmem>>
    %dma_start3A_81 = arith.constant 0 : i32
    %dma_start3A_82 = arith.constant 0 : i32
    %dma_start3A_83 = tpu.memref_slice %arg2[%dma_start3A_81, %dma_start3A_82] : memref<20000x128xf32, #tpu.memory_space<hbm>> -> memref<20000x128xf32, #tpu.memory_space<hbm>>
    tpu.enqueue_indirect_dma source(%dma_start3A_83 : memref<20000x128xf32, #tpu.memory_space<hbm>>) target(%arg9 : memref<128x128xf32, #tpu.memory_space<vmem>>) offsets(%dma_start3A_80 : memref<128xi32, #tpu.memory_space<vmem>>) semaphore(%arg12 : memref<!tpu.dma_semaphore, #tpu.memory_space<semaphore_mem>>)
    %scan3A_84 = arith.constant 0 : i32
    %scan3A_85 = arith.constant 0 : i32
    %scan3A_86 = arith.constant 20 : i32
    %scan3A_87 = arith.addi %scan3A_85, %scan3A_86 : i32
    %scan3A_88 = arith.constant 1 : i32
    scf.for %scan3A_140 = %scan3A_85 to %scan3A_87 step %scan3A_88  : i32 {
      %mul3A_141 = arith.constant 2 : i32
      %mul3A_142 = arith.muli %mul3A_141, %scan3A_140 : i32
      %add3A_143 = arith.constant 0 : i32
      %add3A_144 = arith.addi %mul3A_142, %add3A_143 : i32
      %dma_wait3A_145 = arith.constant 0 : i32
      %dma_wait3A_146 = tpu.memref_slice %arg6[%add3A_144, %dma_wait3A_145] : memref<40x128xi32, #tpu.memory_space<vmem>> -> memref<1x128xi32, #tpu.memory_space<vmem>>
      %dma_wait3A_147 = tpu.memref_squeeze %dma_wait3A_146 : memref<1x128xi32, #tpu.memory_space<vmem>> -> memref<128xi32, #tpu.memory_space<vmem>>
      %dma_wait3A_148 = arith.constant 0 : i32
      %dma_wait3A_149 = arith.constant 0 : i32
      %dma_wait3A_150 = tpu.memref_slice %arg2[%dma_wait3A_148, %dma_wait3A_149] : memref<20000x128xf32, #tpu.memory_space<hbm>> -> memref<20000x128xf32, #tpu.memory_space<hbm>>
      tpu.wait_indirect_dma semaphore(%arg11 : memref<!tpu.dma_semaphore, #tpu.memory_space<semaphore_mem>>) src(%dma_wait3A_150 : memref<20000x128xf32, #tpu.memory_space<hbm>>) dst(%arg8 : memref<128x128xf32, #tpu.memory_space<vmem>>)
      %dma_start3A_151 = arith.constant 0 : i32
      %dma_start3A_152 = tpu.memref_slice %arg7[%add3A_144, %dma_start3A_151] : memref<40x128xi32, #tpu.memory_space<vmem>> -> memref<1x128xi32, #tpu.memory_space<vmem>>
      %dma_start3A_153 = tpu.memref_squeeze %dma_start3A_152 : memref<1x128xi32, #tpu.memory_space<vmem>> -> memref<128xi32, #tpu.memory_space<vmem>>
      %dma_start3A_154 = arith.constant 0 : i32
      %dma_start3A_155 = arith.constant 0 : i32
      %dma_start3A_156 = tpu.memref_slice %arg10[%dma_start3A_154, %dma_start3A_155] : memref<10240x128xf32, #tpu.memory_space<vmem_shared>> -> memref<10240x128xf32, #tpu.memory_space<vmem_shared>>
      tpu.enqueue_indirect_dma source(%arg8 : memref<128x128xf32, #tpu.memory_space<vmem>>) target(%dma_start3A_156 : memref<10240x128xf32, #tpu.memory_space<vmem_shared>>) offsets(%dma_start3A_153 : memref<128xi32, #tpu.memory_space<vmem>>) semaphore(%arg13 : memref<!tpu.dma_semaphore, #tpu.memory_space<semaphore_mem>>) {add = true}
      %add3A_157 = arith.constant 2 : i32
      %add3A_158 = arith.addi %add3A_144, %add3A_157 : i32
      %lt3A = arith.constant 40 : i32
      %lt3A_159 = arith.cmpi slt, %add3A_158, %lt3A : i32
      %convert_element_type3A = arith.extui %lt3A_159 : i1 to i32
      %cond3A = arith.constant 0 : i32
      %cond3A_160 = arith.cmpi ne, %convert_element_type3A, %cond3A : i32
      scf.if %cond3A_160 {
        %dma_wait3A_184 = arith.constant 0 : i32
        %dma_wait3A_185 = tpu.memref_slice %arg7[%add3A_144, %dma_wait3A_184] : memref<40x128xi32, #tpu.memory_space<vmem>> -> memref<1x128xi32, #tpu.memory_space<vmem>>
        %dma_wait3A_186 = tpu.memref_squeeze %dma_wait3A_185 : memref<1x128xi32, #tpu.memory_space<vmem>> -> memref<128xi32, #tpu.memory_space<vmem>>
        %dma_wait3A_187 = arith.constant 0 : i32
        %dma_wait3A_188 = arith.constant 0 : i32
        %dma_wait3A_189 = tpu.memref_slice %arg10[%dma_wait3A_187, %dma_wait3A_188] : memref<10240x128xf32, #tpu.memory_space<vmem_shared>> -> memref<10240x128xf32, #tpu.memory_space<vmem_shared>>
        tpu.wait_indirect_dma semaphore(%arg13 : memref<!tpu.dma_semaphore, #tpu.memory_space<semaphore_mem>>) src(%arg8 : memref<128x128xf32, #tpu.memory_space<vmem>>) dst(%dma_wait3A_189 : memref<10240x128xf32, #tpu.memory_space<vmem_shared>>)
        %add3A_190 = arith.constant 2 : i32
        %add3A_191 = arith.addi %add3A_144, %add3A_190 : i32
        %dma_start3A_192 = arith.constant 0 : i32
        %dma_start3A_193 = tpu.memref_slice %arg6[%add3A_191, %dma_start3A_192] : memref<40x128xi32, #tpu.memory_space<vmem>> -> memref<1x128xi32, #tpu.memory_space<vmem>>
        %dma_start3A_194 = tpu.memref_squeeze %dma_start3A_193 : memref<1x128xi32, #tpu.memory_space<vmem>> -> memref<128xi32, #tpu.memory_space<vmem>>
        %dma_start3A_195 = arith.constant 0 : i32
        %dma_start3A_196 = arith.constant 0 : i32
        %dma_start3A_197 = tpu.memref_slice %arg2[%dma_start3A_195, %dma_start3A_196] : memref<20000x128xf32, #tpu.memory_space<hbm>> -> memref<20000x128xf32, #tpu.memory_space<hbm>>
        tpu.enqueue_indirect_dma source(%dma_start3A_197 : memref<20000x128xf32, #tpu.memory_space<hbm>>) target(%arg8 : memref<128x128xf32, #tpu.memory_space<vmem>>) offsets(%dma_start3A_194 : memref<128xi32, #tpu.memory_space<vmem>>) semaphore(%arg11 : memref<!tpu.dma_semaphore, #tpu.memory_space<semaphore_mem>>)
      } else {
      }
      %mul3A_161 = arith.constant 2 : i32
      %mul3A_162 = arith.muli %mul3A_161, %scan3A_140 : i32
      %add3A_163 = arith.constant 1 : i32
      %add3A_164 = arith.addi %mul3A_162, %add3A_163 : i32
      %dma_wait3A_165 = arith.constant 0 : i32
      %dma_wait3A_166 = tpu.memref_slice %arg6[%add3A_164, %dma_wait3A_165] : memref<40x128xi32, #tpu.memory_space<vmem>> -> memref<1x128xi32, #tpu.memory_space<vmem>>
      %dma_wait3A_167 = tpu.memref_squeeze %dma_wait3A_166 : memref<1x128xi32, #tpu.memory_space<vmem>> -> memref<128xi32, #tpu.memory_space<vmem>>
      %dma_wait3A_168 = arith.constant 0 : i32
      %dma_wait3A_169 = arith.constant 0 : i32
      %dma_wait3A_170 = tpu.memref_slice %arg2[%dma_wait3A_168, %dma_wait3A_169] : memref<20000x128xf32, #tpu.memory_space<hbm>> -> memref<20000x128xf32, #tpu.memory_space<hbm>>
      tpu.wait_indirect_dma semaphore(%arg12 : memref<!tpu.dma_semaphore, #tpu.memory_space<semaphore_mem>>) src(%dma_wait3A_170 : memref<20000x128xf32, #tpu.memory_space<hbm>>) dst(%arg9 : memref<128x128xf32, #tpu.memory_space<vmem>>)
      %dma_start3A_171 = arith.constant 0 : i32
      %dma_start3A_172 = tpu.memref_slice %arg7[%add3A_164, %dma_start3A_171] : memref<40x128xi32, #tpu.memory_space<vmem>> -> memref<1x128xi32, #tpu.memory_space<vmem>>
      %dma_start3A_173 = tpu.memref_squeeze %dma_start3A_172 : memref<1x128xi32, #tpu.memory_space<vmem>> -> memref<128xi32, #tpu.memory_space<vmem>>
      %dma_start3A_174 = arith.constant 0 : i32
      %dma_start3A_175 = arith.constant 0 : i32
      %dma_start3A_176 = tpu.memref_slice %arg10[%dma_start3A_174, %dma_start3A_175] : memref<10240x128xf32, #tpu.memory_space<vmem_shared>> -> memref<10240x128xf32, #tpu.memory_space<vmem_shared>>
      tpu.enqueue_indirect_dma source(%arg9 : memref<128x128xf32, #tpu.memory_space<vmem>>) target(%dma_start3A_176 : memref<10240x128xf32, #tpu.memory_space<vmem_shared>>) offsets(%dma_start3A_173 : memref<128xi32, #tpu.memory_space<vmem>>) semaphore(%arg14 : memref<!tpu.dma_semaphore, #tpu.memory_space<semaphore_mem>>) {add = true}
      %add3A_177 = arith.constant 2 : i32
      %add3A_178 = arith.addi %add3A_164, %add3A_177 : i32
      %lt3A_179 = arith.constant 40 : i32
      %lt3A_180 = arith.cmpi slt, %add3A_178, %lt3A_179 : i32
      %convert_element_type3A_181 = arith.extui %lt3A_180 : i1 to i32
      %cond3A_182 = arith.constant 0 : i32
      %cond3A_183 = arith.cmpi ne, %convert_element_type3A_181, %cond3A_182 : i32
      scf.if %cond3A_183 {
        %dma_wait3A_184 = arith.constant 0 : i32
        %dma_wait3A_185 = tpu.memref_slice %arg7[%add3A_164, %dma_wait3A_184] : memref<40x128xi32, #tpu.memory_space<vmem>> -> memref<1x128xi32, #tpu.memory_space<vmem>>
        %dma_wait3A_186 = tpu.memref_squeeze %dma_wait3A_185 : memref<1x128xi32, #tpu.memory_space<vmem>> -> memref<128xi32, #tpu.memory_space<vmem>>
        %dma_wait3A_187 = arith.constant 0 : i32
        %dma_wait3A_188 = arith.constant 0 : i32
        %dma_wait3A_189 = tpu.memref_slice %arg10[%dma_wait3A_187, %dma_wait3A_188] : memref<10240x128xf32, #tpu.memory_space<vmem_shared>> -> memref<10240x128xf32, #tpu.memory_space<vmem_shared>>
        tpu.wait_indirect_dma semaphore(%arg14 : memref<!tpu.dma_semaphore, #tpu.memory_space<semaphore_mem>>) src(%arg9 : memref<128x128xf32, #tpu.memory_space<vmem>>) dst(%dma_wait3A_189 : memref<10240x128xf32, #tpu.memory_space<vmem_shared>>)
        %add3A_190 = arith.constant 2 : i32
        %add3A_191 = arith.addi %add3A_164, %add3A_190 : i32
        %dma_start3A_192 = arith.constant 0 : i32
        %dma_start3A_193 = tpu.memref_slice %arg6[%add3A_191, %dma_start3A_192] : memref<40x128xi32, #tpu.memory_space<vmem>> -> memref<1x128xi32, #tpu.memory_space<vmem>>
        %dma_start3A_194 = tpu.memref_squeeze %dma_start3A_193 : memref<1x128xi32, #tpu.memory_space<vmem>> -> memref<128xi32, #tpu.memory_space<vmem>>
        %dma_start3A_195 = arith.constant 0 : i32
        %dma_start3A_196 = arith.constant 0 : i32
        %dma_start3A_197 = tpu.memref_slice %arg2[%dma_start3A_195, %dma_start3A_196] : memref<20000x128xf32, #tpu.memory_space<hbm>> -> memref<20000x128xf32, #tpu.memory_space<hbm>>
        tpu.enqueue_indirect_dma source(%dma_start3A_197 : memref<20000x128xf32, #tpu.memory_space<hbm>>) target(%arg9 : memref<128x128xf32, #tpu.memory_space<vmem>>) offsets(%dma_start3A_194 : memref<128xi32, #tpu.memory_space<vmem>>) semaphore(%arg12 : memref<!tpu.dma_semaphore, #tpu.memory_space<semaphore_mem>>)
      } else {
      }
    }
    %scan3A_89 = arith.constant 20 : i32
    %dma_wait3A_90 = arith.constant 0 : i32
    %dma_wait3A_91 = arith.constant 0 : i32
    %dma_wait3A_92 = tpu.memref_slice %arg7[%dma_wait3A_90, %dma_wait3A_91] : memref<40x128xi32, #tpu.memory_space<vmem>> -> memref<1x128xi32, #tpu.memory_space<vmem>>
    %dma_wait3A_93 = tpu.memref_squeeze %dma_wait3A_92 : memref<1x128xi32, #tpu.memory_space<vmem>> -> memref<128xi32, #tpu.memory_space<vmem>>
    %dma_wait3A_94 = arith.constant 0 : i32
    %dma_wait3A_95 = arith.constant 0 : i32
    %dma_wait3A_96 = tpu.memref_slice %arg10[%dma_wait3A_94, %dma_wait3A_95] : memref<10240x128xf32, #tpu.memory_space<vmem_shared>> -> memref<10240x128xf32, #tpu.memory_space<vmem_shared>>
    tpu.wait_indirect_dma semaphore(%arg13 : memref<!tpu.dma_semaphore, #tpu.memory_space<semaphore_mem>>) src(%arg8 : memref<128x128xf32, #tpu.memory_space<vmem>>) dst(%dma_wait3A_96 : memref<10240x128xf32, #tpu.memory_space<vmem_shared>>)
    %dma_wait3A_97 = arith.constant 0 : i32
    %dma_wait3A_98 = arith.constant 0 : i32
    %dma_wait3A_99 = tpu.memref_slice %arg7[%dma_wait3A_97, %dma_wait3A_98] : memref<40x128xi32, #tpu.memory_space<vmem>> -> memref<1x128xi32, #tpu.memory_space<vmem>>
    %dma_wait3A_100 = tpu.memref_squeeze %dma_wait3A_99 : memref<1x128xi32, #tpu.memory_space<vmem>> -> memref<128xi32, #tpu.memory_space<vmem>>
    %dma_wait3A_101 = arith.constant 0 : i32
    %dma_wait3A_102 = arith.constant 0 : i32
    %dma_wait3A_103 = tpu.memref_slice %arg10[%dma_wait3A_101, %dma_wait3A_102] : memref<10240x128xf32, #tpu.memory_space<vmem_shared>> -> memref<10240x128xf32, #tpu.memory_space<vmem_shared>>
    tpu.wait_indirect_dma semaphore(%arg14 : memref<!tpu.dma_semaphore, #tpu.memory_space<semaphore_mem>>) src(%arg9 : memref<128x128xf32, #tpu.memory_space<vmem>>) dst(%dma_wait3A_103 : memref<10240x128xf32, #tpu.memory_space<vmem_shared>>)
    %barrier3A_104 = arith.constant 0 : index
    tpu.barrier barrier_id(%barrier3A_104)
    %add3A_105 = arith.constant 0 : i32
    %add3A_106 = arith.addi %mul3A_6, %add3A_105 : i32
    %mul3A_107 = arith.constant 10240 : i32
    %mul3A_108 = arith.muli %arg0, %mul3A_107 : i32
    %add3A_109 = arith.addi %mul3A_108, %mul3A_6 : i32
    %add3A_110 = arith.constant 0 : i32
    %add3A_111 = arith.addi %add3A_109, %add3A_110 : i32
    "tpu.region"() ({
      %run_scoped3A = tpu.sem_alloc : memref<!tpu.dma_semaphore, #tpu.memory_space<semaphore_mem>>
      %dma_start3A_140 = arith.constant 0 : i32
      %dma_start3A_141 = tpu.memref_slice %arg5[%add3A_111, %dma_start3A_140] : memref<20480x128xf32, #tpu.memory_space<hbm>> -> memref<128x128xf32, #tpu.memory_space<hbm>>
      %dma_start3A_142 = arith.constant 0 : i32
      %dma_start3A_143 = tpu.memref_slice %arg10[%add3A_106, %dma_start3A_142] : memref<10240x128xf32, #tpu.memory_space<vmem_shared>> -> memref<128x128xf32, #tpu.memory_space<vmem_shared>>
      tpu.enqueue_dma source(%dma_start3A_143 : memref<128x128xf32, #tpu.memory_space<vmem_shared>>) target(%dma_start3A_141 : memref<128x128xf32, #tpu.memory_space<hbm>>) target_semaphore(%run_scoped3A : memref<!tpu.dma_semaphore, #tpu.memory_space<semaphore_mem>>)
      %dma_wait3A_144 = arith.constant 0 : i32
      %dma_wait3A_145 = tpu.memref_slice %arg5[%add3A_111, %dma_wait3A_144] : memref<20480x128xf32, #tpu.memory_space<hbm>> -> memref<128x128xf32, #tpu.memory_space<hbm>>
      %dma_wait3A_146 = arith.constant 0 : i32
      %dma_wait3A_147 = tpu.memref_slice %arg10[%add3A_106, %dma_wait3A_146] : memref<10240x128xf32, #tpu.memory_space<vmem_shared>> -> memref<128x128xf32, #tpu.memory_space<vmem_shared>>
      tpu.wait_dma2 semaphore(%run_scoped3A : memref<!tpu.dma_semaphore, #tpu.memory_space<semaphore_mem>>) src(%dma_wait3A_147 : memref<128x128xf32, #tpu.memory_space<vmem_shared>>) dst(%dma_wait3A_145 : memref<128x128xf32, #tpu.memory_space<hbm>>)
      tpu.yield
    }) : () -> ()
    %add3A_112 = arith.constant 128 : i32
    %add3A_113 = arith.addi %mul3A_6, %add3A_112 : i32
    %mul3A_114 = arith.constant 10240 : i32
    %mul3A_115 = arith.muli %arg0, %mul3A_114 : i32
    %add3A_116 = arith.addi %mul3A_115, %mul3A_6 : i32
    %add3A_117 = arith.constant 128 : i32
    %add3A_118 = arith.addi %add3A_116, %add3A_117 : i32
    "tpu.region"() ({
      %run_scoped3A = tpu.sem_alloc : memref<!tpu.dma_semaphore, #tpu.memory_space<semaphore_mem>>
      %dma_start3A_140 = arith.constant 0 : i32
      %dma_start3A_141 = tpu.memref_slice %arg5[%add3A_118, %dma_start3A_140] : memref<20480x128xf32, #tpu.memory_space<hbm>> -> memref<128x128xf32, #tpu.memory_space<hbm>>
      %dma_start3A_142 = arith.constant 0 : i32
      %dma_start3A_143 = tpu.memref_slice %arg10[%add3A_113, %dma_start3A_142] : memref<10240x128xf32, #tpu.memory_space<vmem_shared>> -> memref<128x128xf32, #tpu.memory_space<vmem_shared>>
      tpu.enqueue_dma source(%dma_start3A_143 : memref<128x128xf32, #tpu.memory_space<vmem_shared>>) target(%dma_start3A_141 : memref<128x128xf32, #tpu.memory_space<hbm>>) target_semaphore(%run_scoped3A : memref<!tpu.dma_semaphore, #tpu.memory_space<semaphore_mem>>)
      %dma_wait3A_144 = arith.constant 0 : i32
      %dma_wait3A_145 = tpu.memref_slice %arg5[%add3A_118, %dma_wait3A_144] : memref<20480x128xf32, #tpu.memory_space<hbm>> -> memref<128x128xf32, #tpu.memory_space<hbm>>
      %dma_wait3A_146 = arith.constant 0 : i32
      %dma_wait3A_147 = tpu.memref_slice %arg10[%add3A_113, %dma_wait3A_146] : memref<10240x128xf32, #tpu.memory_space<vmem_shared>> -> memref<128x128xf32, #tpu.memory_space<vmem_shared>>
      tpu.wait_dma2 semaphore(%run_scoped3A : memref<!tpu.dma_semaphore, #tpu.memory_space<semaphore_mem>>) src(%dma_wait3A_147 : memref<128x128xf32, #tpu.memory_space<vmem_shared>>) dst(%dma_wait3A_145 : memref<128x128xf32, #tpu.memory_space<hbm>>)
      tpu.yield
    }) : () -> ()
    %add3A_119 = arith.constant 256 : i32
    %add3A_120 = arith.addi %mul3A_6, %add3A_119 : i32
    %mul3A_121 = arith.constant 10240 : i32
    %mul3A_122 = arith.muli %arg0, %mul3A_121 : i32
    %add3A_123 = arith.addi %mul3A_122, %mul3A_6 : i32
    %add3A_124 = arith.constant 256 : i32
    %add3A_125 = arith.addi %add3A_123, %add3A_124 : i32
    "tpu.region"() ({
      %run_scoped3A = tpu.sem_alloc : memref<!tpu.dma_semaphore, #tpu.memory_space<semaphore_mem>>
      %dma_start3A_140 = arith.constant 0 : i32
      %dma_start3A_141 = tpu.memref_slice %arg5[%add3A_125, %dma_start3A_140] : memref<20480x128xf32, #tpu.memory_space<hbm>> -> memref<128x128xf32, #tpu.memory_space<hbm>>
      %dma_start3A_142 = arith.constant 0 : i32
      %dma_start3A_143 = tpu.memref_slice %arg10[%add3A_120, %dma_start3A_142] : memref<10240x128xf32, #tpu.memory_space<vmem_shared>> -> memref<128x128xf32, #tpu.memory_space<vmem_shared>>
      tpu.enqueue_dma source(%dma_start3A_143 : memref<128x128xf32, #tpu.memory_space<vmem_shared>>) target(%dma_start3A_141 : memref<128x128xf32, #tpu.memory_space<hbm>>) target_semaphore(%run_scoped3A : memref<!tpu.dma_semaphore, #tpu.memory_space<semaphore_mem>>)
      %dma_wait3A_144 = arith.constant 0 : i32
      %dma_wait3A_145 = tpu.memref_slice %arg5[%add3A_125, %dma_wait3A_144] : memref<20480x128xf32, #tpu.memory_space<hbm>> -> memref<128x128xf32, #tpu.memory_space<hbm>>
      %dma_wait3A_146 = arith.constant 0 : i32
      %dma_wait3A_147 = tpu.memref_slice %arg10[%add3A_120, %dma_wait3A_146] : memref<10240x128xf32, #tpu.memory_space<vmem_shared>> -> memref<128x128xf32, #tpu.memory_space<vmem_shared>>
      tpu.wait_dma2 semaphore(%run_scoped3A : memref<!tpu.dma_semaphore, #tpu.memory_space<semaphore_mem>>) src(%dma_wait3A_147 : memref<128x128xf32, #tpu.memory_space<vmem_shared>>) dst(%dma_wait3A_145 : memref<128x128xf32, #tpu.memory_space<hbm>>)
      tpu.yield
    }) : () -> ()
    %add3A_126 = arith.constant 384 : i32
    %add3A_127 = arith.addi %mul3A_6, %add3A_126 : i32
    %mul3A_128 = arith.constant 10240 : i32
    %mul3A_129 = arith.muli %arg0, %mul3A_128 : i32
    %add3A_130 = arith.addi %mul3A_129, %mul3A_6 : i32
    %add3A_131 = arith.constant 384 : i32
    %add3A_132 = arith.addi %add3A_130, %add3A_131 : i32
    "tpu.region"() ({
      %run_scoped3A = tpu.sem_alloc : memref<!tpu.dma_semaphore, #tpu.memory_space<semaphore_mem>>
      %dma_start3A_140 = arith.constant 0 : i32
      %dma_start3A_141 = tpu.memref_slice %arg5[%add3A_132, %dma_start3A_140] : memref<20480x128xf32, #tpu.memory_space<hbm>> -> memref<128x128xf32, #tpu.memory_space<hbm>>
      %dma_start3A_142 = arith.constant 0 : i32
      %dma_start3A_143 = tpu.memref_slice %arg10[%add3A_127, %dma_start3A_142] : memref<10240x128xf32, #tpu.memory_space<vmem_shared>> -> memref<128x128xf32, #tpu.memory_space<vmem_shared>>
      tpu.enqueue_dma source(%dma_start3A_143 : memref<128x128xf32, #tpu.memory_space<vmem_shared>>) target(%dma_start3A_141 : memref<128x128xf32, #tpu.memory_space<hbm>>) target_semaphore(%run_scoped3A : memref<!tpu.dma_semaphore, #tpu.memory_space<semaphore_mem>>)
      %dma_wait3A_144 = arith.constant 0 : i32
      %dma_wait3A_145 = tpu.memref_slice %arg5[%add3A_132, %dma_wait3A_144] : memref<20480x128xf32, #tpu.memory_space<hbm>> -> memref<128x128xf32, #tpu.memory_space<hbm>>
      %dma_wait3A_146 = arith.constant 0 : i32
      %dma_wait3A_147 = tpu.memref_slice %arg10[%add3A_127, %dma_wait3A_146] : memref<10240x128xf32, #tpu.memory_space<vmem_shared>> -> memref<128x128xf32, #tpu.memory_space<vmem_shared>>
      tpu.wait_dma2 semaphore(%run_scoped3A : memref<!tpu.dma_semaphore, #tpu.memory_space<semaphore_mem>>) src(%dma_wait3A_147 : memref<128x128xf32, #tpu.memory_space<vmem_shared>>) dst(%dma_wait3A_145 : memref<128x128xf32, #tpu.memory_space<hbm>>)
      tpu.yield
    }) : () -> ()
    %add3A_133 = arith.constant 512 : i32
    %add3A_134 = arith.addi %mul3A_6, %add3A_133 : i32
    %mul3A_135 = arith.constant 10240 : i32
    %mul3A_136 = arith.muli %arg0, %mul3A_135 : i32
    %add3A_137 = arith.addi %mul3A_136, %mul3A_6 : i32
    %add3A_138 = arith.constant 512 : i32
    %add3A_139 = arith.addi %add3A_137, %add3A_138 : i32
    "tpu.region"() ({
      %run_scoped3A = tpu.sem_alloc : memref<!tpu.dma_semaphore, #tpu.memory_space<semaphore_mem>>
      %dma_start3A_140 = arith.constant 0 : i32
      %dma_start3A_141 = tpu.memref_slice %arg5[%add3A_139, %dma_start3A_140] : memref<20480x128xf32, #tpu.memory_space<hbm>> -> memref<128x128xf32, #tpu.memory_space<hbm>>
      %dma_start3A_142 = arith.constant 0 : i32
      %dma_start3A_143 = tpu.memref_slice %arg10[%add3A_134, %dma_start3A_142] : memref<10240x128xf32, #tpu.memory_space<vmem_shared>> -> memref<128x128xf32, #tpu.memory_space<vmem_shared>>
      tpu.enqueue_dma source(%dma_start3A_143 : memref<128x128xf32, #tpu.memory_space<vmem_shared>>) target(%dma_start3A_141 : memref<128x128xf32, #tpu.memory_space<hbm>>) target_semaphore(%run_scoped3A : memref<!tpu.dma_semaphore, #tpu.memory_space<semaphore_mem>>)
      %dma_wait3A_144 = arith.constant 0 : i32
      %dma_wait3A_145 = tpu.memref_slice %arg5[%add3A_139, %dma_wait3A_144] : memref<20480x128xf32, #tpu.memory_space<hbm>> -> memref<128x128xf32, #tpu.memory_space<hbm>>
      %dma_wait3A_146 = arith.constant 0 : i32
      %dma_wait3A_147 = tpu.memref_slice %arg10[%add3A_134, %dma_wait3A_146] : memref<10240x128xf32, #tpu.memory_space<vmem_shared>> -> memref<128x128xf32, #tpu.memory_space<vmem_shared>>
      tpu.wait_dma2 semaphore(%run_scoped3A : memref<!tpu.dma_semaphore, #tpu.memory_space<semaphore_mem>>) src(%dma_wait3A_147 : memref<128x128xf32, #tpu.memory_space<vmem_shared>>) dst(%dma_wait3A_145 : memref<128x128xf32, #tpu.memory_space<hbm>>)
      tpu.yield
    }) : () -> ()
    return
  }
}

#map = affine_map<(d0, d1) -> (0, 0)>
module attributes {stable_mosaic.version = 14 : i64} {
  func.func @_spmm_kernel(%arg0: i32, %arg1: i32, %arg2: memref<20000x128xf32, #tpu.memory_space<hbm>>, %arg3: memref<1280x128xi32, #tpu.memory_space<hbm>>, %arg4: memref<1280x128xi32, #tpu.memory_space<hbm>>, %arg5: memref<20480x128xf32, #tpu.memory_space<hbm>>, %arg6: memref<40x128xi32, #tpu.memory_space<vmem>>, %arg7: memref<40x128xi32, #tpu.memory_space<vmem>>, %arg8: memref<128x128xf32, #tpu.memory_space<vmem>>, %arg9: memref<128x128xf32, #tpu.memory_space<vmem>>, %arg10: memref<10240x128xf32, #tpu.memory_space<vmem_shared>>, %arg11: memref<!tpu.dma_semaphore, #tpu.memory_space<semaphore_mem>>, %arg12: memref<!tpu.dma_semaphore, #tpu.memory_space<semaphore_mem>>, %arg13: memref<!tpu.dma_semaphore, #tpu.memory_space<semaphore_mem>>, %arg14: memref<!tpu.dma_semaphore, #tpu.memory_space<semaphore_mem>>) attributes {dimension_semantics = [#tpu.dimension_semantics<core_parallel>, #tpu.dimension_semantics<subcore_parallel>], iteration_bounds = array<i64: 2, 16>, scalar_prefetch = 0 : i64, scratch_operands = 9 : i64, tpu.core_type = #tpu.core_type<sc_vector_subcore>, window_params = [{transform_indices = #map}, {transform_indices = #map}, {transform_indices = #map}, {transform_indices = #map}]} {
    %broadcast_in_dim3A = arith.constant 0.000000e+00 : f32
    %broadcast_in_dim3A_0 = vector.broadcast %broadcast_in_dim3A : f32 to vector<16xf32>
    %scan3A = arith.constant 0 : i32
    %scan3A_1 = arith.constant 0 : i32
    %scan3A_2 = arith.constant 128 : i32
    %scan3A_3 = arith.addi %scan3A_1, %scan3A_2 : i32
    %scan3A_4 = arith.constant 1 : i32
    scf.for %scan3A_140 = %scan3A_1 to %scan3A_3 step %scan3A_4  : i32 {
      %swap3A = arith.index_cast %scan3A_140 : i32 to index
      %swap3A_141 = arith.constant 0 : index
      %swap3A_142 = tpu.vector_load %arg8[%swap3A, %swap3A_141] {strides = array<i32>} : memref<128x128xf32, #tpu.memory_space<vmem>>, vector<1x16xf32>,
      %swap3A_143 = vector.shape_cast %swap3A_142 : vector<1x16xf32> to vector<16xf32>
      %swap3A_144 = vector.shape_cast %broadcast_in_dim3A_0 : vector<16xf32> to vector<1x16xf32>
      tpu.vector_store %arg8[%swap3A, %swap3A_141], %swap3A_144 {strides = array<i32>} : memref<128x128xf32, #tpu.memory_space<vmem>>, vector<1x16xf32>,
      %swap3A_145 = arith.index_cast %scan3A_140 : i32 to index
      %swap3A_146 = arith.constant 16 : index
      %swap3A_147 = tpu.vector_load %arg8[%swap3A_145, %swap3A_146] {strides = array<i32>} : memref<128x128xf32, #tpu.memory_space<vmem>>, vector<1x16xf32>,
      %swap3A_148 = vector.shape_cast %swap3A_147 : vector<1x16xf32> to vector<16xf32>
      %swap3A_149 = vector.shape_cast %broadcast_in_dim3A_0 : vector<16xf32> to vector<1x16xf32>
      tpu.vector_store %arg8[%swap3A_145, %swap3A_146], %swap3A_149 {strides = array<i32>} : memref<128x128xf32, #tpu.memory_space<vmem>>, vector<1x16xf32>,
      %swap3A_150 = arith.index_cast %scan3A_140 : i32 to index
      %swap3A_151 = arith.constant 32 : index
      %swap3A_152 = tpu.vector_load %arg8[%swap3A_150, %swap3A_151] {strides = array<i32>} : memref<128x128xf32, #tpu.memory_space<vmem>>, vector<1x16xf32>,
      %swap3A_153 = vector.shape_cast %swap3A_152 : vector<1x16xf32> to vector<16xf32>
      %swap3A_154 = vector.shape_cast %broadcast_in_dim3A_0 : vector<16xf32> to vector<1x16xf32>
      tpu.vector_store %arg8[%swap3A_150, %swap3A_151], %swap3A_154 {strides = array<i32>} : memref<128x128xf32, #tpu.memory_space<vmem>>, vector<1x16xf32>,
      %swap3A_155 = arith.index_cast %scan3A_140 : i32 to index
      %swap3A_156 = arith.constant 48 : index
      %swap3A_157 = tpu.vector_load %arg8[%swap3A_155, %swap3A_156] {strides = array<i32>} : memref<128x128xf32, #tpu.memory_space<vmem>>, vector<1x16xf32>,
      %swap3A_158 = vector.shape_cast %swap3A_157 : vector<1x16xf32> to vector<16xf32>
      %swap3A_159 = vector.shape_cast %broadcast_in_dim3A_0 : vector<16xf32> to vector<1x16xf32>
      tpu.vector_store %arg8[%swap3A_155, %swap3A_156], %swap3A_159 {strides = array<i32>} : memref<128x128xf32, #tpu.memory_space<vmem>>, vector<1x16xf32>,
      %swap3A_160 = arith.index_cast %scan3A_140 : i32 to index
      %swap3A_161 = arith.constant 64 : index
      %swap3A_162 = tpu.vector_load %arg8[%swap3A_160, %swap3A_161] {strides = array<i32>} : memref<128x128xf32, #tpu.memory_space<vmem>>, vector<1x16xf32>,
      %swap3A_163 = vector.shape_cast %swap3A_162 : vector<1x16xf32> to vector<16xf32>
      %swap3A_164 = vector.shape_cast %broadcast_in_dim3A_0 : vector<16xf32> to vector<1x16xf32>
      tpu.vector_store %arg8[%swap3A_160, %swap3A_161], %swap3A_164 {strides = array<i32>} : memref<128x128xf32, #tpu.memory_space<vmem>>, vector<1x16xf32>,
      %swap3A_165 = arith.index_cast %scan3A_140 : i32 to index
      %swap3A_166 = arith.constant 80 : index
      %swap3A_167 = tpu.vector_load %arg8[%swap3A_165, %swap3A_166] {strides = array<i32>} : memref<128x128xf32, #tpu.memory_space<vmem>>, vector<1x16xf32>,
      %swap3A_168 = vector.shape_cast %swap3A_167 : vector<1x16xf32> to vector<16xf32>
      %swap3A_169 = vector.shape_cast %broadcast_in_dim3A_0 : vector<16xf32> to vector<1x16xf32>
      tpu.vector_store %arg8[%swap3A_165, %swap3A_166], %swap3A_169 {strides = array<i32>} : memref<128x128xf32, #tpu.memory_space<vmem>>, vector<1x16xf32>,
      %swap3A_170 = arith.index_cast %scan3A_140 : i32 to index
      %swap3A_171 = arith.constant 96 : index
      %swap3A_172 = tpu.vector_load %arg8[%swap3A_170, %swap3A_171] {strides = array<i32>} : memref<128x128xf32, #tpu.memory_space<vmem>>, vector<1x16xf32>,
      %swap3A_173 = vector.shape_cast %swap3A_172 : vector<1x16xf32> to vector<16xf32>
      %swap3A_174 = vector.shape_cast %broadcast_in_dim3A_0 : vector<16xf32> to vector<1x16xf32>
      tpu.vector_store %arg8[%swap3A_170, %swap3A_171], %swap3A_174 {strides = array<i32>} : memref<128x128xf32, #tpu.memory_space<vmem>>, vector<1x16xf32>,
      %swap3A_175 = arith.index_cast %scan3A_140 : i32 to index
      %swap3A_176 = arith.constant 112 : index
      %swap3A_177 = tpu.vector_load %arg8[%swap3A_175, %swap3A_176] {strides = array<i32>} : memref<128x128xf32, #tpu.memory_space<vmem>>, vector<1x16xf32>,
      %swap3A_178 = vector.shape_cast %swap3A_177 : vector<1x16xf32> to vector<16xf32>
      %swap3A_179 = vector.shape_cast %broadcast_in_dim3A_0 : vector<16xf32> to vector<1x16xf32>
      tpu.vector_store %arg8[%swap3A_175, %swap3A_176], %swap3A_179 {strides = array<i32>} : memref<128x128xf32, #tpu.memory_space<vmem>>, vector<1x16xf32>,
    }
    %scan3A_5 = arith.constant 128 : i32
    %mul3A = arith.constant 640 : i32
    %mul3A_6 = arith.muli %arg1, %mul3A : i32
    %add3A = arith.constant 0 : i32
    %add3A_7 = arith.addi %mul3A_6, %add3A : i32
    "tpu.region"() ({
      %run_scoped3A = tpu.sem_alloc : memref<!tpu.dma_semaphore, #tpu.memory_space<semaphore_mem>>
      %dma_start3A_140 = arith.constant 0 : i32
      %dma_start3A_141 = tpu.memref_slice %arg10[%add3A_7, %dma_start3A_140] : memref<10240x128xf32, #tpu.memory_space<vmem_shared>> -> memref<128x128xf32, #tpu.memory_space<vmem_shared>>
      %dma_start3A_142 = arith.constant 0 : i32
      %dma_start3A_143 = tpu.memref_slice %arg10[%add3A_7, %dma_start3A_142] : memref<10240x128xf32, #tpu.memory_space<vmem_shared>> -> memref<128x128xf32, #tpu.memory_space<vmem_shared>>
      tpu.enqueue_dma source(%arg8 : memref<128x128xf32, #tpu.memory_space<vmem>>) target(%dma_start3A_143 : memref<128x128xf32, #tpu.memory_space<vmem_shared>>) target_semaphore(%run_scoped3A : memref<!tpu.dma_semaphore, #tpu.memory_space<semaphore_mem>>)
      %dma_wait3A_144 = arith.constant 0 : i32
      %dma_wait3A_145 = tpu.memref_slice %arg10[%add3A_7, %dma_wait3A_144] : memref<10240x128xf32, #tpu.memory_space<vmem_shared>> -> memref<128x128xf32, #tpu.memory_space<vmem_shared>>
      %dma_wait3A_146 = arith.constant 0 : i32
      %dma_wait3A_147 = tpu.memref_slice %arg10[%add3A_7, %dma_wait3A_146] : memref<10240x128xf32, #tpu.memory_space<vmem_shared>> -> memref<128x128xf32, #tpu.memory_space<vmem_shared>>
      tpu.wait_dma2 semaphore(%run_scoped3A : memref<!tpu.dma_semaphore, #tpu.memory_space<semaphore_mem>>) src(%arg8 : memref<128x128xf32, #tpu.memory_space<vmem>>) dst(%dma_wait3A_147 : memref<128x128xf32, #tpu.memory_space<vmem_shared>>)
      tpu.yield
    }) : () -> ()
    %add3A_8 = arith.constant 128 : i32
    %add3A_9 = arith.addi %mul3A_6, %add3A_8 : i32
    "tpu.region"() ({
      %run_scoped3A = tpu.sem_alloc : memref<!tpu.dma_semaphore, #tpu.memory_space<semaphore_mem>>
      %dma_start3A_140 = arith.constant 0 : i32
      %dma_start3A_141 = tpu.memref_slice %arg10[%add3A_9, %dma_start3A_140] : memref<10240x128xf32, #tpu.memory_space<vmem_shared>> -> memref<128x128xf32, #tpu.memory_space<vmem_shared>>
      %dma_start3A_142 = arith.constant 0 : i32
      %dma_start3A_143 = tpu.memref_slice %arg10[%add3A_9, %dma_start3A_142] : memref<10240x128xf32, #tpu.memory_space<vmem_shared>> -> memref<128x128xf32, #tpu.memory_space<vmem_shared>>
      tpu.enqueue_dma source(%arg8 : memref<128x128xf32, #tpu.memory_space<vmem>>) target(%dma_start3A_143 : memref<128x128xf32, #tpu.memory_space<vmem_shared>>) target_semaphore(%run_scoped3A : memref<!tpu.dma_semaphore, #tpu.memory_space<semaphore_mem>>)
      %dma_wait3A_144 = arith.constant 0 : i32
      %dma_wait3A_145 = tpu.memref_slice %arg10[%add3A_9, %dma_wait3A_144] : memref<10240x128xf32, #tpu.memory_space<vmem_shared>> -> memref<128x128xf32, #tpu.memory_space<vmem_shared>>
      %dma_wait3A_146 = arith.constant 0 : i32
      %dma_wait3A_147 = tpu.memref_slice %arg10[%add3A_9, %dma_wait3A_146] : memref<10240x128xf32, #tpu.memory_space<vmem_shared>> -> memref<128x128xf32, #tpu.memory_space<vmem_shared>>
      tpu.wait_dma2 semaphore(%run_scoped3A : memref<!tpu.dma_semaphore, #tpu.memory_space<semaphore_mem>>) src(%arg8 : memref<128x128xf32, #tpu.memory_space<vmem>>) dst(%dma_wait3A_147 : memref<128x128xf32, #tpu.memory_space<vmem_shared>>)
      tpu.yield
    }) : () -> ()
    %add3A_10 = arith.constant 256 : i32
    %add3A_11 = arith.addi %mul3A_6, %add3A_10 : i32
    "tpu.region"() ({
      %run_scoped3A = tpu.sem_alloc : memref<!tpu.dma_semaphore, #tpu.memory_space<semaphore_mem>>
      %dma_start3A_140 = arith.constant 0 : i32
      %dma_start3A_141 = tpu.memref_slice %arg10[%add3A_11, %dma_start3A_140] : memref<10240x128xf32, #tpu.memory_space<vmem_shared>> -> memref<128x128xf32, #tpu.memory_space<vmem_shared>>
      %dma_start3A_142 = arith.constant 0 : i32
      %dma_start3A_143 = tpu.memref_slice %arg10[%add3A_11, %dma_start3A_142] : memref<10240x128xf32, #tpu.memory_space<vmem_shared>> -> memref<128x128xf32, #tpu.memory_space<vmem_shared>>
      tpu.enqueue_dma source(%arg8 : memref<128x128xf32, #tpu.memory_space<vmem>>) target(%dma_start3A_143 : memref<128x128xf32, #tpu.memory_space<vmem_shared>>) target_semaphore(%run_scoped3A : memref<!tpu.dma_semaphore, #tpu.memory_space<semaphore_mem>>)
      %dma_wait3A_144 = arith.constant 0 : i32
      %dma_wait3A_145 = tpu.memref_slice %arg10[%add3A_11, %dma_wait3A_144] : memref<10240x128xf32, #tpu.memory_space<vmem_shared>> -> memref<128x128xf32, #tpu.memory_space<vmem_shared>>
      %dma_wait3A_146 = arith.constant 0 : i32
      %dma_wait3A_147 = tpu.memref_slice %arg10[%add3A_11, %dma_wait3A_146] : memref<10240x128xf32, #tpu.memory_space<vmem_shared>> -> memref<128x128xf32, #tpu.memory_space<vmem_shared>>
      tpu.wait_dma2 semaphore(%run_scoped3A : memref<!tpu.dma_semaphore, #tpu.memory_space<semaphore_mem>>) src(%arg8 : memref<128x128xf32, #tpu.memory_space<vmem>>) dst(%dma_wait3A_147 : memref<128x128xf32, #tpu.memory_space<vmem_shared>>)
      tpu.yield
    }) : () -> ()
    %add3A_12 = arith.constant 384 : i32
    %add3A_13 = arith.addi %mul3A_6, %add3A_12 : i32
    "tpu.region"() ({
      %run_scoped3A = tpu.sem_alloc : memref<!tpu.dma_semaphore, #tpu.memory_space<semaphore_mem>>
      %dma_start3A_140 = arith.constant 0 : i32
      %dma_start3A_141 = tpu.memref_slice %arg10[%add3A_13, %dma_start3A_140] : memref<10240x128xf32, #tpu.memory_space<vmem_shared>> -> memref<128x128xf32, #tpu.memory_space<vmem_shared>>
      %dma_start3A_142 = arith.constant 0 : i32
      %dma_start3A_143 = tpu.memref_slice %arg10[%add3A_13, %dma_start3A_142] : memref<10240x128xf32, #tpu.memory_space<vmem_shared>> -> memref<128x128xf32, #tpu.memory_space<vmem_shared>>
      tpu.enqueue_dma source(%arg8 : memref<128x128xf32, #tpu.memory_space<vmem>>) target(%dma_start3A_143 : memref<128x128xf32, #tpu.memory_space<vmem_shared>>) target_semaphore(%run_scoped3A : memref<!tpu.dma_semaphore, #tpu.memory_space<semaphore_mem>>)
      %dma_wait3A_144 = arith.constant 0 : i32
      %dma_wait3A_145 = tpu.memref_slice %arg10[%add3A_13, %dma_wait3A_144] : memref<10240x128xf32, #tpu.memory_space<vmem_shared>> -> memref<128x128xf32, #tpu.memory_space<vmem_shared>>
      %dma_wait3A_146 = arith.constant 0 : i32
      %dma_wait3A_147 = tpu.memref_slice %arg10[%add3A_13, %dma_wait3A_146] : memref<10240x128xf32, #tpu.memory_space<vmem_shared>> -> memref<128x128xf32, #tpu.memory_space<vmem_shared>>
      tpu.wait_dma2 semaphore(%run_scoped3A : memref<!tpu.dma_semaphore, #tpu.memory_space<semaphore_mem>>) src(%arg8 : memref<128x128xf32, #tpu.memory_space<vmem>>) dst(%dma_wait3A_147 : memref<128x128xf32, #tpu.memory_space<vmem_shared>>)
      tpu.yield
    }) : () -> ()
    %add3A_14 = arith.constant 512 : i32
    %add3A_15 = arith.addi %mul3A_6, %add3A_14 : i32
    "tpu.region"() ({
      %run_scoped3A = tpu.sem_alloc : memref<!tpu.dma_semaphore, #tpu.memory_space<semaphore_mem>>
      %dma_start3A_140 = arith.constant 0 : i32
      %dma_start3A_141 = tpu.memref_slice %arg10[%add3A_15, %dma_start3A_140] : memref<10240x128xf32, #tpu.memory_space<vmem_shared>> -> memref<128x128xf32, #tpu.memory_space<vmem_shared>>
      %dma_start3A_142 = arith.constant 0 : i32
      %dma_start3A_143 = tpu.memref_slice %arg10[%add3A_15, %dma_start3A_142] : memref<10240x128xf32, #tpu.memory_space<vmem_shared>> -> memref<128x128xf32, #tpu.memory_space<vmem_shared>>
      tpu.enqueue_dma source(%arg8 : memref<128x128xf32, #tpu.memory_space<vmem>>) target(%dma_start3A_143 : memref<128x128xf32, #tpu.memory_space<vmem_shared>>) target_semaphore(%run_scoped3A : memref<!tpu.dma_semaphore, #tpu.memory_space<semaphore_mem>>)
      %dma_wait3A_144 = arith.constant 0 : i32
      %dma_wait3A_145 = tpu.memref_slice %arg10[%add3A_15, %dma_wait3A_144] : memref<10240x128xf32, #tpu.memory_space<vmem_shared>> -> memref<128x128xf32, #tpu.memory_space<vmem_shared>>
      %dma_wait3A_146 = arith.constant 0 : i32
      %dma_wait3A_147 = tpu.memref_slice %arg10[%add3A_15, %dma_wait3A_146] : memref<10240x128xf32, #tpu.memory_space<vmem_shared>> -> memref<128x128xf32, #tpu.memory_space<vmem_shared>>
      tpu.wait_dma2 semaphore(%run_scoped3A : memref<!tpu.dma_semaphore, #tpu.memory_space<semaphore_mem>>) src(%arg8 : memref<128x128xf32, #tpu.memory_space<vmem>>) dst(%dma_wait3A_147 : memref<128x128xf32, #tpu.memory_space<vmem_shared>>)
      tpu.yield
    }) : () -> ()
    %barrier3A = arith.constant 0 : index
    tpu.barrier barrier_id(%barrier3A)
    %mul3A_16 = arith.constant 10000 : i32
    %mul3A_17 = arith.muli %arg0, %mul3A_16 : i32
    %mul3A_18 = arith.constant 80 : i32
    %mul3A_19 = arith.muli %arg1, %mul3A_18 : i32
    %add3A_20 = arith.constant 0 : i32
    %add3A_21 = arith.addi %mul3A_19, %add3A_20 : i32
    "tpu.region"() ({
      %run_scoped3A = tpu.sem_alloc : memref<!tpu.dma_semaphore, #tpu.memory_space<semaphore_mem>>
      %dma_start3A_140 = arith.constant 0 : i32
      %dma_start3A_141 = tpu.memref_slice %arg3[%add3A_21, %dma_start3A_140] : memref<1280x128xi32, #tpu.memory_space<hbm>> -> memref<40x128xi32, #tpu.memory_space<hbm>>
      %dma_start3A_142 = arith.constant 0 : i32
      %dma_start3A_143 = tpu.memref_slice %arg3[%add3A_21, %dma_start3A_142] : memref<1280x128xi32, #tpu.memory_space<hbm>> -> memref<40x128xi32, #tpu.memory_space<hbm>>
      tpu.enqueue_dma source(%dma_start3A_143 : memref<40x128xi32, #tpu.memory_space<hbm>>) target(%arg6 : memref<40x128xi32, #tpu.memory_space<vmem>>) target_semaphore(%run_scoped3A : memref<!tpu.dma_semaphore, #tpu.memory_space<semaphore_mem>>)
      %dma_wait3A_144 = arith.constant 0 : i32
      %dma_wait3A_145 = tpu.memref_slice %arg3[%add3A_21, %dma_wait3A_144] : memref<1280x128xi32, #tpu.memory_space<hbm>> -> memref<40x128xi32, #tpu.memory_space<hbm>>
      %dma_wait3A_146 = arith.constant 0 : i32
      %dma_wait3A_147 = tpu.memref_slice %arg3[%add3A_21, %dma_wait3A_146] : memref<1280x128xi32, #tpu.memory_space<hbm>> -> memref<40x128xi32, #tpu.memory_space<hbm>>
      tpu.wait_dma2 semaphore(%run_scoped3A : memref<!tpu.dma_semaphore, #tpu.memory_space<semaphore_mem>>) src(%dma_wait3A_147 : memref<40x128xi32, #tpu.memory_space<hbm>>) dst(%arg6 : memref<40x128xi32, #tpu.memory_space<vmem>>)
      tpu.yield
    }) : () -> ()
    "tpu.region"() ({
      %run_scoped3A = tpu.sem_alloc : memref<!tpu.dma_semaphore, #tpu.memory_space<semaphore_mem>>
      %dma_start3A_140 = arith.constant 0 : i32
      %dma_start3A_141 = tpu.memref_slice %arg4[%add3A_21, %dma_start3A_140] : memref<1280x128xi32, #tpu.memory_space<hbm>> -> memref<40x128xi32, #tpu.memory_space<hbm>>
      %dma_start3A_142 = arith.constant 0 : i32
      %dma_start3A_143 = tpu.memref_slice %arg4[%add3A_21, %dma_start3A_142] : memref<1280x128xi32, #tpu.memory_space<hbm>> -> memref<40x128xi32, #tpu.memory_space<hbm>>
      tpu.enqueue_dma source(%dma_start3A_143 : memref<40x128xi32, #tpu.memory_space<hbm>>) target(%arg7 : memref<40x128xi32, #tpu.memory_space<vmem>>) target_semaphore(%run_scoped3A : memref<!tpu.dma_semaphore, #tpu.memory_space<semaphore_mem>>)
      %dma_wait3A_144 = arith.constant 0 : i32
      %dma_wait3A_145 = tpu.memref_slice %arg4[%add3A_21, %dma_wait3A_144] : memref<1280x128xi32, #tpu.memory_space<hbm>> -> memref<40x128xi32, #tpu.memory_space<hbm>>
      %dma_wait3A_146 = arith.constant 0 : i32
      %dma_wait3A_147 = tpu.memref_slice %arg4[%add3A_21, %dma_wait3A_146] : memref<1280x128xi32, #tpu.memory_space<hbm>> -> memref<40x128xi32, #tpu.memory_space<hbm>>
      tpu.wait_dma2 semaphore(%run_scoped3A : memref<!tpu.dma_semaphore, #tpu.memory_space<semaphore_mem>>) src(%dma_wait3A_147 : memref<40x128xi32, #tpu.memory_space<hbm>>) dst(%arg7 : memref<40x128xi32, #tpu.memory_space<vmem>>)
      tpu.yield
    }) : () -> ()
    %scan3A_22 = arith.constant 0 : i32
    %scan3A_23 = arith.constant 0 : i32
    %scan3A_24 = arith.constant 40 : i32
    %scan3A_25 = arith.addi %scan3A_23, %scan3A_24 : i32
    %scan3A_26 = arith.constant 1 : i32
    scf.for %scan3A_140 = %scan3A_23 to %scan3A_25 step %scan3A_26  : i32 {
      %get3A = arith.index_cast %scan3A_140 : i32 to index
      %get3A_141 = arith.constant 0 : index
      %get3A_142 = tpu.vector_load %arg6[%get3A, %get3A_141] {strides = array<i32>} : memref<40x128xi32, #tpu.memory_space<vmem>>, vector<1x16xi32>,
      %get3A_143 = vector.shape_cast %get3A_142 : vector<1x16xi32> to vector<16xi32>
      %add3A_144 = vector.broadcast %mul3A_17 : i32 to vector<16xi32>
      %add3A_145 = arith.addi %get3A_143, %add3A_144 : vector<16xi32>
      %swap3A = arith.index_cast %scan3A_140 : i32 to index
      %swap3A_146 = arith.constant 0 : index
      %swap3A_147 = tpu.vector_load %arg6[%swap3A, %swap3A_146] {strides = array<i32>} : memref<40x128xi32, #tpu.memory_space<vmem>>, vector<1x16xi32>,
      %swap3A_148 = vector.shape_cast %swap3A_147 : vector<1x16xi32> to vector<16xi32>
      %swap3A_149 = vector.shape_cast %add3A_145 : vector<16xi32> to vector<1x16xi32>
      tpu.vector_store %arg6[%swap3A, %swap3A_146], %swap3A_149 {strides = array<i32>} : memref<40x128xi32, #tpu.memory_space<vmem>>, vector<1x16xi32>,
      %get3A_150 = arith.index_cast %scan3A_140 : i32 to index
      %get3A_151 = arith.constant 16 : index
      %get3A_152 = tpu.vector_load %arg6[%get3A_150, %get3A_151] {strides = array<i32>} : memref<40x128xi32, #tpu.memory_space<vmem>>, vector<1x16xi32>,
      %get3A_153 = vector.shape_cast %get3A_152 : vector<1x16xi32> to vector<16xi32>
      %add3A_154 = vector.broadcast %mul3A_17 : i32 to vector<16xi32>
      %add3A_155 = arith.addi %get3A_153, %add3A_154 : vector<16xi32>
      %swap3A_156 = arith.index_cast %scan3A_140 : i32 to index
      %swap3A_157 = arith.constant 16 : index
      %swap3A_158 = tpu.vector_load %arg6[%swap3A_156, %swap3A_157] {strides = array<i32>} : memref<40x128xi32, #tpu.memory_space<vmem>>, vector<1x16xi32>,
      %swap3A_159 = vector.shape_cast %swap3A_158 : vector<1x16xi32> to vector<16xi32>
      %swap3A_160 = vector.shape_cast %add3A_155 : vector<16xi32> to vector<1x16xi32>
      tpu.vector_store %arg6[%swap3A_156, %swap3A_157], %swap3A_160 {strides = array<i32>} : memref<40x128xi32, #tpu.memory_space<vmem>>, vector<1x16xi32>,
      %get3A_161 = arith.index_cast %scan3A_140 : i32 to index
      %get3A_162 = arith.constant 32 : index
      %get3A_163 = tpu.vector_load %arg6[%get3A_161, %get3A_162] {strides = array<i32>} : memref<40x128xi32, #tpu.memory_space<vmem>>, vector<1x16xi32>,
      %get3A_164 = vector.shape_cast %get3A_163 : vector<1x16xi32> to vector<16xi32>
      %add3A_165 = vector.broadcast %mul3A_17 : i32 to vector<16xi32>
      %add3A_166 = arith.addi %get3A_164, %add3A_165 : vector<16xi32>
      %swap3A_167 = arith.index_cast %scan3A_140 : i32 to index
      %swap3A_168 = arith.constant 32 : index
      %swap3A_169 = tpu.vector_load %arg6[%swap3A_167, %swap3A_168] {strides = array<i32>} : memref<40x128xi32, #tpu.memory_space<vmem>>, vector<1x16xi32>,
      %swap3A_170 = vector.shape_cast %swap3A_169 : vector<1x16xi32> to vector<16xi32>
      %swap3A_171 = vector.shape_cast %add3A_166 : vector<16xi32> to vector<1x16xi32>
      tpu.vector_store %arg6[%swap3A_167, %swap3A_168], %swap3A_171 {strides = array<i32>} : memref<40x128xi32, #tpu.memory_space<vmem>>, vector<1x16xi32>,
      %get3A_172 = arith.index_cast %scan3A_140 : i32 to index
      %get3A_173 = arith.constant 48 : index
      %get3A_174 = tpu.vector_load %arg6[%get3A_172, %get3A_173] {strides = array<i32>} : memref<40x128xi32, #tpu.memory_space<vmem>>, vector<1x16xi32>,
      %get3A_175 = vector.shape_cast %get3A_174 : vector<1x16xi32> to vector<16xi32>
      %add3A_176 = vector.broadcast %mul3A_17 : i32 to vector<16xi32>
      %add3A_177 = arith.addi %get3A_175, %add3A_176 : vector<16xi32>
      %swap3A_178 = arith.index_cast %scan3A_140 : i32 to index
      %swap3A_179 = arith.constant 48 : index
      %swap3A_180 = tpu.vector_load %arg6[%swap3A_178, %swap3A_179] {strides = array<i32>} : memref<40x128xi32, #tpu.memory_space<vmem>>, vector<1x16xi32>,
      %swap3A_181 = vector.shape_cast %swap3A_180 : vector<1x16xi32> to vector<16xi32>
      %swap3A_182 = vector.shape_cast %add3A_177 : vector<16xi32> to vector<1x16xi32>
      tpu.vector_store %arg6[%swap3A_178, %swap3A_179], %swap3A_182 {strides = array<i32>} : memref<40x128xi32, #tpu.memory_space<vmem>>, vector<1x16xi32>,
      %get3A_183 = arith.index_cast %scan3A_140 : i32 to index
      %get3A_184 = arith.constant 64 : index
      %get3A_185 = tpu.vector_load %arg6[%get3A_183, %get3A_184] {strides = array<i32>} : memref<40x128xi32, #tpu.memory_space<vmem>>, vector<1x16xi32>,
      %get3A_186 = vector.shape_cast %get3A_185 : vector<1x16xi32> to vector<16xi32>
      %add3A_187 = vector.broadcast %mul3A_17 : i32 to vector<16xi32>
      %add3A_188 = arith.addi %get3A_186, %add3A_187 : vector<16xi32>
      %swap3A_189 = arith.index_cast %scan3A_140 : i32 to index
      %swap3A_190 = arith.constant 64 : index
      %swap3A_191 = tpu.vector_load %arg6[%swap3A_189, %swap3A_190] {strides = array<i32>} : memref<40x128xi32, #tpu.memory_space<vmem>>, vector<1x16xi32>,
      %swap3A_192 = vector.shape_cast %swap3A_191 : vector<1x16xi32> to vector<16xi32>
      %swap3A_193 = vector.shape_cast %add3A_188 : vector<16xi32> to vector<1x16xi32>
      tpu.vector_store %arg6[%swap3A_189, %swap3A_190], %swap3A_193 {strides = array<i32>} : memref<40x128xi32, #tpu.memory_space<vmem>>, vector<1x16xi32>,
      %get3A_194 = arith.index_cast %scan3A_140 : i32 to index
      %get3A_195 = arith.constant 80 : index
      %get3A_196 = tpu.vector_load %arg6[%get3A_194, %get3A_195] {strides = array<i32>} : memref<40x128xi32, #tpu.memory_space<vmem>>, vector<1x16xi32>,
      %get3A_197 = vector.shape_cast %get3A_196 : vector<1x16xi32> to vector<16xi32>
      %add3A_198 = vector.broadcast %mul3A_17 : i32 to vector<16xi32>
      %add3A_199 = arith.addi %get3A_197, %add3A_198 : vector<16xi32>
      %swap3A_200 = arith.index_cast %scan3A_140 : i32 to index
      %swap3A_201 = arith.constant 80 : index
      %swap3A_202 = tpu.vector_load %arg6[%swap3A_200, %swap3A_201] {strides = array<i32>} : memref<40x128xi32, #tpu.memory_space<vmem>>, vector<1x16xi32>,
      %swap3A_203 = vector.shape_cast %swap3A_202 : vector<1x16xi32> to vector<16xi32>
      %swap3A_204 = vector.shape_cast %add3A_199 : vector<16xi32> to vector<1x16xi32>
      tpu.vector_store %arg6[%swap3A_200, %swap3A_201], %swap3A_204 {strides = array<i32>} : memref<40x128xi32, #tpu.memory_space<vmem>>, vector<1x16xi32>,
      %get3A_205 = arith.index_cast %scan3A_140 : i32 to index
      %get3A_206 = arith.constant 96 : index
      %get3A_207 = tpu.vector_load %arg6[%get3A_205, %get3A_206] {strides = array<i32>} : memref<40x128xi32, #tpu.memory_space<vmem>>, vector<1x16xi32>,
      %get3A_208 = vector.shape_cast %get3A_207 : vector<1x16xi32> to vector<16xi32>
      %add3A_209 = vector.broadcast %mul3A_17 : i32 to vector<16xi32>
      %add3A_210 = arith.addi %get3A_208, %add3A_209 : vector<16xi32>
      %swap3A_211 = arith.index_cast %scan3A_140 : i32 to index
      %swap3A_212 = arith.constant 96 : index
      %swap3A_213 = tpu.vector_load %arg6[%swap3A_211, %swap3A_212] {strides = array<i32>} : memref<40x128xi32, #tpu.memory_space<vmem>>, vector<1x16xi32>,
      %swap3A_214 = vector.shape_cast %swap3A_213 : vector<1x16xi32> to vector<16xi32>
      %swap3A_215 = vector.shape_cast %add3A_210 : vector<16xi32> to vector<1x16xi32>
      tpu.vector_store %arg6[%swap3A_211, %swap3A_212], %swap3A_215 {strides = array<i32>} : memref<40x128xi32, #tpu.memory_space<vmem>>, vector<1x16xi32>,
      %get3A_216 = arith.index_cast %scan3A_140 : i32 to index
      %get3A_217 = arith.constant 112 : index
      %get3A_218 = tpu.vector_load %arg6[%get3A_216, %get3A_217] {strides = array<i32>} : memref<40x128xi32, #tpu.memory_space<vmem>>, vector<1x16xi32>,
      %get3A_219 = vector.shape_cast %get3A_218 : vector<1x16xi32> to vector<16xi32>
      %add3A_220 = vector.broadcast %mul3A_17 : i32 to vector<16xi32>
      %add3A_221 = arith.addi %get3A_219, %add3A_220 : vector<16xi32>
      %swap3A_222 = arith.index_cast %scan3A_140 : i32 to index
      %swap3A_223 = arith.constant 112 : index
      %swap3A_224 = tpu.vector_load %arg6[%swap3A_222, %swap3A_223] {strides = array<i32>} : memref<40x128xi32, #tpu.memory_space<vmem>>, vector<1x16xi32>,
      %swap3A_225 = vector.shape_cast %swap3A_224 : vector<1x16xi32> to vector<16xi32>
      %swap3A_226 = vector.shape_cast %add3A_221 : vector<16xi32> to vector<1x16xi32>
      tpu.vector_store %arg6[%swap3A_222, %swap3A_223], %swap3A_226 {strides = array<i32>} : memref<40x128xi32, #tpu.memory_space<vmem>>, vector<1x16xi32>,
    }
    %scan3A_27 = arith.constant 40 : i32
    %dma_start3A = arith.constant 0 : i32
    %dma_start3A_28 = arith.constant 0 : i32
    %dma_start3A_29 = tpu.memref_slice %arg6[%dma_start3A, %dma_start3A_28] : memref<40x128xi32, #tpu.memory_space<vmem>> -> memref<1x128xi32, #tpu.memory_space<vmem>>
    %dma_start3A_30 = tpu.memref_squeeze %dma_start3A_29 : memref<1x128xi32, #tpu.memory_space<vmem>> -> memref<128xi32, #tpu.memory_space<vmem>>
    %dma_start3A_31 = arith.constant 0 : i32
    %dma_start3A_32 = arith.constant 0 : i32
    %dma_start3A_33 = tpu.memref_slice %arg2[%dma_start3A_31, %dma_start3A_32] : memref<20000x128xf32, #tpu.memory_space<hbm>> -> memref<20000x128xf32, #tpu.memory_space<hbm>>
    tpu.enqueue_indirect_dma source(%dma_start3A_33 : memref<20000x128xf32, #tpu.memory_space<hbm>>) target(%arg8 : memref<128x128xf32, #tpu.memory_space<vmem>>) offsets(%dma_start3A_30 : memref<128xi32, #tpu.memory_space<vmem>>) semaphore(%arg11 : memref<!tpu.dma_semaphore, #tpu.memory_space<semaphore_mem>>)
    %dma_start3A_34 = arith.constant 1 : i32
    %dma_start3A_35 = arith.constant 0 : i32
    %dma_start3A_36 = tpu.memref_slice %arg6[%dma_start3A_34, %dma_start3A_35] : memref<40x128xi32, #tpu.memory_space<vmem>> -> memref<1x128xi32, #tpu.memory_space<vmem>>
    %dma_start3A_37 = tpu.memref_squeeze %dma_start3A_36 : memref<1x128xi32, #tpu.memory_space<vmem>> -> memref<128xi32, #tpu.memory_space<vmem>>
    %dma_start3A_38 = arith.constant 0 : i32
    %dma_start3A_39 = arith.constant 0 : i32
    %dma_start3A_40 = tpu.memref_slice %arg2[%dma_start3A_38, %dma_start3A_39] : memref<20000x128xf32, #tpu.memory_space<hbm>> -> memref<20000x128xf32, #tpu.memory_space<hbm>>
    tpu.enqueue_indirect_dma source(%dma_start3A_40 : memref<20000x128xf32, #tpu.memory_space<hbm>>) target(%arg9 : memref<128x128xf32, #tpu.memory_space<vmem>>) offsets(%dma_start3A_37 : memref<128xi32, #tpu.memory_space<vmem>>) semaphore(%arg12 : memref<!tpu.dma_semaphore, #tpu.memory_space<semaphore_mem>>)
    %scan3A_41 = arith.constant 0 : i32
    %scan3A_42 = arith.constant 0 : i32
    %scan3A_43 = arith.constant 20 : i32
    %scan3A_44 = arith.addi %scan3A_42, %scan3A_43 : i32
    %scan3A_45 = arith.constant 1 : i32
    scf.for %scan3A_140 = %scan3A_42 to %scan3A_44 step %scan3A_45  : i32 {
      %mul3A_141 = arith.constant 2 : i32
      %mul3A_142 = arith.muli %mul3A_141, %scan3A_140 : i32
      %add3A_143 = arith.constant 0 : i32
      %add3A_144 = arith.addi %mul3A_142, %add3A_143 : i32
      %dma_wait3A_145 = arith.constant 0 : i32
      %dma_wait3A_146 = tpu.memref_slice %arg6[%add3A_144, %dma_wait3A_145] : memref<40x128xi32, #tpu.memory_space<vmem>> -> memref<1x128xi32, #tpu.memory_space<vmem>>
      %dma_wait3A_147 = tpu.memref_squeeze %dma_wait3A_146 : memref<1x128xi32, #tpu.memory_space<vmem>> -> memref<128xi32, #tpu.memory_space<vmem>>
      %dma_wait3A_148 = arith.constant 0 : i32
      %dma_wait3A_149 = arith.constant 0 : i32
      %dma_wait3A_150 = tpu.memref_slice %arg2[%dma_wait3A_148, %dma_wait3A_149] : memref<20000x128xf32, #tpu.memory_space<hbm>> -> memref<20000x128xf32, #tpu.memory_space<hbm>>
      tpu.wait_indirect_dma semaphore(%arg11 : memref<!tpu.dma_semaphore, #tpu.memory_space<semaphore_mem>>) src(%dma_wait3A_150 : memref<20000x128xf32, #tpu.memory_space<hbm>>) dst(%arg8 : memref<128x128xf32, #tpu.memory_space<vmem>>)
      %dma_start3A_151 = arith.constant 0 : i32
      %dma_start3A_152 = tpu.memref_slice %arg7[%add3A_144, %dma_start3A_151] : memref<40x128xi32, #tpu.memory_space<vmem>> -> memref<1x128xi32, #tpu.memory_space<vmem>>
      %dma_start3A_153 = tpu.memref_squeeze %dma_start3A_152 : memref<1x128xi32, #tpu.memory_space<vmem>> -> memref<128xi32, #tpu.memory_space<vmem>>
      %dma_start3A_154 = arith.constant 0 : i32
      %dma_start3A_155 = arith.constant 0 : i32
      %dma_start3A_156 = tpu.memref_slice %arg10[%dma_start3A_154, %dma_start3A_155] : memref<10240x128xf32, #tpu.memory_space<vmem_shared>> -> memref<10240x128xf32, #tpu.memory_space<vmem_shared>>
      tpu.enqueue_indirect_dma source(%arg8 : memref<128x128xf32, #tpu.memory_space<vmem>>) target(%dma_start3A_156 : memref<10240x128xf32, #tpu.memory_space<vmem_shared>>) offsets(%dma_start3A_153 : memref<128xi32, #tpu.memory_space<vmem>>) semaphore(%arg13 : memref<!tpu.dma_semaphore, #tpu.memory_space<semaphore_mem>>) {add = true}
      %add3A_157 = arith.constant 2 : i32
      %add3A_158 = arith.addi %add3A_144, %add3A_157 : i32
      %lt3A = arith.constant 40 : i32
      %lt3A_159 = arith.cmpi slt, %add3A_158, %lt3A : i32
      %convert_element_type3A = arith.extui %lt3A_159 : i1 to i32
      %cond3A = arith.constant 0 : i32
      %cond3A_160 = arith.cmpi ne, %convert_element_type3A, %cond3A : i32
      scf.if %cond3A_160 {
        %dma_wait3A_184 = arith.constant 0 : i32
        %dma_wait3A_185 = tpu.memref_slice %arg7[%add3A_144, %dma_wait3A_184] : memref<40x128xi32, #tpu.memory_space<vmem>> -> memref<1x128xi32, #tpu.memory_space<vmem>>
        %dma_wait3A_186 = tpu.memref_squeeze %dma_wait3A_185 : memref<1x128xi32, #tpu.memory_space<vmem>> -> memref<128xi32, #tpu.memory_space<vmem>>
        %dma_wait3A_187 = arith.constant 0 : i32
        %dma_wait3A_188 = arith.constant 0 : i32
        %dma_wait3A_189 = tpu.memref_slice %arg10[%dma_wait3A_187, %dma_wait3A_188] : memref<10240x128xf32, #tpu.memory_space<vmem_shared>> -> memref<10240x128xf32, #tpu.memory_space<vmem_shared>>
        tpu.wait_indirect_dma semaphore(%arg13 : memref<!tpu.dma_semaphore, #tpu.memory_space<semaphore_mem>>) src(%arg8 : memref<128x128xf32, #tpu.memory_space<vmem>>) dst(%dma_wait3A_189 : memref<10240x128xf32, #tpu.memory_space<vmem_shared>>)
        %add3A_190 = arith.constant 2 : i32
        %add3A_191 = arith.addi %add3A_144, %add3A_190 : i32
        %dma_start3A_192 = arith.constant 0 : i32
        %dma_start3A_193 = tpu.memref_slice %arg6[%add3A_191, %dma_start3A_192] : memref<40x128xi32, #tpu.memory_space<vmem>> -> memref<1x128xi32, #tpu.memory_space<vmem>>
        %dma_start3A_194 = tpu.memref_squeeze %dma_start3A_193 : memref<1x128xi32, #tpu.memory_space<vmem>> -> memref<128xi32, #tpu.memory_space<vmem>>
        %dma_start3A_195 = arith.constant 0 : i32
        %dma_start3A_196 = arith.constant 0 : i32
        %dma_start3A_197 = tpu.memref_slice %arg2[%dma_start3A_195, %dma_start3A_196] : memref<20000x128xf32, #tpu.memory_space<hbm>> -> memref<20000x128xf32, #tpu.memory_space<hbm>>
        tpu.enqueue_indirect_dma source(%dma_start3A_197 : memref<20000x128xf32, #tpu.memory_space<hbm>>) target(%arg8 : memref<128x128xf32, #tpu.memory_space<vmem>>) offsets(%dma_start3A_194 : memref<128xi32, #tpu.memory_space<vmem>>) semaphore(%arg11 : memref<!tpu.dma_semaphore, #tpu.memory_space<semaphore_mem>>)
      } else {
      }
      %mul3A_161 = arith.constant 2 : i32
      %mul3A_162 = arith.muli %mul3A_161, %scan3A_140 : i32
      %add3A_163 = arith.constant 1 : i32
      %add3A_164 = arith.addi %mul3A_162, %add3A_163 : i32
      %dma_wait3A_165 = arith.constant 0 : i32
      %dma_wait3A_166 = tpu.memref_slice %arg6[%add3A_164, %dma_wait3A_165] : memref<40x128xi32, #tpu.memory_space<vmem>> -> memref<1x128xi32, #tpu.memory_space<vmem>>
      %dma_wait3A_167 = tpu.memref_squeeze %dma_wait3A_166 : memref<1x128xi32, #tpu.memory_space<vmem>> -> memref<128xi32, #tpu.memory_space<vmem>>
      %dma_wait3A_168 = arith.constant 0 : i32
      %dma_wait3A_169 = arith.constant 0 : i32
      %dma_wait3A_170 = tpu.memref_slice %arg2[%dma_wait3A_168, %dma_wait3A_169] : memref<20000x128xf32, #tpu.memory_space<hbm>> -> memref<20000x128xf32, #tpu.memory_space<hbm>>
      tpu.wait_indirect_dma semaphore(%arg12 : memref<!tpu.dma_semaphore, #tpu.memory_space<semaphore_mem>>) src(%dma_wait3A_170 : memref<20000x128xf32, #tpu.memory_space<hbm>>) dst(%arg9 : memref<128x128xf32, #tpu.memory_space<vmem>>)
      %dma_start3A_171 = arith.constant 0 : i32
      %dma_start3A_172 = tpu.memref_slice %arg7[%add3A_164, %dma_start3A_171] : memref<40x128xi32, #tpu.memory_space<vmem>> -> memref<1x128xi32, #tpu.memory_space<vmem>>
      %dma_start3A_173 = tpu.memref_squeeze %dma_start3A_172 : memref<1x128xi32, #tpu.memory_space<vmem>> -> memref<128xi32, #tpu.memory_space<vmem>>
      %dma_start3A_174 = arith.constant 0 : i32
      %dma_start3A_175 = arith.constant 0 : i32
      %dma_start3A_176 = tpu.memref_slice %arg10[%dma_start3A_174, %dma_start3A_175] : memref<10240x128xf32, #tpu.memory_space<vmem_shared>> -> memref<10240x128xf32, #tpu.memory_space<vmem_shared>>
      tpu.enqueue_indirect_dma source(%arg9 : memref<128x128xf32, #tpu.memory_space<vmem>>) target(%dma_start3A_176 : memref<10240x128xf32, #tpu.memory_space<vmem_shared>>) offsets(%dma_start3A_173 : memref<128xi32, #tpu.memory_space<vmem>>) semaphore(%arg14 : memref<!tpu.dma_semaphore, #tpu.memory_space<semaphore_mem>>) {add = true}
      %add3A_177 = arith.constant 2 : i32
      %add3A_178 = arith.addi %add3A_164, %add3A_177 : i32
      %lt3A_179 = arith.constant 40 : i32
      %lt3A_180 = arith.cmpi slt, %add3A_178, %lt3A_179 : i32
      %convert_element_type3A_181 = arith.extui %lt3A_180 : i1 to i32
      %cond3A_182 = arith.constant 0 : i32
      %cond3A_183 = arith.cmpi ne, %convert_element_type3A_181, %cond3A_182 : i32
      scf.if %cond3A_183 {
        %dma_wait3A_184 = arith.constant 0 : i32
        %dma_wait3A_185 = tpu.memref_slice %arg7[%add3A_164, %dma_wait3A_184] : memref<40x128xi32, #tpu.memory_space<vmem>> -> memref<1x128xi32, #tpu.memory_space<vmem>>
        %dma_wait3A_186 = tpu.memref_squeeze %dma_wait3A_185 : memref<1x128xi32, #tpu.memory_space<vmem>> -> memref<128xi32, #tpu.memory_space<vmem>>
        %dma_wait3A_187 = arith.constant 0 : i32
        %dma_wait3A_188 = arith.constant 0 : i32
        %dma_wait3A_189 = tpu.memref_slice %arg10[%dma_wait3A_187, %dma_wait3A_188] : memref<10240x128xf32, #tpu.memory_space<vmem_shared>> -> memref<10240x128xf32, #tpu.memory_space<vmem_shared>>
        tpu.wait_indirect_dma semaphore(%arg14 : memref<!tpu.dma_semaphore, #tpu.memory_space<semaphore_mem>>) src(%arg9 : memref<128x128xf32, #tpu.memory_space<vmem>>) dst(%dma_wait3A_189 : memref<10240x128xf32, #tpu.memory_space<vmem_shared>>)
        %add3A_190 = arith.constant 2 : i32
        %add3A_191 = arith.addi %add3A_164, %add3A_190 : i32
        %dma_start3A_192 = arith.constant 0 : i32
        %dma_start3A_193 = tpu.memref_slice %arg6[%add3A_191, %dma_start3A_192] : memref<40x128xi32, #tpu.memory_space<vmem>> -> memref<1x128xi32, #tpu.memory_space<vmem>>
        %dma_start3A_194 = tpu.memref_squeeze %dma_start3A_193 : memref<1x128xi32, #tpu.memory_space<vmem>> -> memref<128xi32, #tpu.memory_space<vmem>>
        %dma_start3A_195 = arith.constant 0 : i32
        %dma_start3A_196 = arith.constant 0 : i32
        %dma_start3A_197 = tpu.memref_slice %arg2[%dma_start3A_195, %dma_start3A_196] : memref<20000x128xf32, #tpu.memory_space<hbm>> -> memref<20000x128xf32, #tpu.memory_space<hbm>>
        tpu.enqueue_indirect_dma source(%dma_start3A_197 : memref<20000x128xf32, #tpu.memory_space<hbm>>) target(%arg9 : memref<128x128xf32, #tpu.memory_space<vmem>>) offsets(%dma_start3A_194 : memref<128xi32, #tpu.memory_space<vmem>>) semaphore(%arg12 : memref<!tpu.dma_semaphore, #tpu.memory_space<semaphore_mem>>)
      } else {
      }
    }
    %scan3A_46 = arith.constant 20 : i32
    %dma_wait3A = arith.constant 0 : i32
    %dma_wait3A_47 = arith.constant 0 : i32
    %dma_wait3A_48 = tpu.memref_slice %arg7[%dma_wait3A, %dma_wait3A_47] : memref<40x128xi32, #tpu.memory_space<vmem>> -> memref<1x128xi32, #tpu.memory_space<vmem>>
    %dma_wait3A_49 = tpu.memref_squeeze %dma_wait3A_48 : memref<1x128xi32, #tpu.memory_space<vmem>> -> memref<128xi32, #tpu.memory_space<vmem>>
    %dma_wait3A_50 = arith.constant 0 : i32
    %dma_wait3A_51 = arith.constant 0 : i32
    %dma_wait3A_52 = tpu.memref_slice %arg10[%dma_wait3A_50, %dma_wait3A_51] : memref<10240x128xf32, #tpu.memory_space<vmem_shared>> -> memref<10240x128xf32, #tpu.memory_space<vmem_shared>>
    tpu.wait_indirect_dma semaphore(%arg13 : memref<!tpu.dma_semaphore, #tpu.memory_space<semaphore_mem>>) src(%arg8 : memref<128x128xf32, #tpu.memory_space<vmem>>) dst(%dma_wait3A_52 : memref<10240x128xf32, #tpu.memory_space<vmem_shared>>)
    %dma_wait3A_53 = arith.constant 0 : i32
    %dma_wait3A_54 = arith.constant 0 : i32
    %dma_wait3A_55 = tpu.memref_slice %arg7[%dma_wait3A_53, %dma_wait3A_54] : memref<40x128xi32, #tpu.memory_space<vmem>> -> memref<1x128xi32, #tpu.memory_space<vmem>>
    %dma_wait3A_56 = tpu.memref_squeeze %dma_wait3A_55 : memref<1x128xi32, #tpu.memory_space<vmem>> -> memref<128xi32, #tpu.memory_space<vmem>>
    %dma_wait3A_57 = arith.constant 0 : i32
    %dma_wait3A_58 = arith.constant 0 : i32
    %dma_wait3A_59 = tpu.memref_slice %arg10[%dma_wait3A_57, %dma_wait3A_58] : memref<10240x128xf32, #tpu.memory_space<vmem_shared>> -> memref<10240x128xf32, #tpu.memory_space<vmem_shared>>
    tpu.wait_indirect_dma semaphore(%arg14 : memref<!tpu.dma_semaphore, #tpu.memory_space<semaphore_mem>>) src(%arg9 : memref<128x128xf32, #tpu.memory_space<vmem>>) dst(%dma_wait3A_59 : memref<10240x128xf32, #tpu.memory_space<vmem_shared>>)
    %mul3A_60 = arith.constant 80 : i32
    %mul3A_61 = arith.muli %arg1, %mul3A_60 : i32
    %add3A_62 = arith.constant 40 : i32
    %add3A_63 = arith.addi %mul3A_61, %add3A_62 : i32
    "tpu.region"() ({
      %run_scoped3A = tpu.sem_alloc : memref<!tpu.dma_semaphore, #tpu.memory_space<semaphore_mem>>
      %dma_start3A_140 = arith.constant 0 : i32
      %dma_start3A_141 = tpu.memref_slice %arg3[%add3A_63, %dma_start3A_140] : memref<1280x128xi32, #tpu.memory_space<hbm>> -> memref<40x128xi32, #tpu.memory_space<hbm>>
      %dma_start3A_142 = arith.constant 0 : i32
      %dma_start3A_143 = tpu.memref_slice %arg3[%add3A_63, %dma_start3A_142] : memref<1280x128xi32, #tpu.memory_space<hbm>> -> memref<40x128xi32, #tpu.memory_space<hbm>>
      tpu.enqueue_dma source(%dma_start3A_143 : memref<40x128xi32, #tpu.memory_space<hbm>>) target(%arg6 : memref<40x128xi32, #tpu.memory_space<vmem>>) target_semaphore(%run_scoped3A : memref<!tpu.dma_semaphore, #tpu.memory_space<semaphore_mem>>)
      %dma_wait3A_144 = arith.constant 0 : i32
      %dma_wait3A_145 = tpu.memref_slice %arg3[%add3A_63, %dma_wait3A_144] : memref<1280x128xi32, #tpu.memory_space<hbm>> -> memref<40x128xi32, #tpu.memory_space<hbm>>
      %dma_wait3A_146 = arith.constant 0 : i32
      %dma_wait3A_147 = tpu.memref_slice %arg3[%add3A_63, %dma_wait3A_146] : memref<1280x128xi32, #tpu.memory_space<hbm>> -> memref<40x128xi32, #tpu.memory_space<hbm>>
      tpu.wait_dma2 semaphore(%run_scoped3A : memref<!tpu.dma_semaphore, #tpu.memory_space<semaphore_mem>>) src(%dma_wait3A_147 : memref<40x128xi32, #tpu.memory_space<hbm>>) dst(%arg6 : memref<40x128xi32, #tpu.memory_space<vmem>>)
      tpu.yield
    }) : () -> ()
    "tpu.region"() ({
      %run_scoped3A = tpu.sem_alloc : memref<!tpu.dma_semaphore, #tpu.memory_space<semaphore_mem>>
      %dma_start3A_140 = arith.constant 0 : i32
      %dma_start3A_141 = tpu.memref_slice %arg4[%add3A_63, %dma_start3A_140] : memref<1280x128xi32, #tpu.memory_space<hbm>> -> memref<40x128xi32, #tpu.memory_space<hbm>>
      %dma_start3A_142 = arith.constant 0 : i32
      %dma_start3A_143 = tpu.memref_slice %arg4[%add3A_63, %dma_start3A_142] : memref<1280x128xi32, #tpu.memory_space<hbm>> -> memref<40x128xi32, #tpu.memory_space<hbm>>
      tpu.enqueue_dma source(%dma_start3A_143 : memref<40x128xi32, #tpu.memory_space<hbm>>) target(%arg7 : memref<40x128xi32, #tpu.memory_space<vmem>>) target_semaphore(%run_scoped3A : memref<!tpu.dma_semaphore, #tpu.memory_space<semaphore_mem>>)
      %dma_wait3A_144 = arith.constant 0 : i32
      %dma_wait3A_145 = tpu.memref_slice %arg4[%add3A_63, %dma_wait3A_144] : memref<1280x128xi32, #tpu.memory_space<hbm>> -> memref<40x128xi32, #tpu.memory_space<hbm>>
      %dma_wait3A_146 = arith.constant 0 : i32
      %dma_wait3A_147 = tpu.memref_slice %arg4[%add3A_63, %dma_wait3A_146] : memref<1280x128xi32, #tpu.memory_space<hbm>> -> memref<40x128xi32, #tpu.memory_space<hbm>>
      tpu.wait_dma2 semaphore(%run_scoped3A : memref<!tpu.dma_semaphore, #tpu.memory_space<semaphore_mem>>) src(%dma_wait3A_147 : memref<40x128xi32, #tpu.memory_space<hbm>>) dst(%arg7 : memref<40x128xi32, #tpu.memory_space<vmem>>)
      tpu.yield
    }) : () -> ()
    %scan3A_64 = arith.constant 0 : i32
    %scan3A_65 = arith.constant 0 : i32
    %scan3A_66 = arith.constant 40 : i32
    %scan3A_67 = arith.addi %scan3A_65, %scan3A_66 : i32
    %scan3A_68 = arith.constant 1 : i32
    scf.for %scan3A_140 = %scan3A_65 to %scan3A_67 step %scan3A_68  : i32 {
      %get3A = arith.index_cast %scan3A_140 : i32 to index
      %get3A_141 = arith.constant 0 : index
      %get3A_142 = tpu.vector_load %arg6[%get3A, %get3A_141] {strides = array<i32>} : memref<40x128xi32, #tpu.memory_space<vmem>>, vector<1x16xi32>,
      %get3A_143 = vector.shape_cast %get3A_142 : vector<1x16xi32> to vector<16xi32>
      %add3A_144 = vector.broadcast %mul3A_17 : i32 to vector<16xi32>
      %add3A_145 = arith.addi %get3A_143, %add3A_144 : vector<16xi32>
      %swap3A = arith.index_cast %scan3A_140 : i32 to index
      %swap3A_146 = arith.constant 0 : index
      %swap3A_147 = tpu.vector_load %arg6[%swap3A, %swap3A_146] {strides = array<i32>} : memref<40x128xi32, #tpu.memory_space<vmem>>, vector<1x16xi32>,
      %swap3A_148 = vector.shape_cast %swap3A_147 : vector<1x16xi32> to vector<16xi32>
      %swap3A_149 = vector.shape_cast %add3A_145 : vector<16xi32> to vector<1x16xi32>
      tpu.vector_store %arg6[%swap3A, %swap3A_146], %swap3A_149 {strides = array<i32>} : memref<40x128xi32, #tpu.memory_space<vmem>>, vector<1x16xi32>,
      %get3A_150 = arith.index_cast %scan3A_140 : i32 to index
      %get3A_151 = arith.constant 16 : index
      %get3A_152 = tpu.vector_load %arg6[%get3A_150, %get3A_151] {strides = array<i32>} : memref<40x128xi32, #tpu.memory_space<vmem>>, vector<1x16xi32>,
      %get3A_153 = vector.shape_cast %get3A_152 : vector<1x16xi32> to vector<16xi32>
      %add3A_154 = vector.broadcast %mul3A_17 : i32 to vector<16xi32>
      %add3A_155 = arith.addi %get3A_153, %add3A_154 : vector<16xi32>
      %swap3A_156 = arith.index_cast %scan3A_140 : i32 to index
      %swap3A_157 = arith.constant 16 : index
      %swap3A_158 = tpu.vector_load %arg6[%swap3A_156, %swap3A_157] {strides = array<i32>} : memref<40x128xi32, #tpu.memory_space<vmem>>, vector<1x16xi32>,
      %swap3A_159 = vector.shape_cast %swap3A_158 : vector<1x16xi32> to vector<16xi32>
      %swap3A_160 = vector.shape_cast %add3A_155 : vector<16xi32> to vector<1x16xi32>
      tpu.vector_store %arg6[%swap3A_156, %swap3A_157], %swap3A_160 {strides = array<i32>} : memref<40x128xi32, #tpu.memory_space<vmem>>, vector<1x16xi32>,
      %get3A_161 = arith.index_cast %scan3A_140 : i32 to index
      %get3A_162 = arith.constant 32 : index
      %get3A_163 = tpu.vector_load %arg6[%get3A_161, %get3A_162] {strides = array<i32>} : memref<40x128xi32, #tpu.memory_space<vmem>>, vector<1x16xi32>,
      %get3A_164 = vector.shape_cast %get3A_163 : vector<1x16xi32> to vector<16xi32>
      %add3A_165 = vector.broadcast %mul3A_17 : i32 to vector<16xi32>
      %add3A_166 = arith.addi %get3A_164, %add3A_165 : vector<16xi32>
      %swap3A_167 = arith.index_cast %scan3A_140 : i32 to index
      %swap3A_168 = arith.constant 32 : index
      %swap3A_169 = tpu.vector_load %arg6[%swap3A_167, %swap3A_168] {strides = array<i32>} : memref<40x128xi32, #tpu.memory_space<vmem>>, vector<1x16xi32>,
      %swap3A_170 = vector.shape_cast %swap3A_169 : vector<1x16xi32> to vector<16xi32>
      %swap3A_171 = vector.shape_cast %add3A_166 : vector<16xi32> to vector<1x16xi32>
      tpu.vector_store %arg6[%swap3A_167, %swap3A_168], %swap3A_171 {strides = array<i32>} : memref<40x128xi32, #tpu.memory_space<vmem>>, vector<1x16xi32>,
      %get3A_172 = arith.index_cast %scan3A_140 : i32 to index
      %get3A_173 = arith.constant 48 : index
      %get3A_174 = tpu.vector_load %arg6[%get3A_172, %get3A_173] {strides = array<i32>} : memref<40x128xi32, #tpu.memory_space<vmem>>, vector<1x16xi32>,
      %get3A_175 = vector.shape_cast %get3A_174 : vector<1x16xi32> to vector<16xi32>
      %add3A_176 = vector.broadcast %mul3A_17 : i32 to vector<16xi32>
      %add3A_177 = arith.addi %get3A_175, %add3A_176 : vector<16xi32>
      %swap3A_178 = arith.index_cast %scan3A_140 : i32 to index
      %swap3A_179 = arith.constant 48 : index
      %swap3A_180 = tpu.vector_load %arg6[%swap3A_178, %swap3A_179] {strides = array<i32>} : memref<40x128xi32, #tpu.memory_space<vmem>>, vector<1x16xi32>,
      %swap3A_181 = vector.shape_cast %swap3A_180 : vector<1x16xi32> to vector<16xi32>
      %swap3A_182 = vector.shape_cast %add3A_177 : vector<16xi32> to vector<1x16xi32>
      tpu.vector_store %arg6[%swap3A_178, %swap3A_179], %swap3A_182 {strides = array<i32>} : memref<40x128xi32, #tpu.memory_space<vmem>>, vector<1x16xi32>,
      %get3A_183 = arith.index_cast %scan3A_140 : i32 to index
      %get3A_184 = arith.constant 64 : index
      %get3A_185 = tpu.vector_load %arg6[%get3A_183, %get3A_184] {strides = array<i32>} : memref<40x128xi32, #tpu.memory_space<vmem>>, vector<1x16xi32>,
      %get3A_186 = vector.shape_cast %get3A_185 : vector<1x16xi32> to vector<16xi32>
      %add3A_187 = vector.broadcast %mul3A_17 : i32 to vector<16xi32>
      %add3A_188 = arith.addi %get3A_186, %add3A_187 : vector<16xi32>
      %swap3A_189 = arith.index_cast %scan3A_140 : i32 to index
      %swap3A_190 = arith.constant 64 : index
      %swap3A_191 = tpu.vector_load %arg6[%swap3A_189, %swap3A_190] {strides = array<i32>} : memref<40x128xi32, #tpu.memory_space<vmem>>, vector<1x16xi32>,
      %swap3A_192 = vector.shape_cast %swap3A_191 : vector<1x16xi32> to vector<16xi32>
      %swap3A_193 = vector.shape_cast %add3A_188 : vector<16xi32> to vector<1x16xi32>
      tpu.vector_store %arg6[%swap3A_189, %swap3A_190], %swap3A_193 {strides = array<i32>} : memref<40x128xi32, #tpu.memory_space<vmem>>, vector<1x16xi32>,
      %get3A_194 = arith.index_cast %scan3A_140 : i32 to index
      %get3A_195 = arith.constant 80 : index
      %get3A_196 = tpu.vector_load %arg6[%get3A_194, %get3A_195] {strides = array<i32>} : memref<40x128xi32, #tpu.memory_space<vmem>>, vector<1x16xi32>,
      %get3A_197 = vector.shape_cast %get3A_196 : vector<1x16xi32> to vector<16xi32>
      %add3A_198 = vector.broadcast %mul3A_17 : i32 to vector<16xi32>
      %add3A_199 = arith.addi %get3A_197, %add3A_198 : vector<16xi32>
      %swap3A_200 = arith.index_cast %scan3A_140 : i32 to index
      %swap3A_201 = arith.constant 80 : index
      %swap3A_202 = tpu.vector_load %arg6[%swap3A_200, %swap3A_201] {strides = array<i32>} : memref<40x128xi32, #tpu.memory_space<vmem>>, vector<1x16xi32>,
      %swap3A_203 = vector.shape_cast %swap3A_202 : vector<1x16xi32> to vector<16xi32>
      %swap3A_204 = vector.shape_cast %add3A_199 : vector<16xi32> to vector<1x16xi32>
      tpu.vector_store %arg6[%swap3A_200, %swap3A_201], %swap3A_204 {strides = array<i32>} : memref<40x128xi32, #tpu.memory_space<vmem>>, vector<1x16xi32>,
      %get3A_205 = arith.index_cast %scan3A_140 : i32 to index
      %get3A_206 = arith.constant 96 : index
      %get3A_207 = tpu.vector_load %arg6[%get3A_205, %get3A_206] {strides = array<i32>} : memref<40x128xi32, #tpu.memory_space<vmem>>, vector<1x16xi32>,
      %get3A_208 = vector.shape_cast %get3A_207 : vector<1x16xi32> to vector<16xi32>
      %add3A_209 = vector.broadcast %mul3A_17 : i32 to vector<16xi32>
      %add3A_210 = arith.addi %get3A_208, %add3A_209 : vector<16xi32>
      %swap3A_211 = arith.index_cast %scan3A_140 : i32 to index
      %swap3A_212 = arith.constant 96 : index
      %swap3A_213 = tpu.vector_load %arg6[%swap3A_211, %swap3A_212] {strides = array<i32>} : memref<40x128xi32, #tpu.memory_space<vmem>>, vector<1x16xi32>,
      %swap3A_214 = vector.shape_cast %swap3A_213 : vector<1x16xi32> to vector<16xi32>
      %swap3A_215 = vector.shape_cast %add3A_210 : vector<16xi32> to vector<1x16xi32>
      tpu.vector_store %arg6[%swap3A_211, %swap3A_212], %swap3A_215 {strides = array<i32>} : memref<40x128xi32, #tpu.memory_space<vmem>>, vector<1x16xi32>,
      %get3A_216 = arith.index_cast %scan3A_140 : i32 to index
      %get3A_217 = arith.constant 112 : index
      %get3A_218 = tpu.vector_load %arg6[%get3A_216, %get3A_217] {strides = array<i32>} : memref<40x128xi32, #tpu.memory_space<vmem>>, vector<1x16xi32>,
      %get3A_219 = vector.shape_cast %get3A_218 : vector<1x16xi32> to vector<16xi32>
      %add3A_220 = vector.broadcast %mul3A_17 : i32 to vector<16xi32>
      %add3A_221 = arith.addi %get3A_219, %add3A_220 : vector<16xi32>
      %swap3A_222 = arith.index_cast %scan3A_140 : i32 to index
      %swap3A_223 = arith.constant 112 : index
      %swap3A_224 = tpu.vector_load %arg6[%swap3A_222, %swap3A_223] {strides = array<i32>} : memref<40x128xi32, #tpu.memory_space<vmem>>, vector<1x16xi32>,
      %swap3A_225 = vector.shape_cast %swap3A_224 : vector<1x16xi32> to vector<16xi32>
      %swap3A_226 = vector.shape_cast %add3A_221 : vector<16xi32> to vector<1x16xi32>
      tpu.vector_store %arg6[%swap3A_222, %swap3A_223], %swap3A_226 {strides = array<i32>} : memref<40x128xi32, #tpu.memory_space<vmem>>, vector<1x16xi32>,
    }
    %scan3A_69 = arith.constant 40 : i32
    %dma_start3A_70 = arith.constant 0 : i32
    %dma_start3A_71 = arith.constant 0 : i32
    %dma_start3A_72 = tpu.memref_slice %arg6[%dma_start3A_70, %dma_start3A_71] : memref<40x128xi32, #tpu.memory_space<vmem>> -> memref<1x128xi32, #tpu.memory_space<vmem>>
    %dma_start3A_73 = tpu.memref_squeeze %dma_start3A_72 : memref<1x128xi32, #tpu.memory_space<vmem>> -> memref<128xi32, #tpu.memory_space<vmem>>
    %dma_start3A_74 = arith.constant 0 : i32
    %dma_start3A_75 = arith.constant 0 : i32
    %dma_start3A_76 = tpu.memref_slice %arg2[%dma_start3A_74, %dma_start3A_75] : memref<20000x128xf32, #tpu.memory_space<hbm>> -> memref<20000x128xf32, #tpu.memory_space<hbm>>
    tpu.enqueue_indirect_dma source(%dma_start3A_76 : memref<20000x128xf32, #tpu.memory_space<hbm>>) target(%arg8 : memref<128x128xf32, #tpu.memory_space<vmem>>) offsets(%dma_start3A_73 : memref<128xi32, #tpu.memory_space<vmem>>) semaphore(%arg11 : memref<!tpu.dma_semaphore, #tpu.memory_space<semaphore_mem>>)
    %dma_start3A_77 = arith.constant 1 : i32
    %dma_start3A_78 = arith.constant 0 : i32
    %dma_start3A_79 = tpu.memref_slice %arg6[%dma_start3A_77, %dma_start3A_78] : memref<40x128xi32, #tpu.memory_space<vmem>> -> memref<1x128xi32, #tpu.memory_space<vmem>>
    %dma_start3A_80 = tpu.memref_squeeze %dma_start3A_79 : memref<1x128xi32, #tpu.memory_space<vmem>> -> memref<128xi32, #tpu.memory_space<vmem>>
    %dma_start3A_81 = arith.constant 0 : i32
    %dma_start3A_82 = arith.constant 0 : i32
    %dma_start3A_83 = tpu.memref_slice %arg2[%dma_start3A_81, %dma_start3A_82] : memref<20000x128xf32, #tpu.memory_space<hbm>> -> memref<20000x128xf32, #tpu.memory_space<hbm>>
    tpu.enqueue_indirect_dma source(%dma_start3A_83 : memref<20000x128xf32, #tpu.memory_space<hbm>>) target(%arg9 : memref<128x128xf32, #tpu.memory_space<vmem>>) offsets(%dma_start3A_80 : memref<128xi32, #tpu.memory_space<vmem>>) semaphore(%arg12 : memref<!tpu.dma_semaphore, #tpu.memory_space<semaphore_mem>>)
    %scan3A_84 = arith.constant 0 : i32
    %scan3A_85 = arith.constant 0 : i32
    %scan3A_86 = arith.constant 20 : i32
    %scan3A_87 = arith.addi %scan3A_85, %scan3A_86 : i32
    %scan3A_88 = arith.constant 1 : i32
    scf.for %scan3A_140 = %scan3A_85 to %scan3A_87 step %scan3A_88  : i32 {
      %mul3A_141 = arith.constant 2 : i32
      %mul3A_142 = arith.muli %mul3A_141, %scan3A_140 : i32
      %add3A_143 = arith.constant 0 : i32
      %add3A_144 = arith.addi %mul3A_142, %add3A_143 : i32
      %dma_wait3A_145 = arith.constant 0 : i32
      %dma_wait3A_146 = tpu.memref_slice %arg6[%add3A_144, %dma_wait3A_145] : memref<40x128xi32, #tpu.memory_space<vmem>> -> memref<1x128xi32, #tpu.memory_space<vmem>>
      %dma_wait3A_147 = tpu.memref_squeeze %dma_wait3A_146 : memref<1x128xi32, #tpu.memory_space<vmem>> -> memref<128xi32, #tpu.memory_space<vmem>>
      %dma_wait3A_148 = arith.constant 0 : i32
      %dma_wait3A_149 = arith.constant 0 : i32
      %dma_wait3A_150 = tpu.memref_slice %arg2[%dma_wait3A_148, %dma_wait3A_149] : memref<20000x128xf32, #tpu.memory_space<hbm>> -> memref<20000x128xf32, #tpu.memory_space<hbm>>
      tpu.wait_indirect_dma semaphore(%arg11 : memref<!tpu.dma_semaphore, #tpu.memory_space<semaphore_mem>>) src(%dma_wait3A_150 : memref<20000x128xf32, #tpu.memory_space<hbm>>) dst(%arg8 : memref<128x128xf32, #tpu.memory_space<vmem>>)
      %dma_start3A_151 = arith.constant 0 : i32
      %dma_start3A_152 = tpu.memref_slice %arg7[%add3A_144, %dma_start3A_151] : memref<40x128xi32, #tpu.memory_space<vmem>> -> memref<1x128xi32, #tpu.memory_space<vmem>>
      %dma_start3A_153 = tpu.memref_squeeze %dma_start3A_152 : memref<1x128xi32, #tpu.memory_space<vmem>> -> memref<128xi32, #tpu.memory_space<vmem>>
      %dma_start3A_154 = arith.constant 0 : i32
      %dma_start3A_155 = arith.constant 0 : i32
      %dma_start3A_156 = tpu.memref_slice %arg10[%dma_start3A_154, %dma_start3A_155] : memref<10240x128xf32, #tpu.memory_space<vmem_shared>> -> memref<10240x128xf32, #tpu.memory_space<vmem_shared>>
      tpu.enqueue_indirect_dma source(%arg8 : memref<128x128xf32, #tpu.memory_space<vmem>>) target(%dma_start3A_156 : memref<10240x128xf32, #tpu.memory_space<vmem_shared>>) offsets(%dma_start3A_153 : memref<128xi32, #tpu.memory_space<vmem>>) semaphore(%arg13 : memref<!tpu.dma_semaphore, #tpu.memory_space<semaphore_mem>>) {add = true}
      %add3A_157 = arith.constant 2 : i32
      %add3A_158 = arith.addi %add3A_144, %add3A_157 : i32
      %lt3A = arith.constant 40 : i32
      %lt3A_159 = arith.cmpi slt, %add3A_158, %lt3A : i32
      %convert_element_type3A = arith.extui %lt3A_159 : i1 to i32
      %cond3A = arith.constant 0 : i32
      %cond3A_160 = arith.cmpi ne, %convert_element_type3A, %cond3A : i32
      scf.if %cond3A_160 {
        %dma_wait3A_184 = arith.constant 0 : i32
        %dma_wait3A_185 = tpu.memref_slice %arg7[%add3A_144, %dma_wait3A_184] : memref<40x128xi32, #tpu.memory_space<vmem>> -> memref<1x128xi32, #tpu.memory_space<vmem>>
        %dma_wait3A_186 = tpu.memref_squeeze %dma_wait3A_185 : memref<1x128xi32, #tpu.memory_space<vmem>> -> memref<128xi32, #tpu.memory_space<vmem>>
        %dma_wait3A_187 = arith.constant 0 : i32
        %dma_wait3A_188 = arith.constant 0 : i32
        %dma_wait3A_189 = tpu.memref_slice %arg10[%dma_wait3A_187, %dma_wait3A_188] : memref<10240x128xf32, #tpu.memory_space<vmem_shared>> -> memref<10240x128xf32, #tpu.memory_space<vmem_shared>>
        tpu.wait_indirect_dma semaphore(%arg13 : memref<!tpu.dma_semaphore, #tpu.memory_space<semaphore_mem>>) src(%arg8 : memref<128x128xf32, #tpu.memory_space<vmem>>) dst(%dma_wait3A_189 : memref<10240x128xf32, #tpu.memory_space<vmem_shared>>)
        %add3A_190 = arith.constant 2 : i32
        %add3A_191 = arith.addi %add3A_144, %add3A_190 : i32
        %dma_start3A_192 = arith.constant 0 : i32
        %dma_start3A_193 = tpu.memref_slice %arg6[%add3A_191, %dma_start3A_192] : memref<40x128xi32, #tpu.memory_space<vmem>> -> memref<1x128xi32, #tpu.memory_space<vmem>>
        %dma_start3A_194 = tpu.memref_squeeze %dma_start3A_193 : memref<1x128xi32, #tpu.memory_space<vmem>> -> memref<128xi32, #tpu.memory_space<vmem>>
        %dma_start3A_195 = arith.constant 0 : i32
        %dma_start3A_196 = arith.constant 0 : i32
        %dma_start3A_197 = tpu.memref_slice %arg2[%dma_start3A_195, %dma_start3A_196] : memref<20000x128xf32, #tpu.memory_space<hbm>> -> memref<20000x128xf32, #tpu.memory_space<hbm>>
        tpu.enqueue_indirect_dma source(%dma_start3A_197 : memref<20000x128xf32, #tpu.memory_space<hbm>>) target(%arg8 : memref<128x128xf32, #tpu.memory_space<vmem>>) offsets(%dma_start3A_194 : memref<128xi32, #tpu.memory_space<vmem>>) semaphore(%arg11 : memref<!tpu.dma_semaphore, #tpu.memory_space<semaphore_mem>>)
      } else {
      }
      %mul3A_161 = arith.constant 2 : i32
      %mul3A_162 = arith.muli %mul3A_161, %scan3A_140 : i32
      %add3A_163 = arith.constant 1 : i32
      %add3A_164 = arith.addi %mul3A_162, %add3A_163 : i32
      %dma_wait3A_165 = arith.constant 0 : i32
      %dma_wait3A_166 = tpu.memref_slice %arg6[%add3A_164, %dma_wait3A_165] : memref<40x128xi32, #tpu.memory_space<vmem>> -> memref<1x128xi32, #tpu.memory_space<vmem>>
      %dma_wait3A_167 = tpu.memref_squeeze %dma_wait3A_166 : memref<1x128xi32, #tpu.memory_space<vmem>> -> memref<128xi32, #tpu.memory_space<vmem>>
      %dma_wait3A_168 = arith.constant 0 : i32
      %dma_wait3A_169 = arith.constant 0 : i32
      %dma_wait3A_170 = tpu.memref_slice %arg2[%dma_wait3A_168, %dma_wait3A_169] : memref<20000x128xf32, #tpu.memory_space<hbm>> -> memref<20000x128xf32, #tpu.memory_space<hbm>>
      tpu.wait_indirect_dma semaphore(%arg12 : memref<!tpu.dma_semaphore, #tpu.memory_space<semaphore_mem>>) src(%dma_wait3A_170 : memref<20000x128xf32, #tpu.memory_space<hbm>>) dst(%arg9 : memref<128x128xf32, #tpu.memory_space<vmem>>)
      %dma_start3A_171 = arith.constant 0 : i32
      %dma_start3A_172 = tpu.memref_slice %arg7[%add3A_164, %dma_start3A_171] : memref<40x128xi32, #tpu.memory_space<vmem>> -> memref<1x128xi32, #tpu.memory_space<vmem>>
      %dma_start3A_173 = tpu.memref_squeeze %dma_start3A_172 : memref<1x128xi32, #tpu.memory_space<vmem>> -> memref<128xi32, #tpu.memory_space<vmem>>
      %dma_start3A_174 = arith.constant 0 : i32
      %dma_start3A_175 = arith.constant 0 : i32
      %dma_start3A_176 = tpu.memref_slice %arg10[%dma_start3A_174, %dma_start3A_175] : memref<10240x128xf32, #tpu.memory_space<vmem_shared>> -> memref<10240x128xf32, #tpu.memory_space<vmem_shared>>
      tpu.enqueue_indirect_dma source(%arg9 : memref<128x128xf32, #tpu.memory_space<vmem>>) target(%dma_start3A_176 : memref<10240x128xf32, #tpu.memory_space<vmem_shared>>) offsets(%dma_start3A_173 : memref<128xi32, #tpu.memory_space<vmem>>) semaphore(%arg14 : memref<!tpu.dma_semaphore, #tpu.memory_space<semaphore_mem>>) {add = true}
      %add3A_177 = arith.constant 2 : i32
      %add3A_178 = arith.addi %add3A_164, %add3A_177 : i32
      %lt3A_179 = arith.constant 40 : i32
      %lt3A_180 = arith.cmpi slt, %add3A_178, %lt3A_179 : i32
      %convert_element_type3A_181 = arith.extui %lt3A_180 : i1 to i32
      %cond3A_182 = arith.constant 0 : i32
      %cond3A_183 = arith.cmpi ne, %convert_element_type3A_181, %cond3A_182 : i32
      scf.if %cond3A_183 {
        %dma_wait3A_184 = arith.constant 0 : i32
        %dma_wait3A_185 = tpu.memref_slice %arg7[%add3A_164, %dma_wait3A_184] : memref<40x128xi32, #tpu.memory_space<vmem>> -> memref<1x128xi32, #tpu.memory_space<vmem>>
        %dma_wait3A_186 = tpu.memref_squeeze %dma_wait3A_185 : memref<1x128xi32, #tpu.memory_space<vmem>> -> memref<128xi32, #tpu.memory_space<vmem>>
        %dma_wait3A_187 = arith.constant 0 : i32
        %dma_wait3A_188 = arith.constant 0 : i32
        %dma_wait3A_189 = tpu.memref_slice %arg10[%dma_wait3A_187, %dma_wait3A_188] : memref<10240x128xf32, #tpu.memory_space<vmem_shared>> -> memref<10240x128xf32, #tpu.memory_space<vmem_shared>>
        tpu.wait_indirect_dma semaphore(%arg14 : memref<!tpu.dma_semaphore, #tpu.memory_space<semaphore_mem>>) src(%arg9 : memref<128x128xf32, #tpu.memory_space<vmem>>) dst(%dma_wait3A_189 : memref<10240x128xf32, #tpu.memory_space<vmem_shared>>)
        %add3A_190 = arith.constant 2 : i32
        %add3A_191 = arith.addi %add3A_164, %add3A_190 : i32
        %dma_start3A_192 = arith.constant 0 : i32
        %dma_start3A_193 = tpu.memref_slice %arg6[%add3A_191, %dma_start3A_192] : memref<40x128xi32, #tpu.memory_space<vmem>> -> memref<1x128xi32, #tpu.memory_space<vmem>>
        %dma_start3A_194 = tpu.memref_squeeze %dma_start3A_193 : memref<1x128xi32, #tpu.memory_space<vmem>> -> memref<128xi32, #tpu.memory_space<vmem>>
        %dma_start3A_195 = arith.constant 0 : i32
        %dma_start3A_196 = arith.constant 0 : i32
        %dma_start3A_197 = tpu.memref_slice %arg2[%dma_start3A_195, %dma_start3A_196] : memref<20000x128xf32, #tpu.memory_space<hbm>> -> memref<20000x128xf32, #tpu.memory_space<hbm>>
        tpu.enqueue_indirect_dma source(%dma_start3A_197 : memref<20000x128xf32, #tpu.memory_space<hbm>>) target(%arg9 : memref<128x128xf32, #tpu.memory_space<vmem>>) offsets(%dma_start3A_194 : memref<128xi32, #tpu.memory_space<vmem>>) semaphore(%arg12 : memref<!tpu.dma_semaphore, #tpu.memory_space<semaphore_mem>>)
      } else {
      }
    }
    %scan3A_89 = arith.constant 20 : i32
    %dma_wait3A_90 = arith.constant 0 : i32
    %dma_wait3A_91 = arith.constant 0 : i32
    %dma_wait3A_92 = tpu.memref_slice %arg7[%dma_wait3A_90, %dma_wait3A_91] : memref<40x128xi32, #tpu.memory_space<vmem>> -> memref<1x128xi32, #tpu.memory_space<vmem>>
    %dma_wait3A_93 = tpu.memref_squeeze %dma_wait3A_92 : memref<1x128xi32, #tpu.memory_space<vmem>> -> memref<128xi32, #tpu.memory_space<vmem>>
    %dma_wait3A_94 = arith.constant 0 : i32
    %dma_wait3A_95 = arith.constant 0 : i32
    %dma_wait3A_96 = tpu.memref_slice %arg10[%dma_wait3A_94, %dma_wait3A_95] : memref<10240x128xf32, #tpu.memory_space<vmem_shared>> -> memref<10240x128xf32, #tpu.memory_space<vmem_shared>>
    tpu.wait_indirect_dma semaphore(%arg13 : memref<!tpu.dma_semaphore, #tpu.memory_space<semaphore_mem>>) src(%arg8 : memref<128x128xf32, #tpu.memory_space<vmem>>) dst(%dma_wait3A_96 : memref<10240x128xf32, #tpu.memory_space<vmem_shared>>)
    %dma_wait3A_97 = arith.constant 0 : i32
    %dma_wait3A_98 = arith.constant 0 : i32
    %dma_wait3A_99 = tpu.memref_slice %arg7[%dma_wait3A_97, %dma_wait3A_98] : memref<40x128xi32, #tpu.memory_space<vmem>> -> memref<1x128xi32, #tpu.memory_space<vmem>>
    %dma_wait3A_100 = tpu.memref_squeeze %dma_wait3A_99 : memref<1x128xi32, #tpu.memory_space<vmem>> -> memref<128xi32, #tpu.memory_space<vmem>>
    %dma_wait3A_101 = arith.constant 0 : i32
    %dma_wait3A_102 = arith.constant 0 : i32
    %dma_wait3A_103 = tpu.memref_slice %arg10[%dma_wait3A_101, %dma_wait3A_102] : memref<10240x128xf32, #tpu.memory_space<vmem_shared>> -> memref<10240x128xf32, #tpu.memory_space<vmem_shared>>
    tpu.wait_indirect_dma semaphore(%arg14 : memref<!tpu.dma_semaphore, #tpu.memory_space<semaphore_mem>>) src(%arg9 : memref<128x128xf32, #tpu.memory_space<vmem>>) dst(%dma_wait3A_103 : memref<10240x128xf32, #tpu.memory_space<vmem_shared>>)
    %barrier3A_104 = arith.constant 0 : index
    tpu.barrier barrier_id(%barrier3A_104)
    %add3A_105 = arith.constant 0 : i32
    %add3A_106 = arith.addi %mul3A_6, %add3A_105 : i32
    %mul3A_107 = arith.constant 10240 : i32
    %mul3A_108 = arith.muli %arg0, %mul3A_107 : i32
    %add3A_109 = arith.addi %mul3A_108, %mul3A_6 : i32
    %add3A_110 = arith.constant 0 : i32
    %add3A_111 = arith.addi %add3A_109, %add3A_110 : i32
    "tpu.region"() ({
      %run_scoped3A = tpu.sem_alloc : memref<!tpu.dma_semaphore, #tpu.memory_space<semaphore_mem>>
      %dma_start3A_140 = arith.constant 0 : i32
      %dma_start3A_141 = tpu.memref_slice %arg5[%add3A_111, %dma_start3A_140] : memref<20480x128xf32, #tpu.memory_space<hbm>> -> memref<128x128xf32, #tpu.memory_space<hbm>>
      %dma_start3A_142 = arith.constant 0 : i32
      %dma_start3A_143 = tpu.memref_slice %arg10[%add3A_106, %dma_start3A_142] : memref<10240x128xf32, #tpu.memory_space<vmem_shared>> -> memref<128x128xf32, #tpu.memory_space<vmem_shared>>
      tpu.enqueue_dma source(%dma_start3A_143 : memref<128x128xf32, #tpu.memory_space<vmem_shared>>) target(%dma_start3A_141 : memref<128x128xf32, #tpu.memory_space<hbm>>) target_semaphore(%run_scoped3A : memref<!tpu.dma_semaphore, #tpu.memory_space<semaphore_mem>>)
      %dma_wait3A_144 = arith.constant 0 : i32
      %dma_wait3A_145 = tpu.memref_slice %arg5[%add3A_111, %dma_wait3A_144] : memref<20480x128xf32, #tpu.memory_space<hbm>> -> memref<128x128xf32, #tpu.memory_space<hbm>>
      %dma_wait3A_146 = arith.constant 0 : i32
      %dma_wait3A_147 = tpu.memref_slice %arg10[%add3A_106, %dma_wait3A_146] : memref<10240x128xf32, #tpu.memory_space<vmem_shared>> -> memref<128x128xf32, #tpu.memory_space<vmem_shared>>
      tpu.wait_dma2 semaphore(%run_scoped3A : memref<!tpu.dma_semaphore, #tpu.memory_space<semaphore_mem>>) src(%dma_wait3A_147 : memref<128x128xf32, #tpu.memory_space<vmem_shared>>) dst(%dma_wait3A_145 : memref<128x128xf32, #tpu.memory_space<hbm>>)
      tpu.yield
    }) : () -> ()
    %add3A_112 = arith.constant 128 : i32
    %add3A_113 = arith.addi %mul3A_6, %add3A_112 : i32
    %mul3A_114 = arith.constant 10240 : i32
    %mul3A_115 = arith.muli %arg0, %mul3A_114 : i32
    %add3A_116 = arith.addi %mul3A_115, %mul3A_6 : i32
    %add3A_117 = arith.constant 128 : i32
    %add3A_118 = arith.addi %add3A_116, %add3A_117 : i32
    "tpu.region"() ({
      %run_scoped3A = tpu.sem_alloc : memref<!tpu.dma_semaphore, #tpu.memory_space<semaphore_mem>>
      %dma_start3A_140 = arith.constant 0 : i32
      %dma_start3A_141 = tpu.memref_slice %arg5[%add3A_118, %dma_start3A_140] : memref<20480x128xf32, #tpu.memory_space<hbm>> -> memref<128x128xf32, #tpu.memory_space<hbm>>
      %dma_start3A_142 = arith.constant 0 : i32
      %dma_start3A_143 = tpu.memref_slice %arg10[%add3A_113, %dma_start3A_142] : memref<10240x128xf32, #tpu.memory_space<vmem_shared>> -> memref<128x128xf32, #tpu.memory_space<vmem_shared>>
      tpu.enqueue_dma source(%dma_start3A_143 : memref<128x128xf32, #tpu.memory_space<vmem_shared>>) target(%dma_start3A_141 : memref<128x128xf32, #tpu.memory_space<hbm>>) target_semaphore(%run_scoped3A : memref<!tpu.dma_semaphore, #tpu.memory_space<semaphore_mem>>)
      %dma_wait3A_144 = arith.constant 0 : i32
      %dma_wait3A_145 = tpu.memref_slice %arg5[%add3A_118, %dma_wait3A_144] : memref<20480x128xf32, #tpu.memory_space<hbm>> -> memref<128x128xf32, #tpu.memory_space<hbm>>
      %dma_wait3A_146 = arith.constant 0 : i32
      %dma_wait3A_147 = tpu.memref_slice %arg10[%add3A_113, %dma_wait3A_146] : memref<10240x128xf32, #tpu.memory_space<vmem_shared>> -> memref<128x128xf32, #tpu.memory_space<vmem_shared>>
      tpu.wait_dma2 semaphore(%run_scoped3A : memref<!tpu.dma_semaphore, #tpu.memory_space<semaphore_mem>>) src(%dma_wait3A_147 : memref<128x128xf32, #tpu.memory_space<vmem_shared>>) dst(%dma_wait3A_145 : memref<128x128xf32, #tpu.memory_space<hbm>>)
      tpu.yield
    }) : () -> ()
    %add3A_119 = arith.constant 256 : i32
    %add3A_120 = arith.addi %mul3A_6, %add3A_119 : i32
    %mul3A_121 = arith.constant 10240 : i32
    %mul3A_122 = arith.muli %arg0, %mul3A_121 : i32
    %add3A_123 = arith.addi %mul3A_122, %mul3A_6 : i32
    %add3A_124 = arith.constant 256 : i32
    %add3A_125 = arith.addi %add3A_123, %add3A_124 : i32
    "tpu.region"() ({
      %run_scoped3A = tpu.sem_alloc : memref<!tpu.dma_semaphore, #tpu.memory_space<semaphore_mem>>
      %dma_start3A_140 = arith.constant 0 : i32
      %dma_start3A_141 = tpu.memref_slice %arg5[%add3A_125, %dma_start3A_140] : memref<20480x128xf32, #tpu.memory_space<hbm>> -> memref<128x128xf32, #tpu.memory_space<hbm>>
      %dma_start3A_142 = arith.constant 0 : i32
      %dma_start3A_143 = tpu.memref_slice %arg10[%add3A_120, %dma_start3A_142] : memref<10240x128xf32, #tpu.memory_space<vmem_shared>> -> memref<128x128xf32, #tpu.memory_space<vmem_shared>>
      tpu.enqueue_dma source(%dma_start3A_143 : memref<128x128xf32, #tpu.memory_space<vmem_shared>>) target(%dma_start3A_141 : memref<128x128xf32, #tpu.memory_space<hbm>>) target_semaphore(%run_scoped3A : memref<!tpu.dma_semaphore, #tpu.memory_space<semaphore_mem>>)
      %dma_wait3A_144 = arith.constant 0 : i32
      %dma_wait3A_145 = tpu.memref_slice %arg5[%add3A_125, %dma_wait3A_144] : memref<20480x128xf32, #tpu.memory_space<hbm>> -> memref<128x128xf32, #tpu.memory_space<hbm>>
      %dma_wait3A_146 = arith.constant 0 : i32
      %dma_wait3A_147 = tpu.memref_slice %arg10[%add3A_120, %dma_wait3A_146] : memref<10240x128xf32, #tpu.memory_space<vmem_shared>> -> memref<128x128xf32, #tpu.memory_space<vmem_shared>>
      tpu.wait_dma2 semaphore(%run_scoped3A : memref<!tpu.dma_semaphore, #tpu.memory_space<semaphore_mem>>) src(%dma_wait3A_147 : memref<128x128xf32, #tpu.memory_space<vmem_shared>>) dst(%dma_wait3A_145 : memref<128x128xf32, #tpu.memory_space<hbm>>)
      tpu.yield
    }) : () -> ()
    %add3A_126 = arith.constant 384 : i32
    %add3A_127 = arith.addi %mul3A_6, %add3A_126 : i32
    %mul3A_128 = arith.constant 10240 : i32
    %mul3A_129 = arith.muli %arg0, %mul3A_128 : i32
    %add3A_130 = arith.addi %mul3A_129, %mul3A_6 : i32
    %add3A_131 = arith.constant 384 : i32
    %add3A_132 = arith.addi %add3A_130, %add3A_131 : i32
    "tpu.region"() ({
      %run_scoped3A = tpu.sem_alloc : memref<!tpu.dma_semaphore, #tpu.memory_space<semaphore_mem>>
      %dma_start3A_140 = arith.constant 0 : i32
      %dma_start3A_141 = tpu.memref_slice %arg5[%add3A_132, %dma_start3A_140] : memref<20480x128xf32, #tpu.memory_space<hbm>> -> memref<128x128xf32, #tpu.memory_space<hbm>>
      %dma_start3A_142 = arith.constant 0 : i32
      %dma_start3A_143 = tpu.memref_slice %arg10[%add3A_127, %dma_start3A_142] : memref<10240x128xf32, #tpu.memory_space<vmem_shared>> -> memref<128x128xf32, #tpu.memory_space<vmem_shared>>
      tpu.enqueue_dma source(%dma_start3A_143 : memref<128x128xf32, #tpu.memory_space<vmem_shared>>) target(%dma_start3A_141 : memref<128x128xf32, #tpu.memory_space<hbm>>) target_semaphore(%run_scoped3A : memref<!tpu.dma_semaphore, #tpu.memory_space<semaphore_mem>>)
      %dma_wait3A_144 = arith.constant 0 : i32
      %dma_wait3A_145 = tpu.memref_slice %arg5[%add3A_132, %dma_wait3A_144] : memref<20480x128xf32, #tpu.memory_space<hbm>> -> memref<128x128xf32, #tpu.memory_space<hbm>>
      %dma_wait3A_146 = arith.constant 0 : i32
      %dma_wait3A_147 = tpu.memref_slice %arg10[%add3A_127, %dma_wait3A_146] : memref<10240x128xf32, #tpu.memory_space<vmem_shared>> -> memref<128x128xf32, #tpu.memory_space<vmem_shared>>
      tpu.wait_dma2 semaphore(%run_scoped3A : memref<!tpu.dma_semaphore, #tpu.memory_space<semaphore_mem>>) src(%dma_wait3A_147 : memref<128x128xf32, #tpu.memory_space<vmem_shared>>) dst(%dma_wait3A_145 : memref<128x128xf32, #tpu.memory_space<hbm>>)
      tpu.yield
    }) : () -> ()
    %add3A_133 = arith.constant 512 : i32
    %add3A_134 = arith.addi %mul3A_6, %add3A_133 : i32
    %mul3A_135 = arith.constant 10240 : i32
    %mul3A_136 = arith.muli %arg0, %mul3A_135 : i32
    %add3A_137 = arith.addi %mul3A_136, %mul3A_6 : i32
    %add3A_138 = arith.constant 512 : i32
    %add3A_139 = arith.addi %add3A_137, %add3A_138 : i32
    "tpu.region"() ({
      %run_scoped3A = tpu.sem_alloc : memref<!tpu.dma_semaphore, #tpu.memory_space<semaphore_mem>>
      %dma_start3A_140 = arith.constant 0 : i32
      %dma_start3A_141 = tpu.memref_slice %arg5[%add3A_139, %dma_start3A_140] : memref<20480x128xf32, #tpu.memory_space<hbm>> -> memref<128x128xf32, #tpu.memory_space<hbm>>
      %dma_start3A_142 = arith.constant 0 : i32
      %dma_start3A_143 = tpu.memref_slice %arg10[%add3A_134, %dma_start3A_142] : memref<10240x128xf32, #tpu.memory_space<vmem_shared>> -> memref<128x128xf32, #tpu.memory_space<vmem_shared>>
      tpu.enqueue_dma source(%dma_start3A_143 : memref<128x128xf32, #tpu.memory_space<vmem_shared>>) target(%dma_start3A_141 : memref<128x128xf32, #tpu.memory_space<hbm>>) target_semaphore(%run_scoped3A : memref<!tpu.dma_semaphore, #tpu.memory_space<semaphore_mem>>)
      %dma_wait3A_144 = arith.constant 0 : i32
      %dma_wait3A_145 = tpu.memref_slice %arg5[%add3A_139, %dma_wait3A_144] : memref<20480x128xf32, #tpu.memory_space<hbm>> -> memref<128x128xf32, #tpu.memory_space<hbm>>
      %dma_wait3A_146 = arith.constant 0 : i32
      %dma_wait3A_147 = tpu.memref_slice %arg10[%add3A_134, %dma_wait3A_146] : memref<10240x128xf32, #tpu.memory_space<vmem_shared>> -> memref<128x128xf32, #tpu.memory_space<vmem_shared>>
      tpu.wait_dma2 semaphore(%run_scoped3A : memref<!tpu.dma_semaphore, #tpu.memory_space<semaphore_mem>>) src(%dma_wait3A_147 : memref<128x128xf32, #tpu.memory_space<vmem_shared>>) dst(%dma_wait3A_145 : memref<128x128xf32, #tpu.memory_space<hbm>>)
      tpu.yield
    }) : () -> ()
    return
  }
}

#map = affine_map<(d0, d1) -> (0, 0)>
module attributes {stable_mosaic.version = 14 : i64} {
  func.func @_spmm_kernel(%arg0: i32, %arg1: i32, %arg2: memref<20000x128xf32, #tpu.memory_space<hbm>>, %arg3: memref<1280x128xi32, #tpu.memory_space<hbm>>, %arg4: memref<1280x128xi32, #tpu.memory_space<hbm>>, %arg5: memref<20480x128xf32, #tpu.memory_space<hbm>>, %arg6: memref<40x128xi32, #tpu.memory_space<vmem>>, %arg7: memref<40x128xi32, #tpu.memory_space<vmem>>, %arg8: memref<128x128xf32, #tpu.memory_space<vmem>>, %arg9: memref<128x128xf32, #tpu.memory_space<vmem>>, %arg10: memref<10240x128xf32, #tpu.memory_space<vmem_shared>>, %arg11: memref<!tpu.dma_semaphore, #tpu.memory_space<semaphore_mem>>, %arg12: memref<!tpu.dma_semaphore, #tpu.memory_space<semaphore_mem>>, %arg13: memref<!tpu.dma_semaphore, #tpu.memory_space<semaphore_mem>>, %arg14: memref<!tpu.dma_semaphore, #tpu.memory_space<semaphore_mem>>) attributes {dimension_semantics = [#tpu.dimension_semantics<core_parallel>, #tpu.dimension_semantics<subcore_parallel>], iteration_bounds = array<i64: 2, 16>, scalar_prefetch = 0 : i64, scratch_operands = 9 : i64, tpu.core_type = #tpu.core_type<sc_vector_subcore>, window_params = [{transform_indices = #map}, {transform_indices = #map}, {transform_indices = #map}, {transform_indices = #map}]} {
    %broadcast_in_dim3A = arith.constant 0.000000e+00 : f32
    %broadcast_in_dim3A_0 = vector.broadcast %broadcast_in_dim3A : f32 to vector<16xf32>
    %scan3A = arith.constant 0 : i32
    %scan3A_1 = arith.constant 0 : i32
    %scan3A_2 = arith.constant 128 : i32
    %scan3A_3 = arith.addi %scan3A_1, %scan3A_2 : i32
    %scan3A_4 = arith.constant 1 : i32
    scf.for %scan3A_140 = %scan3A_1 to %scan3A_3 step %scan3A_4  : i32 {
      %swap3A = arith.index_cast %scan3A_140 : i32 to index
      %swap3A_141 = arith.constant 0 : index
      %swap3A_142 = tpu.vector_load %arg8[%swap3A, %swap3A_141] {strides = array<i32>} : memref<128x128xf32, #tpu.memory_space<vmem>>, vector<1x16xf32>,
      %swap3A_143 = vector.shape_cast %swap3A_142 : vector<1x16xf32> to vector<16xf32>
      %swap3A_144 = vector.shape_cast %broadcast_in_dim3A_0 : vector<16xf32> to vector<1x16xf32>
      tpu.vector_store %arg8[%swap3A, %swap3A_141], %swap3A_144 {strides = array<i32>} : memref<128x128xf32, #tpu.memory_space<vmem>>, vector<1x16xf32>,
      %swap3A_145 = arith.index_cast %scan3A_140 : i32 to index
      %swap3A_146 = arith.constant 16 : index
      %swap3A_147 = tpu.vector_load %arg8[%swap3A_145, %swap3A_146] {strides = array<i32>} : memref<128x128xf32, #tpu.memory_space<vmem>>, vector<1x16xf32>,
      %swap3A_148 = vector.shape_cast %swap3A_147 : vector<1x16xf32> to vector<16xf32>
      %swap3A_149 = vector.shape_cast %broadcast_in_dim3A_0 : vector<16xf32> to vector<1x16xf32>
      tpu.vector_store %arg8[%swap3A_145, %swap3A_146], %swap3A_149 {strides = array<i32>} : memref<128x128xf32, #tpu.memory_space<vmem>>, vector<1x16xf32>,
      %swap3A_150 = arith.index_cast %scan3A_140 : i32 to index
      %swap3A_151 = arith.constant 32 : index
      %swap3A_152 = tpu.vector_load %arg8[%swap3A_150, %swap3A_151] {strides = array<i32>} : memref<128x128xf32, #tpu.memory_space<vmem>>, vector<1x16xf32>,
      %swap3A_153 = vector.shape_cast %swap3A_152 : vector<1x16xf32> to vector<16xf32>
      %swap3A_154 = vector.shape_cast %broadcast_in_dim3A_0 : vector<16xf32> to vector<1x16xf32>
      tpu.vector_store %arg8[%swap3A_150, %swap3A_151], %swap3A_154 {strides = array<i32>} : memref<128x128xf32, #tpu.memory_space<vmem>>, vector<1x16xf32>,
      %swap3A_155 = arith.index_cast %scan3A_140 : i32 to index
      %swap3A_156 = arith.constant 48 : index
      %swap3A_157 = tpu.vector_load %arg8[%swap3A_155, %swap3A_156] {strides = array<i32>} : memref<128x128xf32, #tpu.memory_space<vmem>>, vector<1x16xf32>,
      %swap3A_158 = vector.shape_cast %swap3A_157 : vector<1x16xf32> to vector<16xf32>
      %swap3A_159 = vector.shape_cast %broadcast_in_dim3A_0 : vector<16xf32> to vector<1x16xf32>
      tpu.vector_store %arg8[%swap3A_155, %swap3A_156], %swap3A_159 {strides = array<i32>} : memref<128x128xf32, #tpu.memory_space<vmem>>, vector<1x16xf32>,
      %swap3A_160 = arith.index_cast %scan3A_140 : i32 to index
      %swap3A_161 = arith.constant 64 : index
      %swap3A_162 = tpu.vector_load %arg8[%swap3A_160, %swap3A_161] {strides = array<i32>} : memref<128x128xf32, #tpu.memory_space<vmem>>, vector<1x16xf32>,
      %swap3A_163 = vector.shape_cast %swap3A_162 : vector<1x16xf32> to vector<16xf32>
      %swap3A_164 = vector.shape_cast %broadcast_in_dim3A_0 : vector<16xf32> to vector<1x16xf32>
      tpu.vector_store %arg8[%swap3A_160, %swap3A_161], %swap3A_164 {strides = array<i32>} : memref<128x128xf32, #tpu.memory_space<vmem>>, vector<1x16xf32>,
      %swap3A_165 = arith.index_cast %scan3A_140 : i32 to index
      %swap3A_166 = arith.constant 80 : index
      %swap3A_167 = tpu.vector_load %arg8[%swap3A_165, %swap3A_166] {strides = array<i32>} : memref<128x128xf32, #tpu.memory_space<vmem>>, vector<1x16xf32>,
      %swap3A_168 = vector.shape_cast %swap3A_167 : vector<1x16xf32> to vector<16xf32>
      %swap3A_169 = vector.shape_cast %broadcast_in_dim3A_0 : vector<16xf32> to vector<1x16xf32>
      tpu.vector_store %arg8[%swap3A_165, %swap3A_166], %swap3A_169 {strides = array<i32>} : memref<128x128xf32, #tpu.memory_space<vmem>>, vector<1x16xf32>,
      %swap3A_170 = arith.index_cast %scan3A_140 : i32 to index
      %swap3A_171 = arith.constant 96 : index
      %swap3A_172 = tpu.vector_load %arg8[%swap3A_170, %swap3A_171] {strides = array<i32>} : memref<128x128xf32, #tpu.memory_space<vmem>>, vector<1x16xf32>,
      %swap3A_173 = vector.shape_cast %swap3A_172 : vector<1x16xf32> to vector<16xf32>
      %swap3A_174 = vector.shape_cast %broadcast_in_dim3A_0 : vector<16xf32> to vector<1x16xf32>
      tpu.vector_store %arg8[%swap3A_170, %swap3A_171], %swap3A_174 {strides = array<i32>} : memref<128x128xf32, #tpu.memory_space<vmem>>, vector<1x16xf32>,
      %swap3A_175 = arith.index_cast %scan3A_140 : i32 to index
      %swap3A_176 = arith.constant 112 : index
      %swap3A_177 = tpu.vector_load %arg8[%swap3A_175, %swap3A_176] {strides = array<i32>} : memref<128x128xf32, #tpu.memory_space<vmem>>, vector<1x16xf32>,
      %swap3A_178 = vector.shape_cast %swap3A_177 : vector<1x16xf32> to vector<16xf32>
      %swap3A_179 = vector.shape_cast %broadcast_in_dim3A_0 : vector<16xf32> to vector<1x16xf32>
      tpu.vector_store %arg8[%swap3A_175, %swap3A_176], %swap3A_179 {strides = array<i32>} : memref<128x128xf32, #tpu.memory_space<vmem>>, vector<1x16xf32>,
    }
    %scan3A_5 = arith.constant 128 : i32
    %mul3A = arith.constant 640 : i32
    %mul3A_6 = arith.muli %arg1, %mul3A : i32
    %add3A = arith.constant 0 : i32
    %add3A_7 = arith.addi %mul3A_6, %add3A : i32
    "tpu.region"() ({
      %run_scoped3A = tpu.sem_alloc : memref<!tpu.dma_semaphore, #tpu.memory_space<semaphore_mem>>
      %dma_start3A_140 = arith.constant 0 : i32
      %dma_start3A_141 = tpu.memref_slice %arg10[%add3A_7, %dma_start3A_140] : memref<10240x128xf32, #tpu.memory_space<vmem_shared>> -> memref<128x128xf32, #tpu.memory_space<vmem_shared>>
      %dma_start3A_142 = arith.constant 0 : i32
      %dma_start3A_143 = tpu.memref_slice %arg10[%add3A_7, %dma_start3A_142] : memref<10240x128xf32, #tpu.memory_space<vmem_shared>> -> memref<128x128xf32, #tpu.memory_space<vmem_shared>>
      tpu.enqueue_dma source(%arg8 : memref<128x128xf32, #tpu.memory_space<vmem>>) target(%dma_start3A_143 : memref<128x128xf32, #tpu.memory_space<vmem_shared>>) target_semaphore(%run_scoped3A : memref<!tpu.dma_semaphore, #tpu.memory_space<semaphore_mem>>)
      %dma_wait3A_144 = arith.constant 0 : i32
      %dma_wait3A_145 = tpu.memref_slice %arg10[%add3A_7, %dma_wait3A_144] : memref<10240x128xf32, #tpu.memory_space<vmem_shared>> -> memref<128x128xf32, #tpu.memory_space<vmem_shared>>
      %dma_wait3A_146 = arith.constant 0 : i32
      %dma_wait3A_147 = tpu.memref_slice %arg10[%add3A_7, %dma_wait3A_146] : memref<10240x128xf32, #tpu.memory_space<vmem_shared>> -> memref<128x128xf32, #tpu.memory_space<vmem_shared>>
      tpu.wait_dma2 semaphore(%run_scoped3A : memref<!tpu.dma_semaphore, #tpu.memory_space<semaphore_mem>>) src(%arg8 : memref<128x128xf32, #tpu.memory_space<vmem>>) dst(%dma_wait3A_147 : memref<128x128xf32, #tpu.memory_space<vmem_shared>>)
      tpu.yield
    }) : () -> ()
    %add3A_8 = arith.constant 128 : i32
    %add3A_9 = arith.addi %mul3A_6, %add3A_8 : i32
    "tpu.region"() ({
      %run_scoped3A = tpu.sem_alloc : memref<!tpu.dma_semaphore, #tpu.memory_space<semaphore_mem>>
      %dma_start3A_140 = arith.constant 0 : i32
      %dma_start3A_141 = tpu.memref_slice %arg10[%add3A_9, %dma_start3A_140] : memref<10240x128xf32, #tpu.memory_space<vmem_shared>> -> memref<128x128xf32, #tpu.memory_space<vmem_shared>>
      %dma_start3A_142 = arith.constant 0 : i32
      %dma_start3A_143 = tpu.memref_slice %arg10[%add3A_9, %dma_start3A_142] : memref<10240x128xf32, #tpu.memory_space<vmem_shared>> -> memref<128x128xf32, #tpu.memory_space<vmem_shared>>
      tpu.enqueue_dma source(%arg8 : memref<128x128xf32, #tpu.memory_space<vmem>>) target(%dma_start3A_143 : memref<128x128xf32, #tpu.memory_space<vmem_shared>>) target_semaphore(%run_scoped3A : memref<!tpu.dma_semaphore, #tpu.memory_space<semaphore_mem>>)
      %dma_wait3A_144 = arith.constant 0 : i32
      %dma_wait3A_145 = tpu.memref_slice %arg10[%add3A_9, %dma_wait3A_144] : memref<10240x128xf32, #tpu.memory_space<vmem_shared>> -> memref<128x128xf32, #tpu.memory_space<vmem_shared>>
      %dma_wait3A_146 = arith.constant 0 : i32
      %dma_wait3A_147 = tpu.memref_slice %arg10[%add3A_9, %dma_wait3A_146] : memref<10240x128xf32, #tpu.memory_space<vmem_shared>> -> memref<128x128xf32, #tpu.memory_space<vmem_shared>>
      tpu.wait_dma2 semaphore(%run_scoped3A : memref<!tpu.dma_semaphore, #tpu.memory_space<semaphore_mem>>) src(%arg8 : memref<128x128xf32, #tpu.memory_space<vmem>>) dst(%dma_wait3A_147 : memref<128x128xf32, #tpu.memory_space<vmem_shared>>)
      tpu.yield
    }) : () -> ()
    %add3A_10 = arith.constant 256 : i32
    %add3A_11 = arith.addi %mul3A_6, %add3A_10 : i32
    "tpu.region"() ({
      %run_scoped3A = tpu.sem_alloc : memref<!tpu.dma_semaphore, #tpu.memory_space<semaphore_mem>>
      %dma_start3A_140 = arith.constant 0 : i32
      %dma_start3A_141 = tpu.memref_slice %arg10[%add3A_11, %dma_start3A_140] : memref<10240x128xf32, #tpu.memory_space<vmem_shared>> -> memref<128x128xf32, #tpu.memory_space<vmem_shared>>
      %dma_start3A_142 = arith.constant 0 : i32
      %dma_start3A_143 = tpu.memref_slice %arg10[%add3A_11, %dma_start3A_142] : memref<10240x128xf32, #tpu.memory_space<vmem_shared>> -> memref<128x128xf32, #tpu.memory_space<vmem_shared>>
      tpu.enqueue_dma source(%arg8 : memref<128x128xf32, #tpu.memory_space<vmem>>) target(%dma_start3A_143 : memref<128x128xf32, #tpu.memory_space<vmem_shared>>) target_semaphore(%run_scoped3A : memref<!tpu.dma_semaphore, #tpu.memory_space<semaphore_mem>>)
      %dma_wait3A_144 = arith.constant 0 : i32
      %dma_wait3A_145 = tpu.memref_slice %arg10[%add3A_11, %dma_wait3A_144] : memref<10240x128xf32, #tpu.memory_space<vmem_shared>> -> memref<128x128xf32, #tpu.memory_space<vmem_shared>>
      %dma_wait3A_146 = arith.constant 0 : i32
      %dma_wait3A_147 = tpu.memref_slice %arg10[%add3A_11, %dma_wait3A_146] : memref<10240x128xf32, #tpu.memory_space<vmem_shared>> -> memref<128x128xf32, #tpu.memory_space<vmem_shared>>
      tpu.wait_dma2 semaphore(%run_scoped3A : memref<!tpu.dma_semaphore, #tpu.memory_space<semaphore_mem>>) src(%arg8 : memref<128x128xf32, #tpu.memory_space<vmem>>) dst(%dma_wait3A_147 : memref<128x128xf32, #tpu.memory_space<vmem_shared>>)
      tpu.yield
    }) : () -> ()
    %add3A_12 = arith.constant 384 : i32
    %add3A_13 = arith.addi %mul3A_6, %add3A_12 : i32
    "tpu.region"() ({
      %run_scoped3A = tpu.sem_alloc : memref<!tpu.dma_semaphore, #tpu.memory_space<semaphore_mem>>
      %dma_start3A_140 = arith.constant 0 : i32
      %dma_start3A_141 = tpu.memref_slice %arg10[%add3A_13, %dma_start3A_140] : memref<10240x128xf32, #tpu.memory_space<vmem_shared>> -> memref<128x128xf32, #tpu.memory_space<vmem_shared>>
      %dma_start3A_142 = arith.constant 0 : i32
      %dma_start3A_143 = tpu.memref_slice %arg10[%add3A_13, %dma_start3A_142] : memref<10240x128xf32, #tpu.memory_space<vmem_shared>> -> memref<128x128xf32, #tpu.memory_space<vmem_shared>>
      tpu.enqueue_dma source(%arg8 : memref<128x128xf32, #tpu.memory_space<vmem>>) target(%dma_start3A_143 : memref<128x128xf32, #tpu.memory_space<vmem_shared>>) target_semaphore(%run_scoped3A : memref<!tpu.dma_semaphore, #tpu.memory_space<semaphore_mem>>)
      %dma_wait3A_144 = arith.constant 0 : i32
      %dma_wait3A_145 = tpu.memref_slice %arg10[%add3A_13, %dma_wait3A_144] : memref<10240x128xf32, #tpu.memory_space<vmem_shared>> -> memref<128x128xf32, #tpu.memory_space<vmem_shared>>
      %dma_wait3A_146 = arith.constant 0 : i32
      %dma_wait3A_147 = tpu.memref_slice %arg10[%add3A_13, %dma_wait3A_146] : memref<10240x128xf32, #tpu.memory_space<vmem_shared>> -> memref<128x128xf32, #tpu.memory_space<vmem_shared>>
      tpu.wait_dma2 semaphore(%run_scoped3A : memref<!tpu.dma_semaphore, #tpu.memory_space<semaphore_mem>>) src(%arg8 : memref<128x128xf32, #tpu.memory_space<vmem>>) dst(%dma_wait3A_147 : memref<128x128xf32, #tpu.memory_space<vmem_shared>>)
      tpu.yield
    }) : () -> ()
    %add3A_14 = arith.constant 512 : i32
    %add3A_15 = arith.addi %mul3A_6, %add3A_14 : i32
    "tpu.region"() ({
      %run_scoped3A = tpu.sem_alloc : memref<!tpu.dma_semaphore, #tpu.memory_space<semaphore_mem>>
      %dma_start3A_140 = arith.constant 0 : i32
      %dma_start3A_141 = tpu.memref_slice %arg10[%add3A_15, %dma_start3A_140] : memref<10240x128xf32, #tpu.memory_space<vmem_shared>> -> memref<128x128xf32, #tpu.memory_space<vmem_shared>>
      %dma_start3A_142 = arith.constant 0 : i32
      %dma_start3A_143 = tpu.memref_slice %arg10[%add3A_15, %dma_start3A_142] : memref<10240x128xf32, #tpu.memory_space<vmem_shared>> -> memref<128x128xf32, #tpu.memory_space<vmem_shared>>
      tpu.enqueue_dma source(%arg8 : memref<128x128xf32, #tpu.memory_space<vmem>>) target(%dma_start3A_143 : memref<128x128xf32, #tpu.memory_space<vmem_shared>>) target_semaphore(%run_scoped3A : memref<!tpu.dma_semaphore, #tpu.memory_space<semaphore_mem>>)
      %dma_wait3A_144 = arith.constant 0 : i32
      %dma_wait3A_145 = tpu.memref_slice %arg10[%add3A_15, %dma_wait3A_144] : memref<10240x128xf32, #tpu.memory_space<vmem_shared>> -> memref<128x128xf32, #tpu.memory_space<vmem_shared>>
      %dma_wait3A_146 = arith.constant 0 : i32
      %dma_wait3A_147 = tpu.memref_slice %arg10[%add3A_15, %dma_wait3A_146] : memref<10240x128xf32, #tpu.memory_space<vmem_shared>> -> memref<128x128xf32, #tpu.memory_space<vmem_shared>>
      tpu.wait_dma2 semaphore(%run_scoped3A : memref<!tpu.dma_semaphore, #tpu.memory_space<semaphore_mem>>) src(%arg8 : memref<128x128xf32, #tpu.memory_space<vmem>>) dst(%dma_wait3A_147 : memref<128x128xf32, #tpu.memory_space<vmem_shared>>)
      tpu.yield
    }) : () -> ()
    %barrier3A = arith.constant 0 : index
    tpu.barrier barrier_id(%barrier3A)
    %mul3A_16 = arith.constant 10000 : i32
    %mul3A_17 = arith.muli %arg0, %mul3A_16 : i32
    %mul3A_18 = arith.constant 80 : i32
    %mul3A_19 = arith.muli %arg1, %mul3A_18 : i32
    %add3A_20 = arith.constant 0 : i32
    %add3A_21 = arith.addi %mul3A_19, %add3A_20 : i32
    "tpu.region"() ({
      %run_scoped3A = tpu.sem_alloc : memref<!tpu.dma_semaphore, #tpu.memory_space<semaphore_mem>>
      %dma_start3A_140 = arith.constant 0 : i32
      %dma_start3A_141 = tpu.memref_slice %arg3[%add3A_21, %dma_start3A_140] : memref<1280x128xi32, #tpu.memory_space<hbm>> -> memref<40x128xi32, #tpu.memory_space<hbm>>
      %dma_start3A_142 = arith.constant 0 : i32
      %dma_start3A_143 = tpu.memref_slice %arg3[%add3A_21, %dma_start3A_142] : memref<1280x128xi32, #tpu.memory_space<hbm>> -> memref<40x128xi32, #tpu.memory_space<hbm>>
      tpu.enqueue_dma source(%dma_start3A_143 : memref<40x128xi32, #tpu.memory_space<hbm>>) target(%arg6 : memref<40x128xi32, #tpu.memory_space<vmem>>) target_semaphore(%run_scoped3A : memref<!tpu.dma_semaphore, #tpu.memory_space<semaphore_mem>>)
      %dma_wait3A_144 = arith.constant 0 : i32
      %dma_wait3A_145 = tpu.memref_slice %arg3[%add3A_21, %dma_wait3A_144] : memref<1280x128xi32, #tpu.memory_space<hbm>> -> memref<40x128xi32, #tpu.memory_space<hbm>>
      %dma_wait3A_146 = arith.constant 0 : i32
      %dma_wait3A_147 = tpu.memref_slice %arg3[%add3A_21, %dma_wait3A_146] : memref<1280x128xi32, #tpu.memory_space<hbm>> -> memref<40x128xi32, #tpu.memory_space<hbm>>
      tpu.wait_dma2 semaphore(%run_scoped3A : memref<!tpu.dma_semaphore, #tpu.memory_space<semaphore_mem>>) src(%dma_wait3A_147 : memref<40x128xi32, #tpu.memory_space<hbm>>) dst(%arg6 : memref<40x128xi32, #tpu.memory_space<vmem>>)
      tpu.yield
    }) : () -> ()
    "tpu.region"() ({
      %run_scoped3A = tpu.sem_alloc : memref<!tpu.dma_semaphore, #tpu.memory_space<semaphore_mem>>
      %dma_start3A_140 = arith.constant 0 : i32
      %dma_start3A_141 = tpu.memref_slice %arg4[%add3A_21, %dma_start3A_140] : memref<1280x128xi32, #tpu.memory_space<hbm>> -> memref<40x128xi32, #tpu.memory_space<hbm>>
      %dma_start3A_142 = arith.constant 0 : i32
      %dma_start3A_143 = tpu.memref_slice %arg4[%add3A_21, %dma_start3A_142] : memref<1280x128xi32, #tpu.memory_space<hbm>> -> memref<40x128xi32, #tpu.memory_space<hbm>>
      tpu.enqueue_dma source(%dma_start3A_143 : memref<40x128xi32, #tpu.memory_space<hbm>>) target(%arg7 : memref<40x128xi32, #tpu.memory_space<vmem>>) target_semaphore(%run_scoped3A : memref<!tpu.dma_semaphore, #tpu.memory_space<semaphore_mem>>)
      %dma_wait3A_144 = arith.constant 0 : i32
      %dma_wait3A_145 = tpu.memref_slice %arg4[%add3A_21, %dma_wait3A_144] : memref<1280x128xi32, #tpu.memory_space<hbm>> -> memref<40x128xi32, #tpu.memory_space<hbm>>
      %dma_wait3A_146 = arith.constant 0 : i32
      %dma_wait3A_147 = tpu.memref_slice %arg4[%add3A_21, %dma_wait3A_146] : memref<1280x128xi32, #tpu.memory_space<hbm>> -> memref<40x128xi32, #tpu.memory_space<hbm>>
      tpu.wait_dma2 semaphore(%run_scoped3A : memref<!tpu.dma_semaphore, #tpu.memory_space<semaphore_mem>>) src(%dma_wait3A_147 : memref<40x128xi32, #tpu.memory_space<hbm>>) dst(%arg7 : memref<40x128xi32, #tpu.memory_space<vmem>>)
      tpu.yield
    }) : () -> ()
    %scan3A_22 = arith.constant 0 : i32
    %scan3A_23 = arith.constant 0 : i32
    %scan3A_24 = arith.constant 40 : i32
    %scan3A_25 = arith.addi %scan3A_23, %scan3A_24 : i32
    %scan3A_26 = arith.constant 1 : i32
    scf.for %scan3A_140 = %scan3A_23 to %scan3A_25 step %scan3A_26  : i32 {
      %get3A = arith.index_cast %scan3A_140 : i32 to index
      %get3A_141 = arith.constant 0 : index
      %get3A_142 = tpu.vector_load %arg6[%get3A, %get3A_141] {strides = array<i32>} : memref<40x128xi32, #tpu.memory_space<vmem>>, vector<1x16xi32>,
      %get3A_143 = vector.shape_cast %get3A_142 : vector<1x16xi32> to vector<16xi32>
      %add3A_144 = vector.broadcast %mul3A_17 : i32 to vector<16xi32>
      %add3A_145 = arith.addi %get3A_143, %add3A_144 : vector<16xi32>
      %swap3A = arith.index_cast %scan3A_140 : i32 to index
      %swap3A_146 = arith.constant 0 : index
      %swap3A_147 = tpu.vector_load %arg6[%swap3A, %swap3A_146] {strides = array<i32>} : memref<40x128xi32, #tpu.memory_space<vmem>>, vector<1x16xi32>,
      %swap3A_148 = vector.shape_cast %swap3A_147 : vector<1x16xi32> to vector<16xi32>
      %swap3A_149 = vector.shape_cast %add3A_145 : vector<16xi32> to vector<1x16xi32>
      tpu.vector_store %arg6[%swap3A, %swap3A_146], %swap3A_149 {strides = array<i32>} : memref<40x128xi32, #tpu.memory_space<vmem>>, vector<1x16xi32>,
      %get3A_150 = arith.index_cast %scan3A_140 : i32 to index
      %get3A_151 = arith.constant 16 : index
      %get3A_152 = tpu.vector_load %arg6[%get3A_150, %get3A_151] {strides = array<i32>} : memref<40x128xi32, #tpu.memory_space<vmem>>, vector<1x16xi32>,
      %get3A_153 = vector.shape_cast %get3A_152 : vector<1x16xi32> to vector<16xi32>
      %add3A_154 = vector.broadcast %mul3A_17 : i32 to vector<16xi32>
      %add3A_155 = arith.addi %get3A_153, %add3A_154 : vector<16xi32>
      %swap3A_156 = arith.index_cast %scan3A_140 : i32 to index
      %swap3A_157 = arith.constant 16 : index
      %swap3A_158 = tpu.vector_load %arg6[%swap3A_156, %swap3A_157] {strides = array<i32>} : memref<40x128xi32, #tpu.memory_space<vmem>>, vector<1x16xi32>,
      %swap3A_159 = vector.shape_cast %swap3A_158 : vector<1x16xi32> to vector<16xi32>
      %swap3A_160 = vector.shape_cast %add3A_155 : vector<16xi32> to vector<1x16xi32>
      tpu.vector_store %arg6[%swap3A_156, %swap3A_157], %swap3A_160 {strides = array<i32>} : memref<40x128xi32, #tpu.memory_space<vmem>>, vector<1x16xi32>,
      %get3A_161 = arith.index_cast %scan3A_140 : i32 to index
      %get3A_162 = arith.constant 32 : index
      %get3A_163 = tpu.vector_load %arg6[%get3A_161, %get3A_162] {strides = array<i32>} : memref<40x128xi32, #tpu.memory_space<vmem>>, vector<1x16xi32>,
      %get3A_164 = vector.shape_cast %get3A_163 : vector<1x16xi32> to vector<16xi32>
      %add3A_165 = vector.broadcast %mul3A_17 : i32 to vector<16xi32>
      %add3A_166 = arith.addi %get3A_164, %add3A_165 : vector<16xi32>
      %swap3A_167 = arith.index_cast %scan3A_140 : i32 to index
      %swap3A_168 = arith.constant 32 : index
      %swap3A_169 = tpu.vector_load %arg6[%swap3A_167, %swap3A_168] {strides = array<i32>} : memref<40x128xi32, #tpu.memory_space<vmem>>, vector<1x16xi32>,
      %swap3A_170 = vector.shape_cast %swap3A_169 : vector<1x16xi32> to vector<16xi32>
      %swap3A_171 = vector.shape_cast %add3A_166 : vector<16xi32> to vector<1x16xi32>
      tpu.vector_store %arg6[%swap3A_167, %swap3A_168], %swap3A_171 {strides = array<i32>} : memref<40x128xi32, #tpu.memory_space<vmem>>, vector<1x16xi32>,
      %get3A_172 = arith.index_cast %scan3A_140 : i32 to index
      %get3A_173 = arith.constant 48 : index
      %get3A_174 = tpu.vector_load %arg6[%get3A_172, %get3A_173] {strides = array<i32>} : memref<40x128xi32, #tpu.memory_space<vmem>>, vector<1x16xi32>,
      %get3A_175 = vector.shape_cast %get3A_174 : vector<1x16xi32> to vector<16xi32>
      %add3A_176 = vector.broadcast %mul3A_17 : i32 to vector<16xi32>
      %add3A_177 = arith.addi %get3A_175, %add3A_176 : vector<16xi32>
      %swap3A_178 = arith.index_cast %scan3A_140 : i32 to index
      %swap3A_179 = arith.constant 48 : index
      %swap3A_180 = tpu.vector_load %arg6[%swap3A_178, %swap3A_179] {strides = array<i32>} : memref<40x128xi32, #tpu.memory_space<vmem>>, vector<1x16xi32>,
      %swap3A_181 = vector.shape_cast %swap3A_180 : vector<1x16xi32> to vector<16xi32>
      %swap3A_182 = vector.shape_cast %add3A_177 : vector<16xi32> to vector<1x16xi32>
      tpu.vector_store %arg6[%swap3A_178, %swap3A_179], %swap3A_182 {strides = array<i32>} : memref<40x128xi32, #tpu.memory_space<vmem>>, vector<1x16xi32>,
      %get3A_183 = arith.index_cast %scan3A_140 : i32 to index
      %get3A_184 = arith.constant 64 : index
      %get3A_185 = tpu.vector_load %arg6[%get3A_183, %get3A_184] {strides = array<i32>} : memref<40x128xi32, #tpu.memory_space<vmem>>, vector<1x16xi32>,
      %get3A_186 = vector.shape_cast %get3A_185 : vector<1x16xi32> to vector<16xi32>
      %add3A_187 = vector.broadcast %mul3A_17 : i32 to vector<16xi32>
      %add3A_188 = arith.addi %get3A_186, %add3A_187 : vector<16xi32>
      %swap3A_189 = arith.index_cast %scan3A_140 : i32 to index
      %swap3A_190 = arith.constant 64 : index
      %swap3A_191 = tpu.vector_load %arg6[%swap3A_189, %swap3A_190] {strides = array<i32>} : memref<40x128xi32, #tpu.memory_space<vmem>>, vector<1x16xi32>,
      %swap3A_192 = vector.shape_cast %swap3A_191 : vector<1x16xi32> to vector<16xi32>
      %swap3A_193 = vector.shape_cast %add3A_188 : vector<16xi32> to vector<1x16xi32>
      tpu.vector_store %arg6[%swap3A_189, %swap3A_190], %swap3A_193 {strides = array<i32>} : memref<40x128xi32, #tpu.memory_space<vmem>>, vector<1x16xi32>,
      %get3A_194 = arith.index_cast %scan3A_140 : i32 to index
      %get3A_195 = arith.constant 80 : index
      %get3A_196 = tpu.vector_load %arg6[%get3A_194, %get3A_195] {strides = array<i32>} : memref<40x128xi32, #tpu.memory_space<vmem>>, vector<1x16xi32>,
      %get3A_197 = vector.shape_cast %get3A_196 : vector<1x16xi32> to vector<16xi32>
      %add3A_198 = vector.broadcast %mul3A_17 : i32 to vector<16xi32>
      %add3A_199 = arith.addi %get3A_197, %add3A_198 : vector<16xi32>
      %swap3A_200 = arith.index_cast %scan3A_140 : i32 to index
      %swap3A_201 = arith.constant 80 : index
      %swap3A_202 = tpu.vector_load %arg6[%swap3A_200, %swap3A_201] {strides = array<i32>} : memref<40x128xi32, #tpu.memory_space<vmem>>, vector<1x16xi32>,
      %swap3A_203 = vector.shape_cast %swap3A_202 : vector<1x16xi32> to vector<16xi32>
      %swap3A_204 = vector.shape_cast %add3A_199 : vector<16xi32> to vector<1x16xi32>
      tpu.vector_store %arg6[%swap3A_200, %swap3A_201], %swap3A_204 {strides = array<i32>} : memref<40x128xi32, #tpu.memory_space<vmem>>, vector<1x16xi32>,
      %get3A_205 = arith.index_cast %scan3A_140 : i32 to index
      %get3A_206 = arith.constant 96 : index
      %get3A_207 = tpu.vector_load %arg6[%get3A_205, %get3A_206] {strides = array<i32>} : memref<40x128xi32, #tpu.memory_space<vmem>>, vector<1x16xi32>,
      %get3A_208 = vector.shape_cast %get3A_207 : vector<1x16xi32> to vector<16xi32>
      %add3A_209 = vector.broadcast %mul3A_17 : i32 to vector<16xi32>
      %add3A_210 = arith.addi %get3A_208, %add3A_209 : vector<16xi32>
      %swap3A_211 = arith.index_cast %scan3A_140 : i32 to index
      %swap3A_212 = arith.constant 96 : index
      %swap3A_213 = tpu.vector_load %arg6[%swap3A_211, %swap3A_212] {strides = array<i32>} : memref<40x128xi32, #tpu.memory_space<vmem>>, vector<1x16xi32>,
      %swap3A_214 = vector.shape_cast %swap3A_213 : vector<1x16xi32> to vector<16xi32>
      %swap3A_215 = vector.shape_cast %add3A_210 : vector<16xi32> to vector<1x16xi32>
      tpu.vector_store %arg6[%swap3A_211, %swap3A_212], %swap3A_215 {strides = array<i32>} : memref<40x128xi32, #tpu.memory_space<vmem>>, vector<1x16xi32>,
      %get3A_216 = arith.index_cast %scan3A_140 : i32 to index
      %get3A_217 = arith.constant 112 : index
      %get3A_218 = tpu.vector_load %arg6[%get3A_216, %get3A_217] {strides = array<i32>} : memref<40x128xi32, #tpu.memory_space<vmem>>, vector<1x16xi32>,
      %get3A_219 = vector.shape_cast %get3A_218 : vector<1x16xi32> to vector<16xi32>
      %add3A_220 = vector.broadcast %mul3A_17 : i32 to vector<16xi32>
      %add3A_221 = arith.addi %get3A_219, %add3A_220 : vector<16xi32>
      %swap3A_222 = arith.index_cast %scan3A_140 : i32 to index
      %swap3A_223 = arith.constant 112 : index
      %swap3A_224 = tpu.vector_load %arg6[%swap3A_222, %swap3A_223] {strides = array<i32>} : memref<40x128xi32, #tpu.memory_space<vmem>>, vector<1x16xi32>,
      %swap3A_225 = vector.shape_cast %swap3A_224 : vector<1x16xi32> to vector<16xi32>
      %swap3A_226 = vector.shape_cast %add3A_221 : vector<16xi32> to vector<1x16xi32>
      tpu.vector_store %arg6[%swap3A_222, %swap3A_223], %swap3A_226 {strides = array<i32>} : memref<40x128xi32, #tpu.memory_space<vmem>>, vector<1x16xi32>,
    }
    %scan3A_27 = arith.constant 40 : i32
    %dma_start3A = arith.constant 0 : i32
    %dma_start3A_28 = arith.constant 0 : i32
    %dma_start3A_29 = tpu.memref_slice %arg6[%dma_start3A, %dma_start3A_28] : memref<40x128xi32, #tpu.memory_space<vmem>> -> memref<1x128xi32, #tpu.memory_space<vmem>>
    %dma_start3A_30 = tpu.memref_squeeze %dma_start3A_29 : memref<1x128xi32, #tpu.memory_space<vmem>> -> memref<128xi32, #tpu.memory_space<vmem>>
    %dma_start3A_31 = arith.constant 0 : i32
    %dma_start3A_32 = arith.constant 0 : i32
    %dma_start3A_33 = tpu.memref_slice %arg2[%dma_start3A_31, %dma_start3A_32] : memref<20000x128xf32, #tpu.memory_space<hbm>> -> memref<20000x128xf32, #tpu.memory_space<hbm>>
    tpu.enqueue_indirect_dma source(%dma_start3A_33 : memref<20000x128xf32, #tpu.memory_space<hbm>>) target(%arg8 : memref<128x128xf32, #tpu.memory_space<vmem>>) offsets(%dma_start3A_30 : memref<128xi32, #tpu.memory_space<vmem>>) semaphore(%arg11 : memref<!tpu.dma_semaphore, #tpu.memory_space<semaphore_mem>>)
    %dma_start3A_34 = arith.constant 1 : i32
    %dma_start3A_35 = arith.constant 0 : i32
    %dma_start3A_36 = tpu.memref_slice %arg6[%dma_start3A_34, %dma_start3A_35] : memref<40x128xi32, #tpu.memory_space<vmem>> -> memref<1x128xi32, #tpu.memory_space<vmem>>
    %dma_start3A_37 = tpu.memref_squeeze %dma_start3A_36 : memref<1x128xi32, #tpu.memory_space<vmem>> -> memref<128xi32, #tpu.memory_space<vmem>>
    %dma_start3A_38 = arith.constant 0 : i32
    %dma_start3A_39 = arith.constant 0 : i32
    %dma_start3A_40 = tpu.memref_slice %arg2[%dma_start3A_38, %dma_start3A_39] : memref<20000x128xf32, #tpu.memory_space<hbm>> -> memref<20000x128xf32, #tpu.memory_space<hbm>>
    tpu.enqueue_indirect_dma source(%dma_start3A_40 : memref<20000x128xf32, #tpu.memory_space<hbm>>) target(%arg9 : memref<128x128xf32, #tpu.memory_space<vmem>>) offsets(%dma_start3A_37 : memref<128xi32, #tpu.memory_space<vmem>>) semaphore(%arg12 : memref<!tpu.dma_semaphore, #tpu.memory_space<semaphore_mem>>)
    %scan3A_41 = arith.constant 0 : i32
    %scan3A_42 = arith.constant 0 : i32
    %scan3A_43 = arith.constant 20 : i32
    %scan3A_44 = arith.addi %scan3A_42, %scan3A_43 : i32
    %scan3A_45 = arith.constant 1 : i32
    scf.for %scan3A_140 = %scan3A_42 to %scan3A_44 step %scan3A_45  : i32 {
      %mul3A_141 = arith.constant 2 : i32
      %mul3A_142 = arith.muli %mul3A_141, %scan3A_140 : i32
      %add3A_143 = arith.constant 0 : i32
      %add3A_144 = arith.addi %mul3A_142, %add3A_143 : i32
      %dma_wait3A_145 = arith.constant 0 : i32
      %dma_wait3A_146 = tpu.memref_slice %arg6[%add3A_144, %dma_wait3A_145] : memref<40x128xi32, #tpu.memory_space<vmem>> -> memref<1x128xi32, #tpu.memory_space<vmem>>
      %dma_wait3A_147 = tpu.memref_squeeze %dma_wait3A_146 : memref<1x128xi32, #tpu.memory_space<vmem>> -> memref<128xi32, #tpu.memory_space<vmem>>
      %dma_wait3A_148 = arith.constant 0 : i32
      %dma_wait3A_149 = arith.constant 0 : i32
      %dma_wait3A_150 = tpu.memref_slice %arg2[%dma_wait3A_148, %dma_wait3A_149] : memref<20000x128xf32, #tpu.memory_space<hbm>> -> memref<20000x128xf32, #tpu.memory_space<hbm>>
      tpu.wait_indirect_dma semaphore(%arg11 : memref<!tpu.dma_semaphore, #tpu.memory_space<semaphore_mem>>) src(%dma_wait3A_150 : memref<20000x128xf32, #tpu.memory_space<hbm>>) dst(%arg8 : memref<128x128xf32, #tpu.memory_space<vmem>>)
      %dma_start3A_151 = arith.constant 0 : i32
      %dma_start3A_152 = tpu.memref_slice %arg7[%add3A_144, %dma_start3A_151] : memref<40x128xi32, #tpu.memory_space<vmem>> -> memref<1x128xi32, #tpu.memory_space<vmem>>
      %dma_start3A_153 = tpu.memref_squeeze %dma_start3A_152 : memref<1x128xi32, #tpu.memory_space<vmem>> -> memref<128xi32, #tpu.memory_space<vmem>>
      %dma_start3A_154 = arith.constant 0 : i32
      %dma_start3A_155 = arith.constant 0 : i32
      %dma_start3A_156 = tpu.memref_slice %arg10[%dma_start3A_154, %dma_start3A_155] : memref<10240x128xf32, #tpu.memory_space<vmem_shared>> -> memref<10240x128xf32, #tpu.memory_space<vmem_shared>>
      tpu.enqueue_indirect_dma source(%arg8 : memref<128x128xf32, #tpu.memory_space<vmem>>) target(%dma_start3A_156 : memref<10240x128xf32, #tpu.memory_space<vmem_shared>>) offsets(%dma_start3A_153 : memref<128xi32, #tpu.memory_space<vmem>>) semaphore(%arg13 : memref<!tpu.dma_semaphore, #tpu.memory_space<semaphore_mem>>) {add = true}
      %add3A_157 = arith.constant 2 : i32
      %add3A_158 = arith.addi %add3A_144, %add3A_157 : i32
      %lt3A = arith.constant 40 : i32
      %lt3A_159 = arith.cmpi slt, %add3A_158, %lt3A : i32
      %convert_element_type3A = arith.extui %lt3A_159 : i1 to i32
      %cond3A = arith.constant 0 : i32
      %cond3A_160 = arith.cmpi ne, %convert_element_type3A, %cond3A : i32
      scf.if %cond3A_160 {
        %dma_wait3A_184 = arith.constant 0 : i32
        %dma_wait3A_185 = tpu.memref_slice %arg7[%add3A_144, %dma_wait3A_184] : memref<40x128xi32, #tpu.memory_space<vmem>> -> memref<1x128xi32, #tpu.memory_space<vmem>>
        %dma_wait3A_186 = tpu.memref_squeeze %dma_wait3A_185 : memref<1x128xi32, #tpu.memory_space<vmem>> -> memref<128xi32, #tpu.memory_space<vmem>>
        %dma_wait3A_187 = arith.constant 0 : i32
        %dma_wait3A_188 = arith.constant 0 : i32
        %dma_wait3A_189 = tpu.memref_slice %arg10[%dma_wait3A_187, %dma_wait3A_188] : memref<10240x128xf32, #tpu.memory_space<vmem_shared>> -> memref<10240x128xf32, #tpu.memory_space<vmem_shared>>
        tpu.wait_indirect_dma semaphore(%arg13 : memref<!tpu.dma_semaphore, #tpu.memory_space<semaphore_mem>>) src(%arg8 : memref<128x128xf32, #tpu.memory_space<vmem>>) dst(%dma_wait3A_189 : memref<10240x128xf32, #tpu.memory_space<vmem_shared>>)
        %add3A_190 = arith.constant 2 : i32
        %add3A_191 = arith.addi %add3A_144, %add3A_190 : i32
        %dma_start3A_192 = arith.constant 0 : i32
        %dma_start3A_193 = tpu.memref_slice %arg6[%add3A_191, %dma_start3A_192] : memref<40x128xi32, #tpu.memory_space<vmem>> -> memref<1x128xi32, #tpu.memory_space<vmem>>
        %dma_start3A_194 = tpu.memref_squeeze %dma_start3A_193 : memref<1x128xi32, #tpu.memory_space<vmem>> -> memref<128xi32, #tpu.memory_space<vmem>>
        %dma_start3A_195 = arith.constant 0 : i32
        %dma_start3A_196 = arith.constant 0 : i32
        %dma_start3A_197 = tpu.memref_slice %arg2[%dma_start3A_195, %dma_start3A_196] : memref<20000x128xf32, #tpu.memory_space<hbm>> -> memref<20000x128xf32, #tpu.memory_space<hbm>>
        tpu.enqueue_indirect_dma source(%dma_start3A_197 : memref<20000x128xf32, #tpu.memory_space<hbm>>) target(%arg8 : memref<128x128xf32, #tpu.memory_space<vmem>>) offsets(%dma_start3A_194 : memref<128xi32, #tpu.memory_space<vmem>>) semaphore(%arg11 : memref<!tpu.dma_semaphore, #tpu.memory_space<semaphore_mem>>)
      } else {
      }
      %mul3A_161 = arith.constant 2 : i32
      %mul3A_162 = arith.muli %mul3A_161, %scan3A_140 : i32
      %add3A_163 = arith.constant 1 : i32
      %add3A_164 = arith.addi %mul3A_162, %add3A_163 : i32
      %dma_wait3A_165 = arith.constant 0 : i32
      %dma_wait3A_166 = tpu.memref_slice %arg6[%add3A_164, %dma_wait3A_165] : memref<40x128xi32, #tpu.memory_space<vmem>> -> memref<1x128xi32, #tpu.memory_space<vmem>>
      %dma_wait3A_167 = tpu.memref_squeeze %dma_wait3A_166 : memref<1x128xi32, #tpu.memory_space<vmem>> -> memref<128xi32, #tpu.memory_space<vmem>>
      %dma_wait3A_168 = arith.constant 0 : i32
      %dma_wait3A_169 = arith.constant 0 : i32
      %dma_wait3A_170 = tpu.memref_slice %arg2[%dma_wait3A_168, %dma_wait3A_169] : memref<20000x128xf32, #tpu.memory_space<hbm>> -> memref<20000x128xf32, #tpu.memory_space<hbm>>
      tpu.wait_indirect_dma semaphore(%arg12 : memref<!tpu.dma_semaphore, #tpu.memory_space<semaphore_mem>>) src(%dma_wait3A_170 : memref<20000x128xf32, #tpu.memory_space<hbm>>) dst(%arg9 : memref<128x128xf32, #tpu.memory_space<vmem>>)
      %dma_start3A_171 = arith.constant 0 : i32
      %dma_start3A_172 = tpu.memref_slice %arg7[%add3A_164, %dma_start3A_171] : memref<40x128xi32, #tpu.memory_space<vmem>> -> memref<1x128xi32, #tpu.memory_space<vmem>>
      %dma_start3A_173 = tpu.memref_squeeze %dma_start3A_172 : memref<1x128xi32, #tpu.memory_space<vmem>> -> memref<128xi32, #tpu.memory_space<vmem>>
      %dma_start3A_174 = arith.constant 0 : i32
      %dma_start3A_175 = arith.constant 0 : i32
      %dma_start3A_176 = tpu.memref_slice %arg10[%dma_start3A_174, %dma_start3A_175] : memref<10240x128xf32, #tpu.memory_space<vmem_shared>> -> memref<10240x128xf32, #tpu.memory_space<vmem_shared>>
      tpu.enqueue_indirect_dma source(%arg9 : memref<128x128xf32, #tpu.memory_space<vmem>>) target(%dma_start3A_176 : memref<10240x128xf32, #tpu.memory_space<vmem_shared>>) offsets(%dma_start3A_173 : memref<128xi32, #tpu.memory_space<vmem>>) semaphore(%arg14 : memref<!tpu.dma_semaphore, #tpu.memory_space<semaphore_mem>>) {add = true}
      %add3A_177 = arith.constant 2 : i32
      %add3A_178 = arith.addi %add3A_164, %add3A_177 : i32
      %lt3A_179 = arith.constant 40 : i32
      %lt3A_180 = arith.cmpi slt, %add3A_178, %lt3A_179 : i32
      %convert_element_type3A_181 = arith.extui %lt3A_180 : i1 to i32
      %cond3A_182 = arith.constant 0 : i32
      %cond3A_183 = arith.cmpi ne, %convert_element_type3A_181, %cond3A_182 : i32
      scf.if %cond3A_183 {
        %dma_wait3A_184 = arith.constant 0 : i32
        %dma_wait3A_185 = tpu.memref_slice %arg7[%add3A_164, %dma_wait3A_184] : memref<40x128xi32, #tpu.memory_space<vmem>> -> memref<1x128xi32, #tpu.memory_space<vmem>>
        %dma_wait3A_186 = tpu.memref_squeeze %dma_wait3A_185 : memref<1x128xi32, #tpu.memory_space<vmem>> -> memref<128xi32, #tpu.memory_space<vmem>>
        %dma_wait3A_187 = arith.constant 0 : i32
        %dma_wait3A_188 = arith.constant 0 : i32
        %dma_wait3A_189 = tpu.memref_slice %arg10[%dma_wait3A_187, %dma_wait3A_188] : memref<10240x128xf32, #tpu.memory_space<vmem_shared>> -> memref<10240x128xf32, #tpu.memory_space<vmem_shared>>
        tpu.wait_indirect_dma semaphore(%arg14 : memref<!tpu.dma_semaphore, #tpu.memory_space<semaphore_mem>>) src(%arg9 : memref<128x128xf32, #tpu.memory_space<vmem>>) dst(%dma_wait3A_189 : memref<10240x128xf32, #tpu.memory_space<vmem_shared>>)
        %add3A_190 = arith.constant 2 : i32
        %add3A_191 = arith.addi %add3A_164, %add3A_190 : i32
        %dma_start3A_192 = arith.constant 0 : i32
        %dma_start3A_193 = tpu.memref_slice %arg6[%add3A_191, %dma_start3A_192] : memref<40x128xi32, #tpu.memory_space<vmem>> -> memref<1x128xi32, #tpu.memory_space<vmem>>
        %dma_start3A_194 = tpu.memref_squeeze %dma_start3A_193 : memref<1x128xi32, #tpu.memory_space<vmem>> -> memref<128xi32, #tpu.memory_space<vmem>>
        %dma_start3A_195 = arith.constant 0 : i32
        %dma_start3A_196 = arith.constant 0 : i32
        %dma_start3A_197 = tpu.memref_slice %arg2[%dma_start3A_195, %dma_start3A_196] : memref<20000x128xf32, #tpu.memory_space<hbm>> -> memref<20000x128xf32, #tpu.memory_space<hbm>>
        tpu.enqueue_indirect_dma source(%dma_start3A_197 : memref<20000x128xf32, #tpu.memory_space<hbm>>) target(%arg9 : memref<128x128xf32, #tpu.memory_space<vmem>>) offsets(%dma_start3A_194 : memref<128xi32, #tpu.memory_space<vmem>>) semaphore(%arg12 : memref<!tpu.dma_semaphore, #tpu.memory_space<semaphore_mem>>)
      } else {
      }
    }
    %scan3A_46 = arith.constant 20 : i32
    %dma_wait3A = arith.constant 0 : i32
    %dma_wait3A_47 = arith.constant 0 : i32
    %dma_wait3A_48 = tpu.memref_slice %arg7[%dma_wait3A, %dma_wait3A_47] : memref<40x128xi32, #tpu.memory_space<vmem>> -> memref<1x128xi32, #tpu.memory_space<vmem>>
    %dma_wait3A_49 = tpu.memref_squeeze %dma_wait3A_48 : memref<1x128xi32, #tpu.memory_space<vmem>> -> memref<128xi32, #tpu.memory_space<vmem>>
    %dma_wait3A_50 = arith.constant 0 : i32
    %dma_wait3A_51 = arith.constant 0 : i32
    %dma_wait3A_52 = tpu.memref_slice %arg10[%dma_wait3A_50, %dma_wait3A_51] : memref<10240x128xf32, #tpu.memory_space<vmem_shared>> -> memref<10240x128xf32, #tpu.memory_space<vmem_shared>>
    tpu.wait_indirect_dma semaphore(%arg13 : memref<!tpu.dma_semaphore, #tpu.memory_space<semaphore_mem>>) src(%arg8 : memref<128x128xf32, #tpu.memory_space<vmem>>) dst(%dma_wait3A_52 : memref<10240x128xf32, #tpu.memory_space<vmem_shared>>)
    %dma_wait3A_53 = arith.constant 0 : i32
    %dma_wait3A_54 = arith.constant 0 : i32
    %dma_wait3A_55 = tpu.memref_slice %arg7[%dma_wait3A_53, %dma_wait3A_54] : memref<40x128xi32, #tpu.memory_space<vmem>> -> memref<1x128xi32, #tpu.memory_space<vmem>>
    %dma_wait3A_56 = tpu.memref_squeeze %dma_wait3A_55 : memref<1x128xi32, #tpu.memory_space<vmem>> -> memref<128xi32, #tpu.memory_space<vmem>>
    %dma_wait3A_57 = arith.constant 0 : i32
    %dma_wait3A_58 = arith.constant 0 : i32
    %dma_wait3A_59 = tpu.memref_slice %arg10[%dma_wait3A_57, %dma_wait3A_58] : memref<10240x128xf32, #tpu.memory_space<vmem_shared>> -> memref<10240x128xf32, #tpu.memory_space<vmem_shared>>
    tpu.wait_indirect_dma semaphore(%arg14 : memref<!tpu.dma_semaphore, #tpu.memory_space<semaphore_mem>>) src(%arg9 : memref<128x128xf32, #tpu.memory_space<vmem>>) dst(%dma_wait3A_59 : memref<10240x128xf32, #tpu.memory_space<vmem_shared>>)
    %mul3A_60 = arith.constant 80 : i32
    %mul3A_61 = arith.muli %arg1, %mul3A_60 : i32
    %add3A_62 = arith.constant 40 : i32
    %add3A_63 = arith.addi %mul3A_61, %add3A_62 : i32
    "tpu.region"() ({
      %run_scoped3A = tpu.sem_alloc : memref<!tpu.dma_semaphore, #tpu.memory_space<semaphore_mem>>
      %dma_start3A_140 = arith.constant 0 : i32
      %dma_start3A_141 = tpu.memref_slice %arg3[%add3A_63, %dma_start3A_140] : memref<1280x128xi32, #tpu.memory_space<hbm>> -> memref<40x128xi32, #tpu.memory_space<hbm>>
      %dma_start3A_142 = arith.constant 0 : i32
      %dma_start3A_143 = tpu.memref_slice %arg3[%add3A_63, %dma_start3A_142] : memref<1280x128xi32, #tpu.memory_space<hbm>> -> memref<40x128xi32, #tpu.memory_space<hbm>>
      tpu.enqueue_dma source(%dma_start3A_143 : memref<40x128xi32, #tpu.memory_space<hbm>>) target(%arg6 : memref<40x128xi32, #tpu.memory_space<vmem>>) target_semaphore(%run_scoped3A : memref<!tpu.dma_semaphore, #tpu.memory_space<semaphore_mem>>)
      %dma_wait3A_144 = arith.constant 0 : i32
      %dma_wait3A_145 = tpu.memref_slice %arg3[%add3A_63, %dma_wait3A_144] : memref<1280x128xi32, #tpu.memory_space<hbm>> -> memref<40x128xi32, #tpu.memory_space<hbm>>
      %dma_wait3A_146 = arith.constant 0 : i32
      %dma_wait3A_147 = tpu.memref_slice %arg3[%add3A_63, %dma_wait3A_146] : memref<1280x128xi32, #tpu.memory_space<hbm>> -> memref<40x128xi32, #tpu.memory_space<hbm>>
      tpu.wait_dma2 semaphore(%run_scoped3A : memref<!tpu.dma_semaphore, #tpu.memory_space<semaphore_mem>>) src(%dma_wait3A_147 : memref<40x128xi32, #tpu.memory_space<hbm>>) dst(%arg6 : memref<40x128xi32, #tpu.memory_space<vmem>>)
      tpu.yield
    }) : () -> ()
    "tpu.region"() ({
      %run_scoped3A = tpu.sem_alloc : memref<!tpu.dma_semaphore, #tpu.memory_space<semaphore_mem>>
      %dma_start3A_140 = arith.constant 0 : i32
      %dma_start3A_141 = tpu.memref_slice %arg4[%add3A_63, %dma_start3A_140] : memref<1280x128xi32, #tpu.memory_space<hbm>> -> memref<40x128xi32, #tpu.memory_space<hbm>>
      %dma_start3A_142 = arith.constant 0 : i32
      %dma_start3A_143 = tpu.memref_slice %arg4[%add3A_63, %dma_start3A_142] : memref<1280x128xi32, #tpu.memory_space<hbm>> -> memref<40x128xi32, #tpu.memory_space<hbm>>
      tpu.enqueue_dma source(%dma_start3A_143 : memref<40x128xi32, #tpu.memory_space<hbm>>) target(%arg7 : memref<40x128xi32, #tpu.memory_space<vmem>>) target_semaphore(%run_scoped3A : memref<!tpu.dma_semaphore, #tpu.memory_space<semaphore_mem>>)
      %dma_wait3A_144 = arith.constant 0 : i32
      %dma_wait3A_145 = tpu.memref_slice %arg4[%add3A_63, %dma_wait3A_144] : memref<1280x128xi32, #tpu.memory_space<hbm>> -> memref<40x128xi32, #tpu.memory_space<hbm>>
      %dma_wait3A_146 = arith.constant 0 : i32
      %dma_wait3A_147 = tpu.memref_slice %arg4[%add3A_63, %dma_wait3A_146] : memref<1280x128xi32, #tpu.memory_space<hbm>> -> memref<40x128xi32, #tpu.memory_space<hbm>>
      tpu.wait_dma2 semaphore(%run_scoped3A : memref<!tpu.dma_semaphore, #tpu.memory_space<semaphore_mem>>) src(%dma_wait3A_147 : memref<40x128xi32, #tpu.memory_space<hbm>>) dst(%arg7 : memref<40x128xi32, #tpu.memory_space<vmem>>)
      tpu.yield
    }) : () -> ()
    %scan3A_64 = arith.constant 0 : i32
    %scan3A_65 = arith.constant 0 : i32
    %scan3A_66 = arith.constant 40 : i32
    %scan3A_67 = arith.addi %scan3A_65, %scan3A_66 : i32
    %scan3A_68 = arith.constant 1 : i32
    scf.for %scan3A_140 = %scan3A_65 to %scan3A_67 step %scan3A_68  : i32 {
      %get3A = arith.index_cast %scan3A_140 : i32 to index
      %get3A_141 = arith.constant 0 : index
      %get3A_142 = tpu.vector_load %arg6[%get3A, %get3A_141] {strides = array<i32>} : memref<40x128xi32, #tpu.memory_space<vmem>>, vector<1x16xi32>,
      %get3A_143 = vector.shape_cast %get3A_142 : vector<1x16xi32> to vector<16xi32>
      %add3A_144 = vector.broadcast %mul3A_17 : i32 to vector<16xi32>
      %add3A_145 = arith.addi %get3A_143, %add3A_144 : vector<16xi32>
      %swap3A = arith.index_cast %scan3A_140 : i32 to index
      %swap3A_146 = arith.constant 0 : index
      %swap3A_147 = tpu.vector_load %arg6[%swap3A, %swap3A_146] {strides = array<i32>} : memref<40x128xi32, #tpu.memory_space<vmem>>, vector<1x16xi32>,
      %swap3A_148 = vector.shape_cast %swap3A_147 : vector<1x16xi32> to vector<16xi32>
      %swap3A_149 = vector.shape_cast %add3A_145 : vector<16xi32> to vector<1x16xi32>
      tpu.vector_store %arg6[%swap3A, %swap3A_146], %swap3A_149 {strides = array<i32>} : memref<40x128xi32, #tpu.memory_space<vmem>>, vector<1x16xi32>,
      %get3A_150 = arith.index_cast %scan3A_140 : i32 to index
      %get3A_151 = arith.constant 16 : index
      %get3A_152 = tpu.vector_load %arg6[%get3A_150, %get3A_151] {strides = array<i32>} : memref<40x128xi32, #tpu.memory_space<vmem>>, vector<1x16xi32>,
      %get3A_153 = vector.shape_cast %get3A_152 : vector<1x16xi32> to vector<16xi32>
      %add3A_154 = vector.broadcast %mul3A_17 : i32 to vector<16xi32>
      %add3A_155 = arith.addi %get3A_153, %add3A_154 : vector<16xi32>
      %swap3A_156 = arith.index_cast %scan3A_140 : i32 to index
      %swap3A_157 = arith.constant 16 : index
      %swap3A_158 = tpu.vector_load %arg6[%swap3A_156, %swap3A_157] {strides = array<i32>} : memref<40x128xi32, #tpu.memory_space<vmem>>, vector<1x16xi32>,
      %swap3A_159 = vector.shape_cast %swap3A_158 : vector<1x16xi32> to vector<16xi32>
      %swap3A_160 = vector.shape_cast %add3A_155 : vector<16xi32> to vector<1x16xi32>
      tpu.vector_store %arg6[%swap3A_156, %swap3A_157], %swap3A_160 {strides = array<i32>} : memref<40x128xi32, #tpu.memory_space<vmem>>, vector<1x16xi32>,
      %get3A_161 = arith.index_cast %scan3A_140 : i32 to index
      %get3A_162 = arith.constant 32 : index
      %get3A_163 = tpu.vector_load %arg6[%get3A_161, %get3A_162] {strides = array<i32>} : memref<40x128xi32, #tpu.memory_space<vmem>>, vector<1x16xi32>,
      %get3A_164 = vector.shape_cast %get3A_163 : vector<1x16xi32> to vector<16xi32>
      %add3A_165 = vector.broadcast %mul3A_17 : i32 to vector<16xi32>
      %add3A_166 = arith.addi %get3A_164, %add3A_165 : vector<16xi32>
      %swap3A_167 = arith.index_cast %scan3A_140 : i32 to index
      %swap3A_168 = arith.constant 32 : index
      %swap3A_169 = tpu.vector_load %arg6[%swap3A_167, %swap3A_168] {strides = array<i32>} : memref<40x128xi32, #tpu.memory_space<vmem>>, vector<1x16xi32>,
      %swap3A_170 = vector.shape_cast %swap3A_169 : vector<1x16xi32> to vector<16xi32>
      %swap3A_171 = vector.shape_cast %add3A_166 : vector<16xi32> to vector<1x16xi32>
      tpu.vector_store %arg6[%swap3A_167, %swap3A_168], %swap3A_171 {strides = array<i32>} : memref<40x128xi32, #tpu.memory_space<vmem>>, vector<1x16xi32>,
      %get3A_172 = arith.index_cast %scan3A_140 : i32 to index
      %get3A_173 = arith.constant 48 : index
      %get3A_174 = tpu.vector_load %arg6[%get3A_172, %get3A_173] {strides = array<i32>} : memref<40x128xi32, #tpu.memory_space<vmem>>, vector<1x16xi32>,
      %get3A_175 = vector.shape_cast %get3A_174 : vector<1x16xi32> to vector<16xi32>
      %add3A_176 = vector.broadcast %mul3A_17 : i32 to vector<16xi32>
      %add3A_177 = arith.addi %get3A_175, %add3A_176 : vector<16xi32>
      %swap3A_178 = arith.index_cast %scan3A_140 : i32 to index
      %swap3A_179 = arith.constant 48 : index
      %swap3A_180 = tpu.vector_load %arg6[%swap3A_178, %swap3A_179] {strides = array<i32>} : memref<40x128xi32, #tpu.memory_space<vmem>>, vector<1x16xi32>,
      %swap3A_181 = vector.shape_cast %swap3A_180 : vector<1x16xi32> to vector<16xi32>
      %swap3A_182 = vector.shape_cast %add3A_177 : vector<16xi32> to vector<1x16xi32>
      tpu.vector_store %arg6[%swap3A_178, %swap3A_179], %swap3A_182 {strides = array<i32>} : memref<40x128xi32, #tpu.memory_space<vmem>>, vector<1x16xi32>,
      %get3A_183 = arith.index_cast %scan3A_140 : i32 to index
      %get3A_184 = arith.constant 64 : index
      %get3A_185 = tpu.vector_load %arg6[%get3A_183, %get3A_184] {strides = array<i32>} : memref<40x128xi32, #tpu.memory_space<vmem>>, vector<1x16xi32>,
      %get3A_186 = vector.shape_cast %get3A_185 : vector<1x16xi32> to vector<16xi32>
      %add3A_187 = vector.broadcast %mul3A_17 : i32 to vector<16xi32>
      %add3A_188 = arith.addi %get3A_186, %add3A_187 : vector<16xi32>
      %swap3A_189 = arith.index_cast %scan3A_140 : i32 to index
      %swap3A_190 = arith.constant 64 : index
      %swap3A_191 = tpu.vector_load %arg6[%swap3A_189, %swap3A_190] {strides = array<i32>} : memref<40x128xi32, #tpu.memory_space<vmem>>, vector<1x16xi32>,
      %swap3A_192 = vector.shape_cast %swap3A_191 : vector<1x16xi32> to vector<16xi32>
      %swap3A_193 = vector.shape_cast %add3A_188 : vector<16xi32> to vector<1x16xi32>
      tpu.vector_store %arg6[%swap3A_189, %swap3A_190], %swap3A_193 {strides = array<i32>} : memref<40x128xi32, #tpu.memory_space<vmem>>, vector<1x16xi32>,
      %get3A_194 = arith.index_cast %scan3A_140 : i32 to index
      %get3A_195 = arith.constant 80 : index
      %get3A_196 = tpu.vector_load %arg6[%get3A_194, %get3A_195] {strides = array<i32>} : memref<40x128xi32, #tpu.memory_space<vmem>>, vector<1x16xi32>,
      %get3A_197 = vector.shape_cast %get3A_196 : vector<1x16xi32> to vector<16xi32>
      %add3A_198 = vector.broadcast %mul3A_17 : i32 to vector<16xi32>
      %add3A_199 = arith.addi %get3A_197, %add3A_198 : vector<16xi32>
      %swap3A_200 = arith.index_cast %scan3A_140 : i32 to index
      %swap3A_201 = arith.constant 80 : index
      %swap3A_202 = tpu.vector_load %arg6[%swap3A_200, %swap3A_201] {strides = array<i32>} : memref<40x128xi32, #tpu.memory_space<vmem>>, vector<1x16xi32>,
      %swap3A_203 = vector.shape_cast %swap3A_202 : vector<1x16xi32> to vector<16xi32>
      %swap3A_204 = vector.shape_cast %add3A_199 : vector<16xi32> to vector<1x16xi32>
      tpu.vector_store %arg6[%swap3A_200, %swap3A_201], %swap3A_204 {strides = array<i32>} : memref<40x128xi32, #tpu.memory_space<vmem>>, vector<1x16xi32>,
      %get3A_205 = arith.index_cast %scan3A_140 : i32 to index
      %get3A_206 = arith.constant 96 : index
      %get3A_207 = tpu.vector_load %arg6[%get3A_205, %get3A_206] {strides = array<i32>} : memref<40x128xi32, #tpu.memory_space<vmem>>, vector<1x16xi32>,
      %get3A_208 = vector.shape_cast %get3A_207 : vector<1x16xi32> to vector<16xi32>
      %add3A_209 = vector.broadcast %mul3A_17 : i32 to vector<16xi32>
      %add3A_210 = arith.addi %get3A_208, %add3A_209 : vector<16xi32>
      %swap3A_211 = arith.index_cast %scan3A_140 : i32 to index
      %swap3A_212 = arith.constant 96 : index
      %swap3A_213 = tpu.vector_load %arg6[%swap3A_211, %swap3A_212] {strides = array<i32>} : memref<40x128xi32, #tpu.memory_space<vmem>>, vector<1x16xi32>,
      %swap3A_214 = vector.shape_cast %swap3A_213 : vector<1x16xi32> to vector<16xi32>
      %swap3A_215 = vector.shape_cast %add3A_210 : vector<16xi32> to vector<1x16xi32>
      tpu.vector_store %arg6[%swap3A_211, %swap3A_212], %swap3A_215 {strides = array<i32>} : memref<40x128xi32, #tpu.memory_space<vmem>>, vector<1x16xi32>,
      %get3A_216 = arith.index_cast %scan3A_140 : i32 to index
      %get3A_217 = arith.constant 112 : index
      %get3A_218 = tpu.vector_load %arg6[%get3A_216, %get3A_217] {strides = array<i32>} : memref<40x128xi32, #tpu.memory_space<vmem>>, vector<1x16xi32>,
      %get3A_219 = vector.shape_cast %get3A_218 : vector<1x16xi32> to vector<16xi32>
      %add3A_220 = vector.broadcast %mul3A_17 : i32 to vector<16xi32>
      %add3A_221 = arith.addi %get3A_219, %add3A_220 : vector<16xi32>
      %swap3A_222 = arith.index_cast %scan3A_140 : i32 to index
      %swap3A_223 = arith.constant 112 : index
      %swap3A_224 = tpu.vector_load %arg6[%swap3A_222, %swap3A_223] {strides = array<i32>} : memref<40x128xi32, #tpu.memory_space<vmem>>, vector<1x16xi32>,
      %swap3A_225 = vector.shape_cast %swap3A_224 : vector<1x16xi32> to vector<16xi32>
      %swap3A_226 = vector.shape_cast %add3A_221 : vector<16xi32> to vector<1x16xi32>
      tpu.vector_store %arg6[%swap3A_222, %swap3A_223], %swap3A_226 {strides = array<i32>} : memref<40x128xi32, #tpu.memory_space<vmem>>, vector<1x16xi32>,
    }
    %scan3A_69 = arith.constant 40 : i32
    %dma_start3A_70 = arith.constant 0 : i32
    %dma_start3A_71 = arith.constant 0 : i32
    %dma_start3A_72 = tpu.memref_slice %arg6[%dma_start3A_70, %dma_start3A_71] : memref<40x128xi32, #tpu.memory_space<vmem>> -> memref<1x128xi32, #tpu.memory_space<vmem>>
    %dma_start3A_73 = tpu.memref_squeeze %dma_start3A_72 : memref<1x128xi32, #tpu.memory_space<vmem>> -> memref<128xi32, #tpu.memory_space<vmem>>
    %dma_start3A_74 = arith.constant 0 : i32
    %dma_start3A_75 = arith.constant 0 : i32
    %dma_start3A_76 = tpu.memref_slice %arg2[%dma_start3A_74, %dma_start3A_75] : memref<20000x128xf32, #tpu.memory_space<hbm>> -> memref<20000x128xf32, #tpu.memory_space<hbm>>
    tpu.enqueue_indirect_dma source(%dma_start3A_76 : memref<20000x128xf32, #tpu.memory_space<hbm>>) target(%arg8 : memref<128x128xf32, #tpu.memory_space<vmem>>) offsets(%dma_start3A_73 : memref<128xi32, #tpu.memory_space<vmem>>) semaphore(%arg11 : memref<!tpu.dma_semaphore, #tpu.memory_space<semaphore_mem>>)
    %dma_start3A_77 = arith.constant 1 : i32
    %dma_start3A_78 = arith.constant 0 : i32
    %dma_start3A_79 = tpu.memref_slice %arg6[%dma_start3A_77, %dma_start3A_78] : memref<40x128xi32, #tpu.memory_space<vmem>> -> memref<1x128xi32, #tpu.memory_space<vmem>>
    %dma_start3A_80 = tpu.memref_squeeze %dma_start3A_79 : memref<1x128xi32, #tpu.memory_space<vmem>> -> memref<128xi32, #tpu.memory_space<vmem>>
    %dma_start3A_81 = arith.constant 0 : i32
    %dma_start3A_82 = arith.constant 0 : i32
    %dma_start3A_83 = tpu.memref_slice %arg2[%dma_start3A_81, %dma_start3A_82] : memref<20000x128xf32, #tpu.memory_space<hbm>> -> memref<20000x128xf32, #tpu.memory_space<hbm>>
    tpu.enqueue_indirect_dma source(%dma_start3A_83 : memref<20000x128xf32, #tpu.memory_space<hbm>>) target(%arg9 : memref<128x128xf32, #tpu.memory_space<vmem>>) offsets(%dma_start3A_80 : memref<128xi32, #tpu.memory_space<vmem>>) semaphore(%arg12 : memref<!tpu.dma_semaphore, #tpu.memory_space<semaphore_mem>>)
    %scan3A_84 = arith.constant 0 : i32
    %scan3A_85 = arith.constant 0 : i32
    %scan3A_86 = arith.constant 20 : i32
    %scan3A_87 = arith.addi %scan3A_85, %scan3A_86 : i32
    %scan3A_88 = arith.constant 1 : i32
    scf.for %scan3A_140 = %scan3A_85 to %scan3A_87 step %scan3A_88  : i32 {
      %mul3A_141 = arith.constant 2 : i32
      %mul3A_142 = arith.muli %mul3A_141, %scan3A_140 : i32
      %add3A_143 = arith.constant 0 : i32
      %add3A_144 = arith.addi %mul3A_142, %add3A_143 : i32
      %dma_wait3A_145 = arith.constant 0 : i32
      %dma_wait3A_146 = tpu.memref_slice %arg6[%add3A_144, %dma_wait3A_145] : memref<40x128xi32, #tpu.memory_space<vmem>> -> memref<1x128xi32, #tpu.memory_space<vmem>>
      %dma_wait3A_147 = tpu.memref_squeeze %dma_wait3A_146 : memref<1x128xi32, #tpu.memory_space<vmem>> -> memref<128xi32, #tpu.memory_space<vmem>>
      %dma_wait3A_148 = arith.constant 0 : i32
      %dma_wait3A_149 = arith.constant 0 : i32
      %dma_wait3A_150 = tpu.memref_slice %arg2[%dma_wait3A_148, %dma_wait3A_149] : memref<20000x128xf32, #tpu.memory_space<hbm>> -> memref<20000x128xf32, #tpu.memory_space<hbm>>
      tpu.wait_indirect_dma semaphore(%arg11 : memref<!tpu.dma_semaphore, #tpu.memory_space<semaphore_mem>>) src(%dma_wait3A_150 : memref<20000x128xf32, #tpu.memory_space<hbm>>) dst(%arg8 : memref<128x128xf32, #tpu.memory_space<vmem>>)
      %dma_start3A_151 = arith.constant 0 : i32
      %dma_start3A_152 = tpu.memref_slice %arg7[%add3A_144, %dma_start3A_151] : memref<40x128xi32, #tpu.memory_space<vmem>> -> memref<1x128xi32, #tpu.memory_space<vmem>>
      %dma_start3A_153 = tpu.memref_squeeze %dma_start3A_152 : memref<1x128xi32, #tpu.memory_space<vmem>> -> memref<128xi32, #tpu.memory_space<vmem>>
      %dma_start3A_154 = arith.constant 0 : i32
      %dma_start3A_155 = arith.constant 0 : i32
      %dma_start3A_156 = tpu.memref_slice %arg10[%dma_start3A_154, %dma_start3A_155] : memref<10240x128xf32, #tpu.memory_space<vmem_shared>> -> memref<10240x128xf32, #tpu.memory_space<vmem_shared>>
      tpu.enqueue_indirect_dma source(%arg8 : memref<128x128xf32, #tpu.memory_space<vmem>>) target(%dma_start3A_156 : memref<10240x128xf32, #tpu.memory_space<vmem_shared>>) offsets(%dma_start3A_153 : memref<128xi32, #tpu.memory_space<vmem>>) semaphore(%arg13 : memref<!tpu.dma_semaphore, #tpu.memory_space<semaphore_mem>>) {add = true}
      %add3A_157 = arith.constant 2 : i32
      %add3A_158 = arith.addi %add3A_144, %add3A_157 : i32
      %lt3A = arith.constant 40 : i32
      %lt3A_159 = arith.cmpi slt, %add3A_158, %lt3A : i32
      %convert_element_type3A = arith.extui %lt3A_159 : i1 to i32
      %cond3A = arith.constant 0 : i32
      %cond3A_160 = arith.cmpi ne, %convert_element_type3A, %cond3A : i32
      scf.if %cond3A_160 {
        %dma_wait3A_184 = arith.constant 0 : i32
        %dma_wait3A_185 = tpu.memref_slice %arg7[%add3A_144, %dma_wait3A_184] : memref<40x128xi32, #tpu.memory_space<vmem>> -> memref<1x128xi32, #tpu.memory_space<vmem>>
        %dma_wait3A_186 = tpu.memref_squeeze %dma_wait3A_185 : memref<1x128xi32, #tpu.memory_space<vmem>> -> memref<128xi32, #tpu.memory_space<vmem>>
        %dma_wait3A_187 = arith.constant 0 : i32
        %dma_wait3A_188 = arith.constant 0 : i32
        %dma_wait3A_189 = tpu.memref_slice %arg10[%dma_wait3A_187, %dma_wait3A_188] : memref<10240x128xf32, #tpu.memory_space<vmem_shared>> -> memref<10240x128xf32, #tpu.memory_space<vmem_shared>>
        tpu.wait_indirect_dma semaphore(%arg13 : memref<!tpu.dma_semaphore, #tpu.memory_space<semaphore_mem>>) src(%arg8 : memref<128x128xf32, #tpu.memory_space<vmem>>) dst(%dma_wait3A_189 : memref<10240x128xf32, #tpu.memory_space<vmem_shared>>)
        %add3A_190 = arith.constant 2 : i32
        %add3A_191 = arith.addi %add3A_144, %add3A_190 : i32
        %dma_start3A_192 = arith.constant 0 : i32
        %dma_start3A_193 = tpu.memref_slice %arg6[%add3A_191, %dma_start3A_192] : memref<40x128xi32, #tpu.memory_space<vmem>> -> memref<1x128xi32, #tpu.memory_space<vmem>>
        %dma_start3A_194 = tpu.memref_squeeze %dma_start3A_193 : memref<1x128xi32, #tpu.memory_space<vmem>> -> memref<128xi32, #tpu.memory_space<vmem>>
        %dma_start3A_195 = arith.constant 0 : i32
        %dma_start3A_196 = arith.constant 0 : i32
        %dma_start3A_197 = tpu.memref_slice %arg2[%dma_start3A_195, %dma_start3A_196] : memref<20000x128xf32, #tpu.memory_space<hbm>> -> memref<20000x128xf32, #tpu.memory_space<hbm>>
        tpu.enqueue_indirect_dma source(%dma_start3A_197 : memref<20000x128xf32, #tpu.memory_space<hbm>>) target(%arg8 : memref<128x128xf32, #tpu.memory_space<vmem>>) offsets(%dma_start3A_194 : memref<128xi32, #tpu.memory_space<vmem>>) semaphore(%arg11 : memref<!tpu.dma_semaphore, #tpu.memory_space<semaphore_mem>>)
      } else {
      }
      %mul3A_161 = arith.constant 2 : i32
      %mul3A_162 = arith.muli %mul3A_161, %scan3A_140 : i32
      %add3A_163 = arith.constant 1 : i32
      %add3A_164 = arith.addi %mul3A_162, %add3A_163 : i32
      %dma_wait3A_165 = arith.constant 0 : i32
      %dma_wait3A_166 = tpu.memref_slice %arg6[%add3A_164, %dma_wait3A_165] : memref<40x128xi32, #tpu.memory_space<vmem>> -> memref<1x128xi32, #tpu.memory_space<vmem>>
      %dma_wait3A_167 = tpu.memref_squeeze %dma_wait3A_166 : memref<1x128xi32, #tpu.memory_space<vmem>> -> memref<128xi32, #tpu.memory_space<vmem>>
      %dma_wait3A_168 = arith.constant 0 : i32
      %dma_wait3A_169 = arith.constant 0 : i32
      %dma_wait3A_170 = tpu.memref_slice %arg2[%dma_wait3A_168, %dma_wait3A_169] : memref<20000x128xf32, #tpu.memory_space<hbm>> -> memref<20000x128xf32, #tpu.memory_space<hbm>>
      tpu.wait_indirect_dma semaphore(%arg12 : memref<!tpu.dma_semaphore, #tpu.memory_space<semaphore_mem>>) src(%dma_wait3A_170 : memref<20000x128xf32, #tpu.memory_space<hbm>>) dst(%arg9 : memref<128x128xf32, #tpu.memory_space<vmem>>)
      %dma_start3A_171 = arith.constant 0 : i32
      %dma_start3A_172 = tpu.memref_slice %arg7[%add3A_164, %dma_start3A_171] : memref<40x128xi32, #tpu.memory_space<vmem>> -> memref<1x128xi32, #tpu.memory_space<vmem>>
      %dma_start3A_173 = tpu.memref_squeeze %dma_start3A_172 : memref<1x128xi32, #tpu.memory_space<vmem>> -> memref<128xi32, #tpu.memory_space<vmem>>
      %dma_start3A_174 = arith.constant 0 : i32
      %dma_start3A_175 = arith.constant 0 : i32
      %dma_start3A_176 = tpu.memref_slice %arg10[%dma_start3A_174, %dma_start3A_175] : memref<10240x128xf32, #tpu.memory_space<vmem_shared>> -> memref<10240x128xf32, #tpu.memory_space<vmem_shared>>
      tpu.enqueue_indirect_dma source(%arg9 : memref<128x128xf32, #tpu.memory_space<vmem>>) target(%dma_start3A_176 : memref<10240x128xf32, #tpu.memory_space<vmem_shared>>) offsets(%dma_start3A_173 : memref<128xi32, #tpu.memory_space<vmem>>) semaphore(%arg14 : memref<!tpu.dma_semaphore, #tpu.memory_space<semaphore_mem>>) {add = true}
      %add3A_177 = arith.constant 2 : i32
      %add3A_178 = arith.addi %add3A_164, %add3A_177 : i32
      %lt3A_179 = arith.constant 40 : i32
      %lt3A_180 = arith.cmpi slt, %add3A_178, %lt3A_179 : i32
      %convert_element_type3A_181 = arith.extui %lt3A_180 : i1 to i32
      %cond3A_182 = arith.constant 0 : i32
      %cond3A_183 = arith.cmpi ne, %convert_element_type3A_181, %cond3A_182 : i32
      scf.if %cond3A_183 {
        %dma_wait3A_184 = arith.constant 0 : i32
        %dma_wait3A_185 = tpu.memref_slice %arg7[%add3A_164, %dma_wait3A_184] : memref<40x128xi32, #tpu.memory_space<vmem>> -> memref<1x128xi32, #tpu.memory_space<vmem>>
        %dma_wait3A_186 = tpu.memref_squeeze %dma_wait3A_185 : memref<1x128xi32, #tpu.memory_space<vmem>> -> memref<128xi32, #tpu.memory_space<vmem>>
        %dma_wait3A_187 = arith.constant 0 : i32
        %dma_wait3A_188 = arith.constant 0 : i32
        %dma_wait3A_189 = tpu.memref_slice %arg10[%dma_wait3A_187, %dma_wait3A_188] : memref<10240x128xf32, #tpu.memory_space<vmem_shared>> -> memref<10240x128xf32, #tpu.memory_space<vmem_shared>>
        tpu.wait_indirect_dma semaphore(%arg14 : memref<!tpu.dma_semaphore, #tpu.memory_space<semaphore_mem>>) src(%arg9 : memref<128x128xf32, #tpu.memory_space<vmem>>) dst(%dma_wait3A_189 : memref<10240x128xf32, #tpu.memory_space<vmem_shared>>)
        %add3A_190 = arith.constant 2 : i32
        %add3A_191 = arith.addi %add3A_164, %add3A_190 : i32
        %dma_start3A_192 = arith.constant 0 : i32
        %dma_start3A_193 = tpu.memref_slice %arg6[%add3A_191, %dma_start3A_192] : memref<40x128xi32, #tpu.memory_space<vmem>> -> memref<1x128xi32, #tpu.memory_space<vmem>>
        %dma_start3A_194 = tpu.memref_squeeze %dma_start3A_193 : memref<1x128xi32, #tpu.memory_space<vmem>> -> memref<128xi32, #tpu.memory_space<vmem>>
        %dma_start3A_195 = arith.constant 0 : i32
        %dma_start3A_196 = arith.constant 0 : i32
        %dma_start3A_197 = tpu.memref_slice %arg2[%dma_start3A_195, %dma_start3A_196] : memref<20000x128xf32, #tpu.memory_space<hbm>> -> memref<20000x128xf32, #tpu.memory_space<hbm>>
        tpu.enqueue_indirect_dma source(%dma_start3A_197 : memref<20000x128xf32, #tpu.memory_space<hbm>>) target(%arg9 : memref<128x128xf32, #tpu.memory_space<vmem>>) offsets(%dma_start3A_194 : memref<128xi32, #tpu.memory_space<vmem>>) semaphore(%arg12 : memref<!tpu.dma_semaphore, #tpu.memory_space<semaphore_mem>>)
      } else {
      }
    }
    %scan3A_89 = arith.constant 20 : i32
    %dma_wait3A_90 = arith.constant 0 : i32
    %dma_wait3A_91 = arith.constant 0 : i32
    %dma_wait3A_92 = tpu.memref_slice %arg7[%dma_wait3A_90, %dma_wait3A_91] : memref<40x128xi32, #tpu.memory_space<vmem>> -> memref<1x128xi32, #tpu.memory_space<vmem>>
    %dma_wait3A_93 = tpu.memref_squeeze %dma_wait3A_92 : memref<1x128xi32, #tpu.memory_space<vmem>> -> memref<128xi32, #tpu.memory_space<vmem>>
    %dma_wait3A_94 = arith.constant 0 : i32
    %dma_wait3A_95 = arith.constant 0 : i32
    %dma_wait3A_96 = tpu.memref_slice %arg10[%dma_wait3A_94, %dma_wait3A_95] : memref<10240x128xf32, #tpu.memory_space<vmem_shared>> -> memref<10240x128xf32, #tpu.memory_space<vmem_shared>>
    tpu.wait_indirect_dma semaphore(%arg13 : memref<!tpu.dma_semaphore, #tpu.memory_space<semaphore_mem>>) src(%arg8 : memref<128x128xf32, #tpu.memory_space<vmem>>) dst(%dma_wait3A_96 : memref<10240x128xf32, #tpu.memory_space<vmem_shared>>)
    %dma_wait3A_97 = arith.constant 0 : i32
    %dma_wait3A_98 = arith.constant 0 : i32
    %dma_wait3A_99 = tpu.memref_slice %arg7[%dma_wait3A_97, %dma_wait3A_98] : memref<40x128xi32, #tpu.memory_space<vmem>> -> memref<1x128xi32, #tpu.memory_space<vmem>>
    %dma_wait3A_100 = tpu.memref_squeeze %dma_wait3A_99 : memref<1x128xi32, #tpu.memory_space<vmem>> -> memref<128xi32, #tpu.memory_space<vmem>>
    %dma_wait3A_101 = arith.constant 0 : i32
    %dma_wait3A_102 = arith.constant 0 : i32
    %dma_wait3A_103 = tpu.memref_slice %arg10[%dma_wait3A_101, %dma_wait3A_102] : memref<10240x128xf32, #tpu.memory_space<vmem_shared>> -> memref<10240x128xf32, #tpu.memory_space<vmem_shared>>
    tpu.wait_indirect_dma semaphore(%arg14 : memref<!tpu.dma_semaphore, #tpu.memory_space<semaphore_mem>>) src(%arg9 : memref<128x128xf32, #tpu.memory_space<vmem>>) dst(%dma_wait3A_103 : memref<10240x128xf32, #tpu.memory_space<vmem_shared>>)
    %barrier3A_104 = arith.constant 0 : index
    tpu.barrier barrier_id(%barrier3A_104)
    %add3A_105 = arith.constant 0 : i32
    %add3A_106 = arith.addi %mul3A_6, %add3A_105 : i32
    %mul3A_107 = arith.constant 10240 : i32
    %mul3A_108 = arith.muli %arg0, %mul3A_107 : i32
    %add3A_109 = arith.addi %mul3A_108, %mul3A_6 : i32
    %add3A_110 = arith.constant 0 : i32
    %add3A_111 = arith.addi %add3A_109, %add3A_110 : i32
    "tpu.region"() ({
      %run_scoped3A = tpu.sem_alloc : memref<!tpu.dma_semaphore, #tpu.memory_space<semaphore_mem>>
      %dma_start3A_140 = arith.constant 0 : i32
      %dma_start3A_141 = tpu.memref_slice %arg5[%add3A_111, %dma_start3A_140] : memref<20480x128xf32, #tpu.memory_space<hbm>> -> memref<128x128xf32, #tpu.memory_space<hbm>>
      %dma_start3A_142 = arith.constant 0 : i32
      %dma_start3A_143 = tpu.memref_slice %arg10[%add3A_106, %dma_start3A_142] : memref<10240x128xf32, #tpu.memory_space<vmem_shared>> -> memref<128x128xf32, #tpu.memory_space<vmem_shared>>
      tpu.enqueue_dma source(%dma_start3A_143 : memref<128x128xf32, #tpu.memory_space<vmem_shared>>) target(%dma_start3A_141 : memref<128x128xf32, #tpu.memory_space<hbm>>) target_semaphore(%run_scoped3A : memref<!tpu.dma_semaphore, #tpu.memory_space<semaphore_mem>>)
      %dma_wait3A_144 = arith.constant 0 : i32
      %dma_wait3A_145 = tpu.memref_slice %arg5[%add3A_111, %dma_wait3A_144] : memref<20480x128xf32, #tpu.memory_space<hbm>> -> memref<128x128xf32, #tpu.memory_space<hbm>>
      %dma_wait3A_146 = arith.constant 0 : i32
      %dma_wait3A_147 = tpu.memref_slice %arg10[%add3A_106, %dma_wait3A_146] : memref<10240x128xf32, #tpu.memory_space<vmem_shared>> -> memref<128x128xf32, #tpu.memory_space<vmem_shared>>
      tpu.wait_dma2 semaphore(%run_scoped3A : memref<!tpu.dma_semaphore, #tpu.memory_space<semaphore_mem>>) src(%dma_wait3A_147 : memref<128x128xf32, #tpu.memory_space<vmem_shared>>) dst(%dma_wait3A_145 : memref<128x128xf32, #tpu.memory_space<hbm>>)
      tpu.yield
    }) : () -> ()
    %add3A_112 = arith.constant 128 : i32
    %add3A_113 = arith.addi %mul3A_6, %add3A_112 : i32
    %mul3A_114 = arith.constant 10240 : i32
    %mul3A_115 = arith.muli %arg0, %mul3A_114 : i32
    %add3A_116 = arith.addi %mul3A_115, %mul3A_6 : i32
    %add3A_117 = arith.constant 128 : i32
    %add3A_118 = arith.addi %add3A_116, %add3A_117 : i32
    "tpu.region"() ({
      %run_scoped3A = tpu.sem_alloc : memref<!tpu.dma_semaphore, #tpu.memory_space<semaphore_mem>>
      %dma_start3A_140 = arith.constant 0 : i32
      %dma_start3A_141 = tpu.memref_slice %arg5[%add3A_118, %dma_start3A_140] : memref<20480x128xf32, #tpu.memory_space<hbm>> -> memref<128x128xf32, #tpu.memory_space<hbm>>
      %dma_start3A_142 = arith.constant 0 : i32
      %dma_start3A_143 = tpu.memref_slice %arg10[%add3A_113, %dma_start3A_142] : memref<10240x128xf32, #tpu.memory_space<vmem_shared>> -> memref<128x128xf32, #tpu.memory_space<vmem_shared>>
      tpu.enqueue_dma source(%dma_start3A_143 : memref<128x128xf32, #tpu.memory_space<vmem_shared>>) target(%dma_start3A_141 : memref<128x128xf32, #tpu.memory_space<hbm>>) target_semaphore(%run_scoped3A : memref<!tpu.dma_semaphore, #tpu.memory_space<semaphore_mem>>)
      %dma_wait3A_144 = arith.constant 0 : i32
      %dma_wait3A_145 = tpu.memref_slice %arg5[%add3A_118, %dma_wait3A_144] : memref<20480x128xf32, #tpu.memory_space<hbm>> -> memref<128x128xf32, #tpu.memory_space<hbm>>
      %dma_wait3A_146 = arith.constant 0 : i32
      %dma_wait3A_147 = tpu.memref_slice %arg10[%add3A_113, %dma_wait3A_146] : memref<10240x128xf32, #tpu.memory_space<vmem_shared>> -> memref<128x128xf32, #tpu.memory_space<vmem_shared>>
      tpu.wait_dma2 semaphore(%run_scoped3A : memref<!tpu.dma_semaphore, #tpu.memory_space<semaphore_mem>>) src(%dma_wait3A_147 : memref<128x128xf32, #tpu.memory_space<vmem_shared>>) dst(%dma_wait3A_145 : memref<128x128xf32, #tpu.memory_space<hbm>>)
      tpu.yield
    }) : () -> ()
    %add3A_119 = arith.constant 256 : i32
    %add3A_120 = arith.addi %mul3A_6, %add3A_119 : i32
    %mul3A_121 = arith.constant 10240 : i32
    %mul3A_122 = arith.muli %arg0, %mul3A_121 : i32
    %add3A_123 = arith.addi %mul3A_122, %mul3A_6 : i32
    %add3A_124 = arith.constant 256 : i32
    %add3A_125 = arith.addi %add3A_123, %add3A_124 : i32
    "tpu.region"() ({
      %run_scoped3A = tpu.sem_alloc : memref<!tpu.dma_semaphore, #tpu.memory_space<semaphore_mem>>
      %dma_start3A_140 = arith.constant 0 : i32
      %dma_start3A_141 = tpu.memref_slice %arg5[%add3A_125, %dma_start3A_140] : memref<20480x128xf32, #tpu.memory_space<hbm>> -> memref<128x128xf32, #tpu.memory_space<hbm>>
      %dma_start3A_142 = arith.constant 0 : i32
      %dma_start3A_143 = tpu.memref_slice %arg10[%add3A_120, %dma_start3A_142] : memref<10240x128xf32, #tpu.memory_space<vmem_shared>> -> memref<128x128xf32, #tpu.memory_space<vmem_shared>>
      tpu.enqueue_dma source(%dma_start3A_143 : memref<128x128xf32, #tpu.memory_space<vmem_shared>>) target(%dma_start3A_141 : memref<128x128xf32, #tpu.memory_space<hbm>>) target_semaphore(%run_scoped3A : memref<!tpu.dma_semaphore, #tpu.memory_space<semaphore_mem>>)
      %dma_wait3A_144 = arith.constant 0 : i32
      %dma_wait3A_145 = tpu.memref_slice %arg5[%add3A_125, %dma_wait3A_144] : memref<20480x128xf32, #tpu.memory_space<hbm>> -> memref<128x128xf32, #tpu.memory_space<hbm>>
      %dma_wait3A_146 = arith.constant 0 : i32
      %dma_wait3A_147 = tpu.memref_slice %arg10[%add3A_120, %dma_wait3A_146] : memref<10240x128xf32, #tpu.memory_space<vmem_shared>> -> memref<128x128xf32, #tpu.memory_space<vmem_shared>>
      tpu.wait_dma2 semaphore(%run_scoped3A : memref<!tpu.dma_semaphore, #tpu.memory_space<semaphore_mem>>) src(%dma_wait3A_147 : memref<128x128xf32, #tpu.memory_space<vmem_shared>>) dst(%dma_wait3A_145 : memref<128x128xf32, #tpu.memory_space<hbm>>)
      tpu.yield
    }) : () -> ()
    %add3A_126 = arith.constant 384 : i32
    %add3A_127 = arith.addi %mul3A_6, %add3A_126 : i32
    %mul3A_128 = arith.constant 10240 : i32
    %mul3A_129 = arith.muli %arg0, %mul3A_128 : i32
    %add3A_130 = arith.addi %mul3A_129, %mul3A_6 : i32
    %add3A_131 = arith.constant 384 : i32
    %add3A_132 = arith.addi %add3A_130, %add3A_131 : i32
    "tpu.region"() ({
      %run_scoped3A = tpu.sem_alloc : memref<!tpu.dma_semaphore, #tpu.memory_space<semaphore_mem>>
      %dma_start3A_140 = arith.constant 0 : i32
      %dma_start3A_141 = tpu.memref_slice %arg5[%add3A_132, %dma_start3A_140] : memref<20480x128xf32, #tpu.memory_space<hbm>> -> memref<128x128xf32, #tpu.memory_space<hbm>>
      %dma_start3A_142 = arith.constant 0 : i32
      %dma_start3A_143 = tpu.memref_slice %arg10[%add3A_127, %dma_start3A_142] : memref<10240x128xf32, #tpu.memory_space<vmem_shared>> -> memref<128x128xf32, #tpu.memory_space<vmem_shared>>
      tpu.enqueue_dma source(%dma_start3A_143 : memref<128x128xf32, #tpu.memory_space<vmem_shared>>) target(%dma_start3A_141 : memref<128x128xf32, #tpu.memory_space<hbm>>) target_semaphore(%run_scoped3A : memref<!tpu.dma_semaphore, #tpu.memory_space<semaphore_mem>>)
      %dma_wait3A_144 = arith.constant 0 : i32
      %dma_wait3A_145 = tpu.memref_slice %arg5[%add3A_132, %dma_wait3A_144] : memref<20480x128xf32, #tpu.memory_space<hbm>> -> memref<128x128xf32, #tpu.memory_space<hbm>>
      %dma_wait3A_146 = arith.constant 0 : i32
      %dma_wait3A_147 = tpu.memref_slice %arg10[%add3A_127, %dma_wait3A_146] : memref<10240x128xf32, #tpu.memory_space<vmem_shared>> -> memref<128x128xf32, #tpu.memory_space<vmem_shared>>
      tpu.wait_dma2 semaphore(%run_scoped3A : memref<!tpu.dma_semaphore, #tpu.memory_space<semaphore_mem>>) src(%dma_wait3A_147 : memref<128x128xf32, #tpu.memory_space<vmem_shared>>) dst(%dma_wait3A_145 : memref<128x128xf32, #tpu.memory_space<hbm>>)
      tpu.yield
    }) : () -> ()
    %add3A_133 = arith.constant 512 : i32
    %add3A_134 = arith.addi %mul3A_6, %add3A_133 : i32
    %mul3A_135 = arith.constant 10240 : i32
    %mul3A_136 = arith.muli %arg0, %mul3A_135 : i32
    %add3A_137 = arith.addi %mul3A_136, %mul3A_6 : i32
    %add3A_138 = arith.constant 512 : i32
    %add3A_139 = arith.addi %add3A_137, %add3A_138 : i32
    "tpu.region"() ({
      %run_scoped3A = tpu.sem_alloc : memref<!tpu.dma_semaphore, #tpu.memory_space<semaphore_mem>>
      %dma_start3A_140 = arith.constant 0 : i32
      %dma_start3A_141 = tpu.memref_slice %arg5[%add3A_139, %dma_start3A_140] : memref<20480x128xf32, #tpu.memory_space<hbm>> -> memref<128x128xf32, #tpu.memory_space<hbm>>
      %dma_start3A_142 = arith.constant 0 : i32
      %dma_start3A_143 = tpu.memref_slice %arg10[%add3A_134, %dma_start3A_142] : memref<10240x128xf32, #tpu.memory_space<vmem_shared>> -> memref<128x128xf32, #tpu.memory_space<vmem_shared>>
      tpu.enqueue_dma source(%dma_start3A_143 : memref<128x128xf32, #tpu.memory_space<vmem_shared>>) target(%dma_start3A_141 : memref<128x128xf32, #tpu.memory_space<hbm>>) target_semaphore(%run_scoped3A : memref<!tpu.dma_semaphore, #tpu.memory_space<semaphore_mem>>)
      %dma_wait3A_144 = arith.constant 0 : i32
      %dma_wait3A_145 = tpu.memref_slice %arg5[%add3A_139, %dma_wait3A_144] : memref<20480x128xf32, #tpu.memory_space<hbm>> -> memref<128x128xf32, #tpu.memory_space<hbm>>
      %dma_wait3A_146 = arith.constant 0 : i32
      %dma_wait3A_147 = tpu.memref_slice %arg10[%add3A_134, %dma_wait3A_146] : memref<10240x128xf32, #tpu.memory_space<vmem_shared>> -> memref<128x128xf32, #tpu.memory_space<vmem_shared>>
      tpu.wait_dma2 semaphore(%run_scoped3A : memref<!tpu.dma_semaphore, #tpu.memory_space<semaphore_mem>>) src(%dma_wait3A_147 : memref<128x128xf32, #tpu.memory_space<vmem_shared>>) dst(%dma_wait3A_145 : memref<128x128xf32, #tpu.memory_space<hbm>>)
      tpu.yield
    }) : () -> ()
    return
  }
}

module attributes {stable_mosaic.version = 14 : i64} {
  func.func @_finish_stats_body(%arg0: i32, %arg1: memref<2x2000x16xf32, #tpu.memory_space<vmem>>, %arg2: memref<2x2000x128xf32, #tpu.memory_space<vmem>>, %arg3: memref<2x2000x128xf32, #tpu.memory_space<vmem>>, %arg4: memref<1x256xf32, #tpu.memory_space<vmem>>, %arg5: memref<2000x256xf32, #tpu.memory_space<vmem>>, %arg6: memref<2x256xf32, #tpu.memory_space<vmem>>) attributes {dimension_semantics = [#tpu.dimension_semantics<arbitrary>], iteration_bounds = array<i64: 5>, scalar_prefetch = 0 : i64, scratch_operands = 0 : i64, tpu.core_type = #tpu.core_type<tc>, window_params = [{transform_indices = @transform_0, window_bounds = array<i64: 2, 2000, 16>}, {transform_indices = @transform_1, window_bounds = array<i64: 2, 2000, 128>}, {transform_indices = @transform_2, window_bounds = array<i64: 2, 2000, 128>}, {pipeline_mode = #tpu.pipeline_mode<synchronous>, transform_indices = @transform_3, window_bounds = array<i64: 1, 256>}, {transform_indices = @transform_4, window_bounds = array<i64: 2000, 256>}, {pipeline_mode = #tpu.pipeline_mode<synchronous>, transform_indices = @transform_5, window_bounds = array<i64: 2, 256>}]} {
    %get3A = arith.constant 0 : index
    %get3A_0 = arith.constant 0 : index
    %get3A_1 = arith.constant 0 : index
    %get3A_2 = vector.load %arg1[%get3A, %get3A_0, %get3A_1] : memref<2x2000x16xf32, #tpu.memory_space<vmem>>, vector<1x2000x1xf32>
    %get3A_3 = vector.shape_cast %get3A_2 : vector<1x2000x1xf32> to vector<2000x1xf32>
    %get3A_4 = arith.constant 1 : index
    %get3A_5 = arith.constant 0 : index
    %get3A_6 = arith.constant 0 : index
    %get3A_7 = vector.load %arg1[%get3A_4, %get3A_5, %get3A_6] : memref<2x2000x16xf32, #tpu.memory_space<vmem>>, vector<1x2000x1xf32>
    %get3A_8 = vector.shape_cast %get3A_7 : vector<1x2000x1xf32> to vector<2000x1xf32>
    %add3A = arith.addf %get3A_3, %get3A_8 : vector<2000x1xf32>
    %add3A_9 = arith.constant 1.000000e+00 : f32
    %add3A_10 = vector.broadcast %add3A_9 : f32 to vector<2000x1xf32>
    %add3A_11 = arith.addf %add3A, %add3A_10 : vector<2000x1xf32>
    %rsqrt3A = math.rsqrt %add3A_11 : vector<2000x1xf32>
    %get3A_12 = arith.constant 0 : index
    %get3A_13 = arith.constant 0 : index
    %get3A_14 = arith.constant 0 : index
    %get3A_15 = vector.load %arg2[%get3A_12, %get3A_13, %get3A_14] : memref<2x2000x128xf32, #tpu.memory_space<vmem>>, vector<1x2000x128xf32>
    %get3A_16 = vector.shape_cast %get3A_15 : vector<1x2000x128xf32> to vector<2000x128xf32>
    %get3A_17 = arith.constant 0 : index
    %get3A_18 = arith.constant 0 : index
    %get3A_19 = arith.constant 0 : index
    %get3A_20 = vector.load %arg3[%get3A_17, %get3A_18, %get3A_19] : memref<2x2000x128xf32, #tpu.memory_space<vmem>>, vector<1x2000x128xf32>
    %get3A_21 = vector.shape_cast %get3A_20 : vector<1x2000x128xf32> to vector<2000x128xf32>
    %add3A_22 = arith.addf %get3A_16, %get3A_21 : vector<2000x128xf32>
    %get3A_23 = arith.constant 1 : index
    %get3A_24 = arith.constant 0 : index
    %get3A_25 = arith.constant 0 : index
    %get3A_26 = vector.load %arg2[%get3A_23, %get3A_24, %get3A_25] : memref<2x2000x128xf32, #tpu.memory_space<vmem>>, vector<1x2000x128xf32>
    %get3A_27 = vector.shape_cast %get3A_26 : vector<1x2000x128xf32> to vector<2000x128xf32>
    %get3A_28 = arith.constant 1 : index
    %get3A_29 = arith.constant 0 : index
    %get3A_30 = arith.constant 0 : index
    %get3A_31 = vector.load %arg3[%get3A_28, %get3A_29, %get3A_30] : memref<2x2000x128xf32, #tpu.memory_space<vmem>>, vector<1x2000x128xf32>
    %get3A_32 = vector.shape_cast %get3A_31 : vector<1x2000x128xf32> to vector<2000x128xf32>
    %add3A_33 = arith.addf %get3A_27, %get3A_32 : vector<2000x128xf32>
    %concatenate3A = tpu.concatenate %add3A_22, %add3A_33 in 1 : vector<2000x128xf32>, vector<2000x128xf32> -> vector<2000x256xf32>
    %mul3A = vector.broadcast %rsqrt3A : vector<2000x1xf32> to vector<2000x256xf32>
    %mul3A_34 = arith.mulf %concatenate3A, %mul3A : vector<2000x256xf32>
    %get3A_35 = arith.constant 0 : index
    %get3A_36 = arith.constant 0 : index
    %get3A_37 = vector.load %arg4[%get3A_35, %get3A_36] : memref<1x256xf32, #tpu.memory_space<vmem>>, vector<1x256xf32>
    %add3A_38 = vector.broadcast %get3A_37 : vector<1x256xf32> to vector<2000x256xf32>
    %add3A_39 = arith.addf %mul3A_34, %add3A_38 : vector<2000x256xf32>
    %swap3A = arith.constant 0 : index
    %swap3A_40 = arith.constant 0 : index
    %swap3A_41 = vector.load %arg5[%swap3A, %swap3A_40] : memref<2000x256xf32, #tpu.memory_space<vmem>>, vector<2000x256xf32>
    tpu.vector_store %arg5[%swap3A, %swap3A_40], %add3A_39 {strides = array<i32>} : memref<2000x256xf32, #tpu.memory_space<vmem>>, vector<2000x256xf32>,
    %eq3A = arith.constant 0 : i32
    %eq3A_42 = arith.cmpi eq, %arg0, %eq3A : i32
    %convert_element_type3A = arith.extui %eq3A_42 : i1 to i32
    %cond3A = arith.constant 0 : i32
    %cond3A_43 = arith.cmpi ne, %convert_element_type3A, %cond3A : i32
    scf.if %cond3A_43 {
      %broadcast_in_dim3A_63 = arith.constant 0.000000e+00 : f32
      %broadcast_in_dim3A_64 = vector.broadcast %broadcast_in_dim3A_63 : f32 to vector<2x256xf32>
      %swap3A_65 = arith.constant 0 : index
      %swap3A_66 = arith.constant 0 : index
      %swap3A_67 = vector.load %arg6[%swap3A_65, %swap3A_66] : memref<2x256xf32, #tpu.memory_space<vmem>>, vector<2x256xf32>
      tpu.vector_store %arg6[%swap3A_65, %swap3A_66], %broadcast_in_dim3A_64 {strides = array<i32>} : memref<2x256xf32, #tpu.memory_space<vmem>>, vector<2x256xf32>,
    } else {
    }
    %get3A_44 = arith.constant 0 : index
    %get3A_45 = arith.constant 0 : index
    %get3A_46 = vector.load %arg6[%get3A_44, %get3A_45] : memref<2x256xf32, #tpu.memory_space<vmem>>, vector<1x256xf32>
    %reduce_sum3A = arith.constant dense<0.000000e+00> : vector<256xf32>
    %reduce_sum3A_47 = vector.multi_reduction <add>, %add3A_39, %reduce_sum3A [0] : vector<2000x256xf32> to vector<256xf32>
    %broadcast_in_dim3A = vector.shape_cast %reduce_sum3A_47 : vector<256xf32> to vector<1x256xf32>
    %add3A_48 = arith.addf %get3A_46, %broadcast_in_dim3A : vector<1x256xf32>
    %swap3A_49 = arith.constant 0 : index
    %swap3A_50 = arith.constant 0 : index
    %swap3A_51 = vector.load %arg6[%swap3A_49, %swap3A_50] : memref<2x256xf32, #tpu.memory_space<vmem>>, vector<1x256xf32>
    tpu.vector_store %arg6[%swap3A_49, %swap3A_50], %add3A_48 {strides = array<i32>} : memref<2x256xf32, #tpu.memory_space<vmem>>, vector<1x256xf32>,
    %get3A_52 = arith.constant 1 : index
    %get3A_53 = arith.constant 0 : index
    %get3A_54 = vector.load %arg6[%get3A_52, %get3A_53] : memref<2x256xf32, #tpu.memory_space<vmem>>, vector<1x256xf32>
    %mul3A_55 = arith.mulf %add3A_39, %add3A_39 : vector<2000x256xf32>
    %reduce_sum3A_56 = arith.constant dense<0.000000e+00> : vector<256xf32>
    %reduce_sum3A_57 = vector.multi_reduction <add>, %mul3A_55, %reduce_sum3A_56 [0] : vector<2000x256xf32> to vector<256xf32>
    %broadcast_in_dim3A_58 = vector.shape_cast %reduce_sum3A_57 : vector<256xf32> to vector<1x256xf32>
    %add3A_59 = arith.addf %get3A_54, %broadcast_in_dim3A_58 : vector<1x256xf32>
    %swap3A_60 = arith.constant 1 : index
    %swap3A_61 = arith.constant 0 : index
    %swap3A_62 = vector.load %arg6[%swap3A_60, %swap3A_61] : memref<2x256xf32, #tpu.memory_space<vmem>>, vector<1x256xf32>
    tpu.vector_store %arg6[%swap3A_60, %swap3A_61], %add3A_59 {strides = array<i32>} : memref<2x256xf32, #tpu.memory_space<vmem>>, vector<1x256xf32>,
    return
  }
  func.func @transform_0(%arg0: i32) -> (i32, i32, i32) {
    %c0_i32 = arith.constant 0 : i32
    %c0_i32_0 = arith.constant 0 : i32
    %c0_i32_1 = arith.constant 0 : i32
    return %c0_i32, %arg0, %c0_i32_0 : i32, i32, i32
  }
  func.func @transform_1(%arg0: i32) -> (i32, i32, i32) {
    %c0_i32 = arith.constant 0 : i32
    %c0_i32_0 = arith.constant 0 : i32
    %c0_i32_1 = arith.constant 0 : i32
    return %c0_i32, %arg0, %c0_i32_0 : i32, i32, i32
  }
  func.func @transform_2(%arg0: i32) -> (i32, i32, i32) {
    %c0_i32 = arith.constant 0 : i32
    %c0_i32_0 = arith.constant 0 : i32
    %c0_i32_1 = arith.constant 0 : i32
    return %c0_i32, %arg0, %c0_i32_0 : i32, i32, i32
  }
  func.func @transform_3(%arg0: i32) -> (i32, i32) {
    %c0_i32 = arith.constant 0 : i32
    %c0_i32_0 = arith.constant 0 : i32
    %c0_i32_1 = arith.constant 0 : i32
    return %c0_i32, %c0_i32_0 : i32, i32
  }
  func.func @transform_4(%arg0: i32) -> (i32, i32) {
    %c0_i32 = arith.constant 0 : i32
    %c0_i32_0 = arith.constant 0 : i32
    return %arg0, %c0_i32 : i32, i32
  }
  func.func @transform_5(%arg0: i32) -> (i32, i32) {
    %c0_i32 = arith.constant 0 : i32
    %c0_i32_0 = arith.constant 0 : i32
    %c0_i32_1 = arith.constant 0 : i32
    return %c0_i32, %c0_i32_0 : i32, i32
  }
}

module attributes {stable_mosaic.version = 14 : i64} {
  func.func @_mm_scale_body(%arg0: i32, %arg1: memref<2x2000x16xf32, #tpu.memory_space<vmem>>, %arg2: memref<2000x256xf32, #tpu.memory_space<vmem>>, %arg3: memref<256x256xf32, #tpu.memory_space<vmem>>, %arg4: memref<2x2000x128xf32, #tpu.memory_space<vmem>>) attributes {dimension_semantics = [#tpu.dimension_semantics<arbitrary>], iteration_bounds = array<i64: 5>, scalar_prefetch = 0 : i64, scratch_operands = 0 : i64, tpu.core_type = #tpu.core_type<tc>, window_params = [{transform_indices = @transform_0, window_bounds = array<i64: 2, 2000, 16>}, {transform_indices = @transform_1, window_bounds = array<i64: 2000, 256>}, {pipeline_mode = #tpu.pipeline_mode<synchronous>, transform_indices = @transform_2, window_bounds = array<i64: 256, 256>}, {transform_indices = @transform_3, window_bounds = array<i64: 2, 2000, 128>}]} {
    %get3A = arith.constant 0 : index
    %get3A_0 = arith.constant 0 : index
    %get3A_1 = arith.constant 0 : index
    %get3A_2 = vector.load %arg1[%get3A, %get3A_0, %get3A_1] : memref<2x2000x16xf32, #tpu.memory_space<vmem>>, vector<1x2000x1xf32>
    %get3A_3 = vector.shape_cast %get3A_2 : vector<1x2000x1xf32> to vector<2000x1xf32>
    %get3A_4 = arith.constant 1 : index
    %get3A_5 = arith.constant 0 : index
    %get3A_6 = arith.constant 0 : index
    %get3A_7 = vector.load %arg1[%get3A_4, %get3A_5, %get3A_6] : memref<2x2000x16xf32, #tpu.memory_space<vmem>>, vector<1x2000x1xf32>
    %get3A_8 = vector.shape_cast %get3A_7 : vector<1x2000x1xf32> to vector<2000x1xf32>
    %add3A = arith.addf %get3A_3, %get3A_8 : vector<2000x1xf32>
    %add3A_9 = arith.constant 1.000000e+00 : f32
    %add3A_10 = vector.broadcast %add3A_9 : f32 to vector<2000x1xf32>
    %add3A_11 = arith.addf %add3A, %add3A_10 : vector<2000x1xf32>
    %rsqrt3A = math.rsqrt %add3A_11 : vector<2000x1xf32>
    %get3A_12 = arith.constant 0 : index
    %get3A_13 = arith.constant 0 : index
    %get3A_14 = vector.load %arg2[%get3A_12, %get3A_13] : memref<2000x256xf32, #tpu.memory_space<vmem>>, vector<2000x256xf32>
    %get3A_15 = arith.constant 0 : index
    %get3A_16 = arith.constant 0 : index
    %get3A_17 = vector.load %arg3[%get3A_15, %get3A_16] : memref<256x256xf32, #tpu.memory_space<vmem>>, vector<256x256xf32>
    %dot_general3A = arith.constant dense<0.000000e+00> : vector<2000x256xf32>
    %dot_general3A_18 = tpu.matmul %get3A_14, %get3A_17, %dot_general3A {dimension_numbers = #tpu.dot_dimension_numbers<[1], [0], [0], [1], [0, 0, 1, 1], [], []>, transpose_lhs_hint = false} : vector<2000x256xf32>, vector<256x256xf32>, vector<2000x256xf32> -> vector<2000x256xf32>
    %mul3A = vector.broadcast %rsqrt3A : vector<2000x1xf32> to vector<2000x256xf32>
    %mul3A_19 = arith.mulf %dot_general3A_18, %mul3A : vector<2000x256xf32>
    %slice3A = vector.extract_strided_slice %mul3A_19 {offsets = [0, 0], sizes = [2000, 128], strides = [1, 1]} : vector<2000x256xf32> to vector<2000x128xf32>
    %swap3A = arith.constant 0 : index
    %swap3A_20 = arith.constant 0 : index
    %swap3A_21 = arith.constant 0 : index
    %swap3A_22 = vector.load %arg4[%swap3A, %swap3A_20, %swap3A_21] : memref<2x2000x128xf32, #tpu.memory_space<vmem>>, vector<1x2000x128xf32>
    %swap3A_23 = vector.shape_cast %swap3A_22 : vector<1x2000x128xf32> to vector<2000x128xf32>
    %swap3A_24 = vector.shape_cast %slice3A : vector<2000x128xf32> to vector<1x2000x128xf32>
    tpu.vector_store %arg4[%swap3A, %swap3A_20, %swap3A_21], %swap3A_24 {strides = array<i32>} : memref<2x2000x128xf32, #tpu.memory_space<vmem>>, vector<1x2000x128xf32>,
    %slice3A_25 = vector.extract_strided_slice %mul3A_19 {offsets = [0, 128], sizes = [2000, 128], strides = [1, 1]} : vector<2000x256xf32> to vector<2000x128xf32>
    %swap3A_26 = arith.constant 1 : index
    %swap3A_27 = arith.constant 0 : index
    %swap3A_28 = arith.constant 0 : index
    %swap3A_29 = vector.load %arg4[%swap3A_26, %swap3A_27, %swap3A_28] : memref<2x2000x128xf32, #tpu.memory_space<vmem>>, vector<1x2000x128xf32>
    %swap3A_30 = vector.shape_cast %swap3A_29 : vector<1x2000x128xf32> to vector<2000x128xf32>
    %swap3A_31 = vector.shape_cast %slice3A_25 : vector<2000x128xf32> to vector<1x2000x128xf32>
    tpu.vector_store %arg4[%swap3A_26, %swap3A_27, %swap3A_28], %swap3A_31 {strides = array<i32>} : memref<2x2000x128xf32, #tpu.memory_space<vmem>>, vector<1x2000x128xf32>,
    return
  }
  func.func @transform_0(%arg0: i32) -> (i32, i32, i32) {
    %c0_i32 = arith.constant 0 : i32
    %c0_i32_0 = arith.constant 0 : i32
    %c0_i32_1 = arith.constant 0 : i32
    return %c0_i32, %arg0, %c0_i32_0 : i32, i32, i32
  }
  func.func @transform_1(%arg0: i32) -> (i32, i32) {
    %c0_i32 = arith.constant 0 : i32
    %c0_i32_0 = arith.constant 0 : i32
    return %arg0, %c0_i32 : i32, i32
  }
  func.func @transform_2(%arg0: i32) -> (i32, i32) {
    %c0_i32 = arith.constant 0 : i32
    %c0_i32_0 = arith.constant 0 : i32
    %c0_i32_1 = arith.constant 0 : i32
    return %c0_i32, %c0_i32_0 : i32, i32
  }
  func.func @transform_3(%arg0: i32) -> (i32, i32, i32) {
    %c0_i32 = arith.constant 0 : i32
    %c0_i32_0 = arith.constant 0 : i32
    %c0_i32_1 = arith.constant 0 : i32
    return %c0_i32, %arg0, %c0_i32_0 : i32, i32, i32
  }
}

module attributes {stable_mosaic.version = 14 : i64} {
  func.func @_bn_mm_body(%arg0: i32, %arg1: memref<2x2000x16xf32, #tpu.memory_space<vmem>>, %arg2: memref<2000x256xf32, #tpu.memory_space<vmem>>, %arg3: memref<2x256xf32, #tpu.memory_space<vmem>>, %arg4: memref<1x256xf32, #tpu.memory_space<vmem>>, %arg5: memref<1x256xf32, #tpu.memory_space<vmem>>, %arg6: memref<256x256xf32, #tpu.memory_space<vmem>>, %arg7: memref<2x2000x128xf32, #tpu.memory_space<vmem>>) attributes {dimension_semantics = [#tpu.dimension_semantics<arbitrary>], iteration_bounds = array<i64: 5>, scalar_prefetch = 0 : i64, scratch_operands = 0 : i64, tpu.core_type = #tpu.core_type<tc>, window_params = [{transform_indices = @transform_0, window_bounds = array<i64: 2, 2000, 16>}, {transform_indices = @transform_1, window_bounds = array<i64: 2000, 256>}, {pipeline_mode = #tpu.pipeline_mode<synchronous>, transform_indices = @transform_2, window_bounds = array<i64: 2, 256>}, {pipeline_mode = #tpu.pipeline_mode<synchronous>, transform_indices = @transform_3, window_bounds = array<i64: 1, 256>}, {pipeline_mode = #tpu.pipeline_mode<synchronous>, transform_indices = @transform_4, window_bounds = array<i64: 1, 256>}, {pipeline_mode = #tpu.pipeline_mode<synchronous>, transform_indices = @transform_5, window_bounds = array<i64: 256, 256>}, {transform_indices = @transform_6, window_bounds = array<i64: 2, 2000, 128>}]} {
    %get3A = arith.constant 0 : index
    %get3A_0 = arith.constant 0 : index
    %get3A_1 = arith.constant 0 : index
    %get3A_2 = vector.load %arg1[%get3A, %get3A_0, %get3A_1] : memref<2x2000x16xf32, #tpu.memory_space<vmem>>, vector<1x2000x1xf32>
    %get3A_3 = vector.shape_cast %get3A_2 : vector<1x2000x1xf32> to vector<2000x1xf32>
    %get3A_4 = arith.constant 1 : index
    %get3A_5 = arith.constant 0 : index
    %get3A_6 = arith.constant 0 : index
    %get3A_7 = vector.load %arg1[%get3A_4, %get3A_5, %get3A_6] : memref<2x2000x16xf32, #tpu.memory_space<vmem>>, vector<1x2000x1xf32>
    %get3A_8 = vector.shape_cast %get3A_7 : vector<1x2000x1xf32> to vector<2000x1xf32>
    %add3A = arith.addf %get3A_3, %get3A_8 : vector<2000x1xf32>
    %add3A_9 = arith.constant 1.000000e+00 : f32
    %add3A_10 = vector.broadcast %add3A_9 : f32 to vector<2000x1xf32>
    %add3A_11 = arith.addf %add3A, %add3A_10 : vector<2000x1xf32>
    %rsqrt3A = math.rsqrt %add3A_11 : vector<2000x1xf32>
    %get3A_12 = arith.constant 0 : index
    %get3A_13 = arith.constant 0 : index
    %get3A_14 = vector.load %arg3[%get3A_12, %get3A_13] : memref<2x256xf32, #tpu.memory_space<vmem>>, vector<1x256xf32>
    %div3A = arith.constant 1.000000e+04 : f32
    %div3A_15 = vector.broadcast %div3A : f32 to vector<1x256xf32>
    %div3A_16 = arith.divf %get3A_14, %div3A_15 : vector<1x256xf32>
    %get3A_17 = arith.constant 1 : index
    %get3A_18 = arith.constant 0 : index
    %get3A_19 = vector.load %arg3[%get3A_17, %get3A_18] : memref<2x256xf32, #tpu.memory_space<vmem>>, vector<1x256xf32>
    %div3A_20 = arith.constant 1.000000e+04 : f32
    %div3A_21 = vector.broadcast %div3A_20 : f32 to vector<1x256xf32>
    %div3A_22 = arith.divf %get3A_19, %div3A_21 : vector<1x256xf32>
    %mul3A = arith.mulf %div3A_16, %div3A_16 : vector<1x256xf32>
    %sub3A = arith.subf %div3A_22, %mul3A : vector<1x256xf32>
    %get3A_23 = arith.constant 0 : index
    %get3A_24 = arith.constant 0 : index
    %get3A_25 = vector.load %arg2[%get3A_23, %get3A_24] : memref<2000x256xf32, #tpu.memory_space<vmem>>, vector<2000x256xf32>
    %sub3A_26 = vector.broadcast %div3A_16 : vector<1x256xf32> to vector<2000x256xf32>
    %sub3A_27 = arith.subf %get3A_25, %sub3A_26 : vector<2000x256xf32>
    %add3A_28 = arith.constant 9.99999974E-6 : f32
    %add3A_29 = vector.broadcast %add3A_28 : f32 to vector<1x256xf32>
    %add3A_30 = arith.addf %sub3A, %add3A_29 : vector<1x256xf32>
    %rsqrt3A_31 = math.rsqrt %add3A_30 : vector<1x256xf32>
    %mul3A_32 = vector.broadcast %rsqrt3A_31 : vector<1x256xf32> to vector<2000x256xf32>
    %mul3A_33 = arith.mulf %sub3A_27, %mul3A_32 : vector<2000x256xf32>
    %get3A_34 = arith.constant 0 : index
    %get3A_35 = arith.constant 0 : index
    %get3A_36 = vector.load %arg4[%get3A_34, %get3A_35] : memref<1x256xf32, #tpu.memory_space<vmem>>, vector<1x256xf32>
    %mul3A_37 = vector.broadcast %get3A_36 : vector<1x256xf32> to vector<2000x256xf32>
    %mul3A_38 = arith.mulf %mul3A_33, %mul3A_37 : vector<2000x256xf32>
    %get3A_39 = arith.constant 0 : index
    %get3A_40 = arith.constant 0 : index
    %get3A_41 = vector.load %arg5[%get3A_39, %get3A_40] : memref<1x256xf32, #tpu.memory_space<vmem>>, vector<1x256xf32>
    %add3A_42 = vector.broadcast %get3A_41 : vector<1x256xf32> to vector<2000x256xf32>
    %add3A_43 = arith.addf %mul3A_38, %add3A_42 : vector<2000x256xf32>
    %max3A = arith.constant 0.000000e+00 : f32
    %max3A_44 = vector.broadcast %max3A : f32 to vector<2000x256xf32>
    %max3A_45 = arith.maximumf %add3A_43, %max3A_44 : vector<2000x256xf32>
    %get3A_46 = arith.constant 0 : index
    %get3A_47 = arith.constant 0 : index
    %get3A_48 = vector.load %arg6[%get3A_46, %get3A_47] : memref<256x256xf32, #tpu.memory_space<vmem>>, vector<256x256xf32>
    %dot_general3A = arith.constant dense<0.000000e+00> : vector<2000x256xf32>
    %dot_general3A_49 = tpu.matmul %max3A_45, %get3A_48, %dot_general3A {dimension_numbers = #tpu.dot_dimension_numbers<[1], [0], [0], [1], [0, 0, 1, 1], [], []>, transpose_lhs_hint = false} : vector<2000x256xf32>, vector<256x256xf32>, vector<2000x256xf32> -> vector<2000x256xf32>
    %mul3A_50 = vector.broadcast %rsqrt3A : vector<2000x1xf32> to vector<2000x256xf32>
    %mul3A_51 = arith.mulf %dot_general3A_49, %mul3A_50 : vector<2000x256xf32>
    %slice3A = vector.extract_strided_slice %mul3A_51 {offsets = [0, 0], sizes = [2000, 128], strides = [1, 1]} : vector<2000x256xf32> to vector<2000x128xf32>
    %swap3A = arith.constant 0 : index
    %swap3A_52 = arith.constant 0 : index
    %swap3A_53 = arith.constant 0 : index
    %swap3A_54 = vector.load %arg7[%swap3A, %swap3A_52, %swap3A_53] : memref<2x2000x128xf32, #tpu.memory_space<vmem>>, vector<1x2000x128xf32>
    %swap3A_55 = vector.shape_cast %swap3A_54 : vector<1x2000x128xf32> to vector<2000x128xf32>
    %swap3A_56 = vector.shape_cast %slice3A : vector<2000x128xf32> to vector<1x2000x128xf32>
    tpu.vector_store %arg7[%swap3A, %swap3A_52, %swap3A_53], %swap3A_56 {strides = array<i32>} : memref<2x2000x128xf32, #tpu.memory_space<vmem>>, vector<1x2000x128xf32>,
    %slice3A_57 = vector.extract_strided_slice %mul3A_51 {offsets = [0, 128], sizes = [2000, 128], strides = [1, 1]} : vector<2000x256xf32> to vector<2000x128xf32>
    %swap3A_58 = arith.constant 1 : index
    %swap3A_59 = arith.constant 0 : index
    %swap3A_60 = arith.constant 0 : index
    %swap3A_61 = vector.load %arg7[%swap3A_58, %swap3A_59, %swap3A_60] : memref<2x2000x128xf32, #tpu.memory_space<vmem>>, vector<1x2000x128xf32>
    %swap3A_62 = vector.shape_cast %swap3A_61 : vector<1x2000x128xf32> to vector<2000x128xf32>
    %swap3A_63 = vector.shape_cast %slice3A_57 : vector<2000x128xf32> to vector<1x2000x128xf32>
    tpu.vector_store %arg7[%swap3A_58, %swap3A_59, %swap3A_60], %swap3A_63 {strides = array<i32>} : memref<2x2000x128xf32, #tpu.memory_space<vmem>>, vector<1x2000x128xf32>,
    return
  }
  func.func @transform_0(%arg0: i32) -> (i32, i32, i32) {
    %c0_i32 = arith.constant 0 : i32
    %c0_i32_0 = arith.constant 0 : i32
    %c0_i32_1 = arith.constant 0 : i32
    return %c0_i32, %arg0, %c0_i32_0 : i32, i32, i32
  }
  func.func @transform_1(%arg0: i32) -> (i32, i32) {
    %c0_i32 = arith.constant 0 : i32
    %c0_i32_0 = arith.constant 0 : i32
    return %arg0, %c0_i32 : i32, i32
  }
  func.func @transform_2(%arg0: i32) -> (i32, i32) {
    %c0_i32 = arith.constant 0 : i32
    %c0_i32_0 = arith.constant 0 : i32
    %c0_i32_1 = arith.constant 0 : i32
    return %c0_i32, %c0_i32_0 : i32, i32
  }
  func.func @transform_3(%arg0: i32) -> (i32, i32) {
    %c0_i32 = arith.constant 0 : i32
    %c0_i32_0 = arith.constant 0 : i32
    %c0_i32_1 = arith.constant 0 : i32
    return %c0_i32, %c0_i32_0 : i32, i32
  }
  func.func @transform_4(%arg0: i32) -> (i32, i32) {
    %c0_i32 = arith.constant 0 : i32
    %c0_i32_0 = arith.constant 0 : i32
    %c0_i32_1 = arith.constant 0 : i32
    return %c0_i32, %c0_i32_0 : i32, i32
  }
  func.func @transform_5(%arg0: i32) -> (i32, i32) {
    %c0_i32 = arith.constant 0 : i32
    %c0_i32_0 = arith.constant 0 : i32
    %c0_i32_1 = arith.constant 0 : i32
    return %c0_i32, %c0_i32_0 : i32, i32
  }
  func.func @transform_6(%arg0: i32) -> (i32, i32, i32) {
    %c0_i32 = arith.constant 0 : i32
    %c0_i32_0 = arith.constant 0 : i32
    %c0_i32_1 = arith.constant 0 : i32
    return %c0_i32, %arg0, %c0_i32_0 : i32, i32, i32
  }
}

module attributes {stable_mosaic.version = 14 : i64} {
  func.func @_pool_steps(%arg0: i32, %arg1: memref<2x2000x16xf32, #tpu.memory_space<vmem>>, %arg2: memref<2x2000x128xf32, #tpu.memory_space<vmem>>, %arg3: memref<2x2000x128xf32, #tpu.memory_space<vmem>>, %arg4: memref<1x256xf32, #tpu.memory_space<vmem>>, %arg5: memref<2000x1xi32, #tpu.memory_space<vmem>>, %arg6: memref<64x256xf32, #tpu.memory_space<vmem>>, %arg7: memref<64x8xf32, #tpu.memory_space<vmem>>) attributes {dimension_semantics = [#tpu.dimension_semantics<arbitrary>], iteration_bounds = array<i64: 5>, scalar_prefetch = 0 : i64, scratch_operands = 0 : i64, tpu.core_type = #tpu.core_type<tc>, window_params = [{transform_indices = @transform_0, window_bounds = array<i64: 2, 2000, 16>}, {transform_indices = @transform_1, window_bounds = array<i64: 2, 2000, 128>}, {transform_indices = @transform_2, window_bounds = array<i64: 2, 2000, 128>}, {pipeline_mode = #tpu.pipeline_mode<synchronous>, transform_indices = @transform_3, window_bounds = array<i64: 1, 256>}, {transform_indices = @transform_4, window_bounds = array<i64: 2000, 1>}, {pipeline_mode = #tpu.pipeline_mode<synchronous>, transform_indices = @transform_5, window_bounds = array<i64: 64, 256>}, {pipeline_mode = #tpu.pipeline_mode<synchronous>, transform_indices = @transform_6, window_bounds = array<i64: 64, 8>}]} {
    %get3A = arith.constant 0 : index
    %get3A_0 = arith.constant 0 : index
    %get3A_1 = arith.constant 0 : index
    %get3A_2 = vector.load %arg1[%get3A, %get3A_0, %get3A_1] : memref<2x2000x16xf32, #tpu.memory_space<vmem>>, vector<1x2000x1xf32>
    %get3A_3 = vector.shape_cast %get3A_2 : vector<1x2000x1xf32> to vector<2000x1xf32>
    %get3A_4 = arith.constant 1 : index
    %get3A_5 = arith.constant 0 : index
    %get3A_6 = arith.constant 0 : index
    %get3A_7 = vector.load %arg1[%get3A_4, %get3A_5, %get3A_6] : memref<2x2000x16xf32, #tpu.memory_space<vmem>>, vector<1x2000x1xf32>
    %get3A_8 = vector.shape_cast %get3A_7 : vector<1x2000x1xf32> to vector<2000x1xf32>
    %add3A = arith.addf %get3A_3, %get3A_8 : vector<2000x1xf32>
    %add3A_9 = arith.constant 1.000000e+00 : f32
    %add3A_10 = vector.broadcast %add3A_9 : f32 to vector<2000x1xf32>
    %add3A_11 = arith.addf %add3A, %add3A_10 : vector<2000x1xf32>
    %rsqrt3A = math.rsqrt %add3A_11 : vector<2000x1xf32>
    %get3A_12 = arith.constant 0 : index
    %get3A_13 = arith.constant 0 : index
    %get3A_14 = arith.constant 0 : index
    %get3A_15 = vector.load %arg2[%get3A_12, %get3A_13, %get3A_14] : memref<2x2000x128xf32, #tpu.memory_space<vmem>>, vector<1x2000x128xf32>
    %get3A_16 = vector.shape_cast %get3A_15 : vector<1x2000x128xf32> to vector<2000x128xf32>
    %get3A_17 = arith.constant 0 : index
    %get3A_18 = arith.constant 0 : index
    %get3A_19 = arith.constant 0 : index
    %get3A_20 = vector.load %arg3[%get3A_17, %get3A_18, %get3A_19] : memref<2x2000x128xf32, #tpu.memory_space<vmem>>, vector<1x2000x128xf32>
    %get3A_21 = vector.shape_cast %get3A_20 : vector<1x2000x128xf32> to vector<2000x128xf32>
    %add3A_22 = arith.addf %get3A_16, %get3A_21 : vector<2000x128xf32>
    %get3A_23 = arith.constant 1 : index
    %get3A_24 = arith.constant 0 : index
    %get3A_25 = arith.constant 0 : index
    %get3A_26 = vector.load %arg2[%get3A_23, %get3A_24, %get3A_25] : memref<2x2000x128xf32, #tpu.memory_space<vmem>>, vector<1x2000x128xf32>
    %get3A_27 = vector.shape_cast %get3A_26 : vector<1x2000x128xf32> to vector<2000x128xf32>
    %get3A_28 = arith.constant 1 : index
    %get3A_29 = arith.constant 0 : index
    %get3A_30 = arith.constant 0 : index
    %get3A_31 = vector.load %arg3[%get3A_28, %get3A_29, %get3A_30] : memref<2x2000x128xf32, #tpu.memory_space<vmem>>, vector<1x2000x128xf32>
    %get3A_32 = vector.shape_cast %get3A_31 : vector<1x2000x128xf32> to vector<2000x128xf32>
    %add3A_33 = arith.addf %get3A_27, %get3A_32 : vector<2000x128xf32>
    %concatenate3A = tpu.concatenate %add3A_22, %add3A_33 in 1 : vector<2000x128xf32>, vector<2000x128xf32> -> vector<2000x256xf32>
    %mul3A = vector.broadcast %rsqrt3A : vector<2000x1xf32> to vector<2000x256xf32>
    %mul3A_34 = arith.mulf %concatenate3A, %mul3A : vector<2000x256xf32>
    %get3A_35 = arith.constant 0 : index
    %get3A_36 = arith.constant 0 : index
    %get3A_37 = vector.load %arg4[%get3A_35, %get3A_36] : memref<1x256xf32, #tpu.memory_space<vmem>>, vector<1x256xf32>
    %add3A_38 = vector.broadcast %get3A_37 : vector<1x256xf32> to vector<2000x256xf32>
    %add3A_39 = arith.addf %mul3A_34, %add3A_38 : vector<2000x256xf32>
    %max3A = arith.constant 0.000000e+00 : f32
    %max3A_40 = vector.broadcast %max3A : f32 to vector<2000x256xf32>
    %max3A_41 = arith.maximumf %add3A_39, %max3A_40 : vector<2000x256xf32>
    %get3A_42 = arith.constant 0 : index
    %get3A_43 = arith.constant 0 : index
    %get3A_44 = vector.load %arg5[%get3A_42, %get3A_43] : memref<2000x1xi32, #tpu.memory_space<vmem>>, vector<2000x1xi32>
    %iota3A = tpu.iota {dimensions = array<i32: 1>} : vector<1x64xi32>
    %eq3A = vector.broadcast %get3A_44 : vector<2000x1xi32> to vector<2000x64xi32>
    %eq3A_45 = vector.broadcast %iota3A : vector<1x64xi32> to vector<2000x64xi32>
    %eq3A_46 = arith.cmpi eq, %eq3A, %eq3A_45 : vector<2000x64xi32>
    %convert_element_type3A = arith.extui %eq3A_46 : vector<2000x64xi1> to vector<2000x64xi32>
    %convert_element_type3A_47 = arith.sitofp %convert_element_type3A : vector<2000x64xi32> to vector<2000x64xf32>
    %eq3A_48 = arith.constant 0 : i32
    %eq3A_49 = arith.cmpi eq, %arg0, %eq3A_48 : i32
    %convert_element_type3A_50 = arith.extui %eq3A_49 : i1 to i32
    %cond3A = arith.constant 0 : i32
    %cond3A_51 = arith.cmpi ne, %convert_element_type3A_50, %cond3A : i32
    scf.if %cond3A_51 {
      %broadcast_in_dim3A_69 = arith.constant 0.000000e+00 : f32
      %broadcast_in_dim3A_70 = vector.broadcast %broadcast_in_dim3A_69 : f32 to vector<64x256xf32>
      %swap3A_71 = arith.constant 0 : index
      %swap3A_72 = arith.constant 0 : index
      %swap3A_73 = vector.load %arg6[%swap3A_71, %swap3A_72] : memref<64x256xf32, #tpu.memory_space<vmem>>, vector<64x256xf32>
      tpu.vector_store %arg6[%swap3A_71, %swap3A_72], %broadcast_in_dim3A_70 {strides = array<i32>} : memref<64x256xf32, #tpu.memory_space<vmem>>, vector<64x256xf32>,
      %broadcast_in_dim3A_74 = arith.constant 0.000000e+00 : f32
      %broadcast_in_dim3A_75 = vector.broadcast %broadcast_in_dim3A_74 : f32 to vector<64x8xf32>
      %swap3A_76 = arith.constant 0 : index
      %swap3A_77 = arith.constant 0 : index
      %swap3A_78 = vector.load %arg7[%swap3A_76, %swap3A_77] : memref<64x8xf32, #tpu.memory_space<vmem>>, vector<64x8xf32>
      tpu.vector_store %arg7[%swap3A_76, %swap3A_77], %broadcast_in_dim3A_75 {strides = array<i32>} : memref<64x8xf32, #tpu.memory_space<vmem>>, vector<64x8xf32>,
    } else {
    }
    %get3A_52 = arith.constant 0 : index
    %get3A_53 = arith.constant 0 : index
    %get3A_54 = vector.load %arg6[%get3A_52, %get3A_53] : memref<64x256xf32, #tpu.memory_space<vmem>>, vector<64x256xf32>
    %dot_general3A = arith.constant dense<0.000000e+00> : vector<64x256xf32>
    %dot_general3A_55 = tpu.matmul %convert_element_type3A_47, %max3A_41, %dot_general3A {dimension_numbers = #tpu.dot_dimension_numbers<[0], [0], [1], [1], [0, 1, 1, 1], [], []>, transpose_lhs_hint = false} : vector<2000x64xf32>, vector<2000x256xf32>, vector<64x256xf32> -> vector<64x256xf32>
    %add3A_56 = arith.addf %get3A_54, %dot_general3A_55 : vector<64x256xf32>
    %swap3A = arith.constant 0 : index
    %swap3A_57 = arith.constant 0 : index
    %swap3A_58 = vector.load %arg6[%swap3A, %swap3A_57] : memref<64x256xf32, #tpu.memory_space<vmem>>, vector<64x256xf32>
    tpu.vector_store %arg6[%swap3A, %swap3A_57], %add3A_56 {strides = array<i32>} : memref<64x256xf32, #tpu.memory_space<vmem>>, vector<64x256xf32>,
    %get3A_59 = arith.constant 0 : index
    %get3A_60 = arith.constant 0 : index
    %get3A_61 = vector.load %arg7[%get3A_59, %get3A_60] : memref<64x8xf32, #tpu.memory_space<vmem>>, vector<64x8xf32>
    %broadcast_in_dim3A = arith.constant 1.000000e+00 : f32
    %broadcast_in_dim3A_62 = vector.broadcast %broadcast_in_dim3A : f32 to vector<2000x8xf32>
    %dot_general3A_63 = arith.constant dense<0.000000e+00> : vector<64x8xf32>
    %dot_general3A_64 = tpu.matmul %convert_element_type3A_47, %broadcast_in_dim3A_62, %dot_general3A_63 {dimension_numbers = #tpu.dot_dimension_numbers<[0], [0], [1], [1], [0, 1, 1, 1], [], []>, transpose_lhs_hint = false} : vector<2000x64xf32>, vector<2000x8xf32>, vector<64x8xf32> -> vector<64x8xf32>
    %add3A_65 = arith.addf %get3A_61, %dot_general3A_64 : vector<64x8xf32>
    %swap3A_66 = arith.constant 0 : index
    %swap3A_67 = arith.constant 0 : index
    %swap3A_68 = vector.load %arg7[%swap3A_66, %swap3A_67] : memref<64x8xf32, #tpu.memory_space<vmem>>, vector<64x8xf32>
    tpu.vector_store %arg7[%swap3A_66, %swap3A_67], %add3A_65 {strides = array<i32>} : memref<64x8xf32, #tpu.memory_space<vmem>>, vector<64x8xf32>,
    return
  }
  func.func @transform_0(%arg0: i32) -> (i32, i32, i32) {
    %c0_i32 = arith.constant 0 : i32
    %c0_i32_0 = arith.constant 0 : i32
    %c0_i32_1 = arith.constant 0 : i32
    return %c0_i32, %arg0, %c0_i32_0 : i32, i32, i32
  }
  func.func @transform_1(%arg0: i32) -> (i32, i32, i32) {
    %c0_i32 = arith.constant 0 : i32
    %c0_i32_0 = arith.constant 0 : i32
    %c0_i32_1 = arith.constant 0 : i32
    return %c0_i32, %arg0, %c0_i32_0 : i32, i32, i32
  }
  func.func @transform_2(%arg0: i32) -> (i32, i32, i32) {
    %c0_i32 = arith.constant 0 : i32
    %c0_i32_0 = arith.constant 0 : i32
    %c0_i32_1 = arith.constant 0 : i32
    return %c0_i32, %arg0, %c0_i32_0 : i32, i32, i32
  }
  func.func @transform_3(%arg0: i32) -> (i32, i32) {
    %c0_i32 = arith.constant 0 : i32
    %c0_i32_0 = arith.constant 0 : i32
    %c0_i32_1 = arith.constant 0 : i32
    return %c0_i32, %c0_i32_0 : i32, i32
  }
  func.func @transform_4(%arg0: i32) -> (i32, i32) {
    %c0_i32 = arith.constant 0 : i32
    %c0_i32_0 = arith.constant 0 : i32
    return %arg0, %c0_i32 : i32, i32
  }
  func.func @transform_5(%arg0: i32) -> (i32, i32) {
    %c0_i32 = arith.constant 0 : i32
    %c0_i32_0 = arith.constant 0 : i32
    %c0_i32_1 = arith.constant 0 : i32
    return %c0_i32, %c0_i32_0 : i32, i32
  }
  func.func @transform_6(%arg0: i32) -> (i32, i32) {
    %c0_i32 = arith.constant 0 : i32
    %c0_i32_0 = arith.constant 0 : i32
    %c0_i32_1 = arith.constant 0 : i32
    return %c0_i32, %c0_i32_0 : i32, i32
  }
}

module attributes {stable_mosaic.version = 14 : i64} {
  func.func @_final_step(%arg0: i32, %arg1: memref<64x256xf32, #tpu.memory_space<vmem>>, %arg2: memref<64x8xf32, #tpu.memory_space<vmem>>, %arg3: memref<256x128xf32, #tpu.memory_space<vmem>>, %arg4: memref<1x128xf32, #tpu.memory_space<vmem>>, %arg5: memref<64x128xf32, #tpu.memory_space<vmem>>) attributes {dimension_semantics = [#tpu.dimension_semantics<arbitrary>], iteration_bounds = array<i64: 1>, scalar_prefetch = 0 : i64, scratch_operands = 0 : i64, tpu.core_type = #tpu.core_type<tc>, window_params = [{pipeline_mode = #tpu.pipeline_mode<synchronous>, transform_indices = @transform_0, window_bounds = array<i64: 64, 256>}, {pipeline_mode = #tpu.pipeline_mode<synchronous>, transform_indices = @transform_1, window_bounds = array<i64: 64, 8>}, {pipeline_mode = #tpu.pipeline_mode<synchronous>, transform_indices = @transform_2, window_bounds = array<i64: 256, 128>}, {pipeline_mode = #tpu.pipeline_mode<synchronous>, transform_indices = @transform_3, window_bounds = array<i64: 1, 128>}, {pipeline_mode = #tpu.pipeline_mode<synchronous>, transform_indices = @transform_4, window_bounds = array<i64: 64, 128>}]} {
    %get3A = arith.constant 0 : index
    %get3A_0 = arith.constant 0 : index
    %get3A_1 = vector.load %arg1[%get3A, %get3A_0] : memref<64x256xf32, #tpu.memory_space<vmem>>, vector<64x256xf32>
    %get3A_2 = arith.constant 0 : index
    %get3A_3 = arith.constant 0 : index
    %get3A_4 = vector.load %arg2[%get3A_2, %get3A_3] : memref<64x8xf32, #tpu.memory_space<vmem>>, vector<64x1xf32>
    %max3A = arith.constant 1.000000e+00 : f32
    %max3A_5 = vector.broadcast %max3A : f32 to vector<64x1xf32>
    %max3A_6 = arith.maximumf %get3A_4, %max3A_5 : vector<64x1xf32>
    %div3A = vector.broadcast %max3A_6 : vector<64x1xf32> to vector<64x256xf32>
    %div3A_7 = arith.divf %get3A_1, %div3A : vector<64x256xf32>
    %get3A_8 = arith.constant 0 : index
    %get3A_9 = arith.constant 0 : index
    %get3A_10 = vector.load %arg3[%get3A_8, %get3A_9] : memref<256x128xf32, #tpu.memory_space<vmem>>, vector<256x128xf32>
    %dot_general3A = arith.constant dense<0.000000e+00> : vector<64x128xf32>
    %dot_general3A_11 = tpu.matmul %div3A_7, %get3A_10, %dot_general3A {dimension_numbers = #tpu.dot_dimension_numbers<[1], [0], [0], [1], [0, 0, 1, 1], [], []>, transpose_lhs_hint = false} : vector<64x256xf32>, vector<256x128xf32>, vector<64x128xf32> -> vector<64x128xf32>
    %get3A_12 = arith.constant 0 : index
    %get3A_13 = arith.constant 0 : index
    %get3A_14 = vector.load %arg4[%get3A_12, %get3A_13] : memref<1x128xf32, #tpu.memory_space<vmem>>, vector<1x128xf32>
    %add3A = vector.broadcast %get3A_14 : vector<1x128xf32> to vector<64x128xf32>
    %add3A_15 = arith.addf %dot_general3A_11, %add3A : vector<64x128xf32>
    %swap3A = arith.constant 0 : index
    %swap3A_16 = arith.constant 0 : index
    %swap3A_17 = vector.load %arg5[%swap3A, %swap3A_16] : memref<64x128xf32, #tpu.memory_space<vmem>>, vector<64x128xf32>
    tpu.vector_store %arg5[%swap3A, %swap3A_16], %add3A_15 {strides = array<i32>} : memref<64x128xf32, #tpu.memory_space<vmem>>, vector<64x128xf32>,
    return
  }
  func.func @transform_0(%arg0: i32) -> (i32, i32) {
    %c0_i32 = arith.constant 0 : i32
    %c0_i32_0 = arith.constant 0 : i32
    %c0_i32_1 = arith.constant 0 : i32
    return %c0_i32, %c0_i32_0 : i32, i32
  }
  func.func @transform_1(%arg0: i32) -> (i32, i32) {
    %c0_i32 = arith.constant 0 : i32
    %c0_i32_0 = arith.constant 0 : i32
    %c0_i32_1 = arith.constant 0 : i32
    return %c0_i32, %c0_i32_0 : i32, i32
  }
  func.func @transform_2(%arg0: i32) -> (i32, i32) {
    %c0_i32 = arith.constant 0 : i32
    %c0_i32_0 = arith.constant 0 : i32
    %c0_i32_1 = arith.constant 0 : i32
    return %c0_i32, %c0_i32_0 : i32, i32
  }
  func.func @transform_3(%arg0: i32) -> (i32, i32) {
    %c0_i32 = arith.constant 0 : i32
    %c0_i32_0 = arith.constant 0 : i32
    %c0_i32_1 = arith.constant 0 : i32
    return %c0_i32, %c0_i32_0 : i32, i32
  }
  func.func @transform_4(%arg0: i32) -> (i32, i32) {
    %c0_i32 = arith.constant 0 : i32
    %c0_i32_0 = arith.constant 0 : i32
    %c0_i32_1 = arith.constant 0 : i32
    return %c0_i32, %c0_i32_0 : i32, i32
  }
}

</mosaic_0001>

<sc_bundles>
// kernel: kernel.13.cloned.1.call-start
scs
__scs_entry_jumppad:
0x0: {  	(pc) =	sbr.rel $0x88, $3  }
0x1: {  	(tag) =	ssettag $0x0;
	lr =	simm.s32 $0x1  }
0x2: {  	[smem:$0x3F92] =	sst lr;
	_ =	strace $0xD0000000  }
0x3: {  	_ = 	snop  }
0x4: {  	_ = 	snop  }
0x5: {  	_ = 	snop  }
0x6: {  	_ = 	snop  }
0x7: {  	_ = 	snop  }
__scs_overlays_trampoline_lowered:
0x8: {  	[smem:$0x3FA1] =	sst s0  }
0x9: {  	[smem:$0x3FA2] =	sst s1  }
0xa: {  	[smem:$0x3FA3] =	sst s2  }
0xb: {  	[smem:$0x3FA4] =	sst s3  }
0xc: {  	[smem:$0x3FA5] =	sst s4  }
0xd: {  	[smem:$0x3FA6] =	sst s5  }
0xe: {  	[smem:$0x3FA7] =	sst s6  }
0xf: {  	[smem:$0x3FA8] =	sst s7  }
0x10: {  	[smem:$0x3FA9] =	sst s8  }
0x11: {  	[smem:$0x3FAA] =	sst s9;
	s0 =	simm.s32 @!p0 $0x0  }
0x12: {  	s1 =	sld [smem:$0x3F90];
	s0 =	simm.s32 @p0 $0x1  }
0x13: {  	[smem:$0x3FAB] =	sst s0;
	s0 =	simm.s32 @!p1 $0x0  }
0x14: {  	s2 =	sld [smem:$0x3F8F];
	s0 =	simm.s32 @p1 $0x1  }
0x15: {  	[smem:$0x3FAC] =	sst s0;
	s0 =	simm.s32 @!p2 $0x0  }
0x16: {  	s3 =	sld [smem:$0x3FDB];
	s0 =	simm.s32 @p2 $0x1  }
0x17: {  	s4 =	simm.s32 $0x1BF5;
	[smem:$0x3FAE] =	sst s0  }
0x18: {  	s0 =	sld [smem:$0x3F91];
	_ =	swait.ge [sflag:s4], $0x0  }
0x19: {  	s7 =	sld [smem:$0x3F92]  }
0x1a: {  	s8 =	sadd.s32 $0xFFFFE003, lr  }
0x1b: {  	s9 =	sadd.s32 $0xFFFFFEF7, lr;
	s5 =	simm.s32 $0xFFFFFFFF;
	p2 =	slt.u32 s8, $0xFFFFF086  }
0x1c: {  	p1 =	slt.u32 s9, $0xF7A;
	s5 =	simm.s32 @!p2 $0x0  }
0x1d: {  	s5 =	simm.s32 @p1 $0x1;
	p0 =	seq.s32 s7, s2  }
0x1e: {  	s7 =	smul.u32 @!p0 $0xF7A, s2;
	p2 =	seq.s32 @!p0 s5, $0x0  }
0x1f: {  	s9 =	smul.u32 $0xF7A, s1;
	s8 =	simm.s32 @!p0 $0x1BF5;
	p2 =	por !p2, p0  }
0x20: {  	[sflag:s8] =	ssyncset.s32 @!p0 $0xFFFFF086;
	s6 =	sadd.s32 @!p0 s3, s7;
	s7 =	simm.s32 @!p0 $0x108  }
0x21: {  	s3 =	sadd.s32 s3, s9;
	s6 =	sadd.s32 @!p0 $0x88, s6;
	s7 =	simm.s32 @p2 $0x1082  }
0x22: {  	[simem:s7], [sflag:s8] =	dma.local @!p0 [hbm:s6], $0xF7A  }
0x23: {  	s9 =	sor.u32 $0xD0000000, s2;
	s6 =	simm.s32 $0x108;
	_ =	swait.ge @!p0 [sflag:s8], $0x0  }
0x24: {  	s3 =	sadd.s32 $0x88, s3;
	s6 =	simm.s32 @!p1 $0x1082;
	[sflag:s4] =	ssyncset.s32 $0xFFFFF086  }
0x25: {  	[simem:s6], [sflag:s4] =	dma.local [hbm:s3], $0xF7A  }
0x26: {  	[smem:$0x3F92] =	sst s1;
	(tag) =	ssettag s2;
	_ =	strace s9  }
0x27: {  	s1 =	sld [smem:$0x3FA2]  }
0x28: {  	s2 =	sld [smem:$0x3FA3]  }
0x29: {  	s4 =	sld [smem:$0x3FA5]  }
0x2a: {  	p0 =	seq.s32 s5, $0x0;
	s5 =	sld [smem:$0x3FA6]  }
0x2b: {  	s6 =	sld [smem:$0x3FA7]  }
0x2c: {  	s7 =	sld [smem:$0x3FA8]  }
0x2d: {  	s3 =	simm.s32 $0x108;
	s8 =	sld [smem:$0x3FA9]  }
0x2e: {  	s3 =	simm.s32 @!p0 $0x1082;
	s9 =	sld [smem:$0x3FAA]  }
0x2f: {  	lr =	sadd.s32 s0, s3;
	s0 =	sld [smem:$0x3FA1]  }
0x30: {  	s3 =	sld [smem:$0x3FA4]  }
0x31: {  	[smem:$0x3FAD] =	sst s10  }
0x32: {  	s10 =	sld [smem:$0x3FAB];
	_ =	sdelay $0x3  }
0x33: {  	p0 =	seq.s32 s10, $0x1;
	s10 =	sld [smem:$0x3FAD];
	_ =	sdelay $0x3  }
0x34: {  	[smem:$0x3FAD] =	sst s10  }
0x35: {  	s10 =	sld [smem:$0x3FAC];
	_ =	sdelay $0x3  }
0x36: {  	p1 =	seq.s32 s10, $0x1;
	s10 =	sld [smem:$0x3FAD];
	_ =	sdelay $0x3  }
0x37: {  	[smem:$0x3FAD] =	sst s10  }
0x38: {  	s10 =	sld [smem:$0x3FAE]  }
0x39: {  	_ = 	snop;
	(pc) =	sbr.ind lr, $3  }
0x3a: {  	_ = 	snop  }
0x3b: {  	_ = 	snop  }
0x3c: {  	p2 =	seq.s32 s10, $0x1;
	s10 =	sld [smem:$0x3FAD]  }
0x3d: {  	_ =	shalt  }
0x3e: {  	_ =	shalt  }
0x3f: {  	_ =	shalt  }
0x40: {  	_ =	shalt  }
0x41: {  	_ =	shalt  }
0x42: {  	_ =	shalt  }
0x43: {  	_ =	shalt  }
0x44: {  	_ =	shalt  }
0x45: {  	_ =	shalt  }
0x46: {  	_ =	shalt  }
0x47: {  	_ =	shalt  }
0x48: {  	_ =	shalt  }
0x49: {  	_ =	shalt  }
0x4a: {  	_ =	shalt  }
0x4b: {  	_ =	shalt  }
0x4c: {  	_ =	shalt  }
0x4d: {  	_ =	shalt  }
0x4e: {  	_ =	shalt  }
0x4f: {  	_ =	shalt  }
0x50: {  	_ =	shalt  }
0x51: {  	_ =	shalt  }
0x52: {  	_ =	shalt  }
0x53: {  	_ =	shalt  }
0x54: {  	_ =	shalt  }
0x55: {  	_ =	shalt  }
0x56: {  	_ =	shalt  }
0x57: {  	_ =	shalt  }
0x58: {  	_ =	shalt  }
0x59: {  	_ =	shalt  }
0x5a: {  	_ =	shalt  }
0x5b: {  	_ =	shalt  }
0x5c: {  	_ =	shalt  }
0x5d: {  	_ =	shalt  }
0x5e: {  	_ =	shalt  }
0x5f: {  	_ =	shalt  }
0x60: {  	_ =	shalt  }
0x61: {  	_ =	shalt  }
0x62: {  	_ =	shalt  }
0x63: {  	_ =	shalt  }
0x64: {  	_ =	shalt  }
0x65: {  	_ =	shalt  }
0x66: {  	_ =	shalt  }
0x67: {  	_ =	shalt  }
0x68: {  	_ =	shalt  }
0x69: {  	_ =	shalt  }
0x6a: {  	_ =	shalt  }
0x6b: {  	_ =	shalt  }
0x6c: {  	_ =	shalt  }
0x6d: {  	_ =	shalt  }
0x6e: {  	_ =	shalt  }
0x6f: {  	_ =	shalt  }
0x70: {  	_ =	shalt  }
0x71: {  	_ =	shalt  }
0x72: {  	_ =	shalt  }
0x73: {  	_ =	shalt  }
0x74: {  	_ =	shalt  }
0x75: {  	_ =	shalt  }
0x76: {  	_ =	shalt  }
0x77: {  	_ =	shalt  }
0x78: {  	_ =	shalt  }
0x79: {  	_ =	shalt  }
0x7a: {  	_ =	shalt  }
0x7b: {  	_ =	shalt  }
0x7c: {  	_ =	shalt  }
0x7d: {  	_ =	shalt  }
0x7e: {  	_ =	shalt  }
0x7f: {  	_ =	shalt  }
0x80: {  	_ =	shalt  }
0x81: {  	_ =	shalt  }
0x82: {  	_ =	shalt  }
0x83: {  	_ =	shalt  }
0x84: {  	_ =	shalt  }
0x85: {  	_ =	shalt  }
0x86: {  	_ =	shalt  }
0x87: {  	_ =	shalt  }
.Lfunc_end0:
.L_simem_size_0:
called_computation_lowered:
.L_overlay_start_0:
0x88: {  	s2 =	sld [smem:$0x3FD9]  }
0x89: {  	s3 =	sld [smem:$0x3FFE];
	_ =	sdelay $0x1  }
0x8a: {  	s1 =	srdreg.scid  }
0x8b: {  	s0 =	sand.u32 $0x1, s1  }
0x8c: {  	s16 =	sshll.u32 s0, $0xA;
	s2 =	sadd.s32 s3, s2  }
0x8d: {  	s2 =	sadd.s32 s2, s16  }
0x8e: {  	[smem:$0x3FB9] =	sst s2  }
0x8f: {  	_ = 	snop  }
0x90: {  	(tm) =	ssettm $0x1  }
0x91: {  	s17 =	sld [smem:$0x3FFB];
	_ =	sdelay $0x3  }
0x92: {  	_ =	strace s17  }
0x93: {  	s2 =	sld [smem:$0x3FFC];
	_ =	sdelay $0x3  }
0x94: {  	_ =	strace s2  }
0x95: {  	s2 =	sld [smem:$0x3FFD];
	_ =	sdelay $0x3  }
0x96: {  	_ =	strace s2  }
0x97: {  	_ =	strace $0x8FFFFFFF  }
0x98: {  	s18 =	sld [smem:$0x3FDB];
	_ =	sdelay $0x1  }
0x99: {  	s19 =	simm.s32 $_scs_section_size  }
0x9a: {  	s4 =	simm.s32 $_size__tile_overlayer_lowered;
	s5 =	simm.s32 $_tile_overlayer_lowered  }
0x9b: {  	s22 =	simm.s32 $0x1BFF;
	s21 =	sshll.u32 s5, $0x1;
	s2 =	sadd.s32 s19, s18  }
0x9c: {  	s6 =	simm.s32 $0x0;
	s20 =	sshll.u32 s4, $0x1;
	s4 =	sadd.s32 s21, s2  }
0x9d: {  	[timem:s6], [sflag:s22] =	dma.local [hbm:s4], s20  }
0x9e: {  	_ =	swait.ge [sflag:s22], s20  }
0x9f: {  	s3 =	ssub.s32 $0x0, s20;
	[sflag:s22] =	ssyncset.done $0x0  }
0xa0: {  	[sflag:s22] =	ssyncadd.s32 s3;
	_ =	sdelay $0x1  }
0xa1: {  	s23 =	simm.s32 $0x1B8B  }
0xa2: {  	_ =	swait.ge [sflag:s23], $0x1  }
0xa3: {  	[sflag:s23] =	ssyncset.done $0x0  }
0xa4: {  	s25 =	simm.s32 $0x1B8E;
	s24 =	sld [smem:$0x3FFE];
	[sflag:s23] =	ssyncadd.s32 $0xFFFFFFFF  }
0xa5: {  	s26 =	simm.s32 $execute0_lowered;
	[smem:$0x3FD2] =	sst s25  }
0xa6: {  	s4 =	sshll.u32 s26, $0x1;
	_ =	strace $0x80000046;
	[dreg:$0x1] =	wrdreg $0xFFFFFFFF  }
0xa7: {  	s28 =	simm.s32 $_size_execute0_lowered;
	s2 =	sadd.s32 s2, s4;
	[dreg:$0x0] =	wrdreg $0x0  }
0xa8: {  	s4 =	sshll.u32 s28, $0x1;
	[dreg:$0x2] =	wrdreg s2  }
0xa9: {  	[dreg:$0x3] =	wrdreg s4  }
0xaa: {  	[dreg:$0x4] =	wrdreg $0xC0  }
0xab: {  	_ =	task [dreg:s6], $0x5FFFF  }
0xac: {  	[dreg:$0x1] =	wrdreg $0xFFFFFFFF  }
0xad: {  	[dreg:$0x0] =	wrdreg $0x60  }
0xae: {  	[dreg:$0x2] =	wrdreg s24  }
0xaf: {  	[dreg:$0x3] =	wrdreg $0x94000  }
0xb0: {  	[dreg:$0x4] =	wrdreg $0x9  }
0xb1: {  	_ =	task.clear_ibuf [dreg:s6], $0x5FFFF;
	_ =	strace $0x90000046  }
0xb2: {  	s29 =	simm.s32 $0x9;
	_ =	strace $0x80000048  }
0xb3: {  	_ =	swait.ge [sflag:s29], $0x1  }
0xb4: {  	[sflag:s29] =	ssyncadd.s32 $0xFFFFFFFF  }
0xb5: {  	_ =	strace $0x90000048  }
0xb6: {  	_ =	sfence  }
0xb7: {  	s30 =	sld [smem:$0x0];
	_ =	sdelay $0x2  }
0xb8: {  	s31 =	sshll.u32 s1, $0xD;
	s1 =	sshrl.u32 s1, $0x2  }
0xb9: {  	s3 =	sand.u32 $0x4000, s31;
	s1 =	sadd.s32 s1, s30  }
0xba: {  	s0 =	sor.u32 s3, s0;
	s1 =	sshll.u32 s1, $0x11  }
0xbb: {  	s0 =	sor.u32 s1, s0  }
0xbc: {  	s0 =	sadd.s32 $0x8F2B, s0  }
0xbd: {  	[sflag:s0] =	ssyncadd.remote.s32 $0x1  }
0xbe: {  	_ =	sfence.sel $0xFFFF  }
0xbf: {  	[dreg:$0x0] =	wrdreg $0xFFFFFFFF;
	(pc) =	sbr.abs _section_cstart, $3  }
0xc0: {  	[dreg:$0x1] =	wrdreg $0xFFFFFFFF  }
0xc1: {  	_ =	task.clear_ibuf [dreg:s6], $0x2FFFF;
	_ =	strace $0x9FFFFFFF  }
0xc2: {  	(tm) =	ssettm $0x7FFFFFFF  }
0xc3: {  	_ =	shalt  }
tec
execute0_lowered:
.L_overlay_start_1:
0x0: {  	(tag) =	ssettag $0x1  }
0x1: {  	s0 =	rddreg [dreg:$0x0]  }
0x2: {  	s1 =	srdreg.scid;
	s2 =	rddreg [dreg:$0x1]  }
0x3: {  	s7 =	stileid.u32;
	s3 =	simm.s32 $0x0;
	s16 =	simm.s32 $0x2  }
0x4: {  	s17 =	simm.s32 $0x5400;
	s18 =	simm.s32 $0x80;
	s19 =	simm.s32 $0x1400  }
0x5: {  	s24 =	simm.s32 $0x1000;
	s28 =	simm.s32 $0x1180;
	s29 =	simm.s32 $0x1200  }
0x6: {  	s30 =	simm.s32 $0x1280;
	s31 =	simm.s32 $0x1300;
	s5 =	smul.u32 $0x280, s7  }
0x7: {  	s20 =	simm.s32 $0x0;
	s1 =	sand.u32 $0x1, s1;
	s25 =	smul.u32 $0x50000, s7  }
0x8: {  	[smem:$0x7FF] =	sst s3;
	s4 =	sshll.u32 s1, $0x4;
	s6 =	smul.u32 $0x2800, s1  }
0x9: {  	_ =	strace $0x80000047;
	s1 =	ssub.s32 $0x2, s1;
	s4 =	sor.u32 s7, s4  }
0xa: {  	s26 =	sshrl.u32 s1, $0x1;
	s4 =	smul.u32 $0x280, s4;
	s5 =	sadd.s32 s5, s6  }
0xb: {  	s6 =	sshrl.u32 s25, $0x2;
	s1 =	ssub.s32 s1, s26;
	s25 =	simm.s32 $0x1080  }
0xc: {  	s26 =	simm.s32 $0x1100;
	s5 =	sshll.u32 s5, $0x4;
	s15 =	smax.u32 s1, $0x1  }
0xd: {  	s4 =	sadd.s32 s4, s0;
	s0 =	sadd.s32 s5, s0;
	s5 =	sadd.s32 s6, s2  }
0xe: {  	s1 =	simm.s32 $0x1;
	s4 =	sadd.s32 $0x9200, s4;
	s6 =	sadd.s32 $0x4000, s5  }
0xf: {  	s7 =	sadd.s32 $0x8000, s5;
	s8 =	sadd.s32 $0xC000, s5;
	s9 =	sadd.s32 $0x10000, s5  }
0x10: {  	vm0 =	vcmask $0x300;
	v0 =	vimm.f32 $0.0e+00;
	s10 =	sadd.s32 $0xE200, s0;
	s11 =	sadd.s32 $0xEA00, s0;
	s12 =	sadd.s32 $0xF200, s0  }
0x11: {  	v1 =	vsel vm0, $0x3F800000, v0;
	s13 =	sadd.s32 $0xFA00, s0;
	s14 =	sadd.s32 $0x10200, s0;
	s0 =	simm.s32 $0x1380  }
.LBB2_1:
0x12: {  	s21 =	simm.s32 $0x200;
	s22 =	simm.s32 $0x0  }
.LBB2_2:
0x13: {  	p0 =	sne.s32 s21, $0xFE00;
	[tilespmem:s22+$0x1400] =	vst v1;
	s23 =	smov.u32 s21;
	s21 =	sadd.s32 $0x200, s21  }
.Ltmp0:
0x14: {  	[tilespmem:s22+$0x5400] =	vst v0;
	(pc) =	sbr.rel @p0 .LBB2_2-.Ltmp0, $2  }
0x15: {  	_ =	sdelay $0x2  }
0x16: {  	s22 =	sshra.s32 s23, $0x2  }
0x17: {  	[tilespmem:s22+$0x1400] =	vst v1  }
0x18: {  	[tilespmem:s22+$0x5400] =	vst v0  }
0x19: {  	[tilespmem:s3], [sflag:$0x2] =	stream.linear.gather [hbm4b:s4+s3], $0x1400, $0x38;
	[tilespmem:$0xBC00] =	vst v63  }
0x1a: {  	_ =	swait.ge [sflag:s16], $0x1400  }
0x1b: {  	[sflag:s16] =	ssyncset.done $0x0  }
0x1c: {  	[sflag:s16] =	ssyncadd.s32 $0xFFFFEC00  }
0x1d: {  	[spmem:s5] =	stream.linear.scatter [tilespmem:s17], [sflag:$0x2], $0x4000, $0x38;
	[tilespmem:$0xBC00] =	vst v63  }
0x1e: {  	_ =	swait.ge [sflag:s16], $0x4000  }
0x1f: {  	[sflag:s16] =	ssyncset.done $0x0  }
0x20: {  	[sflag:s16] =	ssyncadd.s32 $0xFFFFC000  }
0x21: {  	[spmem:s6] =	stream.linear.scatter [tilespmem:s17], [sflag:$0x2], $0x4000, $0x38;
	[tilespmem:$0xBC00] =	vst v63  }
0x22: {  	_ =	swait.ge [sflag:s16], $0x4000  }
0x23: {  	[sflag:s16] =	ssyncset.done $0x0  }
0x24: {  	[sflag:s16] =	ssyncadd.s32 $0xFFFFC000  }
0x25: {  	[spmem:s7] =	stream.linear.scatter [tilespmem:s17], [sflag:$0x2], $0x4000, $0x38;
	[tilespmem:$0xBC00] =	vst v63  }
0x26: {  	_ =	swait.ge [sflag:s16], $0x4000  }
0x27: {  	[sflag:s16] =	ssyncset.done $0x0  }
0x28: {  	[sflag:s16] =	ssyncadd.s32 $0xFFFFC000  }
0x29: {  	[spmem:s8] =	stream.linear.scatter [tilespmem:s17], [sflag:$0x2], $0x4000, $0x38;
	[tilespmem:$0xBC00] =	vst v63  }
0x2a: {  	_ =	swait.ge [sflag:s16], $0x4000  }
0x2b: {  	[sflag:s16] =	ssyncset.done $0x0  }
0x2c: {  	[sflag:s16] =	ssyncadd.s32 $0xFFFFC000  }
0x2d: {  	[spmem:s9] =	stream.linear.scatter [tilespmem:s17], [sflag:$0x2], $0x4000, $0x38;
	[tilespmem:$0xBC00] =	vst v63  }
0x2e: {  	_ =	swait.ge [sflag:s16], $0x4000  }
0x2f: {  	[sflag:s16] =	ssyncset.done $0x0  }
0x30: {  	[sflag:s16] =	ssyncadd.s32 $0xFFFFC000  }
0x31: {  	[bflag:$0x0] =	sbarrier.arrive $0xFFFF  }
0x32: {  	[spmem:s2] =	stream.indirect.scatter.add.f32 [tilespmem:s19], [sflag:$0x1], $0x10, s3, s18, $0xb8;
	[tilespmem:$0xBC00] =	vst v63  }
0x33: {  	_ = 	snop  }
0x34: {  	[spmem:s2] =	stream.indirect.scatter.add.f32 [tilespmem:s19], [sflag:$0x1], $0x10, s18, s18, $0xb8;
	[tilespmem:$0xBC00] =	vst v63  }
0x35: {  	s21 =	simm.s32 $0x100  }
0x36: {  	[spmem:s2] =	stream.indirect.scatter.add.f32 [tilespmem:s19], [sflag:$0x1], $0x10, s21, s18, $0xb8;
	[tilespmem:$0xBC00] =	vst v63  }
0x37: {  	s23 =	simm.s32 $0x180  }
0x38: {  	[spmem:s2] =	stream.indirect.scatter.add.f32 [tilespmem:s19], [sflag:$0x1], $0x10, s23, s18, $0xb8;
	[tilespmem:$0xBC00] =	vst v63  }
0x39: {  	s22 =	simm.s32 $0x200  }
0x3a: {  	[spmem:s2] =	stream.indirect.scatter.add.f32 [tilespmem:s19], [sflag:$0x1], $0x10, s22, s18, $0xb8;
	[tilespmem:$0xBC00] =	vst v63  }
0x3b: {  	s23 =	simm.s32 $0x280  }
0x3c: {  	[spmem:s2] =	stream.indirect.scatter.add.f32 [tilespmem:s19], [sflag:$0x1], $0x10, s23, s18, $0xb8;
	[tilespmem:$0xBC00] =	vst v63  }
0x3d: {  	s22 =	simm.s32 $0x300  }
0x3e: {  	[spmem:s2] =	stream.indirect.scatter.add.f32 [tilespmem:s19], [sflag:$0x1], $0x10, s22, s18, $0xb8;
	[tilespmem:$0xBC00] =	vst v63  }
0x3f: {  	s23 =	simm.s32 $0x380  }
0x40: {  	[spmem:s2] =	stream.indirect.scatter.add.f32 [tilespmem:s19], [sflag:$0x1], $0x10, s23, s18, $0xb8;
	[tilespmem:$0xBC00] =	vst v63  }
0x41: {  	s22 =	simm.s32 $0x400  }
0x42: {  	[spmem:s2] =	stream.indirect.scatter.add.f32 [tilespmem:s19], [sflag:$0x1], $0x10, s22, s18, $0xb8;
	[tilespmem:$0xBC00] =	vst v63  }
0x43: {  	s23 =	simm.s32 $0x480  }
0x44: {  	[spmem:s2] =	stream.indirect.scatter.add.f32 [tilespmem:s19], [sflag:$0x1], $0x10, s23, s18, $0xb8;
	[tilespmem:$0xBC00] =	vst v63  }
0x45: {  	s22 =	simm.s32 $0x500  }
0x46: {  	[spmem:s2] =	stream.indirect.scatter.add.f32 [tilespmem:s19], [sflag:$0x1], $0x10, s22, s18, $0xb8;
	[tilespmem:$0xBC00] =	vst v63  }
0x47: {  	s23 =	simm.s32 $0x580  }
0x48: {  	[spmem:s2] =	stream.indirect.scatter.add.f32 [tilespmem:s19], [sflag:$0x1], $0x10, s23, s18, $0xb8;
	[tilespmem:$0xBC00] =	vst v63  }
0x49: {  	s22 =	simm.s32 $0x600  }
0x4a: {  	[spmem:s2] =	stream.indirect.scatter.add.f32 [tilespmem:s19], [sflag:$0x1], $0x10, s22, s18, $0xb8;
	[tilespmem:$0xBC00] =	vst v63  }
0x4b: {  	s23 =	simm.s32 $0x680  }
0x4c: {  	[spmem:s2] =	stream.indirect.scatter.add.f32 [tilespmem:s19], [sflag:$0x1], $0x10, s23, s18, $0xb8;
	[tilespmem:$0xBC00] =	vst v63  }
0x4d: {  	s22 =	simm.s32 $0x700  }
0x4e: {  	[spmem:s2] =	stream.indirect.scatter.add.f32 [tilespmem:s19], [sflag:$0x1], $0x10, s22, s18, $0xb8;
	[tilespmem:$0xBC00] =	vst v63  }
0x4f: {  	s23 =	simm.s32 $0x780  }
0x50: {  	[spmem:s2] =	stream.indirect.scatter.add.f32 [tilespmem:s19], [sflag:$0x1], $0x10, s23, s18, $0xb8;
	[tilespmem:$0xBC00] =	vst v63  }
0x51: {  	s22 =	simm.s32 $0x800  }
0x52: {  	[spmem:s2] =	stream.indirect.scatter.add.f32 [tilespmem:s19], [sflag:$0x1], $0x10, s22, s18, $0xb8;
	[tilespmem:$0xBC00] =	vst v63  }
0x53: {  	s23 =	simm.s32 $0x880  }
0x54: {  	[spmem:s2] =	stream.indirect.scatter.add.f32 [tilespmem:s19], [sflag:$0x1], $0x10, s23, s18, $0xb8;
	[tilespmem:$0xBC00] =	vst v63  }
0x55: {  	s22 =	simm.s32 $0x900  }
0x56: {  	[spmem:s2] =	stream.indirect.scatter.add.f32 [tilespmem:s19], [sflag:$0x1], $0x10, s22, s18, $0xb8;
	[tilespmem:$0xBC00] =	vst v63  }
0x57: {  	s23 =	simm.s32 $0x980  }
0x58: {  	[spmem:s2] =	stream.indirect.scatter.add.f32 [tilespmem:s19], [sflag:$0x1], $0x10, s23, s18, $0xb8;
	[tilespmem:$0xBC00] =	vst v63  }
0x59: {  	s22 =	simm.s32 $0xA00  }
0x5a: {  	[spmem:s2] =	stream.indirect.scatter.add.f32 [tilespmem:s19], [sflag:$0x1], $0x10, s22, s18, $0xb8;
	[tilespmem:$0xBC00] =	vst v63  }
0x5b: {  	s23 =	simm.s32 $0xA80  }
0x5c: {  	[spmem:s2] =	stream.indirect.scatter.add.f32 [tilespmem:s19], [sflag:$0x1], $0x10, s23, s18, $0xb8;
	[tilespmem:$0xBC00] =	vst v63  }
0x5d: {  	s22 =	simm.s32 $0xB00  }
0x5e: {  	[spmem:s2] =	stream.indirect.scatter.add.f32 [tilespmem:s19], [sflag:$0x1], $0x10, s22, s18, $0xb8;
	[tilespmem:$0xBC00] =	vst v63  }
0x5f: {  	s23 =	simm.s32 $0xB80  }
0x60: {  	[spmem:s2] =	stream.indirect.scatter.add.f32 [tilespmem:s19], [sflag:$0x1], $0x10, s23, s18, $0xb8;
	[tilespmem:$0xBC00] =	vst v63  }
0x61: {  	s22 =	simm.s32 $0xC00  }
0x62: {  	[spmem:s2] =	stream.indirect.scatter.add.f32 [tilespmem:s19], [sflag:$0x1], $0x10, s22, s18, $0xb8;
	[tilespmem:$0xBC00] =	vst v63  }
0x63: {  	s23 =	simm.s32 $0xC80  }
0x64: {  	[spmem:s2] =	stream.indirect.scatter.add.f32 [tilespmem:s19], [sflag:$0x1], $0x10, s23, s18, $0xb8;
	[tilespmem:$0xBC00] =	vst v63  }
0x65: {  	s22 =	simm.s32 $0xD00  }
0x66: {  	[spmem:s2] =	stream.indirect.scatter.add.f32 [tilespmem:s19], [sflag:$0x1], $0x10, s22, s18, $0xb8;
	[tilespmem:$0xBC00] =	vst v63  }
0x67: {  	s23 =	simm.s32 $0xD80  }
0x68: {  	[spmem:s2] =	stream.indirect.scatter.add.f32 [tilespmem:s19], [sflag:$0x1], $0x10, s23, s18, $0xb8;
	[tilespmem:$0xBC00] =	vst v63  }
0x69: {  	s22 =	simm.s32 $0xE00  }
0x6a: {  	[spmem:s2] =	stream.indirect.scatter.add.f32 [tilespmem:s19], [sflag:$0x1], $0x10, s22, s18, $0xb8;
	[tilespmem:$0xBC00] =	vst v63  }
0x6b: {  	s23 =	simm.s32 $0xE80  }
0x6c: {  	[spmem:s2] =	stream.indirect.scatter.add.f32 [tilespmem:s19], [sflag:$0x1], $0x10, s23, s18, $0xb8;
	[tilespmem:$0xBC00] =	vst v63  }
0x6d: {  	s22 =	simm.s32 $0xF00  }
0x6e: {  	[spmem:s2] =	stream.indirect.scatter.add.f32 [tilespmem:s19], [sflag:$0x1], $0x10, s22, s18, $0xb8;
	[tilespmem:$0xBC00] =	vst v63  }
0x6f: {  	s23 =	simm.s32 $0xF80  }
0x70: {  	[spmem:s2] =	stream.indirect.scatter.add.f32 [tilespmem:s19], [sflag:$0x1], $0x10, s23, s18, $0xb8;
	[tilespmem:$0xBC00] =	vst v63  }
0x71: {  	_ = 	snop  }
0x72: {  	[spmem:s2] =	stream.indirect.scatter.add.f32 [tilespmem:s19], [sflag:$0x1], $0x10, s24, s18, $0xb8;
	[tilespmem:$0xBC00] =	vst v63  }
0x73: {  	_ = 	snop  }
0x74: {  	[spmem:s2] =	stream.indirect.scatter.add.f32 [tilespmem:s19], [sflag:$0x1], $0x10, s25, s18, $0xb8;
	[tilespmem:$0xBC00] =	vst v63  }
0x75: {  	_ = 	snop  }
0x76: {  	[spmem:s2] =	stream.indirect.scatter.add.f32 [tilespmem:s19], [sflag:$0x1], $0x10, s26, s18, $0xb8;
	[tilespmem:$0xBC00] =	vst v63  }
0x77: {  	_ = 	snop  }
0x78: {  	[spmem:s2] =	stream.indirect.scatter.add.f32 [tilespmem:s19], [sflag:$0x1], $0x10, s28, s18, $0xb8;
	[tilespmem:$0xBC00] =	vst v63  }
0x79: {  	_ = 	snop  }
0x7a: {  	[spmem:s2] =	stream.indirect.scatter.add.f32 [tilespmem:s19], [sflag:$0x1], $0x10, s29, s18, $0xb8;
	[tilespmem:$0xBC00] =	vst v63  }
0x7b: {  	_ = 	snop  }
0x7c: {  	[spmem:s2] =	stream.indirect.scatter.add.f32 [tilespmem:s19], [sflag:$0x1], $0x10, s30, s18, $0xb8;
	[tilespmem:$0xBC00] =	vst v63  }
0x7d: {  	_ = 	snop  }
0x7e: {  	[spmem:s2] =	stream.indirect.scatter.add.f32 [tilespmem:s19], [sflag:$0x1], $0x10, s31, s18, $0xb8;
	[tilespmem:$0xBC00] =	vst v63  }
0x7f: {  	_ = 	snop  }
0x80: {  	[spmem:s2] =	stream.indirect.scatter.add.f32 [tilespmem:s19], [sflag:$0x1], $0x10, s0, s18, $0xb8;
	[tilespmem:$0xBC00] =	vst v63  }
0x81: {  	_ =	swait.ge [sflag:s1], $0x800  }
0x82: {  	s21 =	simm.s32 $0x27;
	[sflag:s1] =	ssyncset.done $0x0  }
.LBB2_4:
0x83: {  	p0 =	sne.s32 s21, $0x1;
	s21 =	sadd.s32 $0xFFFFFFFF, s21;
	[sflag:s1] =	ssyncadd.s32 $0xFFFFF800  }
.Ltmp1:
0x84: {  	(pc) =	sbr.rel @p0 .LBB2_4-.Ltmp1, $3  }
0x85: {  	_ =	sdelay $0x1  }
0x86: {  	_ =	swait.ge [sflag:s1], $0x800  }
0x87: {  	[sflag:s1] =	ssyncset.done $0x0  }
0x88: {  	s21 =	stileid.u32  }
0x89: {  	[sflag:s1] =	ssyncadd.s32 $0xFFFFF800;
	s21 =	sshll.u32 s21, $0x6  }
0x8a: {  	s22 =	sshrl.u32 s5, $0x3;
	[bflag:$0x0] =	sbarrier.arrive $0xFFFF;
	s21 =	sor.u32 $0x1C02, s21  }
0x8b: {  	[hbm:s10], [sflag:s21] =	dma.local [spmem:s22], $0x800  }
0x8c: {  	_ =	swait.ge [sflag:s16], $0x800  }
0x8d: {  	[sflag:s16] =	ssyncset.done $0x0  }
0x8e: {  	s23 =	sshrl.u32 s6, $0x3;
	[sflag:s16] =	ssyncadd.s32 $0xFFFFF800  }
0x8f: {  	[hbm:s11], [sflag:s21] =	dma.local [spmem:s23], $0x800  }
0x90: {  	_ =	swait.ge [sflag:s16], $0x800  }
0x91: {  	[sflag:s16] =	ssyncset.done $0x0  }
0x92: {  	s23 =	sshrl.u32 s7, $0x3;
	[sflag:s16] =	ssyncadd.s32 $0xFFFFF800  }
0x93: {  	[hbm:s12], [sflag:s21] =	dma.local [spmem:s23], $0x800  }
0x94: {  	_ =	swait.ge [sflag:s16], $0x800  }
0x95: {  	[sflag:s16] =	ssyncset.done $0x0  }
0x96: {  	s23 =	sshrl.u32 s8, $0x3;
	[sflag:s16] =	ssyncadd.s32 $0xFFFFF800  }
0x97: {  	[hbm:s13], [sflag:s21] =	dma.local [spmem:s23], $0x800  }
0x98: {  	s20 =	sadd.s32 $0x1, s20;
	_ =	swait.ge [sflag:s16], $0x800  }
0x99: {  	p0 =	sne.s32 s20, s15;
	[sflag:s16] =	ssyncset.done $0x0  }
.Ltmp2:
0x9a: {  	s23 =	sshrl.u32 s9, $0x3;
	[sflag:s16] =	ssyncadd.s32 $0xFFFFF800;
	(pc) =	sbr.rel @p0 .LBB2_1-.Ltmp2, $4  }
0x9b: {  	[hbm:s14], [sflag:s21] =	dma.local [spmem:s23], $0x800  }
0x9c: {  	_ =	swait.ge [sflag:s16], $0x800  }
0x9d: {  	[sflag:s16] =	ssyncset.done $0x0  }
0x9e: {  	[sflag:s16] =	ssyncadd.s32 $0xFFFFF800  }
0x9f: {  	_ =	sfence.sel $0x180000  }
0xa0: {  	[bflag:$0x0] =	sbarrier.arrive $0xFFFF  }
0xa1: {  	_ =	strace $0x90000047  }
0xa2: {  	s0 =	stileid.u32;
	[bflag:$0x2] =	sbarrier.arrive $0xFFFF  }
0xa3: {  	p0 =	sne.s32 s0, $0x0;
	s0 =	rddreg [dreg:$0x2]  }
0xa4: {  	s0 =	sadd.s32 @!p0 $0x100000, s0  }
0xa5: {  	[sflag:s0] =	ssyncadd.tile.s32 @!p0 $0x1;
	_ =	shalt  }
.Lfunc_end2:
_tile_overlayer_lowered:
.L_overlay_start_2:
0xa6: {  	(tag) =	ssettag $0x2  }
0xa7: {  	s0 =	rddreg [dreg:$0x0];
	s2 =	stileid.u32  }
0xa8: {  	s1 =	rddreg [dreg:$0x1];
	p0 =	sne.s32 s2, $0x0  }
0xa9: {  	s3 =	rddreg [dreg:$0x2];
	[bflag:$0x3] =	sbarrier.arrive $0xFFFF;
	s2 =	simm.s32 @!p0 $0x1C02  }
0xaa: {  	[timem:s3], [sflag:s2] =	dma.local @!p0 [hbm:s0], s1  }
0xab: {  	s0 =	simm.s32 @!p0 $0x2  }
0xac: {  	_ =	swait.ge @!p0 [sflag:s0], s1  }
0xad: {  	s1 =	ssub.s32 @!p0 $0x0, s1;
	[sflag:s0] =	ssyncset.done @!p0 $0x0  }
0xae: {  	[sflag:s0] =	ssyncadd.s32 @!p0 s1  }
0xaf: {  	[bflag:$0x3] =	sbarrier.arrive $0xFFFF  }
0xb0: {  	_ =	shalt  }

// kernel: kernel.16.cloned.1.call-start
scs
__scs_entry_jumppad:
0x0: {  	(pc) =	sbr.rel $0x88, $3  }
0x1: {  	(tag) =	ssettag $0x0;
	lr =	simm.s32 $0x1  }
0x2: {  	[smem:$0x3F92] =	sst lr;
	_ =	strace $0xD0000000  }
0x3: {  	_ = 	snop  }
0x4: {  	_ = 	snop  }
0x5: {  	_ = 	snop  }
0x6: {  	_ = 	snop  }
0x7: {  	_ = 	snop  }
__scs_overlays_trampoline_lowered:
0x8: {  	[smem:$0x3FA1] =	sst s0  }
0x9: {  	[smem:$0x3FA2] =	sst s1  }
0xa: {  	[smem:$0x3FA3] =	sst s2  }
0xb: {  	[smem:$0x3FA4] =	sst s3  }
0xc: {  	[smem:$0x3FA5] =	sst s4  }
0xd: {  	[smem:$0x3FA6] =	sst s5  }
0xe: {  	[smem:$0x3FA7] =	sst s6  }
0xf: {  	[smem:$0x3FA8] =	sst s7  }
0x10: {  	[smem:$0x3FA9] =	sst s8  }
0x11: {  	[smem:$0x3FAA] =	sst s9;
	s0 =	simm.s32 @!p0 $0x0  }
0x12: {  	s1 =	sld [smem:$0x3F90];
	s0 =	simm.s32 @p0 $0x1  }
0x13: {  	[smem:$0x3FAB] =	sst s0;
	s0 =	simm.s32 @!p1 $0x0  }
0x14: {  	s2 =	sld [smem:$0x3F8F];
	s0 =	simm.s32 @p1 $0x1  }
0x15: {  	[smem:$0x3FAC] =	sst s0;
	s0 =	simm.s32 @!p2 $0x0  }
0x16: {  	s3 =	sld [smem:$0x3FDB];
	s0 =	simm.s32 @p2 $0x1  }
0x17: {  	s4 =	simm.s32 $0x1BF5;
	[smem:$0x3FAE] =	sst s0  }
0x18: {  	s0 =	sld [smem:$0x3F91];
	_ =	swait.ge [sflag:s4], $0x0  }
0x19: {  	s7 =	sld [smem:$0x3F92]  }
0x1a: {  	s8 =	sadd.s32 $0xFFFFE003, lr  }
0x1b: {  	s9 =	sadd.s32 $0xFFFFFEF7, lr;
	s5 =	simm.s32 $0xFFFFFFFF;
	p2 =	slt.u32 s8, $0xFFFFF086  }
0x1c: {  	p1 =	slt.u32 s9, $0xF7A;
	s5 =	simm.s32 @!p2 $0x0  }
0x1d: {  	s5 =	simm.s32 @p1 $0x1;
	p0 =	seq.s32 s7, s2  }
0x1e: {  	s7 =	smul.u32 @!p0 $0xF7A, s2;
	p2 =	seq.s32 @!p0 s5, $0x0  }
0x1f: {  	s9 =	smul.u32 $0xF7A, s1;
	s8 =	simm.s32 @!p0 $0x1BF5;
	p2 =	por !p2, p0  }
0x20: {  	[sflag:s8] =	ssyncset.s32 @!p0 $0xFFFFF086;
	s6 =	sadd.s32 @!p0 s3, s7;
	s7 =	simm.s32 @!p0 $0x108  }
0x21: {  	s3 =	sadd.s32 s3, s9;
	s6 =	sadd.s32 @!p0 $0x88, s6;
	s7 =	simm.s32 @p2 $0x1082  }
0x22: {  	[simem:s7], [sflag:s8] =	dma.local @!p0 [hbm:s6], $0xF7A  }
0x23: {  	s9 =	sor.u32 $0xD0000000, s2;
	s6 =	simm.s32 $0x108;
	_ =	swait.ge @!p0 [sflag:s8], $0x0  }
0x24: {  	s3 =	sadd.s32 $0x88, s3;
	s6 =	simm.s32 @!p1 $0x1082;
	[sflag:s4] =	ssyncset.s32 $0xFFFFF086  }
0x25: {  	[simem:s6], [sflag:s4] =	dma.local [hbm:s3], $0xF7A  }
0x26: {  	[smem:$0x3F92] =	sst s1;
	(tag) =	ssettag s2;
	_ =	strace s9  }
0x27: {  	s1 =	sld [smem:$0x3FA2]  }
0x28: {  	s2 =	sld [smem:$0x3FA3]  }
0x29: {  	s4 =	sld [smem:$0x3FA5]  }
0x2a: {  	p0 =	seq.s32 s5, $0x0;
	s5 =	sld [smem:$0x3FA6]  }
0x2b: {  	s6 =	sld [smem:$0x3FA7]  }
0x2c: {  	s7 =	sld [smem:$0x3FA8]  }
0x2d: {  	s3 =	simm.s32 $0x108;
	s8 =	sld [smem:$0x3FA9]  }
0x2e: {  	s3 =	simm.s32 @!p0 $0x1082;
	s9 =	sld [smem:$0x3FAA]  }
0x2f: {  	lr =	sadd.s32 s0, s3;
	s0 =	sld [smem:$0x3FA1]  }
0x30: {  	s3 =	sld [smem:$0x3FA4]  }
0x31: {  	[smem:$0x3FAD] =	sst s10  }
0x32: {  	s10 =	sld [smem:$0x3FAB];
	_ =	sdelay $0x3  }
0x33: {  	p0 =	seq.s32 s10, $0x1;
	s10 =	sld [smem:$0x3FAD];
	_ =	sdelay $0x3  }
0x34: {  	[smem:$0x3FAD] =	sst s10  }
0x35: {  	s10 =	sld [smem:$0x3FAC];
	_ =	sdelay $0x3  }
0x36: {  	p1 =	seq.s32 s10, $0x1;
	s10 =	sld [smem:$0x3FAD];
	_ =	sdelay $0x3  }
0x37: {  	[smem:$0x3FAD] =	sst s10  }
0x38: {  	s10 =	sld [smem:$0x3FAE]  }
0x39: {  	_ = 	snop;
	(pc) =	sbr.ind lr, $3  }
0x3a: {  	_ = 	snop  }
0x3b: {  	_ = 	snop  }
0x3c: {  	p2 =	seq.s32 s10, $0x1;
	s10 =	sld [smem:$0x3FAD]  }
0x3d: {  	_ =	shalt  }
0x3e: {  	_ =	shalt  }
0x3f: {  	_ =	shalt  }
0x40: {  	_ =	shalt  }
0x41: {  	_ =	shalt  }
0x42: {  	_ =	shalt  }
0x43: {  	_ =	shalt  }
0x44: {  	_ =	shalt  }
0x45: {  	_ =	shalt  }
0x46: {  	_ =	shalt  }
0x47: {  	_ =	shalt  }
0x48: {  	_ =	shalt  }
0x49: {  	_ =	shalt  }
0x4a: {  	_ =	shalt  }
0x4b: {  	_ =	shalt  }
0x4c: {  	_ =	shalt  }
0x4d: {  	_ =	shalt  }
0x4e: {  	_ =	shalt  }
0x4f: {  	_ =	shalt  }
0x50: {  	_ =	shalt  }
0x51: {  	_ =	shalt  }
0x52: {  	_ =	shalt  }
0x53: {  	_ =	shalt  }
0x54: {  	_ =	shalt  }
0x55: {  	_ =	shalt  }
0x56: {  	_ =	shalt  }
0x57: {  	_ =	shalt  }
0x58: {  	_ =	shalt  }
0x59: {  	_ =	shalt  }
0x5a: {  	_ =	shalt  }
0x5b: {  	_ =	shalt  }
0x5c: {  	_ =	shalt  }
0x5d: {  	_ =	shalt  }
0x5e: {  	_ =	shalt  }
0x5f: {  	_ =	shalt  }
0x60: {  	_ =	shalt  }
0x61: {  	_ =	shalt  }
0x62: {  	_ =	shalt  }
0x63: {  	_ =	shalt  }
0x64: {  	_ =	shalt  }
0x65: {  	_ =	shalt  }
0x66: {  	_ =	shalt  }
0x67: {  	_ =	shalt  }
0x68: {  	_ =	shalt  }
0x69: {  	_ =	shalt  }
0x6a: {  	_ =	shalt  }
0x6b: {  	_ =	shalt  }
0x6c: {  	_ =	shalt  }
0x6d: {  	_ =	shalt  }
0x6e: {  	_ =	shalt  }
0x6f: {  	_ =	shalt  }
0x70: {  	_ =	shalt  }
0x71: {  	_ =	shalt  }
0x72: {  	_ =	shalt  }
0x73: {  	_ =	shalt  }
0x74: {  	_ =	shalt  }
0x75: {  	_ =	shalt  }
0x76: {  	_ =	shalt  }
0x77: {  	_ =	shalt  }
0x78: {  	_ =	shalt  }
0x79: {  	_ =	shalt  }
0x7a: {  	_ =	shalt  }
0x7b: {  	_ =	shalt  }
0x7c: {  	_ =	shalt  }
0x7d: {  	_ =	shalt  }
0x7e: {  	_ =	shalt  }
0x7f: {  	_ =	shalt  }
0x80: {  	_ =	shalt  }
0x81: {  	_ =	shalt  }
0x82: {  	_ =	shalt  }
0x83: {  	_ =	shalt  }
0x84: {  	_ =	shalt  }
0x85: {  	_ =	shalt  }
0x86: {  	_ =	shalt  }
0x87: {  	_ =	shalt  }
.Lfunc_end0:
.L_simem_size_0:
called_computation.1_lowered:
.L_overlay_start_0:
0x88: {  	s2 =	sld [smem:$0x3FD9]  }
0x89: {  	s3 =	sld [smem:$0x3FFE];
	_ =	sdelay $0x1  }
0x8a: {  	s1 =	srdreg.scid  }
0x8b: {  	s0 =	sand.u32 $0x1, s1  }
0x8c: {  	s16 =	sshll.u32 s0, $0xA;
	s2 =	sadd.s32 s3, s2  }
0x8d: {  	s2 =	sadd.s32 s2, s16  }
0x8e: {  	[smem:$0x3FB9] =	sst s2  }
0x8f: {  	_ = 	snop  }
0x90: {  	(tm) =	ssettm $0x1  }
0x91: {  	s17 =	sld [smem:$0x3FFB];
	_ =	sdelay $0x3  }
0x92: {  	_ =	strace s17  }
0x93: {  	s2 =	sld [smem:$0x3FFC];
	_ =	sdelay $0x3  }
0x94: {  	_ =	strace s2  }
0x95: {  	s2 =	sld [smem:$0x3FFD];
	_ =	sdelay $0x3  }
0x96: {  	_ =	strace s2  }
0x97: {  	_ =	strace $0x8FFFFFFF  }
0x98: {  	s18 =	sld [smem:$0x3FDB];
	_ =	sdelay $0x1  }
0x99: {  	s19 =	simm.s32 $_scs_section_size  }
0x9a: {  	s4 =	simm.s32 $_size__tile_overlayer_lowered;
	s5 =	simm.s32 $_tile_overlayer_lowered  }
0x9b: {  	s22 =	simm.s32 $0x1BFF;
	s21 =	sshll.u32 s5, $0x1;
	s2 =	sadd.s32 s19, s18  }
0x9c: {  	s6 =	simm.s32 $0x0;
	s20 =	sshll.u32 s4, $0x1;
	s4 =	sadd.s32 s21, s2  }
0x9d: {  	[timem:s6], [sflag:s22] =	dma.local [hbm:s4], s20  }
0x9e: {  	_ =	swait.ge [sflag:s22], s20  }
0x9f: {  	s3 =	ssub.s32 $0x0, s20;
	[sflag:s22] =	ssyncset.done $0x0  }
0xa0: {  	[sflag:s22] =	ssyncadd.s32 s3;
	_ =	sdelay $0x1  }
0xa1: {  	s23 =	simm.s32 $0x1B8B  }
0xa2: {  	_ =	swait.ge [sflag:s23], $0x1  }
0xa3: {  	[sflag:s23] =	ssyncset.done $0x0  }
0xa4: {  	s25 =	simm.s32 $0x1B8E;
	s24 =	sld [smem:$0x3FFE];
	[sflag:s23] =	ssyncadd.s32 $0xFFFFFFFF  }
0xa5: {  	s26 =	simm.s32 $execute0_lowered;
	[smem:$0x3FD2] =	sst s25  }
0xa6: {  	s4 =	sshll.u32 s26, $0x1;
	_ =	strace $0x80000049;
	[dreg:$0x1] =	wrdreg $0xFFFFFFFF  }
0xa7: {  	s28 =	simm.s32 $_size_execute0_lowered;
	s2 =	sadd.s32 s2, s4;
	[dreg:$0x0] =	wrdreg $0x0  }
0xa8: {  	s4 =	sshll.u32 s28, $0x1;
	[dreg:$0x2] =	wrdreg s2  }
0xa9: {  	[dreg:$0x3] =	wrdreg s4  }
0xaa: {  	[dreg:$0x4] =	wrdreg $0xC0  }
0xab: {  	_ =	task [dreg:s6], $0x5FFFF  }
0xac: {  	[dreg:$0x1] =	wrdreg $0xFFFFFFFF  }
0xad: {  	[dreg:$0x0] =	wrdreg $0x60  }
0xae: {  	[dreg:$0x2] =	wrdreg s24  }
0xaf: {  	[dreg:$0x3] =	wrdreg $0xA8000  }
0xb0: {  	[dreg:$0x4] =	wrdreg $0x9  }
0xb1: {  	_ =	task.clear_ibuf [dreg:s6], $0x5FFFF;
	_ =	strace $0x90000049  }
0xb2: {  	s29 =	simm.s32 $0x9;
	_ =	strace $0x8000004B  }
0xb3: {  	_ =	swait.ge [sflag:s29], $0x1  }
0xb4: {  	[sflag:s29] =	ssyncadd.s32 $0xFFFFFFFF  }
0xb5: {  	_ =	strace $0x9000004B  }
0xb6: {  	_ =	sfence  }
0xb7: {  	s30 =	sld [smem:$0x0];
	_ =	sdelay $0x2  }
0xb8: {  	s31 =	sshll.u32 s1, $0xD;
	s1 =	sshrl.u32 s1, $0x2  }
0xb9: {  	s3 =	sand.u32 $0x4000, s31;
	s1 =	sadd.s32 s1, s30  }
0xba: {  	s0 =	sor.u32 s3, s0;
	s1 =	sshll.u32 s1, $0x11  }
0xbb: {  	s0 =	sor.u32 s1, s0  }
0xbc: {  	s0 =	sadd.s32 $0x8F2B, s0  }
0xbd: {  	[sflag:s0] =	ssyncadd.remote.s32 $0x1  }
0xbe: {  	_ =	sfence.sel $0xFFFF  }
0xbf: {  	[dreg:$0x0] =	wrdreg $0xFFFFFFFF;
	(pc) =	sbr.abs _section_cstart, $3  }
0xc0: {  	[dreg:$0x1] =	wrdreg $0xFFFFFFFF  }
0xc1: {  	_ =	task.clear_ibuf [dreg:s6], $0x2FFFF;
	_ =	strace $0x9FFFFFFF  }
0xc2: {  	(tm) =	ssettm $0x7FFFFFFF  }
0xc3: {  	_ =	shalt  }
tec
execute0_lowered:
.L_overlay_start_1:
0x0: {  	(tag) =	ssettag $0x1  }
0x1: {  	s0 =	rddreg [dreg:$0x0]  }
0x2: {  	s2 =	rddreg [dreg:$0x1]  }
0x3: {  	s1 =	srdreg.scid;
	s10 =	stileid.u32;
	s3 =	simm.s32 $0x0  }
0x4: {  	s20 =	simm.s32 $0x2800;
	s21 =	simm.s32 $0x5;
	s28 =	simm.s32 $0x2  }
0x5: {  	s29 =	simm.s32 $0x4;
	s30 =	simm.s32 $0x2700;
	s5 =	smul.u32 $0x280, s10  }
0x6: {  	s31 =	simm.s32 $0x2780;
	s1 =	sand.u32 $0x1, s1;
	s22 =	smul.u32 $0x50000, s10  }
0x7: {  	[smem:$0x7FF] =	sst s3;
	s4 =	sadd.s32 $0x5E200, s0;
	s9 =	smul.u32 $0x2800, s10  }
0x8: {  	s12 =	sadd.s32 $0x4200, s0;
	s13 =	sadd.s32 $0x9200, s0;
	s11 =	smul.u32 $0x500, s10  }
0x9: {  	s6 =	smul.u32 $0x2800, s1;
	_ =	strace $0x8000004A;
	s7 =	ssub.s32 $0x2, s1  }
0xa: {  	s1 =	smul.u32 $0x2710, s1;
	s23 =	sshrl.u32 s22, $0x2;
	s24 =	sshrl.u32 s7, $0x1  }
0xb: {  	s25 =	sshrl.u32 s9, $0x3;
	s26 =	sadd.s32 s12, s11;
	s11 =	sadd.s32 s13, s11  }
0xc: {  	s22 =	simm.s32 $0x1400;
	s5 =	sadd.s32 s5, s6;
	s19 =	ssub.s32 s7, s24  }
0xd: {  	s14 =	sadd.s32 $0x280, s25;
	[dreg:$0x3] =	wrdreg s26;
	s24 =	simm.s32 $0x6800  }
0xe: {  	s25 =	simm.s32 $0x1;
	s26 =	simm.s32 $0x3;
	s5 =	sshll.u32 s5, $0x4  }
0xf: {  	s12 =	sadd.s32 s12, s14;
	s13 =	sadd.s32 s13, s14;
	s19 =	smax.u32 s19, $0x1  }
0x10: {  	s0 =	sadd.s32 s5, s0;
	s5 =	sadd.s32 s23, s2;
	s23 =	simm.s32 $0x80  }
0x11: {  	s6 =	sadd.s32 $0x4000, s5;
	s7 =	sadd.s32 $0x8000, s5;
	s8 =	sadd.s32 $0xC000, s5  }
0x12: {  	s9 =	sadd.s32 $0x10000, s5;
	s14 =	sadd.s32 $0xAC400, s0;
	s15 =	sadd.s32 $0xACC00, s0  }
0x13: {  	v1 =	vimm.f32 $0.0e+00;
	v0 =	vmov s1;
	s16 =	sadd.s32 $0xAD400, s0;
	s17 =	sadd.s32 $0xADC00, s0;
	s18 =	sadd.s32 $0xAE400, s0  }
.LBB2_1:
0x14: {  	s0 =	simm.s32 $0x0;
	s1 =	simm.s32 $0x200  }
.LBB2_2:
0x15: {  	p0 =	sne.s32 s1, $0xFE00;
	[tilespmem:s0+$0x2870] =	vst v1  }
0x16: {  	[tilespmem:s0+$0x2800] =	vst v1  }
0x17: {  	[tilespmem:s0+$0x2810] =	vst v1  }
.Ltmp0:
0x18: {  	[tilespmem:s0+$0x2820] =	vst v1;
	(pc) =	sbr.rel @p0 .LBB2_2-.Ltmp0, $4  }
0x19: {  	[tilespmem:s0+$0x2830] =	vst v1  }
0x1a: {  	[tilespmem:s0+$0x2840] =	vst v1  }
0x1b: {  	[tilespmem:s0+$0x2850] =	vst v1  }
0x1c: {  	[tilespmem:s0+$0x2860] =	vst v1;
	s0 =	sshra.s32 s1, $0x2;
	s1 =	sadd.s32 $0x200, s1  }
0x1d: {  	[tilespmem:s0+$0x2870] =	vst v1  }
0x1e: {  	[tilespmem:s0+$0x2800] =	vst v1  }
0x1f: {  	[tilespmem:s0+$0x2810] =	vst v1  }
0x20: {  	[tilespmem:s0+$0x2820] =	vst v1  }
0x21: {  	[tilespmem:s0+$0x2830] =	vst v1  }
0x22: {  	[tilespmem:s0+$0x2840] =	vst v1  }
0x23: {  	[tilespmem:s0+$0x2850] =	vst v1  }
0x24: {  	[tilespmem:s0+$0x2860] =	vst v1  }
0x25: {  	[spmem:s5] =	stream.linear.scatter [tilespmem:s20], [sflag:$0x5], $0x4000, $0x38;
	[tilespmem:$0x1E800] =	vst v63  }
0x26: {  	_ =	swait.ge [sflag:s21], $0x4000  }
0x27: {  	[sflag:s21] =	ssyncset.done $0x0  }
0x28: {  	[sflag:s21] =	ssyncadd.s32 $0xFFFFC000  }
0x29: {  	[spmem:s6] =	stream.linear.scatter [tilespmem:s20], [sflag:$0x5], $0x4000, $0x38;
	[tilespmem:$0x1E800] =	vst v63  }
0x2a: {  	_ =	swait.ge [sflag:s21], $0x4000  }
0x2b: {  	[sflag:s21] =	ssyncset.done $0x0  }
0x2c: {  	[sflag:s21] =	ssyncadd.s32 $0xFFFFC000  }
0x2d: {  	[spmem:s7] =	stream.linear.scatter [tilespmem:s20], [sflag:$0x5], $0x4000, $0x38;
	[tilespmem:$0x1E800] =	vst v63  }
0x2e: {  	_ =	swait.ge [sflag:s21], $0x4000  }
0x2f: {  	[sflag:s21] =	ssyncset.done $0x0  }
0x30: {  	[sflag:s21] =	ssyncadd.s32 $0xFFFFC000  }
0x31: {  	[spmem:s8] =	stream.linear.scatter [tilespmem:s20], [sflag:$0x5], $0x4000, $0x38;
	[tilespmem:$0x1E800] =	vst v63  }
0x32: {  	_ =	swait.ge [sflag:s21], $0x4000  }
0x33: {  	[sflag:s21] =	ssyncset.done $0x0  }
0x34: {  	[sflag:s21] =	ssyncadd.s32 $0xFFFFC000  }
0x35: {  	[spmem:s9] =	stream.linear.scatter [tilespmem:s20], [sflag:$0x5], $0x4000, $0x38;
	[tilespmem:$0x1E800] =	vst v63  }
0x36: {  	_ =	swait.ge [sflag:s21], $0x4000  }
0x37: {  	[sflag:s21] =	ssyncset.done $0x0  }
0x38: {  	[sflag:s21] =	ssyncadd.s32 $0xFFFFC000  }
0x39: {  	[bflag:$0x0] =	sbarrier.arrive $0xFFFF  }
0x3a: {  	s10 =	simm.s32 $0x0;
	s1 =	rddreg [dreg:$0x3]  }
0x3b: {  	[tilespmem:s10], [sflag:$0x5] =	stream.linear.gather [hbm4b:s1+s10], $0x1400, $0x38;
	[tilespmem:$0x1E800] =	vst v63  }
0x3c: {  	_ =	swait.ge [sflag:s21], $0x1400  }
0x3d: {  	[sflag:s21] =	ssyncset.done $0x0  }
0x3e: {  	[sflag:s21] =	ssyncadd.s32 $0xFFFFEC00  }
0x3f: {  	[tilespmem:s22], [sflag:$0x5] =	stream.linear.gather [hbm4b:s11+s10], $0x1400, $0x38;
	[tilespmem:$0x1E800] =	vst v63  }
0x40: {  	_ =	swait.ge [sflag:s21], $0x1400  }
0x41: {  	[sflag:s21] =	ssyncset.done $0x0  }
0x42: {  	s0 =	simm.s32 $0x0;
	[sflag:s21] =	ssyncadd.s32 $0xFFFFEC00  }
0x43: {  	v4 =	vld [tilespmem:s0+$0x0]  }
0x44: {  	v6 =	vld [tilespmem:s0+$0x10]  }
0x45: {  	v5 =	vld [tilespmem:s0+$0x20]  }
0x46: {  	v3 =	vld [tilespmem:s0+$0x30]  }
0x47: {  	v2 =	vld [tilespmem:s0+$0x40]  }
0x48: {  	v7 =	vadd.s32 v0, v4;
	v4 =	vld [tilespmem:s0+$0x50]  }
0x49: {  	s1 =	simm.s32 $0x200;
	[tilespmem:s0+$0x0] =	vst v7;
	v7 =	vadd.s32 v0, v6;
	v6 =	vld [tilespmem:s0+$0x60]  }
.LBB2_4:
0x4a: {  	s10 =	sshra.s32 s1, $0x2;
	p0 =	sne.s32 s1, $0x4E00;
	[tilespmem:s0+$0x10] =	vst v7;
	v5 =	vadd.s32 v0, v5;
	v7 =	vld [tilespmem:s0+$0x70]  }
0x4b: {  	v8 =	vld [tilespmem:s10+$0x0];
	[tilespmem:s0+$0x20] =	vst v5;
	v3 =	vadd.s32 v0, v3  }
0x4c: {  	v9 =	vld [tilespmem:s10+$0x10];
	[tilespmem:s0+$0x30] =	vst v3;
	v2 =	vadd.s32 v0, v2  }
.Ltmp1:
0x4d: {  	v5 =	vld [tilespmem:s10+$0x20];
	[tilespmem:s0+$0x40] =	vst v2;
	v2 =	vadd.s32 v0, v4;
	(pc) =	sbr.rel @p0 .LBB2_4-.Ltmp1, $4  }
0x4e: {  	v3 =	vld [tilespmem:s10+$0x30];
	[tilespmem:s0+$0x50] =	vst v2;
	v4 =	vadd.s32 v0, v6  }
0x4f: {  	v2 =	vld [tilespmem:s10+$0x40];
	[tilespmem:s0+$0x60] =	vst v4;
	v6 =	vadd.s32 v0, v7  }
0x50: {  	v7 =	vadd.s32 v0, v8;
	v4 =	vld [tilespmem:s10+$0x50];
	[tilespmem:s0+$0x70] =	vst v6;
	s0 =	smov.u32 s10  }
0x51: {  	s1 =	sadd.s32 $0x200, s1;
	[tilespmem:s0+$0x0] =	vst v7;
	v7 =	vadd.s32 v0, v9;
	v6 =	vld [tilespmem:s0+$0x60]  }
0x52: {  	[tilespmem:s0+$0x10] =	vst v7;
	v5 =	vadd.s32 v0, v5;
	v63 =	vld [tilespmem:s0+$0x70]  }
0x53: {  	[tilespmem:s0+$0x20] =	vst v5;
	v3 =	vadd.s32 v0, v3  }
0x54: {  	[tilespmem:s0+$0x30] =	vst v3;
	v2 =	vadd.s32 v0, v2  }
0x55: {  	[tilespmem:s0+$0x40] =	vst v2;
	v2 =	vadd.s32 v0, v4  }
0x56: {  	[tilespmem:s0+$0x50] =	vst v2;
	v2 =	vadd.s32 v0, v6  }
0x57: {  	[tilespmem:s0+$0x60] =	vst v2;
	v2 =	vadd.s32 v0, v63  }
0x58: {  	s1 =	simm.s32 $0x0;
	[tilespmem:s0+$0x70] =	vst v2  }
0x59: {  	[tilespmem:s20], [sflag:$0x1] =	stream.indirect.gather [hbm4b:s4+s23], $0x80, s1, s23, $0xb8;
	[tilespmem:$0x1E800] =	vst v63  }
0x5a: {  	_ = 	snop  }
0x5b: {  	[tilespmem:s24], [sflag:$0x2] =	stream.indirect.gather [hbm4b:s4+s23], $0x80, s23, s23, $0xb8;
	[tilespmem:$0x1E800] =	vst v63  }
0x5c: {  	_ =	swait.ge [sflag:s25], $0x4000  }
0x5d: {  	[sflag:s25] =	ssyncset.done $0x0  }
0x5e: {  	s10 =	simm.s32 $0x1400;
	[sflag:s25] =	ssyncadd.s32 $0xFFFFC000  }
0x5f: {  	[spmem:s2] =	stream.indirect.scatter.add.f32 [tilespmem:s20], [sflag:$0x3], $0x80, s10, s23, $0xb8;
	[tilespmem:$0x1E800] =	vst v63  }
0x60: {  	_ =	swait.ge [sflag:s26], $0x4000  }
0x61: {  	[sflag:s26] =	ssyncset.done $0x0  }
0x62: {  	s1 =	simm.s32 $0x100;
	[sflag:s26] =	ssyncadd.s32 $0xFFFFC000  }
0x63: {  	[tilespmem:s20], [sflag:$0x1] =	stream.indirect.gather [hbm4b:s4+s23], $0x80, s1, s23, $0xb8;
	[tilespmem:$0x1E800] =	vst v63  }
0x64: {  	_ =	swait.ge [sflag:s28], $0x4000  }
0x65: {  	[sflag:s28] =	ssyncset.done $0x0  }
0x66: {  	s10 =	simm.s32 $0x1480;
	[sflag:s28] =	ssyncadd.s32 $0xFFFFC000  }
0x67: {  	[spmem:s2] =	stream.indirect.scatter.add.f32 [tilespmem:s24], [sflag:$0x4], $0x80, s10, s23, $0xb8;
	[tilespmem:$0x1E800] =	vst v63  }
0x68: {  	_ =	swait.ge [sflag:s29], $0x4000  }
0x69: {  	[sflag:s29] =	ssyncset.done $0x0  }
0x6a: {  	s0 =	simm.s32 $0x400;
	s1 =	simm.s32 $0x180;
	[sflag:s29] =	ssyncadd.s32 $0xFFFFC000  }
.LBB2_6:
0x6b: {  	[tilespmem:s24], [sflag:$0x2] =	stream.indirect.gather [hbm4b:s4+s23], $0x80, s1, s23, $0xb8;
	[tilespmem:$0x1E800] =	vst v63  }
0x6c: {  	s1 =	smov.u32 s0  }
0x6d: {  	p0 =	sne.s32 s0, $0x4800;
	s0 =	sadd.s32 $0x400, s0;
	_ =	swait.ge [sflag:s25], $0x4000  }
0x6e: {  	s1 =	sshra.s32 s1, $0x2;
	[sflag:s25] =	ssyncset.done $0x0  }
0x6f: {  	s10 =	sadd.s32 $0x1400, s1;
	[sflag:s25] =	ssyncadd.s32 $0xFFFFC000  }
0x70: {  	[spmem:s2] =	stream.indirect.scatter.add.f32 [tilespmem:s20], [sflag:$0x3], $0x80, s10, s23, $0xb8;
	[tilespmem:$0x1E800] =	vst v63  }
0x71: {  	_ =	swait.ge [sflag:s26], $0x4000  }
0x72: {  	[sflag:s26] =	ssyncset.done $0x0  }
0x73: {  	s10 =	sadd.s32 $0x100, s1;
	[sflag:s26] =	ssyncadd.s32 $0xFFFFC000  }
0x74: {  	[tilespmem:s20], [sflag:$0x1] =	stream.indirect.gather [hbm4b:s4+s23], $0x80, s10, s23, $0xb8;
	[tilespmem:$0x1E800] =	vst v63  }
0x75: {  	_ =	swait.ge [sflag:s28], $0x4000  }
0x76: {  	[sflag:s28] =	ssyncset.done $0x0  }
.Ltmp2:
0x77: {  	s10 =	sadd.s32 $0x1480, s1;
	[sflag:s28] =	ssyncadd.s32 $0xFFFFC000;
	(pc) =	sbr.rel @p0 .LBB2_6-.Ltmp2, $4  }
0x78: {  	[spmem:s2] =	stream.indirect.scatter.add.f32 [tilespmem:s24], [sflag:$0x4], $0x80, s10, s23, $0xb8;
	[tilespmem:$0x1E800] =	vst v63  }
0x79: {  	_ =	swait.ge [sflag:s29], $0x4000  }
0x7a: {  	[sflag:s29] =	ssyncset.done $0x0  }
0x7b: {  	s1 =	sadd.s32 $0x180, s1;
	[sflag:s29] =	ssyncadd.s32 $0xFFFFC000  }
0x7c: {  	[tilespmem:s24], [sflag:$0x2] =	stream.indirect.gather [hbm4b:s4+s23], $0x80, s1, s23, $0xb8;
	[tilespmem:$0x1E800] =	vst v63  }
0x7d: {  	_ =	swait.ge [sflag:s25], $0x4000  }
0x7e: {  	[sflag:s25] =	ssyncset.done $0x0  }
0x7f: {  	[sflag:s25] =	ssyncadd.s32 $0xFFFFC000  }
0x80: {  	[spmem:s2] =	stream.indirect.scatter.add.f32 [tilespmem:s20], [sflag:$0x3], $0x80, s30, s23, $0xb8;
	[tilespmem:$0x1E800] =	vst v63  }
0x81: {  	_ =	swait.ge [sflag:s28], $0x4000  }
0x82: {  	[sflag:s28] =	ssyncset.done $0x0  }
0x83: {  	[sflag:s28] =	ssyncadd.s32 $0xFFFFC000  }
0x84: {  	[spmem:s2] =	stream.indirect.scatter.add.f32 [tilespmem:s24], [sflag:$0x4], $0x80, s31, s23, $0xb8;
	[tilespmem:$0x1E800] =	vst v63  }
0x85: {  	_ =	swait.ge [sflag:s26], $0x4000  }
0x86: {  	[sflag:s26] =	ssyncset.done $0x0  }
0x87: {  	[sflag:s26] =	ssyncadd.s32 $0xFFFFC000  }
0x88: {  	_ =	swait.ge [sflag:s29], $0x4000  }
0x89: {  	[sflag:s29] =	ssyncset.done $0x0  }
0x8a: {  	s0 =	simm.s32 $0x0;
	[sflag:s29] =	ssyncadd.s32 $0xFFFFC000  }
0x8b: {  	[tilespmem:s0], [sflag:$0x5] =	stream.linear.gather [hbm4b:s12+s0], $0x1400, $0x38;
	[tilespmem:$0x1E800] =	vst v63  }
0x8c: {  	_ =	swait.ge [sflag:s21], $0x1400  }
0x8d: {  	[sflag:s21] =	ssyncset.done $0x0  }
0x8e: {  	[sflag:s21] =	ssyncadd.s32 $0xFFFFEC00  }
0x8f: {  	[tilespmem:s22], [sflag:$0x5] =	stream.linear.gather [hbm4b:s13+s0], $0x1400, $0x38;
	[tilespmem:$0x1E800] =	vst v63  }
0x90: {  	_ =	swait.ge [sflag:s21], $0x1400  }
0x91: {  	[sflag:s21] =	ssyncset.done $0x0  }
0x92: {  	s0 =	simm.s32 $0x0;
	[sflag:s21] =	ssyncadd.s32 $0xFFFFEC00  }
0x93: {  	v4 =	vld [tilespmem:s0+$0x0]  }
0x94: {  	v6 =	vld [tilespmem:s0+$0x10]  }
0x95: {  	v5 =	vld [tilespmem:s0+$0x20]  }
0x96: {  	v3 =	vld [tilespmem:s0+$0x30]  }
0x97: {  	v2 =	vld [tilespmem:s0+$0x40]  }
0x98: {  	v7 =	vadd.s32 v0, v4;
	v4 =	vld [tilespmem:s0+$0x50]  }
0x99: {  	s1 =	simm.s32 $0x200;
	[tilespmem:s0+$0x0] =	vst v7;
	v7 =	vadd.s32 v0, v6;
	v6 =	vld [tilespmem:s0+$0x60]  }
.LBB2_8:
0x9a: {  	s10 =	sshra.s32 s1, $0x2;
	p0 =	sne.s32 s1, $0x4E00;
	[tilespmem:s0+$0x10] =	vst v7;
	v5 =	vadd.s32 v0, v5;
	v7 =	vld [tilespmem:s0+$0x70]  }
0x9b: {  	v8 =	vld [tilespmem:s10+$0x0];
	[tilespmem:s0+$0x20] =	vst v5;
	v3 =	vadd.s32 v0, v3  }
0x9c: {  	v9 =	vld [tilespmem:s10+$0x10];
	[tilespmem:s0+$0x30] =	vst v3;
	v2 =	vadd.s32 v0, v2  }
.Ltmp3:
0x9d: {  	v5 =	vld [tilespmem:s10+$0x20];
	[tilespmem:s0+$0x40] =	vst v2;
	v2 =	vadd.s32 v0, v4;
	(pc) =	sbr.rel @p0 .LBB2_8-.Ltmp3, $4  }
0x9e: {  	v3 =	vld [tilespmem:s10+$0x30];
	[tilespmem:s0+$0x50] =	vst v2;
	v4 =	vadd.s32 v0, v6  }
0x9f: {  	v2 =	vld [tilespmem:s10+$0x40];
	[tilespmem:s0+$0x60] =	vst v4;
	v6 =	vadd.s32 v0, v7  }
0xa0: {  	v7 =	vadd.s32 v0, v8;
	v4 =	vld [tilespmem:s10+$0x50];
	[tilespmem:s0+$0x70] =	vst v6;
	s0 =	smov.u32 s10  }
0xa1: {  	s1 =	sadd.s32 $0x200, s1;
	[tilespmem:s0+$0x0] =	vst v7;
	v7 =	vadd.s32 v0, v9;
	v6 =	vld [tilespmem:s0+$0x60]  }
0xa2: {  	[tilespmem:s0+$0x10] =	vst v7;
	v5 =	vadd.s32 v0, v5;
	v63 =	vld [tilespmem:s0+$0x70]  }
0xa3: {  	[tilespmem:s0+$0x20] =	vst v5;
	v3 =	vadd.s32 v0, v3  }
0xa4: {  	[tilespmem:s0+$0x30] =	vst v3;
	v2 =	vadd.s32 v0, v2  }
0xa5: {  	[tilespmem:s0+$0x40] =	vst v2;
	v2 =	vadd.s32 v0, v4  }
0xa6: {  	[tilespmem:s0+$0x50] =	vst v2;
	v2 =	vadd.s32 v0, v6  }
0xa7: {  	[tilespmem:s0+$0x60] =	vst v2;
	v2 =	vadd.s32 v0, v63  }
0xa8: {  	s1 =	simm.s32 $0x0;
	[tilespmem:s0+$0x70] =	vst v2  }
0xa9: {  	[tilespmem:s20], [sflag:$0x1] =	stream.indirect.gather [hbm4b:s4+s23], $0x80, s1, s23, $0xb8;
	[tilespmem:$0x1E800] =	vst v63  }
0xaa: {  	_ = 	snop  }
0xab: {  	[tilespmem:s24], [sflag:$0x2] =	stream.indirect.gather [hbm4b:s4+s23], $0x80, s23, s23, $0xb8;
	[tilespmem:$0x1E800] =	vst v63  }
0xac: {  	_ =	swait.ge [sflag:s25], $0x4000  }
0xad: {  	[sflag:s25] =	ssyncset.done $0x0  }
0xae: {  	s10 =	simm.s32 $0x1400;
	[sflag:s25] =	ssyncadd.s32 $0xFFFFC000  }
0xaf: {  	[spmem:s2] =	stream.indirect.scatter.add.f32 [tilespmem:s20], [sflag:$0x3], $0x80, s10, s23, $0xb8;
	[tilespmem:$0x1E800] =	vst v63  }
0xb0: {  	_ =	swait.ge [sflag:s26], $0x4000  }
0xb1: {  	[sflag:s26] =	ssyncset.done $0x0  }
0xb2: {  	s1 =	simm.s32 $0x100;
	[sflag:s26] =	ssyncadd.s32 $0xFFFFC000  }
0xb3: {  	[tilespmem:s20], [sflag:$0x1] =	stream.indirect.gather [hbm4b:s4+s23], $0x80, s1, s23, $0xb8;
	[tilespmem:$0x1E800] =	vst v63  }
0xb4: {  	_ =	swait.ge [sflag:s28], $0x4000  }
0xb5: {  	[sflag:s28] =	ssyncset.done $0x0  }
0xb6: {  	s10 =	simm.s32 $0x1480;
	[sflag:s28] =	ssyncadd.s32 $0xFFFFC000  }
0xb7: {  	[spmem:s2] =	stream.indirect.scatter.add.f32 [tilespmem:s24], [sflag:$0x4], $0x80, s10, s23, $0xb8;
	[tilespmem:$0x1E800] =	vst v63  }
0xb8: {  	_ =	swait.ge [sflag:s29], $0x4000  }
0xb9: {  	[sflag:s29] =	ssyncset.done $0x0  }
0xba: {  	s0 =	simm.s32 $0x400;
	s1 =	simm.s32 $0x180;
	[sflag:s29] =	ssyncadd.s32 $0xFFFFC000  }
.LBB2_10:
0xbb: {  	[tilespmem:s24], [sflag:$0x2] =	stream.indirect.gather [hbm4b:s4+s23], $0x80, s1, s23, $0xb8;
	[tilespmem:$0x1E800] =	vst v63  }
0xbc: {  	s1 =	smov.u32 s0  }
0xbd: {  	p0 =	sne.s32 s0, $0x4800;
	s0 =	sadd.s32 $0x400, s0;
	_ =	swait.ge [sflag:s25], $0x4000  }
0xbe: {  	s1 =	sshra.s32 s1, $0x2;
	[sflag:s25] =	ssyncset.done $0x0  }
0xbf: {  	s10 =	sadd.s32 $0x1400, s1;
	[sflag:s25] =	ssyncadd.s32 $0xFFFFC000  }
0xc0: {  	[spmem:s2] =	stream.indirect.scatter.add.f32 [tilespmem:s20], [sflag:$0x3], $0x80, s10, s23, $0xb8;
	[tilespmem:$0x1E800] =	vst v63  }
0xc1: {  	_ =	swait.ge [sflag:s26], $0x4000  }
0xc2: {  	[sflag:s26] =	ssyncset.done $0x0  }
0xc3: {  	s10 =	sadd.s32 $0x100, s1;
	[sflag:s26] =	ssyncadd.s32 $0xFFFFC000  }
0xc4: {  	[tilespmem:s20], [sflag:$0x1] =	stream.indirect.gather [hbm4b:s4+s23], $0x80, s10, s23, $0xb8;
	[tilespmem:$0x1E800] =	vst v63  }
0xc5: {  	_ =	swait.ge [sflag:s28], $0x4000  }
0xc6: {  	[sflag:s28] =	ssyncset.done $0x0  }
.Ltmp4:
0xc7: {  	s10 =	sadd.s32 $0x1480, s1;
	[sflag:s28] =	ssyncadd.s32 $0xFFFFC000;
	(pc) =	sbr.rel @p0 .LBB2_10-.Ltmp4, $4  }
0xc8: {  	[spmem:s2] =	stream.indirect.scatter.add.f32 [tilespmem:s24], [sflag:$0x4], $0x80, s10, s23, $0xb8;
	[tilespmem:$0x1E800] =	vst v63  }
0xc9: {  	_ =	swait.ge [sflag:s29], $0x4000  }
0xca: {  	[sflag:s29] =	ssyncset.done $0x0  }
0xcb: {  	s1 =	sadd.s32 $0x180, s1;
	[sflag:s29] =	ssyncadd.s32 $0xFFFFC000  }
0xcc: {  	[tilespmem:s24], [sflag:$0x2] =	stream.indirect.gather [hbm4b:s4+s23], $0x80, s1, s23, $0xb8;
	[tilespmem:$0x1E800] =	vst v63  }
0xcd: {  	_ =	swait.ge [sflag:s25], $0x4000  }
0xce: {  	[sflag:s25] =	ssyncset.done $0x0  }
0xcf: {  	[sflag:s25] =	ssyncadd.s32 $0xFFFFC000  }
0xd0: {  	[spmem:s2] =	stream.indirect.scatter.add.f32 [tilespmem:s20], [sflag:$0x3], $0x80, s30, s23, $0xb8;
	[tilespmem:$0x1E800] =	vst v63  }
0xd1: {  	_ =	swait.ge [sflag:s28], $0x4000  }
0xd2: {  	[sflag:s28] =	ssyncset.done $0x0  }
0xd3: {  	[sflag:s28] =	ssyncadd.s32 $0xFFFFC000  }
0xd4: {  	[spmem:s2] =	stream.indirect.scatter.add.f32 [tilespmem:s24], [sflag:$0x4], $0x80, s31, s23, $0xb8;
	[tilespmem:$0x1E800] =	vst v63  }
0xd5: {  	_ =	swait.ge [sflag:s26], $0x4000  }
0xd6: {  	[sflag:s26] =	ssyncset.done $0x0  }
0xd7: {  	[sflag:s26] =	ssyncadd.s32 $0xFFFFC000  }
0xd8: {  	_ =	swait.ge [sflag:s29], $0x4000  }
0xd9: {  	s0 =	stileid.u32;
	[sflag:s29] =	ssyncset.done $0x0  }
0xda: {  	s0 =	sshll.u32 s0, $0x6;
	[sflag:s29] =	ssyncadd.s32 $0xFFFFC000  }
0xdb: {  	s10 =	sshrl.u32 s5, $0x3;
	s0 =	sor.u32 $0x1C05, s0;
	[bflag:$0x0] =	sbarrier.arrive $0xFFFF  }
0xdc: {  	[hbm:s14], [sflag:s0] =	dma.local [spmem:s10], $0x800  }
0xdd: {  	_ =	swait.ge [sflag:s21], $0x800  }
0xde: {  	[sflag:s21] =	ssyncset.done $0x0  }
0xdf: {  	s10 =	sshrl.u32 s6, $0x3;
	[sflag:s21] =	ssyncadd.s32 $0xFFFFF800  }
0xe0: {  	[hbm:s15], [sflag:s0] =	dma.local [spmem:s10], $0x800  }
0xe1: {  	_ =	swait.ge [sflag:s21], $0x800  }
0xe2: {  	[sflag:s21] =	ssyncset.done $0x0  }
0xe3: {  	s10 =	sshrl.u32 s7, $0x3;
	[sflag:s21] =	ssyncadd.s32 $0xFFFFF800  }
0xe4: {  	[hbm:s16], [sflag:s0] =	dma.local [spmem:s10], $0x800  }
0xe5: {  	_ =	swait.ge [sflag:s21], $0x800  }
0xe6: {  	[sflag:s21] =	ssyncset.done $0x0  }
0xe7: {  	s10 =	sshrl.u32 s8, $0x3;
	[sflag:s21] =	ssyncadd.s32 $0xFFFFF800  }
0xe8: {  	[hbm:s17], [sflag:s0] =	dma.local [spmem:s10], $0x800  }
0xe9: {  	s3 =	sadd.s32 $0x1, s3;
	_ =	swait.ge [sflag:s21], $0x800  }
0xea: {  	p0 =	sne.s32 s3, s19;
	[sflag:s21] =	ssyncset.done $0x0  }
.Ltmp5:
0xeb: {  	s10 =	sshrl.u32 s9, $0x3;
	[sflag:s21] =	ssyncadd.s32 $0xFFFFF800;
	(pc) =	sbr.rel @p0 .LBB2_1-.Ltmp5, $4  }
0xec: {  	[hbm:s18], [sflag:s0] =	dma.local [spmem:s10], $0x800  }
0xed: {  	_ =	swait.ge [sflag:s21], $0x800  }
0xee: {  	[sflag:s21] =	ssyncset.done $0x0  }
0xef: {  	[sflag:s21] =	ssyncadd.s32 $0xFFFFF800  }
0xf0: {  	_ =	sfence.sel $0x180000  }
0xf1: {  	[bflag:$0x0] =	sbarrier.arrive $0xFFFF  }
0xf2: {  	_ =	strace $0x9000004A  }
0xf3: {  	s0 =	stileid.u32;
	[bflag:$0x2] =	sbarrier.arrive $0xFFFF  }
0xf4: {  	p0 =	sne.s32 s0, $0x0;
	s0 =	rddreg [dreg:$0x2]  }
0xf5: {  	s0 =	sadd.s32 @!p0 $0x100000, s0  }
0xf6: {  	[sflag:s0] =	ssyncadd.tile.s32 @!p0 $0x1;
	_ =	shalt  }
.Lfunc_end2:
_tile_overlayer_lowered:
.L_overlay_start_2:
0xf7: {  	(tag) =	ssettag $0x2  }
0xf8: {  	s0 =	rddreg [dreg:$0x0];
	s2 =	stileid.u32  }
0xf9: {  	s1 =	rddreg [dreg:$0x1];
	p0 =	sne.s32 s2, $0x0  }
0xfa: {  	s3 =	rddreg [dreg:$0x2];
	[bflag:$0x3] =	sbarrier.arrive $0xFFFF;
	s2 =	simm.s32 @!p0 $0x1C05  }
0xfb: {  	[timem:s3], [sflag:s2] =	dma.local @!p0 [hbm:s0], s1  }
0xfc: {  	s0 =	simm.s32 @!p0 $0x5  }
0xfd: {  	_ =	swait.ge @!p0 [sflag:s0], s1  }
0xfe: {  	s1 =	ssub.s32 @!p0 $0x0, s1;
	[sflag:s0] =	ssyncset.done @!p0 $0x0  }
0xff: {  	[sflag:s0] =	ssyncadd.s32 @!p0 s1  }
0x100: {  	[bflag:$0x3] =	sbarrier.arrive $0xFFFF  }
0x101: {  	_ =	shalt  }

// kernel: kernel.19.cloned.1.call-start
scs
__scs_entry_jumppad:
0x0: {  	(pc) =	sbr.rel $0x88, $3  }
0x1: {  	(tag) =	ssettag $0x0;
	lr =	simm.s32 $0x1  }
0x2: {  	[smem:$0x3F92] =	sst lr;
	_ =	strace $0xD0000000  }
0x3: {  	_ = 	snop  }
0x4: {  	_ = 	snop  }
0x5: {  	_ = 	snop  }
0x6: {  	_ = 	snop  }
0x7: {  	_ = 	snop  }
__scs_overlays_trampoline_lowered:
0x8: {  	[smem:$0x3FA1] =	sst s0  }
0x9: {  	[smem:$0x3FA2] =	sst s1  }
0xa: {  	[smem:$0x3FA3] =	sst s2  }
0xb: {  	[smem:$0x3FA4] =	sst s3  }
0xc: {  	[smem:$0x3FA5] =	sst s4  }
0xd: {  	[smem:$0x3FA6] =	sst s5  }
0xe: {  	[smem:$0x3FA7] =	sst s6  }
0xf: {  	[smem:$0x3FA8] =	sst s7  }
0x10: {  	[smem:$0x3FA9] =	sst s8  }
0x11: {  	[smem:$0x3FAA] =	sst s9;
	s0 =	simm.s32 @!p0 $0x0  }
0x12: {  	s1 =	sld [smem:$0x3F90];
	s0 =	simm.s32 @p0 $0x1  }
0x13: {  	[smem:$0x3FAB] =	sst s0;
	s0 =	simm.s32 @!p1 $0x0  }
0x14: {  	s2 =	sld [smem:$0x3F8F];
	s0 =	simm.s32 @p1 $0x1  }
0x15: {  	[smem:$0x3FAC] =	sst s0;
	s0 =	simm.s32 @!p2 $0x0  }
0x16: {  	s3 =	sld [smem:$0x3FDB];
	s0 =	simm.s32 @p2 $0x1  }
0x17: {  	s4 =	simm.s32 $0x1BF5;
	[smem:$0x3FAE] =	sst s0  }
0x18: {  	s0 =	sld [smem:$0x3F91];
	_ =	swait.ge [sflag:s4], $0x0  }
0x19: {  	s7 =	sld [smem:$0x3F92]  }
0x1a: {  	s8 =	sadd.s32 $0xFFFFE003, lr  }
0x1b: {  	s9 =	sadd.s32 $0xFFFFFEF7, lr;
	s5 =	simm.s32 $0xFFFFFFFF;
	p2 =	slt.u32 s8, $0xFFFFF086  }
0x1c: {  	p1 =	slt.u32 s9, $0xF7A;
	s5 =	simm.s32 @!p2 $0x0  }
0x1d: {  	s5 =	simm.s32 @p1 $0x1;
	p0 =	seq.s32 s7, s2  }
0x1e: {  	s7 =	smul.u32 @!p0 $0xF7A, s2;
	p2 =	seq.s32 @!p0 s5, $0x0  }
0x1f: {  	s9 =	smul.u32 $0xF7A, s1;
	s8 =	simm.s32 @!p0 $0x1BF5;
	p2 =	por !p2, p0  }
0x20: {  	[sflag:s8] =	ssyncset.s32 @!p0 $0xFFFFF086;
	s6 =	sadd.s32 @!p0 s3, s7;
	s7 =	simm.s32 @!p0 $0x108  }
0x21: {  	s3 =	sadd.s32 s3, s9;
	s6 =	sadd.s32 @!p0 $0x88, s6;
	s7 =	simm.s32 @p2 $0x1082  }
0x22: {  	[simem:s7], [sflag:s8] =	dma.local @!p0 [hbm:s6], $0xF7A  }
0x23: {  	s9 =	sor.u32 $0xD0000000, s2;
	s6 =	simm.s32 $0x108;
	_ =	swait.ge @!p0 [sflag:s8], $0x0  }
0x24: {  	s3 =	sadd.s32 $0x88, s3;
	s6 =	simm.s32 @!p1 $0x1082;
	[sflag:s4] =	ssyncset.s32 $0xFFFFF086  }
0x25: {  	[simem:s6], [sflag:s4] =	dma.local [hbm:s3], $0xF7A  }
0x26: {  	[smem:$0x3F92] =	sst s1;
	(tag) =	ssettag s2;
	_ =	strace s9  }
0x27: {  	s1 =	sld [smem:$0x3FA2]  }
0x28: {  	s2 =	sld [smem:$0x3FA3]  }
0x29: {  	s4 =	sld [smem:$0x3FA5]  }
0x2a: {  	p0 =	seq.s32 s5, $0x0;
	s5 =	sld [smem:$0x3FA6]  }
0x2b: {  	s6 =	sld [smem:$0x3FA7]  }
0x2c: {  	s7 =	sld [smem:$0x3FA8]  }
0x2d: {  	s3 =	simm.s32 $0x108;
	s8 =	sld [smem:$0x3FA9]  }
0x2e: {  	s3 =	simm.s32 @!p0 $0x1082;
	s9 =	sld [smem:$0x3FAA]  }
0x2f: {  	lr =	sadd.s32 s0, s3;
	s0 =	sld [smem:$0x3FA1]  }
0x30: {  	s3 =	sld [smem:$0x3FA4]  }
0x31: {  	[smem:$0x3FAD] =	sst s10  }
0x32: {  	s10 =	sld [smem:$0x3FAB];
	_ =	sdelay $0x3  }
0x33: {  	p0 =	seq.s32 s10, $0x1;
	s10 =	sld [smem:$0x3FAD];
	_ =	sdelay $0x3  }
0x34: {  	[smem:$0x3FAD] =	sst s10  }
0x35: {  	s10 =	sld [smem:$0x3FAC];
	_ =	sdelay $0x3  }
0x36: {  	p1 =	seq.s32 s10, $0x1;
	s10 =	sld [smem:$0x3FAD];
	_ =	sdelay $0x3  }
0x37: {  	[smem:$0x3FAD] =	sst s10  }
0x38: {  	s10 =	sld [smem:$0x3FAE]  }
0x39: {  	_ = 	snop;
	(pc) =	sbr.ind lr, $3  }
0x3a: {  	_ = 	snop  }
0x3b: {  	_ = 	snop  }
0x3c: {  	p2 =	seq.s32 s10, $0x1;
	s10 =	sld [smem:$0x3FAD]  }
0x3d: {  	_ =	shalt  }
0x3e: {  	_ =	shalt  }
0x3f: {  	_ =	shalt  }
0x40: {  	_ =	shalt  }
0x41: {  	_ =	shalt  }
0x42: {  	_ =	shalt  }
0x43: {  	_ =	shalt  }
0x44: {  	_ =	shalt  }
0x45: {  	_ =	shalt  }
0x46: {  	_ =	shalt  }
0x47: {  	_ =	shalt  }
0x48: {  	_ =	shalt  }
0x49: {  	_ =	shalt  }
0x4a: {  	_ =	shalt  }
0x4b: {  	_ =	shalt  }
0x4c: {  	_ =	shalt  }
0x4d: {  	_ =	shalt  }
0x4e: {  	_ =	shalt  }
0x4f: {  	_ =	shalt  }
0x50: {  	_ =	shalt  }
0x51: {  	_ =	shalt  }
0x52: {  	_ =	shalt  }
0x53: {  	_ =	shalt  }
0x54: {  	_ =	shalt  }
0x55: {  	_ =	shalt  }
0x56: {  	_ =	shalt  }
0x57: {  	_ =	shalt  }
0x58: {  	_ =	shalt  }
0x59: {  	_ =	shalt  }
0x5a: {  	_ =	shalt  }
0x5b: {  	_ =	shalt  }
0x5c: {  	_ =	shalt  }
0x5d: {  	_ =	shalt  }
0x5e: {  	_ =	shalt  }
0x5f: {  	_ =	shalt  }
0x60: {  	_ =	shalt  }
0x61: {  	_ =	shalt  }
0x62: {  	_ =	shalt  }
0x63: {  	_ =	shalt  }
0x64: {  	_ =	shalt  }
0x65: {  	_ =	shalt  }
0x66: {  	_ =	shalt  }
0x67: {  	_ =	shalt  }
0x68: {  	_ =	shalt  }
0x69: {  	_ =	shalt  }
0x6a: {  	_ =	shalt  }
0x6b: {  	_ =	shalt  }
0x6c: {  	_ =	shalt  }
0x6d: {  	_ =	shalt  }
0x6e: {  	_ =	shalt  }
0x6f: {  	_ =	shalt  }
0x70: {  	_ =	shalt  }
0x71: {  	_ =	shalt  }
0x72: {  	_ =	shalt  }
0x73: {  	_ =	shalt  }
0x74: {  	_ =	shalt  }
0x75: {  	_ =	shalt  }
0x76: {  	_ =	shalt  }
0x77: {  	_ =	shalt  }
0x78: {  	_ =	shalt  }
0x79: {  	_ =	shalt  }
0x7a: {  	_ =	shalt  }
0x7b: {  	_ =	shalt  }
0x7c: {  	_ =	shalt  }
0x7d: {  	_ =	shalt  }
0x7e: {  	_ =	shalt  }
0x7f: {  	_ =	shalt  }
0x80: {  	_ =	shalt  }
0x81: {  	_ =	shalt  }
0x82: {  	_ =	shalt  }
0x83: {  	_ =	shalt  }
0x84: {  	_ =	shalt  }
0x85: {  	_ =	shalt  }
0x86: {  	_ =	shalt  }
0x87: {  	_ =	shalt  }
.Lfunc_end0:
.L_simem_size_0:
called_computation.2_lowered:
.L_overlay_start_0:
0x88: {  	s2 =	sld [smem:$0x3FD9]  }
0x89: {  	s3 =	sld [smem:$0x3FFE];
	_ =	sdelay $0x1  }
0x8a: {  	s1 =	srdreg.scid  }
0x8b: {  	s0 =	sand.u32 $0x1, s1  }
0x8c: {  	s16 =	sshll.u32 s0, $0xA;
	s2 =	sadd.s32 s3, s2  }
0x8d: {  	s2 =	sadd.s32 s2, s16  }
0x8e: {  	[smem:$0x3FB9] =	sst s2  }
0x8f: {  	_ = 	snop  }
0x90: {  	(tm) =	ssettm $0x1  }
0x91: {  	s17 =	sld [smem:$0x3FFB];
	_ =	sdelay $0x3  }
0x92: {  	_ =	strace s17  }
0x93: {  	s2 =	sld [smem:$0x3FFC];
	_ =	sdelay $0x3  }
0x94: {  	_ =	strace s2  }
0x95: {  	s2 =	sld [smem:$0x3FFD];
	_ =	sdelay $0x3  }
0x96: {  	_ =	strace s2  }
0x97: {  	_ =	strace $0x8FFFFFFF  }
0x98: {  	s18 =	sld [smem:$0x3FDB];
	_ =	sdelay $0x1  }
0x99: {  	s19 =	simm.s32 $_scs_section_size  }
0x9a: {  	s4 =	simm.s32 $_size__tile_overlayer_lowered;
	s5 =	simm.s32 $_tile_overlayer_lowered  }
0x9b: {  	s22 =	simm.s32 $0x1BFF;
	s21 =	sshll.u32 s5, $0x1;
	s2 =	sadd.s32 s19, s18  }
0x9c: {  	s6 =	simm.s32 $0x0;
	s20 =	sshll.u32 s4, $0x1;
	s4 =	sadd.s32 s21, s2  }
0x9d: {  	[timem:s6], [sflag:s22] =	dma.local [hbm:s4], s20  }
0x9e: {  	_ =	swait.ge [sflag:s22], s20  }
0x9f: {  	s3 =	ssub.s32 $0x0, s20;
	[sflag:s22] =	ssyncset.done $0x0  }
0xa0: {  	[sflag:s22] =	ssyncadd.s32 s3;
	_ =	sdelay $0x1  }
0xa1: {  	s23 =	simm.s32 $0x1B8B  }
0xa2: {  	_ =	swait.ge [sflag:s23], $0x1  }
0xa3: {  	[sflag:s23] =	ssyncset.done $0x0  }
0xa4: {  	s25 =	simm.s32 $0x1B8E;
	s24 =	sld [smem:$0x3FFE];
	[sflag:s23] =	ssyncadd.s32 $0xFFFFFFFF  }
0xa5: {  	s26 =	simm.s32 $execute0_lowered;
	[smem:$0x3FD2] =	sst s25  }
0xa6: {  	s4 =	sshll.u32 s26, $0x1;
	_ =	strace $0x8000004C;
	[dreg:$0x1] =	wrdreg $0xFFFFFFFF  }
0xa7: {  	s28 =	simm.s32 $_size_execute0_lowered;
	s2 =	sadd.s32 s2, s4;
	[dreg:$0x0] =	wrdreg $0x0  }
0xa8: {  	s4 =	sshll.u32 s28, $0x1;
	[dreg:$0x2] =	wrdreg s2  }
0xa9: {  	[dreg:$0x3] =	wrdreg s4  }
0xaa: {  	[dreg:$0x4] =	wrdreg $0xC0  }
0xab: {  	_ =	task [dreg:s6], $0x5FFFF  }
0xac: {  	[dreg:$0x1] =	wrdreg $0xFFFFFFFF  }
0xad: {  	[dreg:$0x0] =	wrdreg $0x60  }
0xae: {  	[dreg:$0x2] =	wrdreg s24  }
0xaf: {  	[dreg:$0x3] =	wrdreg $0xA8000  }
0xb0: {  	[dreg:$0x4] =	wrdreg $0x9  }
0xb1: {  	_ =	task.clear_ibuf [dreg:s6], $0x5FFFF;
	_ =	strace $0x9000004C  }
0xb2: {  	s29 =	simm.s32 $0x9;
	_ =	strace $0x8000004E  }
0xb3: {  	_ =	swait.ge [sflag:s29], $0x1  }
0xb4: {  	[sflag:s29] =	ssyncadd.s32 $0xFFFFFFFF  }
0xb5: {  	_ =	strace $0x9000004E  }
0xb6: {  	_ =	sfence  }
0xb7: {  	s30 =	sld [smem:$0x0];
	_ =	sdelay $0x2  }
0xb8: {  	s31 =	sshll.u32 s1, $0xD;
	s1 =	sshrl.u32 s1, $0x2  }
0xb9: {  	s3 =	sand.u32 $0x4000, s31;
	s1 =	sadd.s32 s1, s30  }
0xba: {  	s0 =	sor.u32 s3, s0;
	s1 =	sshll.u32 s1, $0x11  }
0xbb: {  	s0 =	sor.u32 s1, s0  }
0xbc: {  	s0 =	sadd.s32 $0x8F2B, s0  }
0xbd: {  	[sflag:s0] =	ssyncadd.remote.s32 $0x1  }
0xbe: {  	_ =	sfence.sel $0xFFFF  }
0xbf: {  	[dreg:$0x0] =	wrdreg $0xFFFFFFFF;
	(pc) =	sbr.abs _section_cstart, $3  }
0xc0: {  	[dreg:$0x1] =	wrdreg $0xFFFFFFFF  }
0xc1: {  	_ =	task.clear_ibuf [dreg:s6], $0x2FFFF;
	_ =	strace $0x9FFFFFFF  }
0xc2: {  	(tm) =	ssettm $0x7FFFFFFF  }
0xc3: {  	_ =	shalt  }
tec
execute0_lowered:
.L_overlay_start_1:
0x0: {  	(tag) =	ssettag $0x1  }
0x1: {  	s0 =	rddreg [dreg:$0x0]  }
0x2: {  	s2 =	rddreg [dreg:$0x1]  }
0x3: {  	s1 =	srdreg.scid;
	s10 =	stileid.u32;
	s3 =	simm.s32 $0x0  }
0x4: {  	s20 =	simm.s32 $0x2800;
	s21 =	simm.s32 $0x5;
	s28 =	simm.s32 $0x2  }
0x5: {  	s29 =	simm.s32 $0x4;
	s30 =	simm.s32 $0x2700;
	s5 =	smul.u32 $0x280, s10  }
0x6: {  	s31 =	simm.s32 $0x2780;
	s1 =	sand.u32 $0x1, s1;
	s22 =	smul.u32 $0x50000, s10  }
0x7: {  	[smem:$0x7FF] =	sst s3;
	s4 =	sadd.s32 $0x5E200, s0;
	s9 =	smul.u32 $0x2800, s10  }
0x8: {  	s12 =	sadd.s32 $0x4200, s0;
	s13 =	sadd.s32 $0x9200, s0;
	s11 =	smul.u32 $0x500, s10  }
0x9: {  	s6 =	smul.u32 $0x2800, s1;
	_ =	strace $0x8000004D;
	s7 =	ssub.s32 $0x2, s1  }
0xa: {  	s1 =	smul.u32 $0x2710, s1;
	s23 =	sshrl.u32 s22, $0x2;
	s24 =	sshrl.u32 s7, $0x1  }
0xb: {  	s25 =	sshrl.u32 s9, $0x3;
	s26 =	sadd.s32 s12, s11;
	s11 =	sadd.s32 s13, s11  }
0xc: {  	s22 =	simm.s32 $0x1400;
	s5 =	sadd.s32 s5, s6;
	s19 =	ssub.s32 s7, s24  }
0xd: {  	s14 =	sadd.s32 $0x280, s25;
	[dreg:$0x3] =	wrdreg s26;
	s24 =	simm.s32 $0x6800  }
0xe: {  	s25 =	simm.s32 $0x1;
	s26 =	simm.s32 $0x3;
	s5 =	sshll.u32 s5, $0x4  }
0xf: {  	s12 =	sadd.s32 s12, s14;
	s13 =	sadd.s32 s13, s14;
	s19 =	smax.u32 s19, $0x1  }
0x10: {  	s0 =	sadd.s32 s5, s0;
	s5 =	sadd.s32 s23, s2;
	s23 =	simm.s32 $0x80  }
0x11: {  	s6 =	sadd.s32 $0x4000, s5;
	s7 =	sadd.s32 $0x8000, s5;
	s8 =	sadd.s32 $0xC000, s5  }
0x12: {  	s9 =	sadd.s32 $0x10000, s5;
	s14 =	sadd.s32 $0xAC400, s0;
	s15 =	sadd.s32 $0xACC00, s0  }
0x13: {  	v1 =	vimm.f32 $0.0e+00;
	v0 =	vmov s1;
	s16 =	sadd.s32 $0xAD400, s0;
	s17 =	sadd.s32 $0xADC00, s0;
	s18 =	sadd.s32 $0xAE400, s0  }
.LBB2_1:
0x14: {  	s0 =	simm.s32 $0x0;
	s1 =	simm.s32 $0x200  }
.LBB2_2:
0x15: {  	p0 =	sne.s32 s1, $0xFE00;
	[tilespmem:s0+$0x2870] =	vst v1  }
0x16: {  	[tilespmem:s0+$0x2800] =	vst v1  }
0x17: {  	[tilespmem:s0+$0x2810] =	vst v1  }
.Ltmp0:
0x18: {  	[tilespmem:s0+$0x2820] =	vst v1;
	(pc) =	sbr.rel @p0 .LBB2_2-.Ltmp0, $4  }
0x19: {  	[tilespmem:s0+$0x2830] =	vst v1  }
0x1a: {  	[tilespmem:s0+$0x2840] =	vst v1  }
0x1b: {  	[tilespmem:s0+$0x2850] =	vst v1  }
0x1c: {  	[tilespmem:s0+$0x2860] =	vst v1;
	s0 =	sshra.s32 s1, $0x2;
	s1 =	sadd.s32 $0x200, s1  }
0x1d: {  	[tilespmem:s0+$0x2870] =	vst v1  }
0x1e: {  	[tilespmem:s0+$0x2800] =	vst v1  }
0x1f: {  	[tilespmem:s0+$0x2810] =	vst v1  }
0x20: {  	[tilespmem:s0+$0x2820] =	vst v1  }
0x21: {  	[tilespmem:s0+$0x2830] =	vst v1  }
0x22: {  	[tilespmem:s0+$0x2840] =	vst v1  }
0x23: {  	[tilespmem:s0+$0x2850] =	vst v1  }
0x24: {  	[tilespmem:s0+$0x2860] =	vst v1  }
0x25: {  	[spmem:s5] =	stream.linear.scatter [tilespmem:s20], [sflag:$0x5], $0x4000, $0x38;
	[tilespmem:$0x1E800] =	vst v63  }
0x26: {  	_ =	swait.ge [sflag:s21], $0x4000  }
0x27: {  	[sflag:s21] =	ssyncset.done $0x0  }
0x28: {  	[sflag:s21] =	ssyncadd.s32 $0xFFFFC000  }
0x29: {  	[spmem:s6] =	stream.linear.scatter [tilespmem:s20], [sflag:$0x5], $0x4000, $0x38;
	[tilespmem:$0x1E800] =	vst v63  }
0x2a: {  	_ =	swait.ge [sflag:s21], $0x4000  }
0x2b: {  	[sflag:s21] =	ssyncset.done $0x0  }
0x2c: {  	[sflag:s21] =	ssyncadd.s32 $0xFFFFC000  }
0x2d: {  	[spmem:s7] =	stream.linear.scatter [tilespmem:s20], [sflag:$0x5], $0x4000, $0x38;
	[tilespmem:$0x1E800] =	vst v63  }
0x2e: {  	_ =	swait.ge [sflag:s21], $0x4000  }
0x2f: {  	[sflag:s21] =	ssyncset.done $0x0  }
0x30: {  	[sflag:s21] =	ssyncadd.s32 $0xFFFFC000  }
0x31: {  	[spmem:s8] =	stream.linear.scatter [tilespmem:s20], [sflag:$0x5], $0x4000, $0x38;
	[tilespmem:$0x1E800] =	vst v63  }
0x32: {  	_ =	swait.ge [sflag:s21], $0x4000  }
0x33: {  	[sflag:s21] =	ssyncset.done $0x0  }
0x34: {  	[sflag:s21] =	ssyncadd.s32 $0xFFFFC000  }
0x35: {  	[spmem:s9] =	stream.linear.scatter [tilespmem:s20], [sflag:$0x5], $0x4000, $0x38;
	[tilespmem:$0x1E800] =	vst v63  }
0x36: {  	_ =	swait.ge [sflag:s21], $0x4000  }
0x37: {  	[sflag:s21] =	ssyncset.done $0x0  }
0x38: {  	[sflag:s21] =	ssyncadd.s32 $0xFFFFC000  }
0x39: {  	[bflag:$0x0] =	sbarrier.arrive $0xFFFF  }
0x3a: {  	s10 =	simm.s32 $0x0;
	s1 =	rddreg [dreg:$0x3]  }
0x3b: {  	[tilespmem:s10], [sflag:$0x5] =	stream.linear.gather [hbm4b:s1+s10], $0x1400, $0x38;
	[tilespmem:$0x1E800] =	vst v63  }
0x3c: {  	_ =	swait.ge [sflag:s21], $0x1400  }
0x3d: {  	[sflag:s21] =	ssyncset.done $0x0  }
0x3e: {  	[sflag:s21] =	ssyncadd.s32 $0xFFFFEC00  }
0x3f: {  	[tilespmem:s22], [sflag:$0x5] =	stream.linear.gather [hbm4b:s11+s10], $0x1400, $0x38;
	[tilespmem:$0x1E800] =	vst v63  }
0x40: {  	_ =	swait.ge [sflag:s21], $0x1400  }
0x41: {  	[sflag:s21] =	ssyncset.done $0x0  }
0x42: {  	s0 =	simm.s32 $0x0;
	[sflag:s21] =	ssyncadd.s32 $0xFFFFEC00  }
0x43: {  	v4 =	vld [tilespmem:s0+$0x0]  }
0x44: {  	v6 =	vld [tilespmem:s0+$0x10]  }
0x45: {  	v5 =	vld [tilespmem:s0+$0x20]  }
0x46: {  	v3 =	vld [tilespmem:s0+$0x30]  }
0x47: {  	v2 =	vld [tilespmem:s0+$0x40]  }
0x48: {  	v7 =	vadd.s32 v0, v4;
	v4 =	vld [tilespmem:s0+$0x50]  }
0x49: {  	s1 =	simm.s32 $0x200;
	[tilespmem:s0+$0x0] =	vst v7;
	v7 =	vadd.s32 v0, v6;
	v6 =	vld [tilespmem:s0+$0x60]  }
.LBB2_4:
0x4a: {  	s10 =	sshra.s32 s1, $0x2;
	p0 =	sne.s32 s1, $0x4E00;
	[tilespmem:s0+$0x10] =	vst v7;
	v5 =	vadd.s32 v0, v5;
	v7 =	vld [tilespmem:s0+$0x70]  }
0x4b: {  	v8 =	vld [tilespmem:s10+$0x0];
	[tilespmem:s0+$0x20] =	vst v5;
	v3 =	vadd.s32 v0, v3  }
0x4c: {  	v9 =	vld [tilespmem:s10+$0x10];
	[tilespmem:s0+$0x30] =	vst v3;
	v2 =	vadd.s32 v0, v2  }
.Ltmp1:
0x4d: {  	v5 =	vld [tilespmem:s10+$0x20];
	[tilespmem:s0+$0x40] =	vst v2;
	v2 =	vadd.s32 v0, v4;
	(pc) =	sbr.rel @p0 .LBB2_4-.Ltmp1, $4  }
0x4e: {  	v3 =	vld [tilespmem:s10+$0x30];
	[tilespmem:s0+$0x50] =	vst v2;
	v4 =	vadd.s32 v0, v6  }
0x4f: {  	v2 =	vld [tilespmem:s10+$0x40];
	[tilespmem:s0+$0x60] =	vst v4;
	v6 =	vadd.s32 v0, v7  }
0x50: {  	v7 =	vadd.s32 v0, v8;
	v4 =	vld [tilespmem:s10+$0x50];
	[tilespmem:s0+$0x70] =	vst v6;
	s0 =	smov.u32 s10  }
0x51: {  	s1 =	sadd.s32 $0x200, s1;
	[tilespmem:s0+$0x0] =	vst v7;
	v7 =	vadd.s32 v0, v9;
	v6 =	vld [tilespmem:s0+$0x60]  }
0x52: {  	[tilespmem:s0+$0x10] =	vst v7;
	v5 =	vadd.s32 v0, v5;
	v63 =	vld [tilespmem:s0+$0x70]  }
0x53: {  	[tilespmem:s0+$0x20] =	vst v5;
	v3 =	vadd.s32 v0, v3  }
0x54: {  	[tilespmem:s0+$0x30] =	vst v3;
	v2 =	vadd.s32 v0, v2  }
0x55: {  	[tilespmem:s0+$0x40] =	vst v2;
	v2 =	vadd.s32 v0, v4  }
0x56: {  	[tilespmem:s0+$0x50] =	vst v2;
	v2 =	vadd.s32 v0, v6  }
0x57: {  	[tilespmem:s0+$0x60] =	vst v2;
	v2 =	vadd.s32 v0, v63  }
0x58: {  	s1 =	simm.s32 $0x0;
	[tilespmem:s0+$0x70] =	vst v2  }
0x59: {  	[tilespmem:s20], [sflag:$0x1] =	stream.indirect.gather [hbm4b:s4+s23], $0x80, s1, s23, $0xb8;
	[tilespmem:$0x1E800] =	vst v63  }
0x5a: {  	_ = 	snop  }
0x5b: {  	[tilespmem:s24], [sflag:$0x2] =	stream.indirect.gather [hbm4b:s4+s23], $0x80, s23, s23, $0xb8;
	[tilespmem:$0x1E800] =	vst v63  }
0x5c: {  	_ =	swait.ge [sflag:s25], $0x4000  }
0x5d: {  	[sflag:s25] =	ssyncset.done $0x0  }
0x5e: {  	s10 =	simm.s32 $0x1400;
	[sflag:s25] =	ssyncadd.s32 $0xFFFFC000  }
0x5f: {  	[spmem:s2] =	stream.indirect.scatter.add.f32 [tilespmem:s20], [sflag:$0x3], $0x80, s10, s23, $0xb8;
	[tilespmem:$0x1E800] =	vst v63  }
0x60: {  	_ =	swait.ge [sflag:s26], $0x4000  }
0x61: {  	[sflag:s26] =	ssyncset.done $0x0  }
0x62: {  	s1 =	simm.s32 $0x100;
	[sflag:s26] =	ssyncadd.s32 $0xFFFFC000  }
0x63: {  	[tilespmem:s20], [sflag:$0x1] =	stream.indirect.gather [hbm4b:s4+s23], $0x80, s1, s23, $0xb8;
	[tilespmem:$0x1E800] =	vst v63  }
0x64: {  	_ =	swait.ge [sflag:s28], $0x4000  }
0x65: {  	[sflag:s28] =	ssyncset.done $0x0  }
0x66: {  	s10 =	simm.s32 $0x1480;
	[sflag:s28] =	ssyncadd.s32 $0xFFFFC000  }
0x67: {  	[spmem:s2] =	stream.indirect.scatter.add.f32 [tilespmem:s24], [sflag:$0x4], $0x80, s10, s23, $0xb8;
	[tilespmem:$0x1E800] =	vst v63  }
0x68: {  	_ =	swait.ge [sflag:s29], $0x4000  }
0x69: {  	[sflag:s29] =	ssyncset.done $0x0  }
0x6a: {  	s0 =	simm.s32 $0x400;
	s1 =	simm.s32 $0x180;
	[sflag:s29] =	ssyncadd.s32 $0xFFFFC000  }
.LBB2_6:
0x6b: {  	[tilespmem:s24], [sflag:$0x2] =	stream.indirect.gather [hbm4b:s4+s23], $0x80, s1, s23, $0xb8;
	[tilespmem:$0x1E800] =	vst v63  }
0x6c: {  	s1 =	smov.u32 s0  }
0x6d: {  	p0 =	sne.s32 s0, $0x4800;
	s0 =	sadd.s32 $0x400, s0;
	_ =	swait.ge [sflag:s25], $0x4000  }
0x6e: {  	s1 =	sshra.s32 s1, $0x2;
	[sflag:s25] =	ssyncset.done $0x0  }
0x6f: {  	s10 =	sadd.s32 $0x1400, s1;
	[sflag:s25] =	ssyncadd.s32 $0xFFFFC000  }
0x70: {  	[spmem:s2] =	stream.indirect.scatter.add.f32 [tilespmem:s20], [sflag:$0x3], $0x80, s10, s23, $0xb8;
	[tilespmem:$0x1E800] =	vst v63  }
0x71: {  	_ =	swait.ge [sflag:s26], $0x4000  }
0x72: {  	[sflag:s26] =	ssyncset.done $0x0  }
0x73: {  	s10 =	sadd.s32 $0x100, s1;
	[sflag:s26] =	ssyncadd.s32 $0xFFFFC000  }
0x74: {  	[tilespmem:s20], [sflag:$0x1] =	stream.indirect.gather [hbm4b:s4+s23], $0x80, s10, s23, $0xb8;
	[tilespmem:$0x1E800] =	vst v63  }
0x75: {  	_ =	swait.ge [sflag:s28], $0x4000  }
0x76: {  	[sflag:s28] =	ssyncset.done $0x0  }
.Ltmp2:
0x77: {  	s10 =	sadd.s32 $0x1480, s1;
	[sflag:s28] =	ssyncadd.s32 $0xFFFFC000;
	(pc) =	sbr.rel @p0 .LBB2_6-.Ltmp2, $4  }
0x78: {  	[spmem:s2] =	stream.indirect.scatter.add.f32 [tilespmem:s24], [sflag:$0x4], $0x80, s10, s23, $0xb8;
	[tilespmem:$0x1E800] =	vst v63  }
0x79: {  	_ =	swait.ge [sflag:s29], $0x4000  }
0x7a: {  	[sflag:s29] =	ssyncset.done $0x0  }
0x7b: {  	s1 =	sadd.s32 $0x180, s1;
	[sflag:s29] =	ssyncadd.s32 $0xFFFFC000  }
0x7c: {  	[tilespmem:s24], [sflag:$0x2] =	stream.indirect.gather [hbm4b:s4+s23], $0x80, s1, s23, $0xb8;
	[tilespmem:$0x1E800] =	vst v63  }
0x7d: {  	_ =	swait.ge [sflag:s25], $0x4000  }
0x7e: {  	[sflag:s25] =	ssyncset.done $0x0  }
0x7f: {  	[sflag:s25] =	ssyncadd.s32 $0xFFFFC000  }
0x80: {  	[spmem:s2] =	stream.indirect.scatter.add.f32 [tilespmem:s20], [sflag:$0x3], $0x80, s30, s23, $0xb8;
	[tilespmem:$0x1E800] =	vst v63  }
0x81: {  	_ =	swait.ge [sflag:s28], $0x4000  }
0x82: {  	[sflag:s28] =	ssyncset.done $0x0  }
0x83: {  	[sflag:s28] =	ssyncadd.s32 $0xFFFFC000  }
0x84: {  	[spmem:s2] =	stream.indirect.scatter.add.f32 [tilespmem:s24], [sflag:$0x4], $0x80, s31, s23, $0xb8;
	[tilespmem:$0x1E800] =	vst v63  }
0x85: {  	_ =	swait.ge [sflag:s26], $0x4000  }
0x86: {  	[sflag:s26] =	ssyncset.done $0x0  }
0x87: {  	[sflag:s26] =	ssyncadd.s32 $0xFFFFC000  }
0x88: {  	_ =	swait.ge [sflag:s29], $0x4000  }
0x89: {  	[sflag:s29] =	ssyncset.done $0x0  }
0x8a: {  	s0 =	simm.s32 $0x0;
	[sflag:s29] =	ssyncadd.s32 $0xFFFFC000  }
0x8b: {  	[tilespmem:s0], [sflag:$0x5] =	stream.linear.gather [hbm4b:s12+s0], $0x1400, $0x38;
	[tilespmem:$0x1E800] =	vst v63  }
0x8c: {  	_ =	swait.ge [sflag:s21], $0x1400  }
0x8d: {  	[sflag:s21] =	ssyncset.done $0x0  }
0x8e: {  	[sflag:s21] =	ssyncadd.s32 $0xFFFFEC00  }
0x8f: {  	[tilespmem:s22], [sflag:$0x5] =	stream.linear.gather [hbm4b:s13+s0], $0x1400, $0x38;
	[tilespmem:$0x1E800] =	vst v63  }
0x90: {  	_ =	swait.ge [sflag:s21], $0x1400  }
0x91: {  	[sflag:s21] =	ssyncset.done $0x0  }
0x92: {  	s0 =	simm.s32 $0x0;
	[sflag:s21] =	ssyncadd.s32 $0xFFFFEC00  }
0x93: {  	v4 =	vld [tilespmem:s0+$0x0]  }
0x94: {  	v6 =	vld [tilespmem:s0+$0x10]  }
0x95: {  	v5 =	vld [tilespmem:s0+$0x20]  }
0x96: {  	v3 =	vld [tilespmem:s0+$0x30]  }
0x97: {  	v2 =	vld [tilespmem:s0+$0x40]  }
0x98: {  	v7 =	vadd.s32 v0, v4;
	v4 =	vld [tilespmem:s0+$0x50]  }
0x99: {  	s1 =	simm.s32 $0x200;
	[tilespmem:s0+$0x0] =	vst v7;
	v7 =	vadd.s32 v0, v6;
	v6 =	vld [tilespmem:s0+$0x60]  }
.LBB2_8:
0x9a: {  	s10 =	sshra.s32 s1, $0x2;
	p0 =	sne.s32 s1, $0x4E00;
	[tilespmem:s0+$0x10] =	vst v7;
	v5 =	vadd.s32 v0, v5;
	v7 =	vld [tilespmem:s0+$0x70]  }
0x9b: {  	v8 =	vld [tilespmem:s10+$0x0];
	[tilespmem:s0+$0x20] =	vst v5;
	v3 =	vadd.s32 v0, v3  }
0x9c: {  	v9 =	vld [tilespmem:s10+$0x10];
	[tilespmem:s0+$0x30] =	vst v3;
	v2 =	vadd.s32 v0, v2  }
.Ltmp3:
0x9d: {  	v5 =	vld [tilespmem:s10+$0x20];
	[tilespmem:s0+$0x40] =	vst v2;
	v2 =	vadd.s32 v0, v4;
	(pc) =	sbr.rel @p0 .LBB2_8-.Ltmp3, $4  }
0x9e: {  	v3 =	vld [tilespmem:s10+$0x30];
	[tilespmem:s0+$0x50] =	vst v2;
	v4 =	vadd.s32 v0, v6  }
0x9f: {  	v2 =	vld [tilespmem:s10+$0x40];
	[tilespmem:s0+$0x60] =	vst v4;
	v6 =	vadd.s32 v0, v7  }
0xa0: {  	v7 =	vadd.s32 v0, v8;
	v4 =	vld [tilespmem:s10+$0x50];
	[tilespmem:s0+$0x70] =	vst v6;
	s0 =	smov.u32 s10  }
0xa1: {  	s1 =	sadd.s32 $0x200, s1;
	[tilespmem:s0+$0x0] =	vst v7;
	v7 =	vadd.s32 v0, v9;
	v6 =	vld [tilespmem:s0+$0x60]  }
0xa2: {  	[tilespmem:s0+$0x10] =	vst v7;
	v5 =	vadd.s32 v0, v5;
	v63 =	vld [tilespmem:s0+$0x70]  }
0xa3: {  	[tilespmem:s0+$0x20] =	vst v5;
	v3 =	vadd.s32 v0, v3  }
0xa4: {  	[tilespmem:s0+$0x30] =	vst v3;
	v2 =	vadd.s32 v0, v2  }
0xa5: {  	[tilespmem:s0+$0x40] =	vst v2;
	v2 =	vadd.s32 v0, v4  }
0xa6: {  	[tilespmem:s0+$0x50] =	vst v2;
	v2 =	vadd.s32 v0, v6  }
0xa7: {  	[tilespmem:s0+$0x60] =	vst v2;
	v2 =	vadd.s32 v0, v63  }
0xa8: {  	s1 =	simm.s32 $0x0;
	[tilespmem:s0+$0x70] =	vst v2  }
0xa9: {  	[tilespmem:s20], [sflag:$0x1] =	stream.indirect.gather [hbm4b:s4+s23], $0x80, s1, s23, $0xb8;
	[tilespmem:$0x1E800] =	vst v63  }
0xaa: {  	_ = 	snop  }
0xab: {  	[tilespmem:s24], [sflag:$0x2] =	stream.indirect.gather [hbm4b:s4+s23], $0x80, s23, s23, $0xb8;
	[tilespmem:$0x1E800] =	vst v63  }
0xac: {  	_ =	swait.ge [sflag:s25], $0x4000  }
0xad: {  	[sflag:s25] =	ssyncset.done $0x0  }
0xae: {  	s10 =	simm.s32 $0x1400;
	[sflag:s25] =	ssyncadd.s32 $0xFFFFC000  }
0xaf: {  	[spmem:s2] =	stream.indirect.scatter.add.f32 [tilespmem:s20], [sflag:$0x3], $0x80, s10, s23, $0xb8;
	[tilespmem:$0x1E800] =	vst v63  }
0xb0: {  	_ =	swait.ge [sflag:s26], $0x4000  }
0xb1: {  	[sflag:s26] =	ssyncset.done $0x0  }
0xb2: {  	s1 =	simm.s32 $0x100;
	[sflag:s26] =	ssyncadd.s32 $0xFFFFC000  }
0xb3: {  	[tilespmem:s20], [sflag:$0x1] =	stream.indirect.gather [hbm4b:s4+s23], $0x80, s1, s23, $0xb8;
	[tilespmem:$0x1E800] =	vst v63  }
0xb4: {  	_ =	swait.ge [sflag:s28], $0x4000  }
0xb5: {  	[sflag:s28] =	ssyncset.done $0x0  }
0xb6: {  	s10 =	simm.s32 $0x1480;
	[sflag:s28] =	ssyncadd.s32 $0xFFFFC000  }
0xb7: {  	[spmem:s2] =	stream.indirect.scatter.add.f32 [tilespmem:s24], [sflag:$0x4], $0x80, s10, s23, $0xb8;
	[tilespmem:$0x1E800] =	vst v63  }
0xb8: {  	_ =	swait.ge [sflag:s29], $0x4000  }
0xb9: {  	[sflag:s29] =	ssyncset.done $0x0  }
0xba: {  	s0 =	simm.s32 $0x400;
	s1 =	simm.s32 $0x180;
	[sflag:s29] =	ssyncadd.s32 $0xFFFFC000  }
.LBB2_10:
0xbb: {  	[tilespmem:s24], [sflag:$0x2] =	stream.indirect.gather [hbm4b:s4+s23], $0x80, s1, s23, $0xb8;
	[tilespmem:$0x1E800] =	vst v63  }
0xbc: {  	s1 =	smov.u32 s0  }
0xbd: {  	p0 =	sne.s32 s0, $0x4800;
	s0 =	sadd.s32 $0x400, s0;
	_ =	swait.ge [sflag:s25], $0x4000  }
0xbe: {  	s1 =	sshra.s32 s1, $0x2;
	[sflag:s25] =	ssyncset.done $0x0  }
0xbf: {  	s10 =	sadd.s32 $0x1400, s1;
	[sflag:s25] =	ssyncadd.s32 $0xFFFFC000  }
0xc0: {  	[spmem:s2] =	stream.indirect.scatter.add.f32 [tilespmem:s20], [sflag:$0x3], $0x80, s10, s23, $0xb8;
	[tilespmem:$0x1E800] =	vst v63  }
0xc1: {  	_ =	swait.ge [sflag:s26], $0x4000  }
0xc2: {  	[sflag:s26] =	ssyncset.done $0x0  }
0xc3: {  	s10 =	sadd.s32 $0x100, s1;
	[sflag:s26] =	ssyncadd.s32 $0xFFFFC000  }
0xc4: {  	[tilespmem:s20], [sflag:$0x1] =	stream.indirect.gather [hbm4b:s4+s23], $0x80, s10, s23, $0xb8;
	[tilespmem:$0x1E800] =	vst v63  }
0xc5: {  	_ =	swait.ge [sflag:s28], $0x4000  }
0xc6: {  	[sflag:s28] =	ssyncset.done $0x0  }
.Ltmp4:
0xc7: {  	s10 =	sadd.s32 $0x1480, s1;
	[sflag:s28] =	ssyncadd.s32 $0xFFFFC000;
	(pc) =	sbr.rel @p0 .LBB2_10-.Ltmp4, $4  }
0xc8: {  	[spmem:s2] =	stream.indirect.scatter.add.f32 [tilespmem:s24], [sflag:$0x4], $0x80, s10, s23, $0xb8;
	[tilespmem:$0x1E800] =	vst v63  }
0xc9: {  	_ =	swait.ge [sflag:s29], $0x4000  }
0xca: {  	[sflag:s29] =	ssyncset.done $0x0  }
0xcb: {  	s1 =	sadd.s32 $0x180, s1;
	[sflag:s29] =	ssyncadd.s32 $0xFFFFC000  }
0xcc: {  	[tilespmem:s24], [sflag:$0x2] =	stream.indirect.gather [hbm4b:s4+s23], $0x80, s1, s23, $0xb8;
	[tilespmem:$0x1E800] =	vst v63  }
0xcd: {  	_ =	swait.ge [sflag:s25], $0x4000  }
0xce: {  	[sflag:s25] =	ssyncset.done $0x0  }
0xcf: {  	[sflag:s25] =	ssyncadd.s32 $0xFFFFC000  }
0xd0: {  	[spmem:s2] =	stream.indirect.scatter.add.f32 [tilespmem:s20], [sflag:$0x3], $0x80, s30, s23, $0xb8;
	[tilespmem:$0x1E800] =	vst v63  }
0xd1: {  	_ =	swait.ge [sflag:s28], $0x4000  }
0xd2: {  	[sflag:s28] =	ssyncset.done $0x0  }
0xd3: {  	[sflag:s28] =	ssyncadd.s32 $0xFFFFC000  }
0xd4: {  	[spmem:s2] =	stream.indirect.scatter.add.f32 [tilespmem:s24], [sflag:$0x4], $0x80, s31, s23, $0xb8;
	[tilespmem:$0x1E800] =	vst v63  }
0xd5: {  	_ =	swait.ge [sflag:s26], $0x4000  }
0xd6: {  	[sflag:s26] =	ssyncset.done $0x0  }
0xd7: {  	[sflag:s26] =	ssyncadd.s32 $0xFFFFC000  }
0xd8: {  	_ =	swait.ge [sflag:s29], $0x4000  }
0xd9: {  	s0 =	stileid.u32;
	[sflag:s29] =	ssyncset.done $0x0  }
0xda: {  	s0 =	sshll.u32 s0, $0x6;
	[sflag:s29] =	ssyncadd.s32 $0xFFFFC000  }
0xdb: {  	s10 =	sshrl.u32 s5, $0x3;
	s0 =	sor.u32 $0x1C05, s0;
	[bflag:$0x0] =	sbarrier.arrive $0xFFFF  }
0xdc: {  	[hbm:s14], [sflag:s0] =	dma.local [spmem:s10], $0x800  }
0xdd: {  	_ =	swait.ge [sflag:s21], $0x800  }
0xde: {  	[sflag:s21] =	ssyncset.done $0x0  }
0xdf: {  	s10 =	sshrl.u32 s6, $0x3;
	[sflag:s21] =	ssyncadd.s32 $0xFFFFF800  }
0xe0: {  	[hbm:s15], [sflag:s0] =	dma.local [spmem:s10], $0x800  }
0xe1: {  	_ =	swait.ge [sflag:s21], $0x800  }
0xe2: {  	[sflag:s21] =	ssyncset.done $0x0  }
0xe3: {  	s10 =	sshrl.u32 s7, $0x3;
	[sflag:s21] =	ssyncadd.s32 $0xFFFFF800  }
0xe4: {  	[hbm:s16], [sflag:s0] =	dma.local [spmem:s10], $0x800  }
0xe5: {  	_ =	swait.ge [sflag:s21], $0x800  }
0xe6: {  	[sflag:s21] =	ssyncset.done $0x0  }
0xe7: {  	s10 =	sshrl.u32 s8, $0x3;
	[sflag:s21] =	ssyncadd.s32 $0xFFFFF800  }
0xe8: {  	[hbm:s17], [sflag:s0] =	dma.local [spmem:s10], $0x800  }
0xe9: {  	s3 =	sadd.s32 $0x1, s3;
	_ =	swait.ge [sflag:s21], $0x800  }
0xea: {  	p0 =	sne.s32 s3, s19;
	[sflag:s21] =	ssyncset.done $0x0  }
.Ltmp5:
0xeb: {  	s10 =	sshrl.u32 s9, $0x3;
	[sflag:s21] =	ssyncadd.s32 $0xFFFFF800;
	(pc) =	sbr.rel @p0 .LBB2_1-.Ltmp5, $4  }
0xec: {  	[hbm:s18], [sflag:s0] =	dma.local [spmem:s10], $0x800  }
0xed: {  	_ =	swait.ge [sflag:s21], $0x800  }
0xee: {  	[sflag:s21] =	ssyncset.done $0x0  }
0xef: {  	[sflag:s21] =	ssyncadd.s32 $0xFFFFF800  }
0xf0: {  	_ =	sfence.sel $0x180000  }
0xf1: {  	[bflag:$0x0] =	sbarrier.arrive $0xFFFF  }
0xf2: {  	_ =	strace $0x9000004D  }
0xf3: {  	s0 =	stileid.u32;
	[bflag:$0x2] =	sbarrier.arrive $0xFFFF  }
0xf4: {  	p0 =	sne.s32 s0, $0x0;
	s0 =	rddreg [dreg:$0x2]  }
0xf5: {  	s0 =	sadd.s32 @!p0 $0x100000, s0  }
0xf6: {  	[sflag:s0] =	ssyncadd.tile.s32 @!p0 $0x1;
	_ =	shalt  }
.Lfunc_end2:
_tile_overlayer_lowered:
.L_overlay_start_2:
0xf7: {  	(tag) =	ssettag $0x2  }
0xf8: {  	s0 =	rddreg [dreg:$0x0];
	s2 =	stileid.u32  }
0xf9: {  	s1 =	rddreg [dreg:$0x1];
	p0 =	sne.s32 s2, $0x0  }
0xfa: {  	s3 =	rddreg [dreg:$0x2];
	[bflag:$0x3] =	sbarrier.arrive $0xFFFF;
	s2 =	simm.s32 @!p0 $0x1C05  }
0xfb: {  	[timem:s3], [sflag:s2] =	dma.local @!p0 [hbm:s0], s1  }
0xfc: {  	s0 =	simm.s32 @!p0 $0x5  }
0xfd: {  	_ =	swait.ge @!p0 [sflag:s0], s1  }
0xfe: {  	s1 =	ssub.s32 @!p0 $0x0, s1;
	[sflag:s0] =	ssyncset.done @!p0 $0x0  }
0xff: {  	[sflag:s0] =	ssyncadd.s32 @!p0 s1  }
0x100: {  	[bflag:$0x3] =	sbarrier.arrive $0xFFFF  }
0x101: {  	_ =	shalt  }

// kernel: kernel.22.cloned.1.call-start
scs
__scs_entry_jumppad:
0x0: {  	(pc) =	sbr.rel $0x88, $3  }
0x1: {  	(tag) =	ssettag $0x0;
	lr =	simm.s32 $0x1  }
0x2: {  	[smem:$0x3F92] =	sst lr;
	_ =	strace $0xD0000000  }
0x3: {  	_ = 	snop  }
0x4: {  	_ = 	snop  }
0x5: {  	_ = 	snop  }
0x6: {  	_ = 	snop  }
0x7: {  	_ = 	snop  }
__scs_overlays_trampoline_lowered:
0x8: {  	[smem:$0x3FA1] =	sst s0  }
0x9: {  	[smem:$0x3FA2] =	sst s1  }
0xa: {  	[smem:$0x3FA3] =	sst s2  }
0xb: {  	[smem:$0x3FA4] =	sst s3  }
0xc: {  	[smem:$0x3FA5] =	sst s4  }
0xd: {  	[smem:$0x3FA6] =	sst s5  }
0xe: {  	[smem:$0x3FA7] =	sst s6  }
0xf: {  	[smem:$0x3FA8] =	sst s7  }
0x10: {  	[smem:$0x3FA9] =	sst s8  }
0x11: {  	[smem:$0x3FAA] =	sst s9;
	s0 =	simm.s32 @!p0 $0x0  }
0x12: {  	s1 =	sld [smem:$0x3F90];
	s0 =	simm.s32 @p0 $0x1  }
0x13: {  	[smem:$0x3FAB] =	sst s0;
	s0 =	simm.s32 @!p1 $0x0  }
0x14: {  	s2 =	sld [smem:$0x3F8F];
	s0 =	simm.s32 @p1 $0x1  }
0x15: {  	[smem:$0x3FAC] =	sst s0;
	s0 =	simm.s32 @!p2 $0x0  }
0x16: {  	s3 =	sld [smem:$0x3FDB];
	s0 =	simm.s32 @p2 $0x1  }
0x17: {  	s4 =	simm.s32 $0x1BF5;
	[smem:$0x3FAE] =	sst s0  }
0x18: {  	s0 =	sld [smem:$0x3F91];
	_ =	swait.ge [sflag:s4], $0x0  }
0x19: {  	s7 =	sld [smem:$0x3F92]  }
0x1a: {  	s8 =	sadd.s32 $0xFFFFE003, lr  }
0x1b: {  	s9 =	sadd.s32 $0xFFFFFEF7, lr;
	s5 =	simm.s32 $0xFFFFFFFF;
	p2 =	slt.u32 s8, $0xFFFFF086  }
0x1c: {  	p1 =	slt.u32 s9, $0xF7A;
	s5 =	simm.s32 @!p2 $0x0  }
0x1d: {  	s5 =	simm.s32 @p1 $0x1;
	p0 =	seq.s32 s7, s2  }
0x1e: {  	s7 =	smul.u32 @!p0 $0xF7A, s2;
	p2 =	seq.s32 @!p0 s5, $0x0  }
0x1f: {  	s9 =	smul.u32 $0xF7A, s1;
	s8 =	simm.s32 @!p0 $0x1BF5;
	p2 =	por !p2, p0  }
0x20: {  	[sflag:s8] =	ssyncset.s32 @!p0 $0xFFFFF086;
	s6 =	sadd.s32 @!p0 s3, s7;
	s7 =	simm.s32 @!p0 $0x108  }
0x21: {  	s3 =	sadd.s32 s3, s9;
	s6 =	sadd.s32 @!p0 $0x88, s6;
	s7 =	simm.s32 @p2 $0x1082  }
0x22: {  	[simem:s7], [sflag:s8] =	dma.local @!p0 [hbm:s6], $0xF7A  }
0x23: {  	s9 =	sor.u32 $0xD0000000, s2;
	s6 =	simm.s32 $0x108;
	_ =	swait.ge @!p0 [sflag:s8], $0x0  }
0x24: {  	s3 =	sadd.s32 $0x88, s3;
	s6 =	simm.s32 @!p1 $0x1082;
	[sflag:s4] =	ssyncset.s32 $0xFFFFF086  }
0x25: {  	[simem:s6], [sflag:s4] =	dma.local [hbm:s3], $0xF7A  }
0x26: {  	[smem:$0x3F92] =	sst s1;
	(tag) =	ssettag s2;
	_ =	strace s9  }
0x27: {  	s1 =	sld [smem:$0x3FA2]  }
0x28: {  	s2 =	sld [smem:$0x3FA3]  }
0x29: {  	s4 =	sld [smem:$0x3FA5]  }
0x2a: {  	p0 =	seq.s32 s5, $0x0;
	s5 =	sld [smem:$0x3FA6]  }
0x2b: {  	s6 =	sld [smem:$0x3FA7]  }
0x2c: {  	s7 =	sld [smem:$0x3FA8]  }
0x2d: {  	s3 =	simm.s32 $0x108;
	s8 =	sld [smem:$0x3FA9]  }
0x2e: {  	s3 =	simm.s32 @!p0 $0x1082;
	s9 =	sld [smem:$0x3FAA]  }
0x2f: {  	lr =	sadd.s32 s0, s3;
	s0 =	sld [smem:$0x3FA1]  }
0x30: {  	s3 =	sld [smem:$0x3FA4]  }
0x31: {  	[smem:$0x3FAD] =	sst s10  }
0x32: {  	s10 =	sld [smem:$0x3FAB];
	_ =	sdelay $0x3  }
0x33: {  	p0 =	seq.s32 s10, $0x1;
	s10 =	sld [smem:$0x3FAD];
	_ =	sdelay $0x3  }
0x34: {  	[smem:$0x3FAD] =	sst s10  }
0x35: {  	s10 =	sld [smem:$0x3FAC];
	_ =	sdelay $0x3  }
0x36: {  	p1 =	seq.s32 s10, $0x1;
	s10 =	sld [smem:$0x3FAD];
	_ =	sdelay $0x3  }
0x37: {  	[smem:$0x3FAD] =	sst s10  }
0x38: {  	s10 =	sld [smem:$0x3FAE]  }
0x39: {  	_ = 	snop;
	(pc) =	sbr.ind lr, $3  }
0x3a: {  	_ = 	snop  }
0x3b: {  	_ = 	snop  }
0x3c: {  	p2 =	seq.s32 s10, $0x1;
	s10 =	sld [smem:$0x3FAD]  }
0x3d: {  	_ =	shalt  }
0x3e: {  	_ =	shalt  }
0x3f: {  	_ =	shalt  }
0x40: {  	_ =	shalt  }
0x41: {  	_ =	shalt  }
0x42: {  	_ =	shalt  }
0x43: {  	_ =	shalt  }
0x44: {  	_ =	shalt  }
0x45: {  	_ =	shalt  }
0x46: {  	_ =	shalt  }
0x47: {  	_ =	shalt  }
0x48: {  	_ =	shalt  }
0x49: {  	_ =	shalt  }
0x4a: {  	_ =	shalt  }
0x4b: {  	_ =	shalt  }
0x4c: {  	_ =	shalt  }
0x4d: {  	_ =	shalt  }
0x4e: {  	_ =	shalt  }
0x4f: {  	_ =	shalt  }
0x50: {  	_ =	shalt  }
0x51: {  	_ =	shalt  }
0x52: {  	_ =	shalt  }
0x53: {  	_ =	shalt  }
0x54: {  	_ =	shalt  }
0x55: {  	_ =	shalt  }
0x56: {  	_ =	shalt  }
0x57: {  	_ =	shalt  }
0x58: {  	_ =	shalt  }
0x59: {  	_ =	shalt  }
0x5a: {  	_ =	shalt  }
0x5b: {  	_ =	shalt  }
0x5c: {  	_ =	shalt  }
0x5d: {  	_ =	shalt  }
0x5e: {  	_ =	shalt  }
0x5f: {  	_ =	shalt  }
0x60: {  	_ =	shalt  }
0x61: {  	_ =	shalt  }
0x62: {  	_ =	shalt  }
0x63: {  	_ =	shalt  }
0x64: {  	_ =	shalt  }
0x65: {  	_ =	shalt  }
0x66: {  	_ =	shalt  }
0x67: {  	_ =	shalt  }
0x68: {  	_ =	shalt  }
0x69: {  	_ =	shalt  }
0x6a: {  	_ =	shalt  }
0x6b: {  	_ =	shalt  }
0x6c: {  	_ =	shalt  }
0x6d: {  	_ =	shalt  }
0x6e: {  	_ =	shalt  }
0x6f: {  	_ =	shalt  }
0x70: {  	_ =	shalt  }
0x71: {  	_ =	shalt  }
0x72: {  	_ =	shalt  }
0x73: {  	_ =	shalt  }
0x74: {  	_ =	shalt  }
0x75: {  	_ =	shalt  }
0x76: {  	_ =	shalt  }
0x77: {  	_ =	shalt  }
0x78: {  	_ =	shalt  }
0x79: {  	_ =	shalt  }
0x7a: {  	_ =	shalt  }
0x7b: {  	_ =	shalt  }
0x7c: {  	_ =	shalt  }
0x7d: {  	_ =	shalt  }
0x7e: {  	_ =	shalt  }
0x7f: {  	_ =	shalt  }
0x80: {  	_ =	shalt  }
0x81: {  	_ =	shalt  }
0x82: {  	_ =	shalt  }
0x83: {  	_ =	shalt  }
0x84: {  	_ =	shalt  }
0x85: {  	_ =	shalt  }
0x86: {  	_ =	shalt  }
0x87: {  	_ =	shalt  }
.Lfunc_end0:
.L_simem_size_0:
called_computation.3_lowered:
.L_overlay_start_0:
0x88: {  	s2 =	sld [smem:$0x3FD9]  }
0x89: {  	s3 =	sld [smem:$0x3FFE];
	_ =	sdelay $0x1  }
0x8a: {  	s1 =	srdreg.scid  }
0x8b: {  	s0 =	sand.u32 $0x1, s1  }
0x8c: {  	s16 =	sshll.u32 s0, $0xA;
	s2 =	sadd.s32 s3, s2  }
0x8d: {  	s2 =	sadd.s32 s2, s16  }
0x8e: {  	[smem:$0x3FB9] =	sst s2  }
0x8f: {  	_ = 	snop  }
0x90: {  	(tm) =	ssettm $0x1  }
0x91: {  	s17 =	sld [smem:$0x3FFB];
	_ =	sdelay $0x3  }
0x92: {  	_ =	strace s17  }
0x93: {  	s2 =	sld [smem:$0x3FFC];
	_ =	sdelay $0x3  }
0x94: {  	_ =	strace s2  }
0x95: {  	s2 =	sld [smem:$0x3FFD];
	_ =	sdelay $0x3  }
0x96: {  	_ =	strace s2  }
0x97: {  	_ =	strace $0x8FFFFFFF  }
0x98: {  	s18 =	sld [smem:$0x3FDB];
	_ =	sdelay $0x1  }
0x99: {  	s19 =	simm.s32 $_scs_section_size  }
0x9a: {  	s4 =	simm.s32 $_size__tile_overlayer_lowered;
	s5 =	simm.s32 $_tile_overlayer_lowered  }
0x9b: {  	s22 =	simm.s32 $0x1BFF;
	s21 =	sshll.u32 s5, $0x1;
	s2 =	sadd.s32 s19, s18  }
0x9c: {  	s6 =	simm.s32 $0x0;
	s20 =	sshll.u32 s4, $0x1;
	s4 =	sadd.s32 s21, s2  }
0x9d: {  	[timem:s6], [sflag:s22] =	dma.local [hbm:s4], s20  }
0x9e: {  	_ =	swait.ge [sflag:s22], s20  }
0x9f: {  	s3 =	ssub.s32 $0x0, s20;
	[sflag:s22] =	ssyncset.done $0x0  }
0xa0: {  	[sflag:s22] =	ssyncadd.s32 s3;
	_ =	sdelay $0x1  }
0xa1: {  	s23 =	simm.s32 $0x1B8B  }
0xa2: {  	_ =	swait.ge [sflag:s23], $0x1  }
0xa3: {  	[sflag:s23] =	ssyncset.done $0x0  }
0xa4: {  	s25 =	simm.s32 $0x1B8E;
	s24 =	sld [smem:$0x3FFE];
	[sflag:s23] =	ssyncadd.s32 $0xFFFFFFFF  }
0xa5: {  	s26 =	simm.s32 $execute0_lowered;
	[smem:$0x3FD2] =	sst s25  }
0xa6: {  	s4 =	sshll.u32 s26, $0x1;
	_ =	strace $0x8000004F;
	[dreg:$0x1] =	wrdreg $0xFFFFFFFF  }
0xa7: {  	s28 =	simm.s32 $_size_execute0_lowered;
	s2 =	sadd.s32 s2, s4;
	[dreg:$0x0] =	wrdreg $0x0  }
0xa8: {  	s4 =	sshll.u32 s28, $0x1;
	[dreg:$0x2] =	wrdreg s2  }
0xa9: {  	[dreg:$0x3] =	wrdreg s4  }
0xaa: {  	[dreg:$0x4] =	wrdreg $0xC0  }
0xab: {  	_ =	task [dreg:s6], $0x5FFFF  }
0xac: {  	[dreg:$0x1] =	wrdreg $0xFFFFFFFF  }
0xad: {  	[dreg:$0x0] =	wrdreg $0x60  }
0xae: {  	[dreg:$0x2] =	wrdreg s24  }
0xaf: {  	[dreg:$0x3] =	wrdreg $0xA8000  }
0xb0: {  	[dreg:$0x4] =	wrdreg $0x9  }
0xb1: {  	_ =	task.clear_ibuf [dreg:s6], $0x5FFFF;
	_ =	strace $0x9000004F  }
0xb2: {  	s29 =	simm.s32 $0x9;
	_ =	strace $0x80000051  }
0xb3: {  	_ =	swait.ge [sflag:s29], $0x1  }
0xb4: {  	[sflag:s29] =	ssyncadd.s32 $0xFFFFFFFF  }
0xb5: {  	_ =	strace $0x90000051  }
0xb6: {  	_ =	sfence  }
0xb7: {  	s30 =	sld [smem:$0x0];
	_ =	sdelay $0x2  }
0xb8: {  	s31 =	sshll.u32 s1, $0xD;
	s1 =	sshrl.u32 s1, $0x2  }
0xb9: {  	s3 =	sand.u32 $0x4000, s31;
	s1 =	sadd.s32 s1, s30  }
0xba: {  	s0 =	sor.u32 s3, s0;
	s1 =	sshll.u32 s1, $0x11  }
0xbb: {  	s0 =	sor.u32 s1, s0  }
0xbc: {  	s0 =	sadd.s32 $0x8F2B, s0  }
0xbd: {  	[sflag:s0] =	ssyncadd.remote.s32 $0x1  }
0xbe: {  	_ =	sfence.sel $0xFFFF  }
0xbf: {  	[dreg:$0x0] =	wrdreg $0xFFFFFFFF;
	(pc) =	sbr.abs _section_cstart, $3  }
0xc0: {  	[dreg:$0x1] =	wrdreg $0xFFFFFFFF  }
0xc1: {  	_ =	task.clear_ibuf [dreg:s6], $0x2FFFF;
	_ =	strace $0x9FFFFFFF  }
0xc2: {  	(tm) =	ssettm $0x7FFFFFFF  }
0xc3: {  	_ =	shalt  }
tec
execute0_lowered:
.L_overlay_start_1:
0x0: {  	(tag) =	ssettag $0x1  }
0x1: {  	s0 =	rddreg [dreg:$0x0]  }
0x2: {  	s2 =	rddreg [dreg:$0x1]  }
0x3: {  	s1 =	srdreg.scid;
	s10 =	stileid.u32;
	s3 =	simm.s32 $0x0  }
0x4: {  	s20 =	simm.s32 $0x2800;
	s21 =	simm.s32 $0x5;
	s28 =	simm.s32 $0x2  }
0x5: {  	s29 =	simm.s32 $0x4;
	s30 =	simm.s32 $0x2700;
	s5 =	smul.u32 $0x280, s10  }
0x6: {  	s31 =	simm.s32 $0x2780;
	s1 =	sand.u32 $0x1, s1;
	s22 =	smul.u32 $0x50000, s10  }
0x7: {  	[smem:$0x7FF] =	sst s3;
	s4 =	sadd.s32 $0x5E200, s0;
	s9 =	smul.u32 $0x2800, s10  }
0x8: {  	s12 =	sadd.s32 $0x4200, s0;
	s13 =	sadd.s32 $0x9200, s0;
	s11 =	smul.u32 $0x500, s10  }
0x9: {  	s6 =	smul.u32 $0x2800, s1;
	_ =	strace $0x80000050;
	s7 =	ssub.s32 $0x2, s1  }
0xa: {  	s1 =	smul.u32 $0x2710, s1;
	s23 =	sshrl.u32 s22, $0x2;
	s24 =	sshrl.u32 s7, $0x1  }
0xb: {  	s25 =	sshrl.u32 s9, $0x3;
	s26 =	sadd.s32 s12, s11;
	s11 =	sadd.s32 s13, s11  }
0xc: {  	s22 =	simm.s32 $0x1400;
	s5 =	sadd.s32 s5, s6;
	s19 =	ssub.s32 s7, s24  }
0xd: {  	s14 =	sadd.s32 $0x280, s25;
	[dreg:$0x3] =	wrdreg s26;
	s24 =	simm.s32 $0x6800  }
0xe: {  	s25 =	simm.s32 $0x1;
	s26 =	simm.s32 $0x3;
	s5 =	sshll.u32 s5, $0x4  }
0xf: {  	s12 =	sadd.s32 s12, s14;
	s13 =	sadd.s32 s13, s14;
	s19 =	smax.u32 s19, $0x1  }
0x10: {  	s0 =	sadd.s32 s5, s0;
	s5 =	sadd.s32 s23, s2;
	s23 =	simm.s32 $0x80  }
0x11: {  	s6 =	sadd.s32 $0x4000, s5;
	s7 =	sadd.s32 $0x8000, s5;
	s8 =	sadd.s32 $0xC000, s5  }
0x12: {  	s9 =	sadd.s32 $0x10000, s5;
	s14 =	sadd.s32 $0xAC400, s0;
	s15 =	sadd.s32 $0xACC00, s0  }
0x13: {  	v1 =	vimm.f32 $0.0e+00;
	v0 =	vmov s1;
	s16 =	sadd.s32 $0xAD400, s0;
	s17 =	sadd.s32 $0xADC00, s0;
	s18 =	sadd.s32 $0xAE400, s0  }
.LBB2_1:
0x14: {  	s0 =	simm.s32 $0x0;
	s1 =	simm.s32 $0x200  }
.LBB2_2:
0x15: {  	p0 =	sne.s32 s1, $0xFE00;
	[tilespmem:s0+$0x2870] =	vst v1  }
0x16: {  	[tilespmem:s0+$0x2800] =	vst v1  }
0x17: {  	[tilespmem:s0+$0x2810] =	vst v1  }
.Ltmp0:
0x18: {  	[tilespmem:s0+$0x2820] =	vst v1;
	(pc) =	sbr.rel @p0 .LBB2_2-.Ltmp0, $4  }
0x19: {  	[tilespmem:s0+$0x2830] =	vst v1  }
0x1a: {  	[tilespmem:s0+$0x2840] =	vst v1  }
0x1b: {  	[tilespmem:s0+$0x2850] =	vst v1  }
0x1c: {  	[tilespmem:s0+$0x2860] =	vst v1;
	s0 =	sshra.s32 s1, $0x2;
	s1 =	sadd.s32 $0x200, s1  }
0x1d: {  	[tilespmem:s0+$0x2870] =	vst v1  }
0x1e: {  	[tilespmem:s0+$0x2800] =	vst v1  }
0x1f: {  	[tilespmem:s0+$0x2810] =	vst v1  }
0x20: {  	[tilespmem:s0+$0x2820] =	vst v1  }
0x21: {  	[tilespmem:s0+$0x2830] =	vst v1  }
0x22: {  	[tilespmem:s0+$0x2840] =	vst v1  }
0x23: {  	[tilespmem:s0+$0x2850] =	vst v1  }
0x24: {  	[tilespmem:s0+$0x2860] =	vst v1  }
0x25: {  	[spmem:s5] =	stream.linear.scatter [tilespmem:s20], [sflag:$0x5], $0x4000, $0x38;
	[tilespmem:$0x1E800] =	vst v63  }
0x26: {  	_ =	swait.ge [sflag:s21], $0x4000  }
0x27: {  	[sflag:s21] =	ssyncset.done $0x0  }
0x28: {  	[sflag:s21] =	ssyncadd.s32 $0xFFFFC000  }
0x29: {  	[spmem:s6] =	stream.linear.scatter [tilespmem:s20], [sflag:$0x5], $0x4000, $0x38;
	[tilespmem:$0x1E800] =	vst v63  }
0x2a: {  	_ =	swait.ge [sflag:s21], $0x4000  }
0x2b: {  	[sflag:s21] =	ssyncset.done $0x0  }
0x2c: {  	[sflag:s21] =	ssyncadd.s32 $0xFFFFC000  }
0x2d: {  	[spmem:s7] =	stream.linear.scatter [tilespmem:s20], [sflag:$0x5], $0x4000, $0x38;
	[tilespmem:$0x1E800] =	vst v63  }
0x2e: {  	_ =	swait.ge [sflag:s21], $0x4000  }
0x2f: {  	[sflag:s21] =	ssyncset.done $0x0  }
0x30: {  	[sflag:s21] =	ssyncadd.s32 $0xFFFFC000  }
0x31: {  	[spmem:s8] =	stream.linear.scatter [tilespmem:s20], [sflag:$0x5], $0x4000, $0x38;
	[tilespmem:$0x1E800] =	vst v63  }
0x32: {  	_ =	swait.ge [sflag:s21], $0x4000  }
0x33: {  	[sflag:s21] =	ssyncset.done $0x0  }
0x34: {  	[sflag:s21] =	ssyncadd.s32 $0xFFFFC000  }
0x35: {  	[spmem:s9] =	stream.linear.scatter [tilespmem:s20], [sflag:$0x5], $0x4000, $0x38;
	[tilespmem:$0x1E800] =	vst v63  }
0x36: {  	_ =	swait.ge [sflag:s21], $0x4000  }
0x37: {  	[sflag:s21] =	ssyncset.done $0x0  }
0x38: {  	[sflag:s21] =	ssyncadd.s32 $0xFFFFC000  }
0x39: {  	[bflag:$0x0] =	sbarrier.arrive $0xFFFF  }
0x3a: {  	s10 =	simm.s32 $0x0;
	s1 =	rddreg [dreg:$0x3]  }
0x3b: {  	[tilespmem:s10], [sflag:$0x5] =	stream.linear.gather [hbm4b:s1+s10], $0x1400, $0x38;
	[tilespmem:$0x1E800] =	vst v63  }
0x3c: {  	_ =	swait.ge [sflag:s21], $0x1400  }
0x3d: {  	[sflag:s21] =	ssyncset.done $0x0  }
0x3e: {  	[sflag:s21] =	ssyncadd.s32 $0xFFFFEC00  }
0x3f: {  	[tilespmem:s22], [sflag:$0x5] =	stream.linear.gather [hbm4b:s11+s10], $0x1400, $0x38;
	[tilespmem:$0x1E800] =	vst v63  }
0x40: {  	_ =	swait.ge [sflag:s21], $0x1400  }
0x41: {  	[sflag:s21] =	ssyncset.done $0x0  }
0x42: {  	s0 =	simm.s32 $0x0;
	[sflag:s21] =	ssyncadd.s32 $0xFFFFEC00  }
0x43: {  	v4 =	vld [tilespmem:s0+$0x0]  }
0x44: {  	v6 =	vld [tilespmem:s0+$0x10]  }
0x45: {  	v5 =	vld [tilespmem:s0+$0x20]  }
0x46: {  	v3 =	vld [tilespmem:s0+$0x30]  }
0x47: {  	v2 =	vld [tilespmem:s0+$0x40]  }
0x48: {  	v7 =	vadd.s32 v0, v4;
	v4 =	vld [tilespmem:s0+$0x50]  }
0x49: {  	s1 =	simm.s32 $0x200;
	[tilespmem:s0+$0x0] =	vst v7;
	v7 =	vadd.s32 v0, v6;
	v6 =	vld [tilespmem:s0+$0x60]  }
.LBB2_4:
0x4a: {  	s10 =	sshra.s32 s1, $0x2;
	p0 =	sne.s32 s1, $0x4E00;
	[tilespmem:s0+$0x10] =	vst v7;
	v5 =	vadd.s32 v0, v5;
	v7 =	vld [tilespmem:s0+$0x70]  }
0x4b: {  	v8 =	vld [tilespmem:s10+$0x0];
	[tilespmem:s0+$0x20] =	vst v5;
	v3 =	vadd.s32 v0, v3  }
0x4c: {  	v9 =	vld [tilespmem:s10+$0x10];
	[tilespmem:s0+$0x30] =	vst v3;
	v2 =	vadd.s32 v0, v2  }
.Ltmp1:
0x4d: {  	v5 =	vld [tilespmem:s10+$0x20];
	[tilespmem:s0+$0x40] =	vst v2;
	v2 =	vadd.s32 v0, v4;
	(pc) =	sbr.rel @p0 .LBB2_4-.Ltmp1, $4  }
0x4e: {  	v3 =	vld [tilespmem:s10+$0x30];
	[tilespmem:s0+$0x50] =	vst v2;
	v4 =	vadd.s32 v0, v6  }
0x4f: {  	v2 =	vld [tilespmem:s10+$0x40];
	[tilespmem:s0+$0x60] =	vst v4;
	v6 =	vadd.s32 v0, v7  }
0x50: {  	v7 =	vadd.s32 v0, v8;
	v4 =	vld [tilespmem:s10+$0x50];
	[tilespmem:s0+$0x70] =	vst v6;
	s0 =	smov.u32 s10  }
0x51: {  	s1 =	sadd.s32 $0x200, s1;
	[tilespmem:s0+$0x0] =	vst v7;
	v7 =	vadd.s32 v0, v9;
	v6 =	vld [tilespmem:s0+$0x60]  }
0x52: {  	[tilespmem:s0+$0x10] =	vst v7;
	v5 =	vadd.s32 v0, v5;
	v63 =	vld [tilespmem:s0+$0x70]  }
0x53: {  	[tilespmem:s0+$0x20] =	vst v5;
	v3 =	vadd.s32 v0, v3  }
0x54: {  	[tilespmem:s0+$0x30] =	vst v3;
	v2 =	vadd.s32 v0, v2  }
0x55: {  	[tilespmem:s0+$0x40] =	vst v2;
	v2 =	vadd.s32 v0, v4  }
0x56: {  	[tilespmem:s0+$0x50] =	vst v2;
	v2 =	vadd.s32 v0, v6  }
0x57: {  	[tilespmem:s0+$0x60] =	vst v2;
	v2 =	vadd.s32 v0, v63  }
0x58: {  	s1 =	simm.s32 $0x0;
	[tilespmem:s0+$0x70] =	vst v2  }
0x59: {  	[tilespmem:s20], [sflag:$0x1] =	stream.indirect.gather [hbm4b:s4+s23], $0x80, s1, s23, $0xb8;
	[tilespmem:$0x1E800] =	vst v63  }
0x5a: {  	_ = 	snop  }
0x5b: {  	[tilespmem:s24], [sflag:$0x2] =	stream.indirect.gather [hbm4b:s4+s23], $0x80, s23, s23, $0xb8;
	[tilespmem:$0x1E800] =	vst v63  }
0x5c: {  	_ =	swait.ge [sflag:s25], $0x4000  }
0x5d: {  	[sflag:s25] =	ssyncset.done $0x0  }
0x5e: {  	s10 =	simm.s32 $0x1400;
	[sflag:s25] =	ssyncadd.s32 $0xFFFFC000  }
0x5f: {  	[spmem:s2] =	stream.indirect.scatter.add.f32 [tilespmem:s20], [sflag:$0x3], $0x80, s10, s23, $0xb8;
	[tilespmem:$0x1E800] =	vst v63  }
0x60: {  	_ =	swait.ge [sflag:s26], $0x4000  }
0x61: {  	[sflag:s26] =	ssyncset.done $0x0  }
0x62: {  	s1 =	simm.s32 $0x100;
	[sflag:s26] =	ssyncadd.s32 $0xFFFFC000  }
0x63: {  	[tilespmem:s20], [sflag:$0x1] =	stream.indirect.gather [hbm4b:s4+s23], $0x80, s1, s23, $0xb8;
	[tilespmem:$0x1E800] =	vst v63  }
0x64: {  	_ =	swait.ge [sflag:s28], $0x4000  }
0x65: {  	[sflag:s28] =	ssyncset.done $0x0  }
0x66: {  	s10 =	simm.s32 $0x1480;
	[sflag:s28] =	ssyncadd.s32 $0xFFFFC000  }
0x67: {  	[spmem:s2] =	stream.indirect.scatter.add.f32 [tilespmem:s24], [sflag:$0x4], $0x80, s10, s23, $0xb8;
	[tilespmem:$0x1E800] =	vst v63  }
0x68: {  	_ =	swait.ge [sflag:s29], $0x4000  }
0x69: {  	[sflag:s29] =	ssyncset.done $0x0  }
0x6a: {  	s0 =	simm.s32 $0x400;
	s1 =	simm.s32 $0x180;
	[sflag:s29] =	ssyncadd.s32 $0xFFFFC000  }
.LBB2_6:
0x6b: {  	[tilespmem:s24], [sflag:$0x2] =	stream.indirect.gather [hbm4b:s4+s23], $0x80, s1, s23, $0xb8;
	[tilespmem:$0x1E800] =	vst v63  }
0x6c: {  	s1 =	smov.u32 s0  }
0x6d: {  	p0 =	sne.s32 s0, $0x4800;
	s0 =	sadd.s32 $0x400, s0;
	_ =	swait.ge [sflag:s25], $0x4000  }
0x6e: {  	s1 =	sshra.s32 s1, $0x2;
	[sflag:s25] =	ssyncset.done $0x0  }
0x6f: {  	s10 =	sadd.s32 $0x1400, s1;
	[sflag:s25] =	ssyncadd.s32 $0xFFFFC000  }
0x70: {  	[spmem:s2] =	stream.indirect.scatter.add.f32 [tilespmem:s20], [sflag:$0x3], $0x80, s10, s23, $0xb8;
	[tilespmem:$0x1E800] =	vst v63  }
0x71: {  	_ =	swait.ge [sflag:s26], $0x4000  }
0x72: {  	[sflag:s26] =	ssyncset.done $0x0  }
0x73: {  	s10 =	sadd.s32 $0x100, s1;
	[sflag:s26] =	ssyncadd.s32 $0xFFFFC000  }
0x74: {  	[tilespmem:s20], [sflag:$0x1] =	stream.indirect.gather [hbm4b:s4+s23], $0x80, s10, s23, $0xb8;
	[tilespmem:$0x1E800] =	vst v63  }
0x75: {  	_ =	swait.ge [sflag:s28], $0x4000  }
0x76: {  	[sflag:s28] =	ssyncset.done $0x0  }
.Ltmp2:
0x77: {  	s10 =	sadd.s32 $0x1480, s1;
	[sflag:s28] =	ssyncadd.s32 $0xFFFFC000;
	(pc) =	sbr.rel @p0 .LBB2_6-.Ltmp2, $4  }
0x78: {  	[spmem:s2] =	stream.indirect.scatter.add.f32 [tilespmem:s24], [sflag:$0x4], $0x80, s10, s23, $0xb8;
	[tilespmem:$0x1E800] =	vst v63  }
0x79: {  	_ =	swait.ge [sflag:s29], $0x4000  }
0x7a: {  	[sflag:s29] =	ssyncset.done $0x0  }
0x7b: {  	s1 =	sadd.s32 $0x180, s1;
	[sflag:s29] =	ssyncadd.s32 $0xFFFFC000  }
0x7c: {  	[tilespmem:s24], [sflag:$0x2] =	stream.indirect.gather [hbm4b:s4+s23], $0x80, s1, s23, $0xb8;
	[tilespmem:$0x1E800] =	vst v63  }
0x7d: {  	_ =	swait.ge [sflag:s25], $0x4000  }
0x7e: {  	[sflag:s25] =	ssyncset.done $0x0  }
0x7f: {  	[sflag:s25] =	ssyncadd.s32 $0xFFFFC000  }
0x80: {  	[spmem:s2] =	stream.indirect.scatter.add.f32 [tilespmem:s20], [sflag:$0x3], $0x80, s30, s23, $0xb8;
	[tilespmem:$0x1E800] =	vst v63  }
0x81: {  	_ =	swait.ge [sflag:s28], $0x4000  }
0x82: {  	[sflag:s28] =	ssyncset.done $0x0  }
0x83: {  	[sflag:s28] =	ssyncadd.s32 $0xFFFFC000  }
0x84: {  	[spmem:s2] =	stream.indirect.scatter.add.f32 [tilespmem:s24], [sflag:$0x4], $0x80, s31, s23, $0xb8;
	[tilespmem:$0x1E800] =	vst v63  }
0x85: {  	_ =	swait.ge [sflag:s26], $0x4000  }
0x86: {  	[sflag:s26] =	ssyncset.done $0x0  }
0x87: {  	[sflag:s26] =	ssyncadd.s32 $0xFFFFC000  }
0x88: {  	_ =	swait.ge [sflag:s29], $0x4000  }
0x89: {  	[sflag:s29] =	ssyncset.done $0x0  }
0x8a: {  	s0 =	simm.s32 $0x0;
	[sflag:s29] =	ssyncadd.s32 $0xFFFFC000  }
0x8b: {  	[tilespmem:s0], [sflag:$0x5] =	stream.linear.gather [hbm4b:s12+s0], $0x1400, $0x38;
	[tilespmem:$0x1E800] =	vst v63  }
0x8c: {  	_ =	swait.ge [sflag:s21], $0x1400  }
0x8d: {  	[sflag:s21] =	ssyncset.done $0x0  }
0x8e: {  	[sflag:s21] =	ssyncadd.s32 $0xFFFFEC00  }
0x8f: {  	[tilespmem:s22], [sflag:$0x5] =	stream.linear.gather [hbm4b:s13+s0], $0x1400, $0x38;
	[tilespmem:$0x1E800] =	vst v63  }
0x90: {  	_ =	swait.ge [sflag:s21], $0x1400  }
0x91: {  	[sflag:s21] =	ssyncset.done $0x0  }
0x92: {  	s0 =	simm.s32 $0x0;
	[sflag:s21] =	ssyncadd.s32 $0xFFFFEC00  }
0x93: {  	v4 =	vld [tilespmem:s0+$0x0]  }
0x94: {  	v6 =	vld [tilespmem:s0+$0x10]  }
0x95: {  	v5 =	vld [tilespmem:s0+$0x20]  }
0x96: {  	v3 =	vld [tilespmem:s0+$0x30]  }
0x97: {  	v2 =	vld [tilespmem:s0+$0x40]  }
0x98: {  	v7 =	vadd.s32 v0, v4;
	v4 =	vld [tilespmem:s0+$0x50]  }
0x99: {  	s1 =	simm.s32 $0x200;
	[tilespmem:s0+$0x0] =	vst v7;
	v7 =	vadd.s32 v0, v6;
	v6 =	vld [tilespmem:s0+$0x60]  }
.LBB2_8:
0x9a: {  	s10 =	sshra.s32 s1, $0x2;
	p0 =	sne.s32 s1, $0x4E00;
	[tilespmem:s0+$0x10] =	vst v7;
	v5 =	vadd.s32 v0, v5;
	v7 =	vld [tilespmem:s0+$0x70]  }
0x9b: {  	v8 =	vld [tilespmem:s10+$0x0];
	[tilespmem:s0+$0x20] =	vst v5;
	v3 =	vadd.s32 v0, v3  }
0x9c: {  	v9 =	vld [tilespmem:s10+$0x10];
	[tilespmem:s0+$0x30] =	vst v3;
	v2 =	vadd.s32 v0, v2  }
.Ltmp3:
0x9d: {  	v5 =	vld [tilespmem:s10+$0x20];
	[tilespmem:s0+$0x40] =	vst v2;
	v2 =	vadd.s32 v0, v4;
	(pc) =	sbr.rel @p0 .LBB2_8-.Ltmp3, $4  }
0x9e: {  	v3 =	vld [tilespmem:s10+$0x30];
	[tilespmem:s0+$0x50] =	vst v2;
	v4 =	vadd.s32 v0, v6  }
0x9f: {  	v2 =	vld [tilespmem:s10+$0x40];
	[tilespmem:s0+$0x60] =	vst v4;
	v6 =	vadd.s32 v0, v7  }
0xa0: {  	v7 =	vadd.s32 v0, v8;
	v4 =	vld [tilespmem:s10+$0x50];
	[tilespmem:s0+$0x70] =	vst v6;
	s0 =	smov.u32 s10  }
0xa1: {  	s1 =	sadd.s32 $0x200, s1;
	[tilespmem:s0+$0x0] =	vst v7;
	v7 =	vadd.s32 v0, v9;
	v6 =	vld [tilespmem:s0+$0x60]  }
0xa2: {  	[tilespmem:s0+$0x10] =	vst v7;
	v5 =	vadd.s32 v0, v5;
	v63 =	vld [tilespmem:s0+$0x70]  }
0xa3: {  	[tilespmem:s0+$0x20] =	vst v5;
	v3 =	vadd.s32 v0, v3  }
0xa4: {  	[tilespmem:s0+$0x30] =	vst v3;
	v2 =	vadd.s32 v0, v2  }
0xa5: {  	[tilespmem:s0+$0x40] =	vst v2;
	v2 =	vadd.s32 v0, v4  }
0xa6: {  	[tilespmem:s0+$0x50] =	vst v2;
	v2 =	vadd.s32 v0, v6  }
0xa7: {  	[tilespmem:s0+$0x60] =	vst v2;
	v2 =	vadd.s32 v0, v63  }
0xa8: {  	s1 =	simm.s32 $0x0;
	[tilespmem:s0+$0x70] =	vst v2  }
0xa9: {  	[tilespmem:s20], [sflag:$0x1] =	stream.indirect.gather [hbm4b:s4+s23], $0x80, s1, s23, $0xb8;
	[tilespmem:$0x1E800] =	vst v63  }
0xaa: {  	_ = 	snop  }
0xab: {  	[tilespmem:s24], [sflag:$0x2] =	stream.indirect.gather [hbm4b:s4+s23], $0x80, s23, s23, $0xb8;
	[tilespmem:$0x1E800] =	vst v63  }
0xac: {  	_ =	swait.ge [sflag:s25], $0x4000  }
0xad: {  	[sflag:s25] =	ssyncset.done $0x0  }
0xae: {  	s10 =	simm.s32 $0x1400;
	[sflag:s25] =	ssyncadd.s32 $0xFFFFC000  }
0xaf: {  	[spmem:s2] =	stream.indirect.scatter.add.f32 [tilespmem:s20], [sflag:$0x3], $0x80, s10, s23, $0xb8;
	[tilespmem:$0x1E800] =	vst v63  }
0xb0: {  	_ =	swait.ge [sflag:s26], $0x4000  }
0xb1: {  	[sflag:s26] =	ssyncset.done $0x0  }
0xb2: {  	s1 =	simm.s32 $0x100;
	[sflag:s26] =	ssyncadd.s32 $0xFFFFC000  }
0xb3: {  	[tilespmem:s20], [sflag:$0x1] =	stream.indirect.gather [hbm4b:s4+s23], $0x80, s1, s23, $0xb8;
	[tilespmem:$0x1E800] =	vst v63  }
0xb4: {  	_ =	swait.ge [sflag:s28], $0x4000  }
0xb5: {  	[sflag:s28] =	ssyncset.done $0x0  }
0xb6: {  	s10 =	simm.s32 $0x1480;
	[sflag:s28] =	ssyncadd.s32 $0xFFFFC000  }
0xb7: {  	[spmem:s2] =	stream.indirect.scatter.add.f32 [tilespmem:s24], [sflag:$0x4], $0x80, s10, s23, $0xb8;
	[tilespmem:$0x1E800] =	vst v63  }
0xb8: {  	_ =	swait.ge [sflag:s29], $0x4000  }
0xb9: {  	[sflag:s29] =	ssyncset.done $0x0  }
0xba: {  	s0 =	simm.s32 $0x400;
	s1 =	simm.s32 $0x180;
	[sflag:s29] =	ssyncadd.s32 $0xFFFFC000  }
.LBB2_10:
0xbb: {  	[tilespmem:s24], [sflag:$0x2] =	stream.indirect.gather [hbm4b:s4+s23], $0x80, s1, s23, $0xb8;
	[tilespmem:$0x1E800] =	vst v63  }
0xbc: {  	s1 =	smov.u32 s0  }
0xbd: {  	p0 =	sne.s32 s0, $0x4800;
	s0 =	sadd.s32 $0x400, s0;
	_ =	swait.ge [sflag:s25], $0x4000  }
0xbe: {  	s1 =	sshra.s32 s1, $0x2;
	[sflag:s25] =	ssyncset.done $0x0  }
0xbf: {  	s10 =	sadd.s32 $0x1400, s1;
	[sflag:s25] =	ssyncadd.s32 $0xFFFFC000  }
0xc0: {  	[spmem:s2] =	stream.indirect.scatter.add.f32 [tilespmem:s20], [sflag:$0x3], $0x80, s10, s23, $0xb8;
	[tilespmem:$0x1E800] =	vst v63  }
0xc1: {  	_ =	swait.ge [sflag:s26], $0x4000  }
0xc2: {  	[sflag:s26] =	ssyncset.done $0x0  }
0xc3: {  	s10 =	sadd.s32 $0x100, s1;
	[sflag:s26] =	ssyncadd.s32 $0xFFFFC000  }
0xc4: {  	[tilespmem:s20], [sflag:$0x1] =	stream.indirect.gather [hbm4b:s4+s23], $0x80, s10, s23, $0xb8;
	[tilespmem:$0x1E800] =	vst v63  }
0xc5: {  	_ =	swait.ge [sflag:s28], $0x4000  }
0xc6: {  	[sflag:s28] =	ssyncset.done $0x0  }
.Ltmp4:
0xc7: {  	s10 =	sadd.s32 $0x1480, s1;
	[sflag:s28] =	ssyncadd.s32 $0xFFFFC000;
	(pc) =	sbr.rel @p0 .LBB2_10-.Ltmp4, $4  }
0xc8: {  	[spmem:s2] =	stream.indirect.scatter.add.f32 [tilespmem:s24], [sflag:$0x4], $0x80, s10, s23, $0xb8;
	[tilespmem:$0x1E800] =	vst v63  }
0xc9: {  	_ =	swait.ge [sflag:s29], $0x4000  }
0xca: {  	[sflag:s29] =	ssyncset.done $0x0  }
0xcb: {  	s1 =	sadd.s32 $0x180, s1;
	[sflag:s29] =	ssyncadd.s32 $0xFFFFC000  }
0xcc: {  	[tilespmem:s24], [sflag:$0x2] =	stream.indirect.gather [hbm4b:s4+s23], $0x80, s1, s23, $0xb8;
	[tilespmem:$0x1E800] =	vst v63  }
0xcd: {  	_ =	swait.ge [sflag:s25], $0x4000  }
0xce: {  	[sflag:s25] =	ssyncset.done $0x0  }
0xcf: {  	[sflag:s25] =	ssyncadd.s32 $0xFFFFC000  }
0xd0: {  	[spmem:s2] =	stream.indirect.scatter.add.f32 [tilespmem:s20], [sflag:$0x3], $0x80, s30, s23, $0xb8;
	[tilespmem:$0x1E800] =	vst v63  }
0xd1: {  	_ =	swait.ge [sflag:s28], $0x4000  }
0xd2: {  	[sflag:s28] =	ssyncset.done $0x0  }
0xd3: {  	[sflag:s28] =	ssyncadd.s32 $0xFFFFC000  }
0xd4: {  	[spmem:s2] =	stream.indirect.scatter.add.f32 [tilespmem:s24], [sflag:$0x4], $0x80, s31, s23, $0xb8;
	[tilespmem:$0x1E800] =	vst v63  }
0xd5: {  	_ =	swait.ge [sflag:s26], $0x4000  }
0xd6: {  	[sflag:s26] =	ssyncset.done $0x0  }
0xd7: {  	[sflag:s26] =	ssyncadd.s32 $0xFFFFC000  }
0xd8: {  	_ =	swait.ge [sflag:s29], $0x4000  }
0xd9: {  	s0 =	stileid.u32;
	[sflag:s29] =	ssyncset.done $0x0  }
0xda: {  	s0 =	sshll.u32 s0, $0x6;
	[sflag:s29] =	ssyncadd.s32 $0xFFFFC000  }
0xdb: {  	s10 =	sshrl.u32 s5, $0x3;
	s0 =	sor.u32 $0x1C05, s0;
	[bflag:$0x0] =	sbarrier.arrive $0xFFFF  }
0xdc: {  	[hbm:s14], [sflag:s0] =	dma.local [spmem:s10], $0x800  }
0xdd: {  	_ =	swait.ge [sflag:s21], $0x800  }
0xde: {  	[sflag:s21] =	ssyncset.done $0x0  }
0xdf: {  	s10 =	sshrl.u32 s6, $0x3;
	[sflag:s21] =	ssyncadd.s32 $0xFFFFF800  }
0xe0: {  	[hbm:s15], [sflag:s0] =	dma.local [spmem:s10], $0x800  }
0xe1: {  	_ =	swait.ge [sflag:s21], $0x800  }
0xe2: {  	[sflag:s21] =	ssyncset.done $0x0  }
0xe3: {  	s10 =	sshrl.u32 s7, $0x3;
	[sflag:s21] =	ssyncadd.s32 $0xFFFFF800  }
0xe4: {  	[hbm:s16], [sflag:s0] =	dma.local [spmem:s10], $0x800  }
0xe5: {  	_ =	swait.ge [sflag:s21], $0x800  }
0xe6: {  	[sflag:s21] =	ssyncset.done $0x0  }
0xe7: {  	s10 =	sshrl.u32 s8, $0x3;
	[sflag:s21] =	ssyncadd.s32 $0xFFFFF800  }
0xe8: {  	[hbm:s17], [sflag:s0] =	dma.local [spmem:s10], $0x800  }
0xe9: {  	s3 =	sadd.s32 $0x1, s3;
	_ =	swait.ge [sflag:s21], $0x800  }
0xea: {  	p0 =	sne.s32 s3, s19;
	[sflag:s21] =	ssyncset.done $0x0  }
.Ltmp5:
0xeb: {  	s10 =	sshrl.u32 s9, $0x3;
	[sflag:s21] =	ssyncadd.s32 $0xFFFFF800;
	(pc) =	sbr.rel @p0 .LBB2_1-.Ltmp5, $4  }
0xec: {  	[hbm:s18], [sflag:s0] =	dma.local [spmem:s10], $0x800  }
0xed: {  	_ =	swait.ge [sflag:s21], $0x800  }
0xee: {  	[sflag:s21] =	ssyncset.done $0x0  }
0xef: {  	[sflag:s21] =	ssyncadd.s32 $0xFFFFF800  }
0xf0: {  	_ =	sfence.sel $0x180000  }
0xf1: {  	[bflag:$0x0] =	sbarrier.arrive $0xFFFF  }
0xf2: {  	_ =	strace $0x90000050  }
0xf3: {  	s0 =	stileid.u32;
	[bflag:$0x2] =	sbarrier.arrive $0xFFFF  }
0xf4: {  	p0 =	sne.s32 s0, $0x0;
	s0 =	rddreg [dreg:$0x2]  }
0xf5: {  	s0 =	sadd.s32 @!p0 $0x100000, s0  }
0xf6: {  	[sflag:s0] =	ssyncadd.tile.s32 @!p0 $0x1;
	_ =	shalt  }
.Lfunc_end2:
_tile_overlayer_lowered:
.L_overlay_start_2:
0xf7: {  	(tag) =	ssettag $0x2  }
0xf8: {  	s0 =	rddreg [dreg:$0x0];
	s2 =	stileid.u32  }
0xf9: {  	s1 =	rddreg [dreg:$0x1];
	p0 =	sne.s32 s2, $0x0  }
0xfa: {  	s3 =	rddreg [dreg:$0x2];
	[bflag:$0x3] =	sbarrier.arrive $0xFFFF;
	s2 =	simm.s32 @!p0 $0x1C05  }
0xfb: {  	[timem:s3], [sflag:s2] =	dma.local @!p0 [hbm:s0], s1  }
0xfc: {  	s0 =	simm.s32 @!p0 $0x5  }
0xfd: {  	_ =	swait.ge @!p0 [sflag:s0], s1  }
0xfe: {  	s1 =	ssub.s32 @!p0 $0x0, s1;
	[sflag:s0] =	ssyncset.done @!p0 $0x0  }
0xff: {  	[sflag:s0] =	ssyncadd.s32 @!p0 s1  }
0x100: {  	[bflag:$0x3] =	sbarrier.arrive $0xFFFF  }
0x101: {  	_ =	shalt  }

</sc_bundles>
